<compile_context>
chip_gen: v7x
topology: tpu7x:2x2x1
jax: 0.10.2.dev20260603
libtpu: 0.0.44.dev20260713+nightly
codegen_flags: <defaults>
</compile_context>

<pallas_src>
import functools

import jax
import jax.numpy as jnp
from jax import lax
from jax.experimental import pallas as pl
from jax.experimental.pallas import tpu as pltpu
from jax.experimental.pallas import tpu_sc as plsc

TOPK = 1000
B, N, C = 32, 32768, 80
BN = 32768
NBLK = N // BN



def _maxarg_body(x_ref, ms_ref, mi_ref):
    x = x_ref[0]
    xt = x.T
    m = jnp.max(xt, axis=0)
    ii = lax.broadcasted_iota(jnp.int32, (C, BN), 0)
    idx = jnp.min(jnp.where(xt == m[None, :], ii, C), axis=0)
    ms_ref[0, 0] = m
    mi_ref[0, 0] = idx.astype(jnp.float32)


def _max_argmax(x):
    ms, mi = pl.pallas_call(
        _maxarg_body,
        grid=(B * NBLK,),
        in_specs=[pl.BlockSpec((1, BN, C), lambda i: (i // NBLK, i % NBLK, 0))],
        out_specs=[
            pl.BlockSpec((1, 1, BN), lambda i: (i, 0, 0)),
            pl.BlockSpec((1, 1, BN), lambda i: (i, 0, 0)),
        ],
        out_shape=[
            jax.ShapeDtypeStruct((B * NBLK, 1, BN), jnp.float32),
            jax.ShapeDtypeStruct((B * NBLK, 1, BN), jnp.float32),
        ],
    )(x)
    return ms.reshape(B, N), mi.reshape(B, N)



NC_SC = 2
NS_SC = 16
L = 16
NV = N // L
NB1 = 2048
NB2 = 2048
NB3 = 1024
KPAD = 1024
KVREG = KPAD // L


def _find_bucket(hist_ref, nb, r, lane_iota):

    def body(t, carry):
        c = nb // L - 1 - t
        csum, found, bkt, cgt = carry
        tot = hist_ref[pl.ds(c * L, L)]
        for l in range(1, L):
            tot = tot + hist_ref[pl.ds(l * NB1 + c * L, L)]
        rt = jnp.flip(tot)
        cs = plsc.cumsum(rt) + csum
        crossed = cs >= r
        cm = plsc.cummax(crossed.astype(jnp.int32))
        has = jnp.max(cm) > 0
        j0 = 16 - jnp.sum(cm)
        new_bkt = c * L + 15 - j0
        new_cgt = csum + jnp.sum(jnp.where(cm == 0, rt, 0))
        is_new = jnp.logical_and(jnp.logical_not(found), has)
        bkt = jnp.where(is_new, new_bkt, bkt)
        cgt = jnp.where(is_new, new_cgt, cgt)
        found = jnp.logical_or(found, has)
        csum = csum + jnp.sum(tot)
        return csum, found, bkt, cgt

    init = (jnp.int32(0), jnp.bool_(False), jnp.int32(0), jnp.int32(0))
    _, _, bkt, cgt = lax.fori_loop(0, nb // L, body, init)
    return bkt, cgt


def _clear_hist(hist_ref, nwords):
    z = jnp.zeros((L,), jnp.int32)

    def body(i, _):
        for d in range(4):
            hist_ref[pl.ds((i * 4 + d) * L, L)] = z
        return 0

    lax.fori_loop(0, nwords // (4 * L), body, 0)


def _splat_u32(scalar_i32):
    return jnp.full((L,), scalar_i32, jnp.int32).astype(jnp.uint32)


def _sc_topk_body(ms_hbm, os_hbm, oi_hbm, kf, kb, hist, ck, ci, ct, osb, oib):
    wid = lax.axis_index("s") * NC_SC + lax.axis_index("c")
    lane_iota = lax.iota(jnp.int32, L)
    ones = jnp.ones((L,), jnp.int32)

    pltpu.sync_copy(ms_hbm.at[wid], kf)

    def conv(i, _):
        for d in range(4):
            o = (i * 4 + d) * L
            v = kf[pl.ds(o, L)]
            u = lax.bitcast_convert_type(v, jnp.uint32)
            key = jnp.where((u >> 31) == jnp.uint32(0),
                            u | jnp.uint32(0x80000000), ~u)
            kb[pl.ds(o, L)] = key
        return 0

    lax.fori_loop(0, NV // 4, conv, 0)

    _clear_hist(hist, L * NB1)

    def h1(i, _):
        for d in range(4):
            key = kb[pl.ds((i * 4 + d) * L, L)]
            digit = (key >> 21).astype(jnp.int32)
            plsc.addupdate_scatter(hist, [lane_iota * NB1 + digit], ones)
        return 0

    lax.fori_loop(0, NV // 4, h1, 0)
    b1, cgt1 = _find_bucket(hist, NB1, TOPK, lane_iota)
    r1 = TOPK - cgt1
    b1v = _splat_u32(b1)

    _clear_hist(hist, L * NB1)

    def h2(i, _):
        for d in range(4):
            key = kb[pl.ds((i * 4 + d) * L, L)]
            m = (key >> 21) == b1v
            digit = ((key >> 10) & jnp.uint32(0x7FF)).astype(jnp.int32)
            plsc.addupdate_scatter(hist, [lane_iota * NB1 + digit], ones, mask=m)
        return 0

    lax.fori_loop(0, NV // 4, h2, 0)
    b2, cgt2 = _find_bucket(hist, NB2, r1, lane_iota)
    r2 = r1 - cgt2
    p2 = (b1 << 11) | b2
    p2v = _splat_u32(p2)

    _clear_hist(hist, L * NB1)

    def h3(i, _):
        for d in range(4):
            key = kb[pl.ds((i * 4 + d) * L, L)]
            m = (key >> 10) == p2v
            digit = (key & jnp.uint32(0x3FF)).astype(jnp.int32)
            plsc.addupdate_scatter(hist, [lane_iota * NB1 + digit], ones, mask=m)
        return 0

    lax.fori_loop(0, NV // 4, h3, 0)
    b3, cgt3 = _find_bucket(hist, NB3, r2, lane_iota)
    r3 = r2 - cgt3

    t_i32 = (b1 << 21) | (b2 << 10) | b3
    tvec = _splat_u32(t_i32)
    base_eq = TOPK - r3

    def clr(i, _):
        ck[pl.ds(i * L, L)] = jnp.zeros((L,), jnp.uint32)
        ci[pl.ds(i * L, L)] = jnp.zeros((L,), jnp.int32)
        return 0

    lax.fori_loop(0, KVREG, clr, 0)

    def comp(i, carry):
        o_gt, n_eq = carry
        for d in range(2):
            o = i * 2 + d
            key = kb[pl.ds(o * L, L)]
            idxv = o * L + lane_iota
            mgt = key > tvec
            plsc.store_compressed(ck.at[pl.ds(o_gt, L)], key, mask=mgt)
            plsc.store_compressed(ci.at[pl.ds(o_gt, L)], idxv, mask=mgt)
            o_gt = o_gt + jnp.sum(mgt.astype(jnp.int32))
            meq = key == tvec
            ccnt = plsc.cumsum(meq.astype(jnp.int32))
            acc = jnp.logical_and(meq, (n_eq + ccnt) <= r3)
            plsc.store_compressed(ck.at[pl.ds(base_eq + n_eq, L)], key, mask=acc)
            plsc.store_compressed(ci.at[pl.ds(base_eq + n_eq, L)], idxv, mask=acc)
            n_eq = n_eq + jnp.sum(acc.astype(jnp.int32))
        return o_gt, n_eq

    lax.fori_loop(0, NV // 2, comp, (jnp.int32(0), jnp.int32(0)))

    def load_kv(v):
        return ck[pl.ds(v * L, L)], ci[pl.ds(v * L, L)]

    def store_kv(v, k, x):
        ck[pl.ds(v * L, L)] = k
        ci[pl.ds(v * L, L)] = x

    def sort_vreg(v, desc):
        k, x = load_kv(v)
        sk, sx = plsc.sort_key_val(k, x)
        dv = jnp.full((L,), desc)
        sk = jnp.where(dv, jnp.flip(sk), sk)
        sx = jnp.where(dv, jnp.flip(sx), sx)
        store_kv(v, sk, sx)

    def init_sort(v, _):
        sort_vreg(v, (v % 2) == 0)
        return 0

    lax.fori_loop(0, KVREG, init_sort, 0)

    for kk in (32, 64, 128, 256, 512, 1024):
        d = kk // 2
        while d >= L:
            j = d // L

            def stage(t, _, j=j, kk=kk):
                i = ((t & ~(j - 1)) << 1) | (t & (j - 1))
                p = i | j
                ak, av = load_kv(i)
                bk, bv = load_kv(p)
                rank_ab = jnp.logical_or(
                    ak > bk, jnp.logical_and(ak == bk, av < bv))
                descv = jnp.full((L,), ((i * L) & kk) == 0)
                sel = jnp.where(descv, rank_ab, jnp.logical_not(rank_ab))
                hk = jnp.where(sel, ak, bk)
                hv = jnp.where(sel, av, bv)
                lk = jnp.where(sel, bk, ak)
                lv = jnp.where(sel, bv, av)
                store_kv(i, hk, hv)
                store_kv(p, lk, lv)
                return 0

            lax.fori_loop(0, KVREG // 2, stage, 0)
            d //= 2

        def finish(v, _, kk=kk):
            sort_vreg(v, ((v * L) & kk) == 0)
            return 0

        lax.fori_loop(0, KVREG, finish, 0)

    def stash_keys(v, _):
        k = ck[pl.ds(v * L, L)]
        kf[pl.ds(v * L, L)] = lax.bitcast_convert_type(k, jnp.float32)
        return 0

    lax.fori_loop(0, KVREG, stash_keys, 0)

    def tie_pass(src, dst, parity):
        def body(v, _):
            base = v * L
            g = base + lane_iota
            if parity == 0:
                p = g ^ 1
            else:
                p = (g + 1) ^ 1
                p = jnp.maximum(p - 1, 0)
                p = jnp.minimum(p, KPAD - 1)
            k = ck[pl.ds(base, L)]
            kp = lax.bitcast_convert_type(
                plsc.load_gather(kf, [p]), jnp.uint32)
            x = src[pl.ds(base, L)]
            xp = plsc.load_gather(src, [p])
            meq = k == kp
            lower = g < p
            resolved = jnp.where(lower, jnp.minimum(x, xp), jnp.maximum(x, xp))
            dst[pl.ds(base, L)] = jnp.where(meq, resolved, x)
            return 0

        lax.fori_loop(0, KVREG, body, 0)

    for _ in range(4):
        tie_pass(ci, ct, 0)
        tie_pass(ct, ci, 1)

    def out(v, _):
        k, x = load_kv(v)
        pos = (k >> 31) != jnp.uint32(0)
        u = jnp.where(pos, k ^ jnp.uint32(0x80000000), ~k)
        osb[pl.ds(v * L, L)] = lax.bitcast_convert_type(u, jnp.float32)
        oib[pl.ds(v * L, L)] = x.astype(jnp.float32)
        return 0

    lax.fori_loop(0, KVREG, out, 0)
    pltpu.sync_copy(osb, os_hbm.at[wid])
    pltpu.sync_copy(oib, oi_hbm.at[wid])


def _sc_topk(ms):
    mesh = plsc.VectorSubcoreMesh(core_axis_name="c", subcore_axis_name="s")
    f = functools.partial(
        pl.kernel,
        mesh=mesh,
        compiler_params=pltpu.CompilerParams(needs_layout_passes=False),
        out_type=[
            jax.ShapeDtypeStruct((B, KPAD), jnp.float32),
            jax.ShapeDtypeStruct((B, KPAD), jnp.float32),
        ],
        scratch_types=[
            pltpu.VMEM((N,), jnp.float32),
            pltpu.VMEM((N,), jnp.uint32),
            pltpu.VMEM((L * NB1,), jnp.int32),
            pltpu.VMEM((KPAD,), jnp.uint32),
            pltpu.VMEM((KPAD,), jnp.int32),
            pltpu.VMEM((KPAD,), jnp.int32),
            pltpu.VMEM((KPAD,), jnp.float32),
            pltpu.VMEM((KPAD,), jnp.float32),
        ],
    )(_sc_topk_body)
    return f(ms)


@jax.jit
def kernel(cls_score_list):
    ms, mi = _max_argmax(cls_score_list)
    os_pad, oi_pad = _sc_topk(ms)
    return os_pad[:, :TOPK], oi_pad[:, :TOPK], mi

# --- scband reference (transcript-rebuilt; emitter-appended) ---
"""Pipeline reference for scband-post-process-19146964205625 (READ-ONLY COPY).

The authoritative reference and input builder live on the scoring server;
editing this copy changes nothing except your own understanding.
"""

import jax, jax.numpy as jnp
import numpy as np

TOP_K = 1000

def setup_inputs(seed: int = 0) -> dict:
    key = jax.random.key(seed)
    cls_score_list = jax.random.normal(key, (32, 32768, 80), dtype=jnp.float32)
    return {"cls_score_list": cls_score_list}

def reference(cls_score_list):
    # max over class dim
    max_scores = jnp.max(cls_score_list, axis=-1)
    max_index = jnp.argmax(cls_score_list, axis=-1)
    # topk over the N dim
    sorted_max_scores, sorted_index = jax.lax.top_k(max_scores, TOP_K)
    return (sorted_max_scores,
            sorted_index.astype(jnp.float32),
            max_index.astype(jnp.float32))

if __name__ == "__main__":
    import jax
    _d = setup_inputs()
    print(jax.jit(kernel)(*tuple(_d.values())))

</pallas_src>

<mosaic_0001>
#map = affine_map<(d0, d1) -> (0, 0)>
module attributes {stable_mosaic.version = 14 : i64} {
  func.func @_sc_topk_body(%arg0: i32, %arg1: i32, %arg2: memref<32x32768xf32, #tpu.memory_space<hbm>>, %arg3: memref<32x1024xf32, #tpu.memory_space<hbm>>, %arg4: memref<32x1024xf32, #tpu.memory_space<hbm>>, %arg5: memref<32768xf32, #tpu.memory_space<vmem>>, %arg6: memref<32768xi32, #tpu.memory_space<vmem>>, %arg7: memref<32768xi32, #tpu.memory_space<vmem>>, %arg8: memref<1024xi32, #tpu.memory_space<vmem>>, %arg9: memref<1024xi32, #tpu.memory_space<vmem>>, %arg10: memref<1024xi32, #tpu.memory_space<vmem>>, %arg11: memref<1024xf32, #tpu.memory_space<vmem>>, %arg12: memref<1024xf32, #tpu.memory_space<vmem>>) attributes {dimension_semantics = [#tpu.dimension_semantics<core_parallel>, #tpu.dimension_semantics<subcore_parallel>], iteration_bounds = array<i64: 2, 16>, scalar_prefetch = 0 : i64, scratch_operands = 8 : i64, tpu.core_type = #tpu.core_type<sc_vector_subcore>, window_params = [{transform_indices = #map}, {transform_indices = #map}, {transform_indices = #map}]} {
    %mul3A = arith.constant 2 : i32
    %mul3A_0 = arith.muli %arg1, %mul3A : i32
    %add3A = arith.addi %mul3A_0, %arg0 : i32
    %iota3A = tpu.iota {dimensions = array<i32: 0>} : vector<16xi32>
    %broadcast_in_dim3A = arith.constant 1 : i32
    %broadcast_in_dim3A_1 = vector.broadcast %broadcast_in_dim3A : i32 to vector<16xi32>
    "tpu.region"() ({
      %run_scoped3A = tpu.sem_alloc : memref<!tpu.dma_semaphore, #tpu.memory_space<semaphore_mem>>
      %dma_start3A = arith.constant 0 : i32
      %dma_start3A_382 = tpu.memref_slice %arg2[%add3A, %dma_start3A] : memref<32x32768xf32, #tpu.memory_space<hbm>> -> memref<1x32768xf32, #tpu.memory_space<hbm>>
      %dma_start3A_383 = tpu.memref_squeeze %dma_start3A_382 : memref<1x32768xf32, #tpu.memory_space<hbm>> -> memref<32768xf32, #tpu.memory_space<hbm>>
      %dma_start3A_384 = arith.constant 0 : i32
      %dma_start3A_385 = tpu.memref_slice %arg2[%add3A, %dma_start3A_384] : memref<32x32768xf32, #tpu.memory_space<hbm>> -> memref<1x32768xf32, #tpu.memory_space<hbm>>
      %dma_start3A_386 = tpu.memref_squeeze %dma_start3A_385 : memref<1x32768xf32, #tpu.memory_space<hbm>> -> memref<32768xf32, #tpu.memory_space<hbm>>
      tpu.enqueue_dma source(%dma_start3A_386 : memref<32768xf32, #tpu.memory_space<hbm>>) target(%arg5 : memref<32768xf32, #tpu.memory_space<vmem>>) target_semaphore(%run_scoped3A : memref<!tpu.dma_semaphore, #tpu.memory_space<semaphore_mem>>)
      %dma_wait3A = arith.constant 0 : i32
      %dma_wait3A_387 = tpu.memref_slice %arg2[%add3A, %dma_wait3A] : memref<32x32768xf32, #tpu.memory_space<hbm>> -> memref<1x32768xf32, #tpu.memory_space<hbm>>
      %dma_wait3A_388 = tpu.memref_squeeze %dma_wait3A_387 : memref<1x32768xf32, #tpu.memory_space<hbm>> -> memref<32768xf32, #tpu.memory_space<hbm>>
      %dma_wait3A_389 = arith.constant 0 : i32
      %dma_wait3A_390 = tpu.memref_slice %arg2[%add3A, %dma_wait3A_389] : memref<32x32768xf32, #tpu.memory_space<hbm>> -> memref<1x32768xf32, #tpu.memory_space<hbm>>
      %dma_wait3A_391 = tpu.memref_squeeze %dma_wait3A_390 : memref<1x32768xf32, #tpu.memory_space<hbm>> -> memref<32768xf32, #tpu.memory_space<hbm>>
      tpu.wait_dma2 semaphore(%run_scoped3A : memref<!tpu.dma_semaphore, #tpu.memory_space<semaphore_mem>>) src(%dma_wait3A_391 : memref<32768xf32, #tpu.memory_space<hbm>>) dst(%arg5 : memref<32768xf32, #tpu.memory_space<vmem>>)
      tpu.yield
    }) : () -> ()
    %scan3A = arith.constant 0 : i32
    %scan3A_2 = arith.constant 0 : i32
    %scan3A_3 = arith.constant 512 : i32
    %scan3A_4 = arith.addi %scan3A_2, %scan3A_3 : i32
    %scan3A_5 = arith.constant 1 : i32
    %scan3A_6 = scf.for %scan3A_382 = %scan3A_2 to %scan3A_4 step %scan3A_5 iter_args(%scan3A_383 = %scan3A) -> (i32)  : i32 {
      %mul3A_384 = arith.constant 4 : i32
      %mul3A_385 = arith.muli %scan3A_382, %mul3A_384 : i32
      %add3A_386 = arith.constant 0 : i32
      %add3A_387 = arith.addi %mul3A_385, %add3A_386 : i32
      %mul3A_388 = arith.constant 16 : i32
      %mul3A_389 = arith.muli %add3A_387, %mul3A_388 : i32
      %get3A = arith.index_cast %mul3A_389 : i32 to index
      %get3A_390 = tpu.vector_load %arg5[%get3A] {strides = array<i32>} : memref<32768xf32, #tpu.memory_space<vmem>>, vector<16xf32>,
      %bitcast_convert_type3A = tpu.bitcast %get3A_390 : vector<16xf32> -> vector<16xi32>
      %shift_right_logical3A = arith.constant 31 : i32
      %shift_right_logical3A_391 = vector.broadcast %shift_right_logical3A : i32 to vector<16xi32>
      %shift_right_logical3A_392 = arith.shrui %bitcast_convert_type3A, %shift_right_logical3A_391 : vector<16xi32>
      %eq3A = arith.constant 0 : i32
      %eq3A_393 = vector.broadcast %eq3A : i32 to vector<16xi32>
      %eq3A_394 = arith.cmpi eq, %shift_right_logical3A_392, %eq3A_393 : vector<16xi32>
      %or3A_395 = arith.constant -2147483648 : i32
      %or3A_396 = vector.broadcast %or3A_395 : i32 to vector<16xi32>
      %or3A_397 = arith.ori %bitcast_convert_type3A, %or3A_396 : vector<16xi32>
      %not3A = arith.constant dense<-1> : vector<16xi32>
      %not3A_398 = arith.xori %bitcast_convert_type3A, %not3A : vector<16xi32>
      %select_n3A = arith.select %eq3A_394, %or3A_397, %not3A_398 : vector<16xi1>, vector<16xi32>
      %swap3A = arith.index_cast %mul3A_389 : i32 to index
      %swap3A_399 = tpu.vector_load %arg6[%swap3A] {strides = array<i32>} : memref<32768xi32, #tpu.memory_space<vmem>>, vector<16xi32>,
      tpu.vector_store %arg6[%swap3A], %select_n3A {strides = array<i32>} : memref<32768xi32, #tpu.memory_space<vmem>>, vector<16xi32>,
      %mul3A_400 = arith.constant 4 : i32
      %mul3A_401 = arith.muli %scan3A_382, %mul3A_400 : i32
      %add3A_402 = arith.constant 1 : i32
      %add3A_403 = arith.addi %mul3A_401, %add3A_402 : i32
      %mul3A_404 = arith.constant 16 : i32
      %mul3A_405 = arith.muli %add3A_403, %mul3A_404 : i32
      %get3A_406 = arith.index_cast %mul3A_405 : i32 to index
      %get3A_407 = tpu.vector_load %arg5[%get3A_406] {strides = array<i32>} : memref<32768xf32, #tpu.memory_space<vmem>>, vector<16xf32>,
      %bitcast_convert_type3A_408 = tpu.bitcast %get3A_407 : vector<16xf32> -> vector<16xi32>
      %shift_right_logical3A_409 = arith.constant 31 : i32
      %shift_right_logical3A_410 = vector.broadcast %shift_right_logical3A_409 : i32 to vector<16xi32>
      %shift_right_logical3A_411 = arith.shrui %bitcast_convert_type3A_408, %shift_right_logical3A_410 : vector<16xi32>
      %eq3A_412 = arith.constant 0 : i32
      %eq3A_413 = vector.broadcast %eq3A_412 : i32 to vector<16xi32>
      %eq3A_414 = arith.cmpi eq, %shift_right_logical3A_411, %eq3A_413 : vector<16xi32>
      %or3A_415 = arith.constant -2147483648 : i32
      %or3A_416 = vector.broadcast %or3A_415 : i32 to vector<16xi32>
      %or3A_417 = arith.ori %bitcast_convert_type3A_408, %or3A_416 : vector<16xi32>
      %not3A_418 = arith.constant dense<-1> : vector<16xi32>
      %not3A_419 = arith.xori %bitcast_convert_type3A_408, %not3A_418 : vector<16xi32>
      %select_n3A_420 = arith.select %eq3A_414, %or3A_417, %not3A_419 : vector<16xi1>, vector<16xi32>
      %swap3A_421 = arith.index_cast %mul3A_405 : i32 to index
      %swap3A_422 = tpu.vector_load %arg6[%swap3A_421] {strides = array<i32>} : memref<32768xi32, #tpu.memory_space<vmem>>, vector<16xi32>,
      tpu.vector_store %arg6[%swap3A_421], %select_n3A_420 {strides = array<i32>} : memref<32768xi32, #tpu.memory_space<vmem>>, vector<16xi32>,
      %mul3A_423 = arith.constant 4 : i32
      %mul3A_424 = arith.muli %scan3A_382, %mul3A_423 : i32
      %add3A_425 = arith.constant 2 : i32
      %add3A_426 = arith.addi %mul3A_424, %add3A_425 : i32
      %mul3A_427 = arith.constant 16 : i32
      %mul3A_428 = arith.muli %add3A_426, %mul3A_427 : i32
      %get3A_429 = arith.index_cast %mul3A_428 : i32 to index
      %get3A_430 = tpu.vector_load %arg5[%get3A_429] {strides = array<i32>} : memref<32768xf32, #tpu.memory_space<vmem>>, vector<16xf32>,
      %bitcast_convert_type3A_431 = tpu.bitcast %get3A_430 : vector<16xf32> -> vector<16xi32>
      %shift_right_logical3A_432 = arith.constant 31 : i32
      %shift_right_logical3A_433 = vector.broadcast %shift_right_logical3A_432 : i32 to vector<16xi32>
      %shift_right_logical3A_434 = arith.shrui %bitcast_convert_type3A_431, %shift_right_logical3A_433 : vector<16xi32>
      %eq3A_435 = arith.constant 0 : i32
      %eq3A_436 = vector.broadcast %eq3A_435 : i32 to vector<16xi32>
      %eq3A_437 = arith.cmpi eq, %shift_right_logical3A_434, %eq3A_436 : vector<16xi32>
      %or3A_438 = arith.constant -2147483648 : i32
      %or3A_439 = vector.broadcast %or3A_438 : i32 to vector<16xi32>
      %or3A_440 = arith.ori %bitcast_convert_type3A_431, %or3A_439 : vector<16xi32>
      %not3A_441 = arith.constant dense<-1> : vector<16xi32>
      %not3A_442 = arith.xori %bitcast_convert_type3A_431, %not3A_441 : vector<16xi32>
      %select_n3A_443 = arith.select %eq3A_437, %or3A_440, %not3A_442 : vector<16xi1>, vector<16xi32>
      %swap3A_444 = arith.index_cast %mul3A_428 : i32 to index
      %swap3A_445 = tpu.vector_load %arg6[%swap3A_444] {strides = array<i32>} : memref<32768xi32, #tpu.memory_space<vmem>>, vector<16xi32>,
      tpu.vector_store %arg6[%swap3A_444], %select_n3A_443 {strides = array<i32>} : memref<32768xi32, #tpu.memory_space<vmem>>, vector<16xi32>,
      %mul3A_446 = arith.constant 4 : i32
      %mul3A_447 = arith.muli %scan3A_382, %mul3A_446 : i32
      %add3A_448 = arith.constant 3 : i32
      %add3A_449 = arith.addi %mul3A_447, %add3A_448 : i32
      %mul3A_450 = arith.constant 16 : i32
      %mul3A_451 = arith.muli %add3A_449, %mul3A_450 : i32
      %get3A_452 = arith.index_cast %mul3A_451 : i32 to index
      %get3A_453 = tpu.vector_load %arg5[%get3A_452] {strides = array<i32>} : memref<32768xf32, #tpu.memory_space<vmem>>, vector<16xf32>,
      %bitcast_convert_type3A_454 = tpu.bitcast %get3A_453 : vector<16xf32> -> vector<16xi32>
      %shift_right_logical3A_455 = arith.constant 31 : i32
      %shift_right_logical3A_456 = vector.broadcast %shift_right_logical3A_455 : i32 to vector<16xi32>
      %shift_right_logical3A_457 = arith.shrui %bitcast_convert_type3A_454, %shift_right_logical3A_456 : vector<16xi32>
      %eq3A_458 = arith.constant 0 : i32
      %eq3A_459 = vector.broadcast %eq3A_458 : i32 to vector<16xi32>
      %eq3A_460 = arith.cmpi eq, %shift_right_logical3A_457, %eq3A_459 : vector<16xi32>
      %or3A_461 = arith.constant -2147483648 : i32
      %or3A_462 = vector.broadcast %or3A_461 : i32 to vector<16xi32>
      %or3A_463 = arith.ori %bitcast_convert_type3A_454, %or3A_462 : vector<16xi32>
      %not3A_464 = arith.constant dense<-1> : vector<16xi32>
      %not3A_465 = arith.xori %bitcast_convert_type3A_454, %not3A_464 : vector<16xi32>
      %select_n3A_466 = arith.select %eq3A_460, %or3A_463, %not3A_465 : vector<16xi1>, vector<16xi32>
      %swap3A_467 = arith.index_cast %mul3A_451 : i32 to index
      %swap3A_468 = tpu.vector_load %arg6[%swap3A_467] {strides = array<i32>} : memref<32768xi32, #tpu.memory_space<vmem>>, vector<16xi32>,
      tpu.vector_store %arg6[%swap3A_467], %select_n3A_466 {strides = array<i32>} : memref<32768xi32, #tpu.memory_space<vmem>>, vector<16xi32>,
      %scan3A_469 = arith.constant 0 : i32
      scf.yield %scan3A_469 : i32
    }
    %scan3A_7 = arith.constant 512 : i32
    %broadcast_in_dim3A_8 = arith.constant 0 : i32
    %broadcast_in_dim3A_9 = vector.broadcast %broadcast_in_dim3A_8 : i32 to vector<16xi32>
    %scan3A_10 = arith.constant 0 : i32
    %scan3A_11 = arith.constant 0 : i32
    %scan3A_12 = arith.constant 512 : i32
    %scan3A_13 = arith.addi %scan3A_11, %scan3A_12 : i32
    %scan3A_14 = arith.constant 1 : i32
    %scan3A_15 = scf.for %scan3A_382 = %scan3A_11 to %scan3A_13 step %scan3A_14 iter_args(%scan3A_383 = %scan3A_10) -> (i32)  : i32 {
      %mul3A_384 = arith.constant 4 : i32
      %mul3A_385 = arith.muli %scan3A_382, %mul3A_384 : i32
      %add3A_386 = arith.constant 0 : i32
      %add3A_387 = arith.addi %mul3A_385, %add3A_386 : i32
      %mul3A_388 = arith.constant 16 : i32
      %mul3A_389 = arith.muli %add3A_387, %mul3A_388 : i32
      %swap3A = arith.index_cast %mul3A_389 : i32 to index
      %swap3A_390 = tpu.vector_load %arg7[%swap3A] {strides = array<i32>} : memref<32768xi32, #tpu.memory_space<vmem>>, vector<16xi32>,
      tpu.vector_store %arg7[%swap3A], %broadcast_in_dim3A_9 {strides = array<i32>} : memref<32768xi32, #tpu.memory_space<vmem>>, vector<16xi32>,
      %mul3A_391 = arith.constant 4 : i32
      %mul3A_392 = arith.muli %scan3A_382, %mul3A_391 : i32
      %add3A_393 = arith.constant 1 : i32
      %add3A_394 = arith.addi %mul3A_392, %add3A_393 : i32
      %mul3A_395 = arith.constant 16 : i32
      %mul3A_396 = arith.muli %add3A_394, %mul3A_395 : i32
      %swap3A_397 = arith.index_cast %mul3A_396 : i32 to index
      %swap3A_398 = tpu.vector_load %arg7[%swap3A_397] {strides = array<i32>} : memref<32768xi32, #tpu.memory_space<vmem>>, vector<16xi32>,
      tpu.vector_store %arg7[%swap3A_397], %broadcast_in_dim3A_9 {strides = array<i32>} : memref<32768xi32, #tpu.memory_space<vmem>>, vector<16xi32>,
      %mul3A_399 = arith.constant 4 : i32
      %mul3A_400 = arith.muli %scan3A_382, %mul3A_399 : i32
      %add3A_401 = arith.constant 2 : i32
      %add3A_402 = arith.addi %mul3A_400, %add3A_401 : i32
      %mul3A_403 = arith.constant 16 : i32
      %mul3A_404 = arith.muli %add3A_402, %mul3A_403 : i32
      %swap3A_405 = arith.index_cast %mul3A_404 : i32 to index
      %swap3A_406 = tpu.vector_load %arg7[%swap3A_405] {strides = array<i32>} : memref<32768xi32, #tpu.memory_space<vmem>>, vector<16xi32>,
      tpu.vector_store %arg7[%swap3A_405], %broadcast_in_dim3A_9 {strides = array<i32>} : memref<32768xi32, #tpu.memory_space<vmem>>, vector<16xi32>,
      %mul3A_407 = arith.constant 4 : i32
      %mul3A_408 = arith.muli %scan3A_382, %mul3A_407 : i32
      %add3A_409 = arith.constant 3 : i32
      %add3A_410 = arith.addi %mul3A_408, %add3A_409 : i32
      %mul3A_411 = arith.constant 16 : i32
      %mul3A_412 = arith.muli %add3A_410, %mul3A_411 : i32
      %swap3A_413 = arith.index_cast %mul3A_412 : i32 to index
      %swap3A_414 = tpu.vector_load %arg7[%swap3A_413] {strides = array<i32>} : memref<32768xi32, #tpu.memory_space<vmem>>, vector<16xi32>,
      tpu.vector_store %arg7[%swap3A_413], %broadcast_in_dim3A_9 {strides = array<i32>} : memref<32768xi32, #tpu.memory_space<vmem>>, vector<16xi32>,
      %scan3A_415 = arith.constant 0 : i32
      scf.yield %scan3A_415 : i32
    }
    %scan3A_16 = arith.constant 512 : i32
    %scan3A_17 = arith.constant 0 : i32
    %scan3A_18 = arith.constant 0 : i32
    %scan3A_19 = arith.constant 512 : i32
    %scan3A_20 = arith.addi %scan3A_18, %scan3A_19 : i32
    %scan3A_21 = arith.constant 1 : i32
    %scan3A_22 = scf.for %scan3A_382 = %scan3A_18 to %scan3A_20 step %scan3A_21 iter_args(%scan3A_383 = %scan3A_17) -> (i32)  : i32 {
      %mul3A_384 = arith.constant 4 : i32
      %mul3A_385 = arith.muli %scan3A_382, %mul3A_384 : i32
      %add3A_386 = arith.constant 0 : i32
      %add3A_387 = arith.addi %mul3A_385, %add3A_386 : i32
      %mul3A_388 = arith.constant 16 : i32
      %mul3A_389 = arith.muli %add3A_387, %mul3A_388 : i32
      %get3A = arith.index_cast %mul3A_389 : i32 to index
      %get3A_390 = tpu.vector_load %arg6[%get3A] {strides = array<i32>} : memref<32768xi32, #tpu.memory_space<vmem>>, vector<16xi32>,
      %shift_right_logical3A = arith.constant 21 : i32
      %shift_right_logical3A_391 = vector.broadcast %shift_right_logical3A : i32 to vector<16xi32>
      %shift_right_logical3A_392 = arith.shrui %get3A_390, %shift_right_logical3A_391 : vector<16xi32>
      %mul3A_393 = arith.constant 2048 : i32
      %mul3A_394 = vector.broadcast %mul3A_393 : i32 to vector<16xi32>
      %mul3A_395 = arith.muli %iota3A, %mul3A_394 : vector<16xi32>
      %add3A_396 = arith.addi %mul3A_395, %shift_right_logical3A_392 : vector<16xi32>
      tpu.vector_store_idx %arg7[%add3A_396], %broadcast_in_dim3A_1 {add = true} : memref<32768xi32, #tpu.memory_space<vmem>>[vector<16xi32>], vector<16xi32>,
      %mul3A_397 = arith.constant 4 : i32
      %mul3A_398 = arith.muli %scan3A_382, %mul3A_397 : i32
      %add3A_399 = arith.constant 1 : i32
      %add3A_400 = arith.addi %mul3A_398, %add3A_399 : i32
      %mul3A_401 = arith.constant 16 : i32
      %mul3A_402 = arith.muli %add3A_400, %mul3A_401 : i32
      %get3A_403 = arith.index_cast %mul3A_402 : i32 to index
      %get3A_404 = tpu.vector_load %arg6[%get3A_403] {strides = array<i32>} : memref<32768xi32, #tpu.memory_space<vmem>>, vector<16xi32>,
      %shift_right_logical3A_405 = arith.constant 21 : i32
      %shift_right_logical3A_406 = vector.broadcast %shift_right_logical3A_405 : i32 to vector<16xi32>
      %shift_right_logical3A_407 = arith.shrui %get3A_404, %shift_right_logical3A_406 : vector<16xi32>
      %mul3A_408 = arith.constant 2048 : i32
      %mul3A_409 = vector.broadcast %mul3A_408 : i32 to vector<16xi32>
      %mul3A_410 = arith.muli %iota3A, %mul3A_409 : vector<16xi32>
      %add3A_411 = arith.addi %mul3A_410, %shift_right_logical3A_407 : vector<16xi32>
      tpu.vector_store_idx %arg7[%add3A_411], %broadcast_in_dim3A_1 {add = true} : memref<32768xi32, #tpu.memory_space<vmem>>[vector<16xi32>], vector<16xi32>,
      %mul3A_412 = arith.constant 4 : i32
      %mul3A_413 = arith.muli %scan3A_382, %mul3A_412 : i32
      %add3A_414 = arith.constant 2 : i32
      %add3A_415 = arith.addi %mul3A_413, %add3A_414 : i32
      %mul3A_416 = arith.constant 16 : i32
      %mul3A_417 = arith.muli %add3A_415, %mul3A_416 : i32
      %get3A_418 = arith.index_cast %mul3A_417 : i32 to index
      %get3A_419 = tpu.vector_load %arg6[%get3A_418] {strides = array<i32>} : memref<32768xi32, #tpu.memory_space<vmem>>, vector<16xi32>,
      %shift_right_logical3A_420 = arith.constant 21 : i32
      %shift_right_logical3A_421 = vector.broadcast %shift_right_logical3A_420 : i32 to vector<16xi32>
      %shift_right_logical3A_422 = arith.shrui %get3A_419, %shift_right_logical3A_421 : vector<16xi32>
      %mul3A_423 = arith.constant 2048 : i32
      %mul3A_424 = vector.broadcast %mul3A_423 : i32 to vector<16xi32>
      %mul3A_425 = arith.muli %iota3A, %mul3A_424 : vector<16xi32>
      %add3A_426 = arith.addi %mul3A_425, %shift_right_logical3A_422 : vector<16xi32>
      tpu.vector_store_idx %arg7[%add3A_426], %broadcast_in_dim3A_1 {add = true} : memref<32768xi32, #tpu.memory_space<vmem>>[vector<16xi32>], vector<16xi32>,
      %mul3A_427 = arith.constant 4 : i32
      %mul3A_428 = arith.muli %scan3A_382, %mul3A_427 : i32
      %add3A_429 = arith.constant 3 : i32
      %add3A_430 = arith.addi %mul3A_428, %add3A_429 : i32
      %mul3A_431 = arith.constant 16 : i32
      %mul3A_432 = arith.muli %add3A_430, %mul3A_431 : i32
      %get3A_433 = arith.index_cast %mul3A_432 : i32 to index
      %get3A_434 = tpu.vector_load %arg6[%get3A_433] {strides = array<i32>} : memref<32768xi32, #tpu.memory_space<vmem>>, vector<16xi32>,
      %shift_right_logical3A_435 = arith.constant 21 : i32
      %shift_right_logical3A_436 = vector.broadcast %shift_right_logical3A_435 : i32 to vector<16xi32>
      %shift_right_logical3A_437 = arith.shrui %get3A_434, %shift_right_logical3A_436 : vector<16xi32>
      %mul3A_438 = arith.constant 2048 : i32
      %mul3A_439 = vector.broadcast %mul3A_438 : i32 to vector<16xi32>
      %mul3A_440 = arith.muli %iota3A, %mul3A_439 : vector<16xi32>
      %add3A_441 = arith.addi %mul3A_440, %shift_right_logical3A_437 : vector<16xi32>
      tpu.vector_store_idx %arg7[%add3A_441], %broadcast_in_dim3A_1 {add = true} : memref<32768xi32, #tpu.memory_space<vmem>>[vector<16xi32>], vector<16xi32>,
      %scan3A_442 = arith.constant 0 : i32
      scf.yield %scan3A_442 : i32
    }
    %scan3A_23 = arith.constant 512 : i32
    %scan3A_24 = arith.constant 0 : i32
    %scan3A_25 = arith.constant false
    %scan3A_26 = arith.constant 0 : i32
    %scan3A_27 = arith.constant 0 : i32
    %scan3A_28 = arith.constant 0 : i32
    %scan3A_29 = arith.constant 128 : i32
    %scan3A_30 = arith.addi %scan3A_28, %scan3A_29 : i32
    %scan3A_31 = arith.constant 1 : i32
    %scan3A_32:4 = scf.for %scan3A_382 = %scan3A_28 to %scan3A_30 step %scan3A_31 iter_args(%scan3A_383 = %scan3A_24, %scan3A_384 = %scan3A_25, %scan3A_385 = %scan3A_26, %scan3A_386 = %scan3A_27) -> (i32, i1, i32, i32)  : i32 {
      %sub3A_387 = arith.constant 127 : i32
      %sub3A_388 = arith.subi %sub3A_387, %scan3A_382 : i32
      %mul3A_389 = arith.constant 16 : i32
      %mul3A_390 = arith.muli %sub3A_388, %mul3A_389 : i32
      %get3A = arith.index_cast %mul3A_390 : i32 to index
      %get3A_391 = tpu.vector_load %arg7[%get3A] {strides = array<i32>} : memref<32768xi32, #tpu.memory_space<vmem>>, vector<16xi32>,
      %mul3A_392 = arith.constant 16 : i32
      %mul3A_393 = arith.muli %sub3A_388, %mul3A_392 : i32
      %add3A_394 = arith.constant 2048 : i32
      %add3A_395 = arith.addi %add3A_394, %mul3A_393 : i32
      %get3A_396 = arith.index_cast %add3A_395 : i32 to index
      %get3A_397 = tpu.vector_load %arg7[%get3A_396] {strides = array<i32>} : memref<32768xi32, #tpu.memory_space<vmem>>, vector<16xi32>,
      %add3A_398 = arith.addi %get3A_391, %get3A_397 : vector<16xi32>
      %mul3A_399 = arith.constant 16 : i32
      %mul3A_400 = arith.muli %sub3A_388, %mul3A_399 : i32
      %add3A_401 = arith.constant 4096 : i32
      %add3A_402 = arith.addi %add3A_401, %mul3A_400 : i32
      %get3A_403 = arith.index_cast %add3A_402 : i32 to index
      %get3A_404 = tpu.vector_load %arg7[%get3A_403] {strides = array<i32>} : memref<32768xi32, #tpu.memory_space<vmem>>, vector<16xi32>,
      %add3A_405 = arith.addi %add3A_398, %get3A_404 : vector<16xi32>
      %mul3A_406 = arith.constant 16 : i32
      %mul3A_407 = arith.muli %sub3A_388, %mul3A_406 : i32
      %add3A_408 = arith.constant 6144 : i32
      %add3A_409 = arith.addi %add3A_408, %mul3A_407 : i32
      %get3A_410 = arith.index_cast %add3A_409 : i32 to index
      %get3A_411 = tpu.vector_load %arg7[%get3A_410] {strides = array<i32>} : memref<32768xi32, #tpu.memory_space<vmem>>, vector<16xi32>,
      %add3A_412 = arith.addi %add3A_405, %get3A_411 : vector<16xi32>
      %mul3A_413 = arith.constant 16 : i32
      %mul3A_414 = arith.muli %sub3A_388, %mul3A_413 : i32
      %add3A_415 = arith.constant 8192 : i32
      %add3A_416 = arith.addi %add3A_415, %mul3A_414 : i32
      %get3A_417 = arith.index_cast %add3A_416 : i32 to index
      %get3A_418 = tpu.vector_load %arg7[%get3A_417] {strides = array<i32>} : memref<32768xi32, #tpu.memory_space<vmem>>, vector<16xi32>,
      %add3A_419 = arith.addi %add3A_412, %get3A_418 : vector<16xi32>
      %mul3A_420 = arith.constant 16 : i32
      %mul3A_421 = arith.muli %sub3A_388, %mul3A_420 : i32
      %add3A_422 = arith.constant 10240 : i32
      %add3A_423 = arith.addi %add3A_422, %mul3A_421 : i32
      %get3A_424 = arith.index_cast %add3A_423 : i32 to index
      %get3A_425 = tpu.vector_load %arg7[%get3A_424] {strides = array<i32>} : memref<32768xi32, #tpu.memory_space<vmem>>, vector<16xi32>,
      %add3A_426 = arith.addi %add3A_419, %get3A_425 : vector<16xi32>
      %mul3A_427 = arith.constant 16 : i32
      %mul3A_428 = arith.muli %sub3A_388, %mul3A_427 : i32
      %add3A_429 = arith.constant 12288 : i32
      %add3A_430 = arith.addi %add3A_429, %mul3A_428 : i32
      %get3A_431 = arith.index_cast %add3A_430 : i32 to index
      %get3A_432 = tpu.vector_load %arg7[%get3A_431] {strides = array<i32>} : memref<32768xi32, #tpu.memory_space<vmem>>, vector<16xi32>,
      %add3A_433 = arith.addi %add3A_426, %get3A_432 : vector<16xi32>
      %mul3A_434 = arith.constant 16 : i32
      %mul3A_435 = arith.muli %sub3A_388, %mul3A_434 : i32
      %add3A_436 = arith.constant 14336 : i32
      %add3A_437 = arith.addi %add3A_436, %mul3A_435 : i32
      %get3A_438 = arith.index_cast %add3A_437 : i32 to index
      %get3A_439 = tpu.vector_load %arg7[%get3A_438] {strides = array<i32>} : memref<32768xi32, #tpu.memory_space<vmem>>, vector<16xi32>,
      %add3A_440 = arith.addi %add3A_433, %get3A_439 : vector<16xi32>
      %mul3A_441 = arith.constant 16 : i32
      %mul3A_442 = arith.muli %sub3A_388, %mul3A_441 : i32
      %add3A_443 = arith.constant 16384 : i32
      %add3A_444 = arith.addi %add3A_443, %mul3A_442 : i32
      %get3A_445 = arith.index_cast %add3A_444 : i32 to index
      %get3A_446 = tpu.vector_load %arg7[%get3A_445] {strides = array<i32>} : memref<32768xi32, #tpu.memory_space<vmem>>, vector<16xi32>,
      %add3A_447 = arith.addi %add3A_440, %get3A_446 : vector<16xi32>
      %mul3A_448 = arith.constant 16 : i32
      %mul3A_449 = arith.muli %sub3A_388, %mul3A_448 : i32
      %add3A_450 = arith.constant 18432 : i32
      %add3A_451 = arith.addi %add3A_450, %mul3A_449 : i32
      %get3A_452 = arith.index_cast %add3A_451 : i32 to index
      %get3A_453 = tpu.vector_load %arg7[%get3A_452] {strides = array<i32>} : memref<32768xi32, #tpu.memory_space<vmem>>, vector<16xi32>,
      %add3A_454 = arith.addi %add3A_447, %get3A_453 : vector<16xi32>
      %mul3A_455 = arith.constant 16 : i32
      %mul3A_456 = arith.muli %sub3A_388, %mul3A_455 : i32
      %add3A_457 = arith.constant 20480 : i32
      %add3A_458 = arith.addi %add3A_457, %mul3A_456 : i32
      %get3A_459 = arith.index_cast %add3A_458 : i32 to index
      %get3A_460 = tpu.vector_load %arg7[%get3A_459] {strides = array<i32>} : memref<32768xi32, #tpu.memory_space<vmem>>, vector<16xi32>,
      %add3A_461 = arith.addi %add3A_454, %get3A_460 : vector<16xi32>
      %mul3A_462 = arith.constant 16 : i32
      %mul3A_463 = arith.muli %sub3A_388, %mul3A_462 : i32
      %add3A_464 = arith.constant 22528 : i32
      %add3A_465 = arith.addi %add3A_464, %mul3A_463 : i32
      %get3A_466 = arith.index_cast %add3A_465 : i32 to index
      %get3A_467 = tpu.vector_load %arg7[%get3A_466] {strides = array<i32>} : memref<32768xi32, #tpu.memory_space<vmem>>, vector<16xi32>,
      %add3A_468 = arith.addi %add3A_461, %get3A_467 : vector<16xi32>
      %mul3A_469 = arith.constant 16 : i32
      %mul3A_470 = arith.muli %sub3A_388, %mul3A_469 : i32
      %add3A_471 = arith.constant 24576 : i32
      %add3A_472 = arith.addi %add3A_471, %mul3A_470 : i32
      %get3A_473 = arith.index_cast %add3A_472 : i32 to index
      %get3A_474 = tpu.vector_load %arg7[%get3A_473] {strides = array<i32>} : memref<32768xi32, #tpu.memory_space<vmem>>, vector<16xi32>,
      %add3A_475 = arith.addi %add3A_468, %get3A_474 : vector<16xi32>
      %mul3A_476 = arith.constant 16 : i32
      %mul3A_477 = arith.muli %sub3A_388, %mul3A_476 : i32
      %add3A_478 = arith.constant 26624 : i32
      %add3A_479 = arith.addi %add3A_478, %mul3A_477 : i32
      %get3A_480 = arith.index_cast %add3A_479 : i32 to index
      %get3A_481 = tpu.vector_load %arg7[%get3A_480] {strides = array<i32>} : memref<32768xi32, #tpu.memory_space<vmem>>, vector<16xi32>,
      %add3A_482 = arith.addi %add3A_475, %get3A_481 : vector<16xi32>
      %mul3A_483 = arith.constant 16 : i32
      %mul3A_484 = arith.muli %sub3A_388, %mul3A_483 : i32
      %add3A_485 = arith.constant 28672 : i32
      %add3A_486 = arith.addi %add3A_485, %mul3A_484 : i32
      %get3A_487 = arith.index_cast %add3A_486 : i32 to index
      %get3A_488 = tpu.vector_load %arg7[%get3A_487] {strides = array<i32>} : memref<32768xi32, #tpu.memory_space<vmem>>, vector<16xi32>,
      %add3A_489 = arith.addi %add3A_482, %get3A_488 : vector<16xi32>
      %mul3A_490 = arith.constant 16 : i32
      %mul3A_491 = arith.muli %sub3A_388, %mul3A_490 : i32
      %add3A_492 = arith.constant 30720 : i32
      %add3A_493 = arith.addi %add3A_492, %mul3A_491 : i32
      %get3A_494 = arith.index_cast %add3A_493 : i32 to index
      %get3A_495 = tpu.vector_load %arg7[%get3A_494] {strides = array<i32>} : memref<32768xi32, #tpu.memory_space<vmem>>, vector<16xi32>,
      %add3A_496 = arith.addi %add3A_489, %get3A_495 : vector<16xi32>
      %rev3A = arith.constant 15 : i32
      %rev3A_497 = vector.broadcast %rev3A : i32 to vector<16xi32>
      %rev3A_498 = tpu.iota {dimensions = array<i32: 0>} : vector<16xi32>
      %rev3A_499 = arith.subi %rev3A_497, %rev3A_498 : vector<16xi32>
      %rev3A_500 = tpu.dynamic_gather %add3A_496[%rev3A_499] in [0] : vector<16xi32>, vector<16xi32> -> vector<16xi32>
      %broadcast_in_dim3A_501 = arith.constant true
      %broadcast_in_dim3A_502 = vector.broadcast %broadcast_in_dim3A_501 : i1 to vector<16xi1>
      %masked_cumsum3A = tpu.scan <sum>, %rev3A_500 masked %broadcast_in_dim3A_502 : vector<16xi32>, vector<16xi1> -> vector<16xi32>
      %add3A_503 = vector.broadcast %scan3A_383 : i32 to vector<16xi32>
      %add3A_504 = arith.addi %masked_cumsum3A, %add3A_503 : vector<16xi32>
      %ge3A = arith.constant 1000 : i32
      %ge3A_505 = vector.broadcast %ge3A : i32 to vector<16xi32>
      %ge3A_506 = arith.cmpi sge, %add3A_504, %ge3A_505 : vector<16xi32>
      %convert_element_type3A = arith.extui %ge3A_506 : vector<16xi1> to vector<16xi32>
      %broadcast_in_dim3A_507 = arith.constant true
      %broadcast_in_dim3A_508 = vector.broadcast %broadcast_in_dim3A_507 : i1 to vector<16xi1>
      %masked_cummax3A = arith.constant -2147483648 : i32
      %masked_cummax3A_509 = vector.broadcast %masked_cummax3A : i32 to vector<16xi32>
      %masked_cummax3A_510 = arith.xori %convert_element_type3A, %masked_cummax3A_509 : vector<16xi32>
      %masked_cummax3A_511 = tpu.scan <max>, %masked_cummax3A_510 masked %broadcast_in_dim3A_508 : vector<16xi32>, vector<16xi1> -> vector<16xi32>
      %masked_cummax3A_512 = arith.xori %masked_cummax3A_511, %masked_cummax3A_509 : vector<16xi32>
      %reduce_max3A = arith.constant true
      %reduce_max3A_513 = vector.broadcast %reduce_max3A : i1 to vector<16xi1>
      %reduce_max3A_514 = arith.constant -2147483648 : i32
      %reduce_max3A_515 = vector.broadcast %reduce_max3A_514 : i32 to vector<16xi32>
      %reduce_max3A_516 = arith.xori %masked_cummax3A_512, %reduce_max3A_515 : vector<16xi32>
      %reduce_max3A_517 = tpu.scan <max>, %reduce_max3A_516 masked %reduce_max3A_513 : vector<16xi32>, vector<16xi1> -> vector<16xi32>
      %reduce_max3A_518 = arith.xori %reduce_max3A_517, %reduce_max3A_515 : vector<16xi32>
      %reduce_max3A_519 = vector.extract %reduce_max3A_518[15] : i32 from vector<16xi32>
      %gt3A = arith.constant 0 : i32
      %gt3A_520 = arith.cmpi sgt, %reduce_max3A_519, %gt3A : i32
      %reduce_sum3A = arith.constant true
      %reduce_sum3A_521 = vector.broadcast %reduce_sum3A : i1 to vector<16xi1>
      %reduce_sum3A_522 = tpu.scan <sum>, %masked_cummax3A_512 masked %reduce_sum3A_521 : vector<16xi32>, vector<16xi1> -> vector<16xi32>
      %reduce_sum3A_523 = vector.extract %reduce_sum3A_522[15] : i32 from vector<16xi32>
      %sub3A_524 = arith.constant 16 : i32
      %sub3A_525 = arith.subi %sub3A_524, %reduce_sum3A_523 : i32
      %mul3A_526 = arith.constant 16 : i32
      %mul3A_527 = arith.muli %sub3A_388, %mul3A_526 : i32
      %add3A_528 = arith.constant 15 : i32
      %add3A_529 = arith.addi %mul3A_527, %add3A_528 : i32
      %sub3A_530 = arith.subi %add3A_529, %sub3A_525 : i32
      %eq3A = arith.constant 0 : i32
      %eq3A_531 = vector.broadcast %eq3A : i32 to vector<16xi32>
      %eq3A_532 = arith.cmpi eq, %masked_cummax3A_512, %eq3A_531 : vector<16xi32>
      %jit3A = arith.constant 0 : i32
      %broadcast_in_dim3A_533 = vector.broadcast %jit3A : i32 to vector<16xi32>
      %select_n3A = arith.select %eq3A_532, %rev3A_500, %broadcast_in_dim3A_533 : vector<16xi1>, vector<16xi32>
      %reduce_sum3A_534 = arith.constant true
      %reduce_sum3A_535 = vector.broadcast %reduce_sum3A_534 : i1 to vector<16xi1>
      %reduce_sum3A_536 = tpu.scan <sum>, %select_n3A masked %reduce_sum3A_535 : vector<16xi32>, vector<16xi1> -> vector<16xi32>
      %reduce_sum3A_537 = vector.extract %reduce_sum3A_536[15] : i32 from vector<16xi32>
      %add3A_538 = arith.addi %scan3A_383, %reduce_sum3A_537 : i32
      %not3A = arith.constant true
      %not3A_539 = arith.xori %scan3A_384, %not3A : i1
      %and3A = arith.andi %not3A_539, %gt3A_520 : i1
      %select_n3A_540 = arith.select %and3A, %sub3A_530, %scan3A_385 : i32
      %select_n3A_541 = arith.select %and3A, %add3A_538, %scan3A_386 : i32
      %or3A_542 = arith.ori %scan3A_384, %gt3A_520 : i1
      %reduce_sum3A_543 = arith.constant true
      %reduce_sum3A_544 = vector.broadcast %reduce_sum3A_543 : i1 to vector<16xi1>
      %reduce_sum3A_545 = tpu.scan <sum>, %add3A_496 masked %reduce_sum3A_544 : vector<16xi32>, vector<16xi1> -> vector<16xi32>
      %reduce_sum3A_546 = vector.extract %reduce_sum3A_545[15] : i32 from vector<16xi32>
      %add3A_547 = arith.addi %scan3A_383, %reduce_sum3A_546 : i32
      scf.yield %add3A_547, %or3A_542, %select_n3A_540, %select_n3A_541 : i32, i1, i32, i32
    }
    %scan3A_33 = arith.constant 128 : i32
    %sub3A = arith.constant 1000 : i32
    %sub3A_34 = arith.subi %sub3A, %scan3A_32#3 : i32
    %broadcast_in_dim3A_35 = vector.broadcast %scan3A_32#2 : i32 to vector<16xi32>
    %broadcast_in_dim3A_36 = arith.constant 0 : i32
    %broadcast_in_dim3A_37 = vector.broadcast %broadcast_in_dim3A_36 : i32 to vector<16xi32>
    %scan3A_38 = arith.constant 0 : i32
    %scan3A_39 = arith.constant 0 : i32
    %scan3A_40 = arith.constant 512 : i32
    %scan3A_41 = arith.addi %scan3A_39, %scan3A_40 : i32
    %scan3A_42 = arith.constant 1 : i32
    %scan3A_43 = scf.for %scan3A_382 = %scan3A_39 to %scan3A_41 step %scan3A_42 iter_args(%scan3A_383 = %scan3A_38) -> (i32)  : i32 {
      %mul3A_384 = arith.constant 4 : i32
      %mul3A_385 = arith.muli %scan3A_382, %mul3A_384 : i32
      %add3A_386 = arith.constant 0 : i32
      %add3A_387 = arith.addi %mul3A_385, %add3A_386 : i32
      %mul3A_388 = arith.constant 16 : i32
      %mul3A_389 = arith.muli %add3A_387, %mul3A_388 : i32
      %swap3A = arith.index_cast %mul3A_389 : i32 to index
      %swap3A_390 = tpu.vector_load %arg7[%swap3A] {strides = array<i32>} : memref<32768xi32, #tpu.memory_space<vmem>>, vector<16xi32>,
      tpu.vector_store %arg7[%swap3A], %broadcast_in_dim3A_37 {strides = array<i32>} : memref<32768xi32, #tpu.memory_space<vmem>>, vector<16xi32>,
      %mul3A_391 = arith.constant 4 : i32
      %mul3A_392 = arith.muli %scan3A_382, %mul3A_391 : i32
      %add3A_393 = arith.constant 1 : i32
      %add3A_394 = arith.addi %mul3A_392, %add3A_393 : i32
      %mul3A_395 = arith.constant 16 : i32
      %mul3A_396 = arith.muli %add3A_394, %mul3A_395 : i32
      %swap3A_397 = arith.index_cast %mul3A_396 : i32 to index
      %swap3A_398 = tpu.vector_load %arg7[%swap3A_397] {strides = array<i32>} : memref<32768xi32, #tpu.memory_space<vmem>>, vector<16xi32>,
      tpu.vector_store %arg7[%swap3A_397], %broadcast_in_dim3A_37 {strides = array<i32>} : memref<32768xi32, #tpu.memory_space<vmem>>, vector<16xi32>,
      %mul3A_399 = arith.constant 4 : i32
      %mul3A_400 = arith.muli %scan3A_382, %mul3A_399 : i32
      %add3A_401 = arith.constant 2 : i32
      %add3A_402 = arith.addi %mul3A_400, %add3A_401 : i32
      %mul3A_403 = arith.constant 16 : i32
      %mul3A_404 = arith.muli %add3A_402, %mul3A_403 : i32
      %swap3A_405 = arith.index_cast %mul3A_404 : i32 to index
      %swap3A_406 = tpu.vector_load %arg7[%swap3A_405] {strides = array<i32>} : memref<32768xi32, #tpu.memory_space<vmem>>, vector<16xi32>,
      tpu.vector_store %arg7[%swap3A_405], %broadcast_in_dim3A_37 {strides = array<i32>} : memref<32768xi32, #tpu.memory_space<vmem>>, vector<16xi32>,
      %mul3A_407 = arith.constant 4 : i32
      %mul3A_408 = arith.muli %scan3A_382, %mul3A_407 : i32
      %add3A_409 = arith.constant 3 : i32
      %add3A_410 = arith.addi %mul3A_408, %add3A_409 : i32
      %mul3A_411 = arith.constant 16 : i32
      %mul3A_412 = arith.muli %add3A_410, %mul3A_411 : i32
      %swap3A_413 = arith.index_cast %mul3A_412 : i32 to index
      %swap3A_414 = tpu.vector_load %arg7[%swap3A_413] {strides = array<i32>} : memref<32768xi32, #tpu.memory_space<vmem>>, vector<16xi32>,
      tpu.vector_store %arg7[%swap3A_413], %broadcast_in_dim3A_37 {strides = array<i32>} : memref<32768xi32, #tpu.memory_space<vmem>>, vector<16xi32>,
      %scan3A_415 = arith.constant 0 : i32
      scf.yield %scan3A_415 : i32
    }
    %scan3A_44 = arith.constant 512 : i32
    %scan3A_45 = arith.constant 0 : i32
    %scan3A_46 = arith.constant 0 : i32
    %scan3A_47 = arith.constant 512 : i32
    %scan3A_48 = arith.addi %scan3A_46, %scan3A_47 : i32
    %scan3A_49 = arith.constant 1 : i32
    %scan3A_50 = scf.for %scan3A_382 = %scan3A_46 to %scan3A_48 step %scan3A_49 iter_args(%scan3A_383 = %scan3A_45) -> (i32)  : i32 {
      %mul3A_384 = arith.constant 4 : i32
      %mul3A_385 = arith.muli %scan3A_382, %mul3A_384 : i32
      %add3A_386 = arith.constant 0 : i32
      %add3A_387 = arith.addi %mul3A_385, %add3A_386 : i32
      %mul3A_388 = arith.constant 16 : i32
      %mul3A_389 = arith.muli %add3A_387, %mul3A_388 : i32
      %get3A = arith.index_cast %mul3A_389 : i32 to index
      %get3A_390 = tpu.vector_load %arg6[%get3A] {strides = array<i32>} : memref<32768xi32, #tpu.memory_space<vmem>>, vector<16xi32>,
      %shift_right_logical3A = arith.constant 21 : i32
      %shift_right_logical3A_391 = vector.broadcast %shift_right_logical3A : i32 to vector<16xi32>
      %shift_right_logical3A_392 = arith.shrui %get3A_390, %shift_right_logical3A_391 : vector<16xi32>
      %eq3A = arith.cmpi eq, %shift_right_logical3A_392, %broadcast_in_dim3A_35 : vector<16xi32>
      %shift_right_logical3A_393 = arith.constant 10 : i32
      %shift_right_logical3A_394 = vector.broadcast %shift_right_logical3A_393 : i32 to vector<16xi32>
      %shift_right_logical3A_395 = arith.shrui %get3A_390, %shift_right_logical3A_394 : vector<16xi32>
      %and3A = arith.constant 2047 : i32
      %and3A_396 = vector.broadcast %and3A : i32 to vector<16xi32>
      %and3A_397 = arith.andi %shift_right_logical3A_395, %and3A_396 : vector<16xi32>
      %mul3A_398 = arith.constant 2048 : i32
      %mul3A_399 = vector.broadcast %mul3A_398 : i32 to vector<16xi32>
      %mul3A_400 = arith.muli %iota3A, %mul3A_399 : vector<16xi32>
      %add3A_401 = arith.addi %mul3A_400, %and3A_397 : vector<16xi32>
      tpu.vector_store_idx %arg7[%add3A_401], %broadcast_in_dim3A_1 masked %eq3A {add = true} : memref<32768xi32, #tpu.memory_space<vmem>>[vector<16xi32>], vector<16xi32>, vector<16xi1>
      %mul3A_402 = arith.constant 4 : i32
      %mul3A_403 = arith.muli %scan3A_382, %mul3A_402 : i32
      %add3A_404 = arith.constant 1 : i32
      %add3A_405 = arith.addi %mul3A_403, %add3A_404 : i32
      %mul3A_406 = arith.constant 16 : i32
      %mul3A_407 = arith.muli %add3A_405, %mul3A_406 : i32
      %get3A_408 = arith.index_cast %mul3A_407 : i32 to index
      %get3A_409 = tpu.vector_load %arg6[%get3A_408] {strides = array<i32>} : memref<32768xi32, #tpu.memory_space<vmem>>, vector<16xi32>,
      %shift_right_logical3A_410 = arith.constant 21 : i32
      %shift_right_logical3A_411 = vector.broadcast %shift_right_logical3A_410 : i32 to vector<16xi32>
      %shift_right_logical3A_412 = arith.shrui %get3A_409, %shift_right_logical3A_411 : vector<16xi32>
      %eq3A_413 = arith.cmpi eq, %shift_right_logical3A_412, %broadcast_in_dim3A_35 : vector<16xi32>
      %shift_right_logical3A_414 = arith.constant 10 : i32
      %shift_right_logical3A_415 = vector.broadcast %shift_right_logical3A_414 : i32 to vector<16xi32>
      %shift_right_logical3A_416 = arith.shrui %get3A_409, %shift_right_logical3A_415 : vector<16xi32>
      %and3A_417 = arith.constant 2047 : i32
      %and3A_418 = vector.broadcast %and3A_417 : i32 to vector<16xi32>
      %and3A_419 = arith.andi %shift_right_logical3A_416, %and3A_418 : vector<16xi32>
      %mul3A_420 = arith.constant 2048 : i32
      %mul3A_421 = vector.broadcast %mul3A_420 : i32 to vector<16xi32>
      %mul3A_422 = arith.muli %iota3A, %mul3A_421 : vector<16xi32>
      %add3A_423 = arith.addi %mul3A_422, %and3A_419 : vector<16xi32>
      tpu.vector_store_idx %arg7[%add3A_423], %broadcast_in_dim3A_1 masked %eq3A_413 {add = true} : memref<32768xi32, #tpu.memory_space<vmem>>[vector<16xi32>], vector<16xi32>, vector<16xi1>
      %mul3A_424 = arith.constant 4 : i32
      %mul3A_425 = arith.muli %scan3A_382, %mul3A_424 : i32
      %add3A_426 = arith.constant 2 : i32
      %add3A_427 = arith.addi %mul3A_425, %add3A_426 : i32
      %mul3A_428 = arith.constant 16 : i32
      %mul3A_429 = arith.muli %add3A_427, %mul3A_428 : i32
      %get3A_430 = arith.index_cast %mul3A_429 : i32 to index
      %get3A_431 = tpu.vector_load %arg6[%get3A_430] {strides = array<i32>} : memref<32768xi32, #tpu.memory_space<vmem>>, vector<16xi32>,
      %shift_right_logical3A_432 = arith.constant 21 : i32
      %shift_right_logical3A_433 = vector.broadcast %shift_right_logical3A_432 : i32 to vector<16xi32>
      %shift_right_logical3A_434 = arith.shrui %get3A_431, %shift_right_logical3A_433 : vector<16xi32>
      %eq3A_435 = arith.cmpi eq, %shift_right_logical3A_434, %broadcast_in_dim3A_35 : vector<16xi32>
      %shift_right_logical3A_436 = arith.constant 10 : i32
      %shift_right_logical3A_437 = vector.broadcast %shift_right_logical3A_436 : i32 to vector<16xi32>
      %shift_right_logical3A_438 = arith.shrui %get3A_431, %shift_right_logical3A_437 : vector<16xi32>
      %and3A_439 = arith.constant 2047 : i32
      %and3A_440 = vector.broadcast %and3A_439 : i32 to vector<16xi32>
      %and3A_441 = arith.andi %shift_right_logical3A_438, %and3A_440 : vector<16xi32>
      %mul3A_442 = arith.constant 2048 : i32
      %mul3A_443 = vector.broadcast %mul3A_442 : i32 to vector<16xi32>
      %mul3A_444 = arith.muli %iota3A, %mul3A_443 : vector<16xi32>
      %add3A_445 = arith.addi %mul3A_444, %and3A_441 : vector<16xi32>
      tpu.vector_store_idx %arg7[%add3A_445], %broadcast_in_dim3A_1 masked %eq3A_435 {add = true} : memref<32768xi32, #tpu.memory_space<vmem>>[vector<16xi32>], vector<16xi32>, vector<16xi1>
      %mul3A_446 = arith.constant 4 : i32
      %mul3A_447 = arith.muli %scan3A_382, %mul3A_446 : i32
      %add3A_448 = arith.constant 3 : i32
      %add3A_449 = arith.addi %mul3A_447, %add3A_448 : i32
      %mul3A_450 = arith.constant 16 : i32
      %mul3A_451 = arith.muli %add3A_449, %mul3A_450 : i32
      %get3A_452 = arith.index_cast %mul3A_451 : i32 to index
      %get3A_453 = tpu.vector_load %arg6[%get3A_452] {strides = array<i32>} : memref<32768xi32, #tpu.memory_space<vmem>>, vector<16xi32>,
      %shift_right_logical3A_454 = arith.constant 21 : i32
      %shift_right_logical3A_455 = vector.broadcast %shift_right_logical3A_454 : i32 to vector<16xi32>
      %shift_right_logical3A_456 = arith.shrui %get3A_453, %shift_right_logical3A_455 : vector<16xi32>
      %eq3A_457 = arith.cmpi eq, %shift_right_logical3A_456, %broadcast_in_dim3A_35 : vector<16xi32>
      %shift_right_logical3A_458 = arith.constant 10 : i32
      %shift_right_logical3A_459 = vector.broadcast %shift_right_logical3A_458 : i32 to vector<16xi32>
      %shift_right_logical3A_460 = arith.shrui %get3A_453, %shift_right_logical3A_459 : vector<16xi32>
      %and3A_461 = arith.constant 2047 : i32
      %and3A_462 = vector.broadcast %and3A_461 : i32 to vector<16xi32>
      %and3A_463 = arith.andi %shift_right_logical3A_460, %and3A_462 : vector<16xi32>
      %mul3A_464 = arith.constant 2048 : i32
      %mul3A_465 = vector.broadcast %mul3A_464 : i32 to vector<16xi32>
      %mul3A_466 = arith.muli %iota3A, %mul3A_465 : vector<16xi32>
      %add3A_467 = arith.addi %mul3A_466, %and3A_463 : vector<16xi32>
      tpu.vector_store_idx %arg7[%add3A_467], %broadcast_in_dim3A_1 masked %eq3A_457 {add = true} : memref<32768xi32, #tpu.memory_space<vmem>>[vector<16xi32>], vector<16xi32>, vector<16xi1>
      %scan3A_468 = arith.constant 0 : i32
      scf.yield %scan3A_468 : i32
    }
    %scan3A_51 = arith.constant 512 : i32
    %scan3A_52 = arith.constant 0 : i32
    %scan3A_53 = arith.constant false
    %scan3A_54 = arith.constant 0 : i32
    %scan3A_55 = arith.constant 0 : i32
    %scan3A_56 = arith.constant 0 : i32
    %scan3A_57 = arith.constant 128 : i32
    %scan3A_58 = arith.addi %scan3A_56, %scan3A_57 : i32
    %scan3A_59 = arith.constant 1 : i32
    %scan3A_60:4 = scf.for %scan3A_382 = %scan3A_56 to %scan3A_58 step %scan3A_59 iter_args(%scan3A_383 = %scan3A_52, %scan3A_384 = %scan3A_53, %scan3A_385 = %scan3A_54, %scan3A_386 = %scan3A_55) -> (i32, i1, i32, i32)  : i32 {
      %sub3A_387 = arith.constant 127 : i32
      %sub3A_388 = arith.subi %sub3A_387, %scan3A_382 : i32
      %mul3A_389 = arith.constant 16 : i32
      %mul3A_390 = arith.muli %sub3A_388, %mul3A_389 : i32
      %get3A = arith.index_cast %mul3A_390 : i32 to index
      %get3A_391 = tpu.vector_load %arg7[%get3A] {strides = array<i32>} : memref<32768xi32, #tpu.memory_space<vmem>>, vector<16xi32>,
      %mul3A_392 = arith.constant 16 : i32
      %mul3A_393 = arith.muli %sub3A_388, %mul3A_392 : i32
      %add3A_394 = arith.constant 2048 : i32
      %add3A_395 = arith.addi %add3A_394, %mul3A_393 : i32
      %get3A_396 = arith.index_cast %add3A_395 : i32 to index
      %get3A_397 = tpu.vector_load %arg7[%get3A_396] {strides = array<i32>} : memref<32768xi32, #tpu.memory_space<vmem>>, vector<16xi32>,
      %add3A_398 = arith.addi %get3A_391, %get3A_397 : vector<16xi32>
      %mul3A_399 = arith.constant 16 : i32
      %mul3A_400 = arith.muli %sub3A_388, %mul3A_399 : i32
      %add3A_401 = arith.constant 4096 : i32
      %add3A_402 = arith.addi %add3A_401, %mul3A_400 : i32
      %get3A_403 = arith.index_cast %add3A_402 : i32 to index
      %get3A_404 = tpu.vector_load %arg7[%get3A_403] {strides = array<i32>} : memref<32768xi32, #tpu.memory_space<vmem>>, vector<16xi32>,
      %add3A_405 = arith.addi %add3A_398, %get3A_404 : vector<16xi32>
      %mul3A_406 = arith.constant 16 : i32
      %mul3A_407 = arith.muli %sub3A_388, %mul3A_406 : i32
      %add3A_408 = arith.constant 6144 : i32
      %add3A_409 = arith.addi %add3A_408, %mul3A_407 : i32
      %get3A_410 = arith.index_cast %add3A_409 : i32 to index
      %get3A_411 = tpu.vector_load %arg7[%get3A_410] {strides = array<i32>} : memref<32768xi32, #tpu.memory_space<vmem>>, vector<16xi32>,
      %add3A_412 = arith.addi %add3A_405, %get3A_411 : vector<16xi32>
      %mul3A_413 = arith.constant 16 : i32
      %mul3A_414 = arith.muli %sub3A_388, %mul3A_413 : i32
      %add3A_415 = arith.constant 8192 : i32
      %add3A_416 = arith.addi %add3A_415, %mul3A_414 : i32
      %get3A_417 = arith.index_cast %add3A_416 : i32 to index
      %get3A_418 = tpu.vector_load %arg7[%get3A_417] {strides = array<i32>} : memref<32768xi32, #tpu.memory_space<vmem>>, vector<16xi32>,
      %add3A_419 = arith.addi %add3A_412, %get3A_418 : vector<16xi32>
      %mul3A_420 = arith.constant 16 : i32
      %mul3A_421 = arith.muli %sub3A_388, %mul3A_420 : i32
      %add3A_422 = arith.constant 10240 : i32
      %add3A_423 = arith.addi %add3A_422, %mul3A_421 : i32
      %get3A_424 = arith.index_cast %add3A_423 : i32 to index
      %get3A_425 = tpu.vector_load %arg7[%get3A_424] {strides = array<i32>} : memref<32768xi32, #tpu.memory_space<vmem>>, vector<16xi32>,
      %add3A_426 = arith.addi %add3A_419, %get3A_425 : vector<16xi32>
      %mul3A_427 = arith.constant 16 : i32
      %mul3A_428 = arith.muli %sub3A_388, %mul3A_427 : i32
      %add3A_429 = arith.constant 12288 : i32
      %add3A_430 = arith.addi %add3A_429, %mul3A_428 : i32
      %get3A_431 = arith.index_cast %add3A_430 : i32 to index
      %get3A_432 = tpu.vector_load %arg7[%get3A_431] {strides = array<i32>} : memref<32768xi32, #tpu.memory_space<vmem>>, vector<16xi32>,
      %add3A_433 = arith.addi %add3A_426, %get3A_432 : vector<16xi32>
      %mul3A_434 = arith.constant 16 : i32
      %mul3A_435 = arith.muli %sub3A_388, %mul3A_434 : i32
      %add3A_436 = arith.constant 14336 : i32
      %add3A_437 = arith.addi %add3A_436, %mul3A_435 : i32
      %get3A_438 = arith.index_cast %add3A_437 : i32 to index
      %get3A_439 = tpu.vector_load %arg7[%get3A_438] {strides = array<i32>} : memref<32768xi32, #tpu.memory_space<vmem>>, vector<16xi32>,
      %add3A_440 = arith.addi %add3A_433, %get3A_439 : vector<16xi32>
      %mul3A_441 = arith.constant 16 : i32
      %mul3A_442 = arith.muli %sub3A_388, %mul3A_441 : i32
      %add3A_443 = arith.constant 16384 : i32
      %add3A_444 = arith.addi %add3A_443, %mul3A_442 : i32
      %get3A_445 = arith.index_cast %add3A_444 : i32 to index
      %get3A_446 = tpu.vector_load %arg7[%get3A_445] {strides = array<i32>} : memref<32768xi32, #tpu.memory_space<vmem>>, vector<16xi32>,
      %add3A_447 = arith.addi %add3A_440, %get3A_446 : vector<16xi32>
      %mul3A_448 = arith.constant 16 : i32
      %mul3A_449 = arith.muli %sub3A_388, %mul3A_448 : i32
      %add3A_450 = arith.constant 18432 : i32
      %add3A_451 = arith.addi %add3A_450, %mul3A_449 : i32
      %get3A_452 = arith.index_cast %add3A_451 : i32 to index
      %get3A_453 = tpu.vector_load %arg7[%get3A_452] {strides = array<i32>} : memref<32768xi32, #tpu.memory_space<vmem>>, vector<16xi32>,
      %add3A_454 = arith.addi %add3A_447, %get3A_453 : vector<16xi32>
      %mul3A_455 = arith.constant 16 : i32
      %mul3A_456 = arith.muli %sub3A_388, %mul3A_455 : i32
      %add3A_457 = arith.constant 20480 : i32
      %add3A_458 = arith.addi %add3A_457, %mul3A_456 : i32
      %get3A_459 = arith.index_cast %add3A_458 : i32 to index
      %get3A_460 = tpu.vector_load %arg7[%get3A_459] {strides = array<i32>} : memref<32768xi32, #tpu.memory_space<vmem>>, vector<16xi32>,
      %add3A_461 = arith.addi %add3A_454, %get3A_460 : vector<16xi32>
      %mul3A_462 = arith.constant 16 : i32
      %mul3A_463 = arith.muli %sub3A_388, %mul3A_462 : i32
      %add3A_464 = arith.constant 22528 : i32
      %add3A_465 = arith.addi %add3A_464, %mul3A_463 : i32
      %get3A_466 = arith.index_cast %add3A_465 : i32 to index
      %get3A_467 = tpu.vector_load %arg7[%get3A_466] {strides = array<i32>} : memref<32768xi32, #tpu.memory_space<vmem>>, vector<16xi32>,
      %add3A_468 = arith.addi %add3A_461, %get3A_467 : vector<16xi32>
      %mul3A_469 = arith.constant 16 : i32
      %mul3A_470 = arith.muli %sub3A_388, %mul3A_469 : i32
      %add3A_471 = arith.constant 24576 : i32
      %add3A_472 = arith.addi %add3A_471, %mul3A_470 : i32
      %get3A_473 = arith.index_cast %add3A_472 : i32 to index
      %get3A_474 = tpu.vector_load %arg7[%get3A_473] {strides = array<i32>} : memref<32768xi32, #tpu.memory_space<vmem>>, vector<16xi32>,
      %add3A_475 = arith.addi %add3A_468, %get3A_474 : vector<16xi32>
      %mul3A_476 = arith.constant 16 : i32
      %mul3A_477 = arith.muli %sub3A_388, %mul3A_476 : i32
      %add3A_478 = arith.constant 26624 : i32
      %add3A_479 = arith.addi %add3A_478, %mul3A_477 : i32
      %get3A_480 = arith.index_cast %add3A_479 : i32 to index
      %get3A_481 = tpu.vector_load %arg7[%get3A_480] {strides = array<i32>} : memref<32768xi32, #tpu.memory_space<vmem>>, vector<16xi32>,
      %add3A_482 = arith.addi %add3A_475, %get3A_481 : vector<16xi32>
      %mul3A_483 = arith.constant 16 : i32
      %mul3A_484 = arith.muli %sub3A_388, %mul3A_483 : i32
      %add3A_485 = arith.constant 28672 : i32
      %add3A_486 = arith.addi %add3A_485, %mul3A_484 : i32
      %get3A_487 = arith.index_cast %add3A_486 : i32 to index
      %get3A_488 = tpu.vector_load %arg7[%get3A_487] {strides = array<i32>} : memref<32768xi32, #tpu.memory_space<vmem>>, vector<16xi32>,
      %add3A_489 = arith.addi %add3A_482, %get3A_488 : vector<16xi32>
      %mul3A_490 = arith.constant 16 : i32
      %mul3A_491 = arith.muli %sub3A_388, %mul3A_490 : i32
      %add3A_492 = arith.constant 30720 : i32
      %add3A_493 = arith.addi %add3A_492, %mul3A_491 : i32
      %get3A_494 = arith.index_cast %add3A_493 : i32 to index
      %get3A_495 = tpu.vector_load %arg7[%get3A_494] {strides = array<i32>} : memref<32768xi32, #tpu.memory_space<vmem>>, vector<16xi32>,
      %add3A_496 = arith.addi %add3A_489, %get3A_495 : vector<16xi32>
      %rev3A = arith.constant 15 : i32
      %rev3A_497 = vector.broadcast %rev3A : i32 to vector<16xi32>
      %rev3A_498 = tpu.iota {dimensions = array<i32: 0>} : vector<16xi32>
      %rev3A_499 = arith.subi %rev3A_497, %rev3A_498 : vector<16xi32>
      %rev3A_500 = tpu.dynamic_gather %add3A_496[%rev3A_499] in [0] : vector<16xi32>, vector<16xi32> -> vector<16xi32>
      %broadcast_in_dim3A_501 = arith.constant true
      %broadcast_in_dim3A_502 = vector.broadcast %broadcast_in_dim3A_501 : i1 to vector<16xi1>
      %masked_cumsum3A = tpu.scan <sum>, %rev3A_500 masked %broadcast_in_dim3A_502 : vector<16xi32>, vector<16xi1> -> vector<16xi32>
      %add3A_503 = vector.broadcast %scan3A_383 : i32 to vector<16xi32>
      %add3A_504 = arith.addi %masked_cumsum3A, %add3A_503 : vector<16xi32>
      %ge3A = vector.broadcast %sub3A_34 : i32 to vector<16xi32>
      %ge3A_505 = arith.cmpi sge, %add3A_504, %ge3A : vector<16xi32>
      %convert_element_type3A = arith.extui %ge3A_505 : vector<16xi1> to vector<16xi32>
      %broadcast_in_dim3A_506 = arith.constant true
      %broadcast_in_dim3A_507 = vector.broadcast %broadcast_in_dim3A_506 : i1 to vector<16xi1>
      %masked_cummax3A = arith.constant -2147483648 : i32
      %masked_cummax3A_508 = vector.broadcast %masked_cummax3A : i32 to vector<16xi32>
      %masked_cummax3A_509 = arith.xori %convert_element_type3A, %masked_cummax3A_508 : vector<16xi32>
      %masked_cummax3A_510 = tpu.scan <max>, %masked_cummax3A_509 masked %broadcast_in_dim3A_507 : vector<16xi32>, vector<16xi1> -> vector<16xi32>
      %masked_cummax3A_511 = arith.xori %masked_cummax3A_510, %masked_cummax3A_508 : vector<16xi32>
      %reduce_max3A = arith.constant true
      %reduce_max3A_512 = vector.broadcast %reduce_max3A : i1 to vector<16xi1>
      %reduce_max3A_513 = arith.constant -2147483648 : i32
      %reduce_max3A_514 = vector.broadcast %reduce_max3A_513 : i32 to vector<16xi32>
      %reduce_max3A_515 = arith.xori %masked_cummax3A_511, %reduce_max3A_514 : vector<16xi32>
      %reduce_max3A_516 = tpu.scan <max>, %reduce_max3A_515 masked %reduce_max3A_512 : vector<16xi32>, vector<16xi1> -> vector<16xi32>
      %reduce_max3A_517 = arith.xori %reduce_max3A_516, %reduce_max3A_514 : vector<16xi32>
      %reduce_max3A_518 = vector.extract %reduce_max3A_517[15] : i32 from vector<16xi32>
      %gt3A = arith.constant 0 : i32
      %gt3A_519 = arith.cmpi sgt, %reduce_max3A_518, %gt3A : i32
      %reduce_sum3A = arith.constant true
      %reduce_sum3A_520 = vector.broadcast %reduce_sum3A : i1 to vector<16xi1>
      %reduce_sum3A_521 = tpu.scan <sum>, %masked_cummax3A_511 masked %reduce_sum3A_520 : vector<16xi32>, vector<16xi1> -> vector<16xi32>
      %reduce_sum3A_522 = vector.extract %reduce_sum3A_521[15] : i32 from vector<16xi32>
      %sub3A_523 = arith.constant 16 : i32
      %sub3A_524 = arith.subi %sub3A_523, %reduce_sum3A_522 : i32
      %mul3A_525 = arith.constant 16 : i32
      %mul3A_526 = arith.muli %sub3A_388, %mul3A_525 : i32
      %add3A_527 = arith.constant 15 : i32
      %add3A_528 = arith.addi %mul3A_526, %add3A_527 : i32
      %sub3A_529 = arith.subi %add3A_528, %sub3A_524 : i32
      %eq3A = arith.constant 0 : i32
      %eq3A_530 = vector.broadcast %eq3A : i32 to vector<16xi32>
      %eq3A_531 = arith.cmpi eq, %masked_cummax3A_511, %eq3A_530 : vector<16xi32>
      %jit3A = arith.constant 0 : i32
      %broadcast_in_dim3A_532 = vector.broadcast %jit3A : i32 to vector<16xi32>
      %select_n3A = arith.select %eq3A_531, %rev3A_500, %broadcast_in_dim3A_532 : vector<16xi1>, vector<16xi32>
      %reduce_sum3A_533 = arith.constant true
      %reduce_sum3A_534 = vector.broadcast %reduce_sum3A_533 : i1 to vector<16xi1>
      %reduce_sum3A_535 = tpu.scan <sum>, %select_n3A masked %reduce_sum3A_534 : vector<16xi32>, vector<16xi1> -> vector<16xi32>
      %reduce_sum3A_536 = vector.extract %reduce_sum3A_535[15] : i32 from vector<16xi32>
      %add3A_537 = arith.addi %scan3A_383, %reduce_sum3A_536 : i32
      %not3A = arith.constant true
      %not3A_538 = arith.xori %scan3A_384, %not3A : i1
      %and3A = arith.andi %not3A_538, %gt3A_519 : i1
      %select_n3A_539 = arith.select %and3A, %sub3A_529, %scan3A_385 : i32
      %select_n3A_540 = arith.select %and3A, %add3A_537, %scan3A_386 : i32
      %or3A_541 = arith.ori %scan3A_384, %gt3A_519 : i1
      %reduce_sum3A_542 = arith.constant true
      %reduce_sum3A_543 = vector.broadcast %reduce_sum3A_542 : i1 to vector<16xi1>
      %reduce_sum3A_544 = tpu.scan <sum>, %add3A_496 masked %reduce_sum3A_543 : vector<16xi32>, vector<16xi1> -> vector<16xi32>
      %reduce_sum3A_545 = vector.extract %reduce_sum3A_544[15] : i32 from vector<16xi32>
      %add3A_546 = arith.addi %scan3A_383, %reduce_sum3A_545 : i32
      scf.yield %add3A_546, %or3A_541, %select_n3A_539, %select_n3A_540 : i32, i1, i32, i32
    }
    %scan3A_61 = arith.constant 128 : i32
    %sub3A_62 = arith.subi %sub3A_34, %scan3A_60#3 : i32
    %shift_left3A = arith.constant 11 : i32
    %shift_left3A_63 = arith.shli %scan3A_32#2, %shift_left3A : i32
    %or3A = arith.ori %shift_left3A_63, %scan3A_60#2 : i32
    %broadcast_in_dim3A_64 = vector.broadcast %or3A : i32 to vector<16xi32>
    %broadcast_in_dim3A_65 = arith.constant 0 : i32
    %broadcast_in_dim3A_66 = vector.broadcast %broadcast_in_dim3A_65 : i32 to vector<16xi32>
    %scan3A_67 = arith.constant 0 : i32
    %scan3A_68 = arith.constant 0 : i32
    %scan3A_69 = arith.constant 512 : i32
    %scan3A_70 = arith.addi %scan3A_68, %scan3A_69 : i32
    %scan3A_71 = arith.constant 1 : i32
    %scan3A_72 = scf.for %scan3A_382 = %scan3A_68 to %scan3A_70 step %scan3A_71 iter_args(%scan3A_383 = %scan3A_67) -> (i32)  : i32 {
      %mul3A_384 = arith.constant 4 : i32
      %mul3A_385 = arith.muli %scan3A_382, %mul3A_384 : i32
      %add3A_386 = arith.constant 0 : i32
      %add3A_387 = arith.addi %mul3A_385, %add3A_386 : i32
      %mul3A_388 = arith.constant 16 : i32
      %mul3A_389 = arith.muli %add3A_387, %mul3A_388 : i32
      %swap3A = arith.index_cast %mul3A_389 : i32 to index
      %swap3A_390 = tpu.vector_load %arg7[%swap3A] {strides = array<i32>} : memref<32768xi32, #tpu.memory_space<vmem>>, vector<16xi32>,
      tpu.vector_store %arg7[%swap3A], %broadcast_in_dim3A_66 {strides = array<i32>} : memref<32768xi32, #tpu.memory_space<vmem>>, vector<16xi32>,
      %mul3A_391 = arith.constant 4 : i32
      %mul3A_392 = arith.muli %scan3A_382, %mul3A_391 : i32
      %add3A_393 = arith.constant 1 : i32
      %add3A_394 = arith.addi %mul3A_392, %add3A_393 : i32
      %mul3A_395 = arith.constant 16 : i32
      %mul3A_396 = arith.muli %add3A_394, %mul3A_395 : i32
      %swap3A_397 = arith.index_cast %mul3A_396 : i32 to index
      %swap3A_398 = tpu.vector_load %arg7[%swap3A_397] {strides = array<i32>} : memref<32768xi32, #tpu.memory_space<vmem>>, vector<16xi32>,
      tpu.vector_store %arg7[%swap3A_397], %broadcast_in_dim3A_66 {strides = array<i32>} : memref<32768xi32, #tpu.memory_space<vmem>>, vector<16xi32>,
      %mul3A_399 = arith.constant 4 : i32
      %mul3A_400 = arith.muli %scan3A_382, %mul3A_399 : i32
      %add3A_401 = arith.constant 2 : i32
      %add3A_402 = arith.addi %mul3A_400, %add3A_401 : i32
      %mul3A_403 = arith.constant 16 : i32
      %mul3A_404 = arith.muli %add3A_402, %mul3A_403 : i32
      %swap3A_405 = arith.index_cast %mul3A_404 : i32 to index
      %swap3A_406 = tpu.vector_load %arg7[%swap3A_405] {strides = array<i32>} : memref<32768xi32, #tpu.memory_space<vmem>>, vector<16xi32>,
      tpu.vector_store %arg7[%swap3A_405], %broadcast_in_dim3A_66 {strides = array<i32>} : memref<32768xi32, #tpu.memory_space<vmem>>, vector<16xi32>,
      %mul3A_407 = arith.constant 4 : i32
      %mul3A_408 = arith.muli %scan3A_382, %mul3A_407 : i32
      %add3A_409 = arith.constant 3 : i32
      %add3A_410 = arith.addi %mul3A_408, %add3A_409 : i32
      %mul3A_411 = arith.constant 16 : i32
      %mul3A_412 = arith.muli %add3A_410, %mul3A_411 : i32
      %swap3A_413 = arith.index_cast %mul3A_412 : i32 to index
      %swap3A_414 = tpu.vector_load %arg7[%swap3A_413] {strides = array<i32>} : memref<32768xi32, #tpu.memory_space<vmem>>, vector<16xi32>,
      tpu.vector_store %arg7[%swap3A_413], %broadcast_in_dim3A_66 {strides = array<i32>} : memref<32768xi32, #tpu.memory_space<vmem>>, vector<16xi32>,
      %scan3A_415 = arith.constant 0 : i32
      scf.yield %scan3A_415 : i32
    }
    %scan3A_73 = arith.constant 512 : i32
    %scan3A_74 = arith.constant 0 : i32
    %scan3A_75 = arith.constant 0 : i32
    %scan3A_76 = arith.constant 512 : i32
    %scan3A_77 = arith.addi %scan3A_75, %scan3A_76 : i32
    %scan3A_78 = arith.constant 1 : i32
    %scan3A_79 = scf.for %scan3A_382 = %scan3A_75 to %scan3A_77 step %scan3A_78 iter_args(%scan3A_383 = %scan3A_74) -> (i32)  : i32 {
      %mul3A_384 = arith.constant 4 : i32
      %mul3A_385 = arith.muli %scan3A_382, %mul3A_384 : i32
      %add3A_386 = arith.constant 0 : i32
      %add3A_387 = arith.addi %mul3A_385, %add3A_386 : i32
      %mul3A_388 = arith.constant 16 : i32
      %mul3A_389 = arith.muli %add3A_387, %mul3A_388 : i32
      %get3A = arith.index_cast %mul3A_389 : i32 to index
      %get3A_390 = tpu.vector_load %arg6[%get3A] {strides = array<i32>} : memref<32768xi32, #tpu.memory_space<vmem>>, vector<16xi32>,
      %shift_right_logical3A = arith.constant 10 : i32
      %shift_right_logical3A_391 = vector.broadcast %shift_right_logical3A : i32 to vector<16xi32>
      %shift_right_logical3A_392 = arith.shrui %get3A_390, %shift_right_logical3A_391 : vector<16xi32>
      %eq3A = arith.cmpi eq, %shift_right_logical3A_392, %broadcast_in_dim3A_64 : vector<16xi32>
      %and3A = arith.constant 1023 : i32
      %and3A_393 = vector.broadcast %and3A : i32 to vector<16xi32>
      %and3A_394 = arith.andi %get3A_390, %and3A_393 : vector<16xi32>
      %mul3A_395 = arith.constant 2048 : i32
      %mul3A_396 = vector.broadcast %mul3A_395 : i32 to vector<16xi32>
      %mul3A_397 = arith.muli %iota3A, %mul3A_396 : vector<16xi32>
      %add3A_398 = arith.addi %mul3A_397, %and3A_394 : vector<16xi32>
      tpu.vector_store_idx %arg7[%add3A_398], %broadcast_in_dim3A_1 masked %eq3A {add = true} : memref<32768xi32, #tpu.memory_space<vmem>>[vector<16xi32>], vector<16xi32>, vector<16xi1>
      %mul3A_399 = arith.constant 4 : i32
      %mul3A_400 = arith.muli %scan3A_382, %mul3A_399 : i32
      %add3A_401 = arith.constant 1 : i32
      %add3A_402 = arith.addi %mul3A_400, %add3A_401 : i32
      %mul3A_403 = arith.constant 16 : i32
      %mul3A_404 = arith.muli %add3A_402, %mul3A_403 : i32
      %get3A_405 = arith.index_cast %mul3A_404 : i32 to index
      %get3A_406 = tpu.vector_load %arg6[%get3A_405] {strides = array<i32>} : memref<32768xi32, #tpu.memory_space<vmem>>, vector<16xi32>,
      %shift_right_logical3A_407 = arith.constant 10 : i32
      %shift_right_logical3A_408 = vector.broadcast %shift_right_logical3A_407 : i32 to vector<16xi32>
      %shift_right_logical3A_409 = arith.shrui %get3A_406, %shift_right_logical3A_408 : vector<16xi32>
      %eq3A_410 = arith.cmpi eq, %shift_right_logical3A_409, %broadcast_in_dim3A_64 : vector<16xi32>
      %and3A_411 = arith.constant 1023 : i32
      %and3A_412 = vector.broadcast %and3A_411 : i32 to vector<16xi32>
      %and3A_413 = arith.andi %get3A_406, %and3A_412 : vector<16xi32>
      %mul3A_414 = arith.constant 2048 : i32
      %mul3A_415 = vector.broadcast %mul3A_414 : i32 to vector<16xi32>
      %mul3A_416 = arith.muli %iota3A, %mul3A_415 : vector<16xi32>
      %add3A_417 = arith.addi %mul3A_416, %and3A_413 : vector<16xi32>
      tpu.vector_store_idx %arg7[%add3A_417], %broadcast_in_dim3A_1 masked %eq3A_410 {add = true} : memref<32768xi32, #tpu.memory_space<vmem>>[vector<16xi32>], vector<16xi32>, vector<16xi1>
      %mul3A_418 = arith.constant 4 : i32
      %mul3A_419 = arith.muli %scan3A_382, %mul3A_418 : i32
      %add3A_420 = arith.constant 2 : i32
      %add3A_421 = arith.addi %mul3A_419, %add3A_420 : i32
      %mul3A_422 = arith.constant 16 : i32
      %mul3A_423 = arith.muli %add3A_421, %mul3A_422 : i32
      %get3A_424 = arith.index_cast %mul3A_423 : i32 to index
      %get3A_425 = tpu.vector_load %arg6[%get3A_424] {strides = array<i32>} : memref<32768xi32, #tpu.memory_space<vmem>>, vector<16xi32>,
      %shift_right_logical3A_426 = arith.constant 10 : i32
      %shift_right_logical3A_427 = vector.broadcast %shift_right_logical3A_426 : i32 to vector<16xi32>
      %shift_right_logical3A_428 = arith.shrui %get3A_425, %shift_right_logical3A_427 : vector<16xi32>
      %eq3A_429 = arith.cmpi eq, %shift_right_logical3A_428, %broadcast_in_dim3A_64 : vector<16xi32>
      %and3A_430 = arith.constant 1023 : i32
      %and3A_431 = vector.broadcast %and3A_430 : i32 to vector<16xi32>
      %and3A_432 = arith.andi %get3A_425, %and3A_431 : vector<16xi32>
      %mul3A_433 = arith.constant 2048 : i32
      %mul3A_434 = vector.broadcast %mul3A_433 : i32 to vector<16xi32>
      %mul3A_435 = arith.muli %iota3A, %mul3A_434 : vector<16xi32>
      %add3A_436 = arith.addi %mul3A_435, %and3A_432 : vector<16xi32>
      tpu.vector_store_idx %arg7[%add3A_436], %broadcast_in_dim3A_1 masked %eq3A_429 {add = true} : memref<32768xi32, #tpu.memory_space<vmem>>[vector<16xi32>], vector<16xi32>, vector<16xi1>
      %mul3A_437 = arith.constant 4 : i32
      %mul3A_438 = arith.muli %scan3A_382, %mul3A_437 : i32
      %add3A_439 = arith.constant 3 : i32
      %add3A_440 = arith.addi %mul3A_438, %add3A_439 : i32
      %mul3A_441 = arith.constant 16 : i32
      %mul3A_442 = arith.muli %add3A_440, %mul3A_441 : i32
      %get3A_443 = arith.index_cast %mul3A_442 : i32 to index
      %get3A_444 = tpu.vector_load %arg6[%get3A_443] {strides = array<i32>} : memref<32768xi32, #tpu.memory_space<vmem>>, vector<16xi32>,
      %shift_right_logical3A_445 = arith.constant 10 : i32
      %shift_right_logical3A_446 = vector.broadcast %shift_right_logical3A_445 : i32 to vector<16xi32>
      %shift_right_logical3A_447 = arith.shrui %get3A_444, %shift_right_logical3A_446 : vector<16xi32>
      %eq3A_448 = arith.cmpi eq, %shift_right_logical3A_447, %broadcast_in_dim3A_64 : vector<16xi32>
      %and3A_449 = arith.constant 1023 : i32
      %and3A_450 = vector.broadcast %and3A_449 : i32 to vector<16xi32>
      %and3A_451 = arith.andi %get3A_444, %and3A_450 : vector<16xi32>
      %mul3A_452 = arith.constant 2048 : i32
      %mul3A_453 = vector.broadcast %mul3A_452 : i32 to vector<16xi32>
      %mul3A_454 = arith.muli %iota3A, %mul3A_453 : vector<16xi32>
      %add3A_455 = arith.addi %mul3A_454, %and3A_451 : vector<16xi32>
      tpu.vector_store_idx %arg7[%add3A_455], %broadcast_in_dim3A_1 masked %eq3A_448 {add = true} : memref<32768xi32, #tpu.memory_space<vmem>>[vector<16xi32>], vector<16xi32>, vector<16xi1>
      %scan3A_456 = arith.constant 0 : i32
      scf.yield %scan3A_456 : i32
    }
    %scan3A_80 = arith.constant 512 : i32
    %scan3A_81 = arith.constant 0 : i32
    %scan3A_82 = arith.constant false
    %scan3A_83 = arith.constant 0 : i32
    %scan3A_84 = arith.constant 0 : i32
    %scan3A_85 = arith.constant 0 : i32
    %scan3A_86 = arith.constant 64 : i32
    %scan3A_87 = arith.addi %scan3A_85, %scan3A_86 : i32
    %scan3A_88 = arith.constant 1 : i32
    %scan3A_89:4 = scf.for %scan3A_382 = %scan3A_85 to %scan3A_87 step %scan3A_88 iter_args(%scan3A_383 = %scan3A_81, %scan3A_384 = %scan3A_82, %scan3A_385 = %scan3A_83, %scan3A_386 = %scan3A_84) -> (i32, i1, i32, i32)  : i32 {
      %sub3A_387 = arith.constant 63 : i32
      %sub3A_388 = arith.subi %sub3A_387, %scan3A_382 : i32
      %mul3A_389 = arith.constant 16 : i32
      %mul3A_390 = arith.muli %sub3A_388, %mul3A_389 : i32
      %get3A = arith.index_cast %mul3A_390 : i32 to index
      %get3A_391 = tpu.vector_load %arg7[%get3A] {strides = array<i32>} : memref<32768xi32, #tpu.memory_space<vmem>>, vector<16xi32>,
      %mul3A_392 = arith.constant 16 : i32
      %mul3A_393 = arith.muli %sub3A_388, %mul3A_392 : i32
      %add3A_394 = arith.constant 2048 : i32
      %add3A_395 = arith.addi %add3A_394, %mul3A_393 : i32
      %get3A_396 = arith.index_cast %add3A_395 : i32 to index
      %get3A_397 = tpu.vector_load %arg7[%get3A_396] {strides = array<i32>} : memref<32768xi32, #tpu.memory_space<vmem>>, vector<16xi32>,
      %add3A_398 = arith.addi %get3A_391, %get3A_397 : vector<16xi32>
      %mul3A_399 = arith.constant 16 : i32
      %mul3A_400 = arith.muli %sub3A_388, %mul3A_399 : i32
      %add3A_401 = arith.constant 4096 : i32
      %add3A_402 = arith.addi %add3A_401, %mul3A_400 : i32
      %get3A_403 = arith.index_cast %add3A_402 : i32 to index
      %get3A_404 = tpu.vector_load %arg7[%get3A_403] {strides = array<i32>} : memref<32768xi32, #tpu.memory_space<vmem>>, vector<16xi32>,
      %add3A_405 = arith.addi %add3A_398, %get3A_404 : vector<16xi32>
      %mul3A_406 = arith.constant 16 : i32
      %mul3A_407 = arith.muli %sub3A_388, %mul3A_406 : i32
      %add3A_408 = arith.constant 6144 : i32
      %add3A_409 = arith.addi %add3A_408, %mul3A_407 : i32
      %get3A_410 = arith.index_cast %add3A_409 : i32 to index
      %get3A_411 = tpu.vector_load %arg7[%get3A_410] {strides = array<i32>} : memref<32768xi32, #tpu.memory_space<vmem>>, vector<16xi32>,
      %add3A_412 = arith.addi %add3A_405, %get3A_411 : vector<16xi32>
      %mul3A_413 = arith.constant 16 : i32
      %mul3A_414 = arith.muli %sub3A_388, %mul3A_413 : i32
      %add3A_415 = arith.constant 8192 : i32
      %add3A_416 = arith.addi %add3A_415, %mul3A_414 : i32
      %get3A_417 = arith.index_cast %add3A_416 : i32 to index
      %get3A_418 = tpu.vector_load %arg7[%get3A_417] {strides = array<i32>} : memref<32768xi32, #tpu.memory_space<vmem>>, vector<16xi32>,
      %add3A_419 = arith.addi %add3A_412, %get3A_418 : vector<16xi32>
      %mul3A_420 = arith.constant 16 : i32
      %mul3A_421 = arith.muli %sub3A_388, %mul3A_420 : i32
      %add3A_422 = arith.constant 10240 : i32
      %add3A_423 = arith.addi %add3A_422, %mul3A_421 : i32
      %get3A_424 = arith.index_cast %add3A_423 : i32 to index
      %get3A_425 = tpu.vector_load %arg7[%get3A_424] {strides = array<i32>} : memref<32768xi32, #tpu.memory_space<vmem>>, vector<16xi32>,
      %add3A_426 = arith.addi %add3A_419, %get3A_425 : vector<16xi32>
      %mul3A_427 = arith.constant 16 : i32
      %mul3A_428 = arith.muli %sub3A_388, %mul3A_427 : i32
      %add3A_429 = arith.constant 12288 : i32
      %add3A_430 = arith.addi %add3A_429, %mul3A_428 : i32
      %get3A_431 = arith.index_cast %add3A_430 : i32 to index
      %get3A_432 = tpu.vector_load %arg7[%get3A_431] {strides = array<i32>} : memref<32768xi32, #tpu.memory_space<vmem>>, vector<16xi32>,
      %add3A_433 = arith.addi %add3A_426, %get3A_432 : vector<16xi32>
      %mul3A_434 = arith.constant 16 : i32
      %mul3A_435 = arith.muli %sub3A_388, %mul3A_434 : i32
      %add3A_436 = arith.constant 14336 : i32
      %add3A_437 = arith.addi %add3A_436, %mul3A_435 : i32
      %get3A_438 = arith.index_cast %add3A_437 : i32 to index
      %get3A_439 = tpu.vector_load %arg7[%get3A_438] {strides = array<i32>} : memref<32768xi32, #tpu.memory_space<vmem>>, vector<16xi32>,
      %add3A_440 = arith.addi %add3A_433, %get3A_439 : vector<16xi32>
      %mul3A_441 = arith.constant 16 : i32
      %mul3A_442 = arith.muli %sub3A_388, %mul3A_441 : i32
      %add3A_443 = arith.constant 16384 : i32
      %add3A_444 = arith.addi %add3A_443, %mul3A_442 : i32
      %get3A_445 = arith.index_cast %add3A_444 : i32 to index
      %get3A_446 = tpu.vector_load %arg7[%get3A_445] {strides = array<i32>} : memref<32768xi32, #tpu.memory_space<vmem>>, vector<16xi32>,
      %add3A_447 = arith.addi %add3A_440, %get3A_446 : vector<16xi32>
      %mul3A_448 = arith.constant 16 : i32
      %mul3A_449 = arith.muli %sub3A_388, %mul3A_448 : i32
      %add3A_450 = arith.constant 18432 : i32
      %add3A_451 = arith.addi %add3A_450, %mul3A_449 : i32
      %get3A_452 = arith.index_cast %add3A_451 : i32 to index
      %get3A_453 = tpu.vector_load %arg7[%get3A_452] {strides = array<i32>} : memref<32768xi32, #tpu.memory_space<vmem>>, vector<16xi32>,
      %add3A_454 = arith.addi %add3A_447, %get3A_453 : vector<16xi32>
      %mul3A_455 = arith.constant 16 : i32
      %mul3A_456 = arith.muli %sub3A_388, %mul3A_455 : i32
      %add3A_457 = arith.constant 20480 : i32
      %add3A_458 = arith.addi %add3A_457, %mul3A_456 : i32
      %get3A_459 = arith.index_cast %add3A_458 : i32 to index
      %get3A_460 = tpu.vector_load %arg7[%get3A_459] {strides = array<i32>} : memref<32768xi32, #tpu.memory_space<vmem>>, vector<16xi32>,
      %add3A_461 = arith.addi %add3A_454, %get3A_460 : vector<16xi32>
      %mul3A_462 = arith.constant 16 : i32
      %mul3A_463 = arith.muli %sub3A_388, %mul3A_462 : i32
      %add3A_464 = arith.constant 22528 : i32
      %add3A_465 = arith.addi %add3A_464, %mul3A_463 : i32
      %get3A_466 = arith.index_cast %add3A_465 : i32 to index
      %get3A_467 = tpu.vector_load %arg7[%get3A_466] {strides = array<i32>} : memref<32768xi32, #tpu.memory_space<vmem>>, vector<16xi32>,
      %add3A_468 = arith.addi %add3A_461, %get3A_467 : vector<16xi32>
      %mul3A_469 = arith.constant 16 : i32
      %mul3A_470 = arith.muli %sub3A_388, %mul3A_469 : i32
      %add3A_471 = arith.constant 24576 : i32
      %add3A_472 = arith.addi %add3A_471, %mul3A_470 : i32
      %get3A_473 = arith.index_cast %add3A_472 : i32 to index
      %get3A_474 = tpu.vector_load %arg7[%get3A_473] {strides = array<i32>} : memref<32768xi32, #tpu.memory_space<vmem>>, vector<16xi32>,
      %add3A_475 = arith.addi %add3A_468, %get3A_474 : vector<16xi32>
      %mul3A_476 = arith.constant 16 : i32
      %mul3A_477 = arith.muli %sub3A_388, %mul3A_476 : i32
      %add3A_478 = arith.constant 26624 : i32
      %add3A_479 = arith.addi %add3A_478, %mul3A_477 : i32
      %get3A_480 = arith.index_cast %add3A_479 : i32 to index
      %get3A_481 = tpu.vector_load %arg7[%get3A_480] {strides = array<i32>} : memref<32768xi32, #tpu.memory_space<vmem>>, vector<16xi32>,
      %add3A_482 = arith.addi %add3A_475, %get3A_481 : vector<16xi32>
      %mul3A_483 = arith.constant 16 : i32
      %mul3A_484 = arith.muli %sub3A_388, %mul3A_483 : i32
      %add3A_485 = arith.constant 28672 : i32
      %add3A_486 = arith.addi %add3A_485, %mul3A_484 : i32
      %get3A_487 = arith.index_cast %add3A_486 : i32 to index
      %get3A_488 = tpu.vector_load %arg7[%get3A_487] {strides = array<i32>} : memref<32768xi32, #tpu.memory_space<vmem>>, vector<16xi32>,
      %add3A_489 = arith.addi %add3A_482, %get3A_488 : vector<16xi32>
      %mul3A_490 = arith.constant 16 : i32
      %mul3A_491 = arith.muli %sub3A_388, %mul3A_490 : i32
      %add3A_492 = arith.constant 30720 : i32
      %add3A_493 = arith.addi %add3A_492, %mul3A_491 : i32
      %get3A_494 = arith.index_cast %add3A_493 : i32 to index
      %get3A_495 = tpu.vector_load %arg7[%get3A_494] {strides = array<i32>} : memref<32768xi32, #tpu.memory_space<vmem>>, vector<16xi32>,
      %add3A_496 = arith.addi %add3A_489, %get3A_495 : vector<16xi32>
      %rev3A = arith.constant 15 : i32
      %rev3A_497 = vector.broadcast %rev3A : i32 to vector<16xi32>
      %rev3A_498 = tpu.iota {dimensions = array<i32: 0>} : vector<16xi32>
      %rev3A_499 = arith.subi %rev3A_497, %rev3A_498 : vector<16xi32>
      %rev3A_500 = tpu.dynamic_gather %add3A_496[%rev3A_499] in [0] : vector<16xi32>, vector<16xi32> -> vector<16xi32>
      %broadcast_in_dim3A_501 = arith.constant true
      %broadcast_in_dim3A_502 = vector.broadcast %broadcast_in_dim3A_501 : i1 to vector<16xi1>
      %masked_cumsum3A = tpu.scan <sum>, %rev3A_500 masked %broadcast_in_dim3A_502 : vector<16xi32>, vector<16xi1> -> vector<16xi32>
      %add3A_503 = vector.broadcast %scan3A_383 : i32 to vector<16xi32>
      %add3A_504 = arith.addi %masked_cumsum3A, %add3A_503 : vector<16xi32>
      %ge3A = vector.broadcast %sub3A_62 : i32 to vector<16xi32>
      %ge3A_505 = arith.cmpi sge, %add3A_504, %ge3A : vector<16xi32>
      %convert_element_type3A = arith.extui %ge3A_505 : vector<16xi1> to vector<16xi32>
      %broadcast_in_dim3A_506 = arith.constant true
      %broadcast_in_dim3A_507 = vector.broadcast %broadcast_in_dim3A_506 : i1 to vector<16xi1>
      %masked_cummax3A = arith.constant -2147483648 : i32
      %masked_cummax3A_508 = vector.broadcast %masked_cummax3A : i32 to vector<16xi32>
      %masked_cummax3A_509 = arith.xori %convert_element_type3A, %masked_cummax3A_508 : vector<16xi32>
      %masked_cummax3A_510 = tpu.scan <max>, %masked_cummax3A_509 masked %broadcast_in_dim3A_507 : vector<16xi32>, vector<16xi1> -> vector<16xi32>
      %masked_cummax3A_511 = arith.xori %masked_cummax3A_510, %masked_cummax3A_508 : vector<16xi32>
      %reduce_max3A = arith.constant true
      %reduce_max3A_512 = vector.broadcast %reduce_max3A : i1 to vector<16xi1>
      %reduce_max3A_513 = arith.constant -2147483648 : i32
      %reduce_max3A_514 = vector.broadcast %reduce_max3A_513 : i32 to vector<16xi32>
      %reduce_max3A_515 = arith.xori %masked_cummax3A_511, %reduce_max3A_514 : vector<16xi32>
      %reduce_max3A_516 = tpu.scan <max>, %reduce_max3A_515 masked %reduce_max3A_512 : vector<16xi32>, vector<16xi1> -> vector<16xi32>
      %reduce_max3A_517 = arith.xori %reduce_max3A_516, %reduce_max3A_514 : vector<16xi32>
      %reduce_max3A_518 = vector.extract %reduce_max3A_517[15] : i32 from vector<16xi32>
      %gt3A = arith.constant 0 : i32
      %gt3A_519 = arith.cmpi sgt, %reduce_max3A_518, %gt3A : i32
      %reduce_sum3A = arith.constant true
      %reduce_sum3A_520 = vector.broadcast %reduce_sum3A : i1 to vector<16xi1>
      %reduce_sum3A_521 = tpu.scan <sum>, %masked_cummax3A_511 masked %reduce_sum3A_520 : vector<16xi32>, vector<16xi1> -> vector<16xi32>
      %reduce_sum3A_522 = vector.extract %reduce_sum3A_521[15] : i32 from vector<16xi32>
      %sub3A_523 = arith.constant 16 : i32
      %sub3A_524 = arith.subi %sub3A_523, %reduce_sum3A_522 : i32
      %mul3A_525 = arith.constant 16 : i32
      %mul3A_526 = arith.muli %sub3A_388, %mul3A_525 : i32
      %add3A_527 = arith.constant 15 : i32
      %add3A_528 = arith.addi %mul3A_526, %add3A_527 : i32
      %sub3A_529 = arith.subi %add3A_528, %sub3A_524 : i32
      %eq3A = arith.constant 0 : i32
      %eq3A_530 = vector.broadcast %eq3A : i32 to vector<16xi32>
      %eq3A_531 = arith.cmpi eq, %masked_cummax3A_511, %eq3A_530 : vector<16xi32>
      %jit3A = arith.constant 0 : i32
      %broadcast_in_dim3A_532 = vector.broadcast %jit3A : i32 to vector<16xi32>
      %select_n3A = arith.select %eq3A_531, %rev3A_500, %broadcast_in_dim3A_532 : vector<16xi1>, vector<16xi32>
      %reduce_sum3A_533 = arith.constant true
      %reduce_sum3A_534 = vector.broadcast %reduce_sum3A_533 : i1 to vector<16xi1>
      %reduce_sum3A_535 = tpu.scan <sum>, %select_n3A masked %reduce_sum3A_534 : vector<16xi32>, vector<16xi1> -> vector<16xi32>
      %reduce_sum3A_536 = vector.extract %reduce_sum3A_535[15] : i32 from vector<16xi32>
      %add3A_537 = arith.addi %scan3A_383, %reduce_sum3A_536 : i32
      %not3A = arith.constant true
      %not3A_538 = arith.xori %scan3A_384, %not3A : i1
      %and3A = arith.andi %not3A_538, %gt3A_519 : i1
      %select_n3A_539 = arith.select %and3A, %sub3A_529, %scan3A_385 : i32
      %select_n3A_540 = arith.select %and3A, %add3A_537, %scan3A_386 : i32
      %or3A_541 = arith.ori %scan3A_384, %gt3A_519 : i1
      %reduce_sum3A_542 = arith.constant true
      %reduce_sum3A_543 = vector.broadcast %reduce_sum3A_542 : i1 to vector<16xi1>
      %reduce_sum3A_544 = tpu.scan <sum>, %add3A_496 masked %reduce_sum3A_543 : vector<16xi32>, vector<16xi1> -> vector<16xi32>
      %reduce_sum3A_545 = vector.extract %reduce_sum3A_544[15] : i32 from vector<16xi32>
      %add3A_546 = arith.addi %scan3A_383, %reduce_sum3A_545 : i32
      scf.yield %add3A_546, %or3A_541, %select_n3A_539, %select_n3A_540 : i32, i1, i32, i32
    }
    %scan3A_90 = arith.constant 64 : i32
    %sub3A_91 = arith.subi %sub3A_62, %scan3A_89#3 : i32
    %shift_left3A_92 = arith.constant 21 : i32
    %shift_left3A_93 = arith.shli %scan3A_32#2, %shift_left3A_92 : i32
    %shift_left3A_94 = arith.constant 10 : i32
    %shift_left3A_95 = arith.shli %scan3A_60#2, %shift_left3A_94 : i32
    %or3A_96 = arith.ori %shift_left3A_93, %shift_left3A_95 : i32
    %or3A_97 = arith.ori %or3A_96, %scan3A_89#2 : i32
    %broadcast_in_dim3A_98 = vector.broadcast %or3A_97 : i32 to vector<16xi32>
    %sub3A_99 = arith.constant 1000 : i32
    %sub3A_100 = arith.subi %sub3A_99, %sub3A_91 : i32
    %scan3A_101 = arith.constant 0 : i32
    %scan3A_102 = arith.constant 0 : i32
    %scan3A_103 = arith.constant 64 : i32
    %scan3A_104 = arith.addi %scan3A_102, %scan3A_103 : i32
    %scan3A_105 = arith.constant 1 : i32
    %scan3A_106 = scf.for %scan3A_382 = %scan3A_102 to %scan3A_104 step %scan3A_105 iter_args(%scan3A_383 = %scan3A_101) -> (i32)  : i32 {
      %broadcast_in_dim3A_384 = arith.constant 0 : i32
      %broadcast_in_dim3A_385 = vector.broadcast %broadcast_in_dim3A_384 : i32 to vector<16xi32>
      %mul3A_386 = arith.constant 16 : i32
      %mul3A_387 = arith.muli %scan3A_382, %mul3A_386 : i32
      %swap3A = arith.index_cast %mul3A_387 : i32 to index
      %swap3A_388 = tpu.vector_load %arg8[%swap3A] {strides = array<i32>} : memref<1024xi32, #tpu.memory_space<vmem>>, vector<16xi32>,
      tpu.vector_store %arg8[%swap3A], %broadcast_in_dim3A_385 {strides = array<i32>} : memref<1024xi32, #tpu.memory_space<vmem>>, vector<16xi32>,
      %broadcast_in_dim3A_389 = arith.constant 0 : i32
      %broadcast_in_dim3A_390 = vector.broadcast %broadcast_in_dim3A_389 : i32 to vector<16xi32>
      %mul3A_391 = arith.constant 16 : i32
      %mul3A_392 = arith.muli %scan3A_382, %mul3A_391 : i32
      %swap3A_393 = arith.index_cast %mul3A_392 : i32 to index
      %swap3A_394 = tpu.vector_load %arg9[%swap3A_393] {strides = array<i32>} : memref<1024xi32, #tpu.memory_space<vmem>>, vector<16xi32>,
      tpu.vector_store %arg9[%swap3A_393], %broadcast_in_dim3A_390 {strides = array<i32>} : memref<1024xi32, #tpu.memory_space<vmem>>, vector<16xi32>,
      %scan3A_395 = arith.constant 0 : i32
      scf.yield %scan3A_395 : i32
    }
    %scan3A_107 = arith.constant 64 : i32
    %scan3A_108 = arith.constant 0 : i32
    %scan3A_109 = arith.constant 0 : i32
    %scan3A_110 = arith.constant 0 : i32
    %scan3A_111 = arith.constant 1024 : i32
    %scan3A_112 = arith.addi %scan3A_110, %scan3A_111 : i32
    %scan3A_113 = arith.constant 1 : i32
    %scan3A_114:2 = scf.for %scan3A_382 = %scan3A_110 to %scan3A_112 step %scan3A_113 iter_args(%scan3A_383 = %scan3A_108, %scan3A_384 = %scan3A_109) -> (i32, i32)  : i32 {
      %mul3A_385 = arith.constant 2 : i32
      %mul3A_386 = arith.muli %scan3A_382, %mul3A_385 : i32
      %add3A_387 = arith.constant 0 : i32
      %add3A_388 = arith.addi %mul3A_386, %add3A_387 : i32
      %mul3A_389 = arith.constant 16 : i32
      %mul3A_390 = arith.muli %add3A_388, %mul3A_389 : i32
      %get3A = arith.index_cast %mul3A_390 : i32 to index
      %get3A_391 = tpu.vector_load %arg6[%get3A] {strides = array<i32>} : memref<32768xi32, #tpu.memory_space<vmem>>, vector<16xi32>,
      %mul3A_392 = arith.constant 16 : i32
      %mul3A_393 = arith.muli %add3A_388, %mul3A_392 : i32
      %add3A_394 = vector.broadcast %mul3A_393 : i32 to vector<16xi32>
      %add3A_395 = arith.addi %add3A_394, %iota3A : vector<16xi32>
      %gt3A = arith.cmpi ugt, %get3A_391, %broadcast_in_dim3A_98 : vector<16xi32>
      %swap3A = arith.index_cast %scan3A_383 : i32 to index
      %swap3A_396 = tpu.vector_load %arg8[%swap3A] masked %gt3A {strides = array<i32>} : memref<1024xi32, #tpu.memory_space<vmem>>, vector<16xi32>, vector<16xi1>
      tpu.vector_store %arg8[%swap3A], %get3A_391 masked %gt3A {strides = array<i32>} : memref<1024xi32, #tpu.memory_space<vmem>>, vector<16xi32>, vector<16xi1>
      %swap3A_397 = arith.index_cast %scan3A_383 : i32 to index
      %swap3A_398 = tpu.vector_load %arg9[%swap3A_397] masked %gt3A {strides = array<i32>} : memref<1024xi32, #tpu.memory_space<vmem>>, vector<16xi32>, vector<16xi1>
      tpu.vector_store %arg9[%swap3A_397], %add3A_395 masked %gt3A {strides = array<i32>} : memref<1024xi32, #tpu.memory_space<vmem>>, vector<16xi32>, vector<16xi1>
      %convert_element_type3A = arith.extui %gt3A : vector<16xi1> to vector<16xi32>
      %reduce_sum3A = arith.constant true
      %reduce_sum3A_399 = vector.broadcast %reduce_sum3A : i1 to vector<16xi1>
      %reduce_sum3A_400 = tpu.scan <sum>, %convert_element_type3A masked %reduce_sum3A_399 : vector<16xi32>, vector<16xi1> -> vector<16xi32>
      %reduce_sum3A_401 = vector.extract %reduce_sum3A_400[15] : i32 from vector<16xi32>
      %add3A_402 = arith.addi %scan3A_383, %reduce_sum3A_401 : i32
      %eq3A = arith.cmpi eq, %get3A_391, %broadcast_in_dim3A_98 : vector<16xi32>
      %convert_element_type3A_403 = arith.extui %eq3A : vector<16xi1> to vector<16xi32>
      %broadcast_in_dim3A_404 = arith.constant true
      %broadcast_in_dim3A_405 = vector.broadcast %broadcast_in_dim3A_404 : i1 to vector<16xi1>
      %masked_cumsum3A = tpu.scan <sum>, %convert_element_type3A_403 masked %broadcast_in_dim3A_405 : vector<16xi32>, vector<16xi1> -> vector<16xi32>
      %add3A_406 = vector.broadcast %scan3A_384 : i32 to vector<16xi32>
      %add3A_407 = arith.addi %add3A_406, %masked_cumsum3A : vector<16xi32>
      %le3A = vector.broadcast %sub3A_91 : i32 to vector<16xi32>
      %le3A_408 = arith.cmpi sle, %add3A_407, %le3A : vector<16xi32>
      %and3A = arith.andi %eq3A, %le3A_408 : vector<16xi1>
      %add3A_409 = arith.addi %sub3A_100, %scan3A_384 : i32
      %swap3A_410 = arith.index_cast %add3A_409 : i32 to index
      %swap3A_411 = tpu.vector_load %arg8[%swap3A_410] masked %and3A {strides = array<i32>} : memref<1024xi32, #tpu.memory_space<vmem>>, vector<16xi32>, vector<16xi1>
      tpu.vector_store %arg8[%swap3A_410], %get3A_391 masked %and3A {strides = array<i32>} : memref<1024xi32, #tpu.memory_space<vmem>>, vector<16xi32>, vector<16xi1>
      %add3A_412 = arith.addi %sub3A_100, %scan3A_384 : i32
      %swap3A_413 = arith.index_cast %add3A_412 : i32 to index
      %swap3A_414 = tpu.vector_load %arg9[%swap3A_413] masked %and3A {strides = array<i32>} : memref<1024xi32, #tpu.memory_space<vmem>>, vector<16xi32>, vector<16xi1>
      tpu.vector_store %arg9[%swap3A_413], %add3A_395 masked %and3A {strides = array<i32>} : memref<1024xi32, #tpu.memory_space<vmem>>, vector<16xi32>, vector<16xi1>
      %convert_element_type3A_415 = arith.extui %and3A : vector<16xi1> to vector<16xi32>
      %reduce_sum3A_416 = arith.constant true
      %reduce_sum3A_417 = vector.broadcast %reduce_sum3A_416 : i1 to vector<16xi1>
      %reduce_sum3A_418 = tpu.scan <sum>, %convert_element_type3A_415 masked %reduce_sum3A_417 : vector<16xi32>, vector<16xi1> -> vector<16xi32>
      %reduce_sum3A_419 = vector.extract %reduce_sum3A_418[15] : i32 from vector<16xi32>
      %add3A_420 = arith.addi %scan3A_384, %reduce_sum3A_419 : i32
      %mul3A_421 = arith.constant 2 : i32
      %mul3A_422 = arith.muli %scan3A_382, %mul3A_421 : i32
      %add3A_423 = arith.constant 1 : i32
      %add3A_424 = arith.addi %mul3A_422, %add3A_423 : i32
      %mul3A_425 = arith.constant 16 : i32
      %mul3A_426 = arith.muli %add3A_424, %mul3A_425 : i32
      %get3A_427 = arith.index_cast %mul3A_426 : i32 to index
      %get3A_428 = tpu.vector_load %arg6[%get3A_427] {strides = array<i32>} : memref<32768xi32, #tpu.memory_space<vmem>>, vector<16xi32>,
      %mul3A_429 = arith.constant 16 : i32
      %mul3A_430 = arith.muli %add3A_424, %mul3A_429 : i32
      %add3A_431 = vector.broadcast %mul3A_430 : i32 to vector<16xi32>
      %add3A_432 = arith.addi %add3A_431, %iota3A : vector<16xi32>
      %gt3A_433 = arith.cmpi ugt, %get3A_428, %broadcast_in_dim3A_98 : vector<16xi32>
      %swap3A_434 = arith.index_cast %add3A_402 : i32 to index
      %swap3A_435 = tpu.vector_load %arg8[%swap3A_434] masked %gt3A_433 {strides = array<i32>} : memref<1024xi32, #tpu.memory_space<vmem>>, vector<16xi32>, vector<16xi1>
      tpu.vector_store %arg8[%swap3A_434], %get3A_428 masked %gt3A_433 {strides = array<i32>} : memref<1024xi32, #tpu.memory_space<vmem>>, vector<16xi32>, vector<16xi1>
      %swap3A_436 = arith.index_cast %add3A_402 : i32 to index
      %swap3A_437 = tpu.vector_load %arg9[%swap3A_436] masked %gt3A_433 {strides = array<i32>} : memref<1024xi32, #tpu.memory_space<vmem>>, vector<16xi32>, vector<16xi1>
      tpu.vector_store %arg9[%swap3A_436], %add3A_432 masked %gt3A_433 {strides = array<i32>} : memref<1024xi32, #tpu.memory_space<vmem>>, vector<16xi32>, vector<16xi1>
      %convert_element_type3A_438 = arith.extui %gt3A_433 : vector<16xi1> to vector<16xi32>
      %reduce_sum3A_439 = arith.constant true
      %reduce_sum3A_440 = vector.broadcast %reduce_sum3A_439 : i1 to vector<16xi1>
      %reduce_sum3A_441 = tpu.scan <sum>, %convert_element_type3A_438 masked %reduce_sum3A_440 : vector<16xi32>, vector<16xi1> -> vector<16xi32>
      %reduce_sum3A_442 = vector.extract %reduce_sum3A_441[15] : i32 from vector<16xi32>
      %add3A_443 = arith.addi %add3A_402, %reduce_sum3A_442 : i32
      %eq3A_444 = arith.cmpi eq, %get3A_428, %broadcast_in_dim3A_98 : vector<16xi32>
      %convert_element_type3A_445 = arith.extui %eq3A_444 : vector<16xi1> to vector<16xi32>
      %broadcast_in_dim3A_446 = arith.constant true
      %broadcast_in_dim3A_447 = vector.broadcast %broadcast_in_dim3A_446 : i1 to vector<16xi1>
      %masked_cumsum3A_448 = tpu.scan <sum>, %convert_element_type3A_445 masked %broadcast_in_dim3A_447 : vector<16xi32>, vector<16xi1> -> vector<16xi32>
      %add3A_449 = vector.broadcast %add3A_420 : i32 to vector<16xi32>
      %add3A_450 = arith.addi %add3A_449, %masked_cumsum3A_448 : vector<16xi32>
      %le3A_451 = vector.broadcast %sub3A_91 : i32 to vector<16xi32>
      %le3A_452 = arith.cmpi sle, %add3A_450, %le3A_451 : vector<16xi32>
      %and3A_453 = arith.andi %eq3A_444, %le3A_452 : vector<16xi1>
      %add3A_454 = arith.addi %sub3A_100, %add3A_420 : i32
      %swap3A_455 = arith.index_cast %add3A_454 : i32 to index
      %swap3A_456 = tpu.vector_load %arg8[%swap3A_455] masked %and3A_453 {strides = array<i32>} : memref<1024xi32, #tpu.memory_space<vmem>>, vector<16xi32>, vector<16xi1>
      tpu.vector_store %arg8[%swap3A_455], %get3A_428 masked %and3A_453 {strides = array<i32>} : memref<1024xi32, #tpu.memory_space<vmem>>, vector<16xi32>, vector<16xi1>
      %add3A_457 = arith.addi %sub3A_100, %add3A_420 : i32
      %swap3A_458 = arith.index_cast %add3A_457 : i32 to index
      %swap3A_459 = tpu.vector_load %arg9[%swap3A_458] masked %and3A_453 {strides = array<i32>} : memref<1024xi32, #tpu.memory_space<vmem>>, vector<16xi32>, vector<16xi1>
      tpu.vector_store %arg9[%swap3A_458], %add3A_432 masked %and3A_453 {strides = array<i32>} : memref<1024xi32, #tpu.memory_space<vmem>>, vector<16xi32>, vector<16xi1>
      %convert_element_type3A_460 = arith.extui %and3A_453 : vector<16xi1> to vector<16xi32>
      %reduce_sum3A_461 = arith.constant true
      %reduce_sum3A_462 = vector.broadcast %reduce_sum3A_461 : i1 to vector<16xi1>
      %reduce_sum3A_463 = tpu.scan <sum>, %convert_element_type3A_460 masked %reduce_sum3A_462 : vector<16xi32>, vector<16xi1> -> vector<16xi32>
      %reduce_sum3A_464 = vector.extract %reduce_sum3A_463[15] : i32 from vector<16xi32>
      %add3A_465 = arith.addi %add3A_420, %reduce_sum3A_464 : i32
      scf.yield %add3A_443, %add3A_465 : i32, i32
    }
    %scan3A_115 = arith.constant 1024 : i32
    %scan3A_116 = arith.constant 0 : i32
    %scan3A_117 = arith.constant 0 : i32
    %scan3A_118 = arith.constant 64 : i32
    %scan3A_119 = arith.addi %scan3A_117, %scan3A_118 : i32
    %scan3A_120 = arith.constant 1 : i32
    %scan3A_121 = scf.for %scan3A_382 = %scan3A_117 to %scan3A_119 step %scan3A_120 iter_args(%scan3A_383 = %scan3A_116) -> (i32)  : i32 {
      %jit3A = arith.constant 2 : i32
      %eq3A = arith.constant 0 : i32
      %eq3A_384 = arith.cmpi eq, %jit3A, %eq3A : i32
      %jit3A_385 = arith.constant 1 : i32
      %select_n3A = arith.select %eq3A_384, %jit3A_385, %jit3A : i32
      %rem3A = arith.remsi %scan3A_382, %select_n3A : i32
      %ne3A = arith.constant 0 : i32
      %ne3A_386 = arith.cmpi ne, %rem3A, %ne3A : i32
      %lt3A = arith.constant 0 : i32
      %lt3A_387 = arith.cmpi slt, %rem3A, %lt3A : i32
      %lt3A_388 = arith.constant 0 : i32
      %lt3A_389 = arith.cmpi slt, %select_n3A, %lt3A_388 : i32
      %ne3A_390 = arith.xori %lt3A_387, %lt3A_389 : i1
      %and3A = arith.andi %ne3A_390, %ne3A_386 : i1
      %add3A_391 = arith.addi %rem3A, %select_n3A : i32
      %select_n3A_392 = arith.select %and3A, %add3A_391, %rem3A : i32
      %eq3A_393 = arith.constant 0 : i32
      %eq3A_394 = arith.cmpi eq, %select_n3A_392, %eq3A_393 : i32
      %mul3A_395 = arith.constant 16 : i32
      %mul3A_396 = arith.muli %scan3A_382, %mul3A_395 : i32
      %get3A = arith.index_cast %mul3A_396 : i32 to index
      %get3A_397 = tpu.vector_load %arg8[%get3A] {strides = array<i32>} : memref<1024xi32, #tpu.memory_space<vmem>>, vector<16xi32>,
      %mul3A_398 = arith.constant 16 : i32
      %mul3A_399 = arith.muli %scan3A_382, %mul3A_398 : i32
      %get3A_400 = arith.index_cast %mul3A_399 : i32 to index
      %get3A_401 = tpu.vector_load %arg9[%get3A_400] {strides = array<i32>} : memref<1024xi32, #tpu.memory_space<vmem>>, vector<16xi32>,
      %masked_sort3A = arith.constant dense<true> : vector<16xi1>
      %masked_sort3A_402, %masked_sort3A_403, %masked_sort3A_404 = tpu.sort %get3A_397, %get3A_401 masked %masked_sort3A : (vector<16xi32>, vector<16xi32>, vector<16xi1>) -> (vector<16xi1>, vector<16xi32>, vector<16xi32>)
      %broadcast_in_dim3A_405 = vector.broadcast %eq3A_394 : i1 to vector<16xi1>
      %rev3A = arith.constant 15 : i32
      %rev3A_406 = vector.broadcast %rev3A : i32 to vector<16xi32>
      %rev3A_407 = tpu.iota {dimensions = array<i32: 0>} : vector<16xi32>
      %rev3A_408 = arith.subi %rev3A_406, %rev3A_407 : vector<16xi32>
      %rev3A_409 = tpu.dynamic_gather %masked_sort3A_403[%rev3A_408] in [0] : vector<16xi32>, vector<16xi32> -> vector<16xi32>
      %select_n3A_410 = arith.select %broadcast_in_dim3A_405, %rev3A_409, %masked_sort3A_403 : vector<16xi1>, vector<16xi32>
      %rev3A_411 = arith.constant 15 : i32
      %rev3A_412 = vector.broadcast %rev3A_411 : i32 to vector<16xi32>
      %rev3A_413 = tpu.iota {dimensions = array<i32: 0>} : vector<16xi32>
      %rev3A_414 = arith.subi %rev3A_412, %rev3A_413 : vector<16xi32>
      %rev3A_415 = tpu.dynamic_gather %masked_sort3A_404[%rev3A_414] in [0] : vector<16xi32>, vector<16xi32> -> vector<16xi32>
      %select_n3A_416 = arith.select %broadcast_in_dim3A_405, %rev3A_415, %masked_sort3A_404 : vector<16xi1>, vector<16xi32>
      %mul3A_417 = arith.constant 16 : i32
      %mul3A_418 = arith.muli %scan3A_382, %mul3A_417 : i32
      %swap3A = arith.index_cast %mul3A_418 : i32 to index
      %swap3A_419 = tpu.vector_load %arg8[%swap3A] {strides = array<i32>} : memref<1024xi32, #tpu.memory_space<vmem>>, vector<16xi32>,
      tpu.vector_store %arg8[%swap3A], %select_n3A_410 {strides = array<i32>} : memref<1024xi32, #tpu.memory_space<vmem>>, vector<16xi32>,
      %mul3A_420 = arith.constant 16 : i32
      %mul3A_421 = arith.muli %scan3A_382, %mul3A_420 : i32
      %swap3A_422 = arith.index_cast %mul3A_421 : i32 to index
      %swap3A_423 = tpu.vector_load %arg9[%swap3A_422] {strides = array<i32>} : memref<1024xi32, #tpu.memory_space<vmem>>, vector<16xi32>,
      tpu.vector_store %arg9[%swap3A_422], %select_n3A_416 {strides = array<i32>} : memref<1024xi32, #tpu.memory_space<vmem>>, vector<16xi32>,
      %scan3A_424 = arith.constant 0 : i32
      scf.yield %scan3A_424 : i32
    }
    %scan3A_122 = arith.constant 64 : i32
    %scan3A_123 = arith.constant 0 : i32
    %scan3A_124 = arith.constant 0 : i32
    %scan3A_125 = arith.constant 32 : i32
    %scan3A_126 = arith.addi %scan3A_124, %scan3A_125 : i32
    %scan3A_127 = arith.constant 1 : i32
    %scan3A_128 = scf.for %scan3A_382 = %scan3A_124 to %scan3A_126 step %scan3A_127 iter_args(%scan3A_383 = %scan3A_123) -> (i32)  : i32 {
      %and3A = arith.constant -1 : i32
      %and3A_384 = arith.andi %scan3A_382, %and3A : i32
      %shift_left3A_385 = arith.constant 1 : i32
      %shift_left3A_386 = arith.shli %and3A_384, %shift_left3A_385 : i32
      %and3A_387 = arith.constant 0 : i32
      %and3A_388 = arith.andi %scan3A_382, %and3A_387 : i32
      %or3A_389 = arith.ori %shift_left3A_386, %and3A_388 : i32
      %or3A_390 = arith.constant 1 : i32
      %or3A_391 = arith.ori %or3A_389, %or3A_390 : i32
      %mul3A_392 = arith.constant 16 : i32
      %mul3A_393 = arith.muli %or3A_389, %mul3A_392 : i32
      %get3A = arith.index_cast %mul3A_393 : i32 to index
      %get3A_394 = tpu.vector_load %arg8[%get3A] {strides = array<i32>} : memref<1024xi32, #tpu.memory_space<vmem>>, vector<16xi32>,
      %mul3A_395 = arith.constant 16 : i32
      %mul3A_396 = arith.muli %or3A_389, %mul3A_395 : i32
      %get3A_397 = arith.index_cast %mul3A_396 : i32 to index
      %get3A_398 = tpu.vector_load %arg9[%get3A_397] {strides = array<i32>} : memref<1024xi32, #tpu.memory_space<vmem>>, vector<16xi32>,
      %mul3A_399 = arith.constant 16 : i32
      %mul3A_400 = arith.muli %or3A_391, %mul3A_399 : i32
      %get3A_401 = arith.index_cast %mul3A_400 : i32 to index
      %get3A_402 = tpu.vector_load %arg8[%get3A_401] {strides = array<i32>} : memref<1024xi32, #tpu.memory_space<vmem>>, vector<16xi32>,
      %mul3A_403 = arith.constant 16 : i32
      %mul3A_404 = arith.muli %or3A_391, %mul3A_403 : i32
      %get3A_405 = arith.index_cast %mul3A_404 : i32 to index
      %get3A_406 = tpu.vector_load %arg9[%get3A_405] {strides = array<i32>} : memref<1024xi32, #tpu.memory_space<vmem>>, vector<16xi32>,
      %gt3A = arith.cmpi ugt, %get3A_394, %get3A_402 : vector<16xi32>
      %eq3A = arith.cmpi eq, %get3A_394, %get3A_402 : vector<16xi32>
      %lt3A = arith.cmpi slt, %get3A_398, %get3A_406 : vector<16xi32>
      %and3A_407 = arith.andi %eq3A, %lt3A : vector<16xi1>
      %or3A_408 = arith.ori %gt3A, %and3A_407 : vector<16xi1>
      %mul3A_409 = arith.constant 16 : i32
      %mul3A_410 = arith.muli %or3A_389, %mul3A_409 : i32
      %and3A_411 = arith.constant 32 : i32
      %and3A_412 = arith.andi %mul3A_410, %and3A_411 : i32
      %eq3A_413 = arith.constant 0 : i32
      %eq3A_414 = arith.cmpi eq, %and3A_412, %eq3A_413 : i32
      %broadcast_in_dim3A_415 = vector.broadcast %eq3A_414 : i1 to vector<16xi1>
      %not3A = arith.constant dense<true> : vector<16xi1>
      %not3A_416 = arith.xori %or3A_408, %not3A : vector<16xi1>
      %select_n3A = arith.select %broadcast_in_dim3A_415, %or3A_408, %not3A_416 : vector<16xi1>, vector<16xi1>
      %select_n3A_417 = arith.select %select_n3A, %get3A_394, %get3A_402 : vector<16xi1>, vector<16xi32>
      %select_n3A_418 = arith.select %select_n3A, %get3A_398, %get3A_406 : vector<16xi1>, vector<16xi32>
      %select_n3A_419 = arith.select %select_n3A, %get3A_402, %get3A_394 : vector<16xi1>, vector<16xi32>
      %select_n3A_420 = arith.select %select_n3A, %get3A_406, %get3A_398 : vector<16xi1>, vector<16xi32>
      %mul3A_421 = arith.constant 16 : i32
      %mul3A_422 = arith.muli %or3A_389, %mul3A_421 : i32
      %swap3A = arith.index_cast %mul3A_422 : i32 to index
      %swap3A_423 = tpu.vector_load %arg8[%swap3A] {strides = array<i32>} : memref<1024xi32, #tpu.memory_space<vmem>>, vector<16xi32>,
      tpu.vector_store %arg8[%swap3A], %select_n3A_417 {strides = array<i32>} : memref<1024xi32, #tpu.memory_space<vmem>>, vector<16xi32>,
      %mul3A_424 = arith.constant 16 : i32
      %mul3A_425 = arith.muli %or3A_389, %mul3A_424 : i32
      %swap3A_426 = arith.index_cast %mul3A_425 : i32 to index
      %swap3A_427 = tpu.vector_load %arg9[%swap3A_426] {strides = array<i32>} : memref<1024xi32, #tpu.memory_space<vmem>>, vector<16xi32>,
      tpu.vector_store %arg9[%swap3A_426], %select_n3A_418 {strides = array<i32>} : memref<1024xi32, #tpu.memory_space<vmem>>, vector<16xi32>,
      %mul3A_428 = arith.constant 16 : i32
      %mul3A_429 = arith.muli %or3A_391, %mul3A_428 : i32
      %swap3A_430 = arith.index_cast %mul3A_429 : i32 to index
      %swap3A_431 = tpu.vector_load %arg8[%swap3A_430] {strides = array<i32>} : memref<1024xi32, #tpu.memory_space<vmem>>, vector<16xi32>,
      tpu.vector_store %arg8[%swap3A_430], %select_n3A_419 {strides = array<i32>} : memref<1024xi32, #tpu.memory_space<vmem>>, vector<16xi32>,
      %mul3A_432 = arith.constant 16 : i32
      %mul3A_433 = arith.muli %or3A_391, %mul3A_432 : i32
      %swap3A_434 = arith.index_cast %mul3A_433 : i32 to index
      %swap3A_435 = tpu.vector_load %arg9[%swap3A_434] {strides = array<i32>} : memref<1024xi32, #tpu.memory_space<vmem>>, vector<16xi32>,
      tpu.vector_store %arg9[%swap3A_434], %select_n3A_420 {strides = array<i32>} : memref<1024xi32, #tpu.memory_space<vmem>>, vector<16xi32>,
      %scan3A_436 = arith.constant 0 : i32
      scf.yield %scan3A_436 : i32
    }
    %scan3A_129 = arith.constant 32 : i32
    %scan3A_130 = arith.constant 0 : i32
    %scan3A_131 = arith.constant 0 : i32
    %scan3A_132 = arith.constant 64 : i32
    %scan3A_133 = arith.addi %scan3A_131, %scan3A_132 : i32
    %scan3A_134 = arith.constant 1 : i32
    %scan3A_135 = scf.for %scan3A_382 = %scan3A_131 to %scan3A_133 step %scan3A_134 iter_args(%scan3A_383 = %scan3A_130) -> (i32)  : i32 {
      %mul3A_384 = arith.constant 16 : i32
      %mul3A_385 = arith.muli %scan3A_382, %mul3A_384 : i32
      %and3A = arith.constant 32 : i32
      %and3A_386 = arith.andi %mul3A_385, %and3A : i32
      %eq3A = arith.constant 0 : i32
      %eq3A_387 = arith.cmpi eq, %and3A_386, %eq3A : i32
      %mul3A_388 = arith.constant 16 : i32
      %mul3A_389 = arith.muli %scan3A_382, %mul3A_388 : i32
      %get3A = arith.index_cast %mul3A_389 : i32 to index
      %get3A_390 = tpu.vector_load %arg8[%get3A] {strides = array<i32>} : memref<1024xi32, #tpu.memory_space<vmem>>, vector<16xi32>,
      %mul3A_391 = arith.constant 16 : i32
      %mul3A_392 = arith.muli %scan3A_382, %mul3A_391 : i32
      %get3A_393 = arith.index_cast %mul3A_392 : i32 to index
      %get3A_394 = tpu.vector_load %arg9[%get3A_393] {strides = array<i32>} : memref<1024xi32, #tpu.memory_space<vmem>>, vector<16xi32>,
      %masked_sort3A = arith.constant dense<true> : vector<16xi1>
      %masked_sort3A_395, %masked_sort3A_396, %masked_sort3A_397 = tpu.sort %get3A_390, %get3A_394 masked %masked_sort3A : (vector<16xi32>, vector<16xi32>, vector<16xi1>) -> (vector<16xi1>, vector<16xi32>, vector<16xi32>)
      %broadcast_in_dim3A_398 = vector.broadcast %eq3A_387 : i1 to vector<16xi1>
      %rev3A = arith.constant 15 : i32
      %rev3A_399 = vector.broadcast %rev3A : i32 to vector<16xi32>
      %rev3A_400 = tpu.iota {dimensions = array<i32: 0>} : vector<16xi32>
      %rev3A_401 = arith.subi %rev3A_399, %rev3A_400 : vector<16xi32>
      %rev3A_402 = tpu.dynamic_gather %masked_sort3A_396[%rev3A_401] in [0] : vector<16xi32>, vector<16xi32> -> vector<16xi32>
      %select_n3A = arith.select %broadcast_in_dim3A_398, %rev3A_402, %masked_sort3A_396 : vector<16xi1>, vector<16xi32>
      %rev3A_403 = arith.constant 15 : i32
      %rev3A_404 = vector.broadcast %rev3A_403 : i32 to vector<16xi32>
      %rev3A_405 = tpu.iota {dimensions = array<i32: 0>} : vector<16xi32>
      %rev3A_406 = arith.subi %rev3A_404, %rev3A_405 : vector<16xi32>
      %rev3A_407 = tpu.dynamic_gather %masked_sort3A_397[%rev3A_406] in [0] : vector<16xi32>, vector<16xi32> -> vector<16xi32>
      %select_n3A_408 = arith.select %broadcast_in_dim3A_398, %rev3A_407, %masked_sort3A_397 : vector<16xi1>, vector<16xi32>
      %mul3A_409 = arith.constant 16 : i32
      %mul3A_410 = arith.muli %scan3A_382, %mul3A_409 : i32
      %swap3A = arith.index_cast %mul3A_410 : i32 to index
      %swap3A_411 = tpu.vector_load %arg8[%swap3A] {strides = array<i32>} : memref<1024xi32, #tpu.memory_space<vmem>>, vector<16xi32>,
      tpu.vector_store %arg8[%swap3A], %select_n3A {strides = array<i32>} : memref<1024xi32, #tpu.memory_space<vmem>>, vector<16xi32>,
      %mul3A_412 = arith.constant 16 : i32
      %mul3A_413 = arith.muli %scan3A_382, %mul3A_412 : i32
      %swap3A_414 = arith.index_cast %mul3A_413 : i32 to index
      %swap3A_415 = tpu.vector_load %arg9[%swap3A_414] {strides = array<i32>} : memref<1024xi32, #tpu.memory_space<vmem>>, vector<16xi32>,
      tpu.vector_store %arg9[%swap3A_414], %select_n3A_408 {strides = array<i32>} : memref<1024xi32, #tpu.memory_space<vmem>>, vector<16xi32>,
      %scan3A_416 = arith.constant 0 : i32
      scf.yield %scan3A_416 : i32
    }
    %scan3A_136 = arith.constant 64 : i32
    %scan3A_137 = arith.constant 0 : i32
    %scan3A_138 = arith.constant 0 : i32
    %scan3A_139 = arith.constant 32 : i32
    %scan3A_140 = arith.addi %scan3A_138, %scan3A_139 : i32
    %scan3A_141 = arith.constant 1 : i32
    %scan3A_142 = scf.for %scan3A_382 = %scan3A_138 to %scan3A_140 step %scan3A_141 iter_args(%scan3A_383 = %scan3A_137) -> (i32)  : i32 {
      %and3A = arith.constant -2 : i32
      %and3A_384 = arith.andi %scan3A_382, %and3A : i32
      %shift_left3A_385 = arith.constant 1 : i32
      %shift_left3A_386 = arith.shli %and3A_384, %shift_left3A_385 : i32
      %and3A_387 = arith.constant 1 : i32
      %and3A_388 = arith.andi %scan3A_382, %and3A_387 : i32
      %or3A_389 = arith.ori %shift_left3A_386, %and3A_388 : i32
      %or3A_390 = arith.constant 2 : i32
      %or3A_391 = arith.ori %or3A_389, %or3A_390 : i32
      %mul3A_392 = arith.constant 16 : i32
      %mul3A_393 = arith.muli %or3A_389, %mul3A_392 : i32
      %get3A = arith.index_cast %mul3A_393 : i32 to index
      %get3A_394 = tpu.vector_load %arg8[%get3A] {strides = array<i32>} : memref<1024xi32, #tpu.memory_space<vmem>>, vector<16xi32>,
      %mul3A_395 = arith.constant 16 : i32
      %mul3A_396 = arith.muli %or3A_389, %mul3A_395 : i32
      %get3A_397 = arith.index_cast %mul3A_396 : i32 to index
      %get3A_398 = tpu.vector_load %arg9[%get3A_397] {strides = array<i32>} : memref<1024xi32, #tpu.memory_space<vmem>>, vector<16xi32>,
      %mul3A_399 = arith.constant 16 : i32
      %mul3A_400 = arith.muli %or3A_391, %mul3A_399 : i32
      %get3A_401 = arith.index_cast %mul3A_400 : i32 to index
      %get3A_402 = tpu.vector_load %arg8[%get3A_401] {strides = array<i32>} : memref<1024xi32, #tpu.memory_space<vmem>>, vector<16xi32>,
      %mul3A_403 = arith.constant 16 : i32
      %mul3A_404 = arith.muli %or3A_391, %mul3A_403 : i32
      %get3A_405 = arith.index_cast %mul3A_404 : i32 to index
      %get3A_406 = tpu.vector_load %arg9[%get3A_405] {strides = array<i32>} : memref<1024xi32, #tpu.memory_space<vmem>>, vector<16xi32>,
      %gt3A = arith.cmpi ugt, %get3A_394, %get3A_402 : vector<16xi32>
      %eq3A = arith.cmpi eq, %get3A_394, %get3A_402 : vector<16xi32>
      %lt3A = arith.cmpi slt, %get3A_398, %get3A_406 : vector<16xi32>
      %and3A_407 = arith.andi %eq3A, %lt3A : vector<16xi1>
      %or3A_408 = arith.ori %gt3A, %and3A_407 : vector<16xi1>
      %mul3A_409 = arith.constant 16 : i32
      %mul3A_410 = arith.muli %or3A_389, %mul3A_409 : i32
      %and3A_411 = arith.constant 64 : i32
      %and3A_412 = arith.andi %mul3A_410, %and3A_411 : i32
      %eq3A_413 = arith.constant 0 : i32
      %eq3A_414 = arith.cmpi eq, %and3A_412, %eq3A_413 : i32
      %broadcast_in_dim3A_415 = vector.broadcast %eq3A_414 : i1 to vector<16xi1>
      %not3A = arith.constant dense<true> : vector<16xi1>
      %not3A_416 = arith.xori %or3A_408, %not3A : vector<16xi1>
      %select_n3A = arith.select %broadcast_in_dim3A_415, %or3A_408, %not3A_416 : vector<16xi1>, vector<16xi1>
      %select_n3A_417 = arith.select %select_n3A, %get3A_394, %get3A_402 : vector<16xi1>, vector<16xi32>
      %select_n3A_418 = arith.select %select_n3A, %get3A_398, %get3A_406 : vector<16xi1>, vector<16xi32>
      %select_n3A_419 = arith.select %select_n3A, %get3A_402, %get3A_394 : vector<16xi1>, vector<16xi32>
      %select_n3A_420 = arith.select %select_n3A, %get3A_406, %get3A_398 : vector<16xi1>, vector<16xi32>
      %mul3A_421 = arith.constant 16 : i32
      %mul3A_422 = arith.muli %or3A_389, %mul3A_421 : i32
      %swap3A = arith.index_cast %mul3A_422 : i32 to index
      %swap3A_423 = tpu.vector_load %arg8[%swap3A] {strides = array<i32>} : memref<1024xi32, #tpu.memory_space<vmem>>, vector<16xi32>,
      tpu.vector_store %arg8[%swap3A], %select_n3A_417 {strides = array<i32>} : memref<1024xi32, #tpu.memory_space<vmem>>, vector<16xi32>,
      %mul3A_424 = arith.constant 16 : i32
      %mul3A_425 = arith.muli %or3A_389, %mul3A_424 : i32
      %swap3A_426 = arith.index_cast %mul3A_425 : i32 to index
      %swap3A_427 = tpu.vector_load %arg9[%swap3A_426] {strides = array<i32>} : memref<1024xi32, #tpu.memory_space<vmem>>, vector<16xi32>,
      tpu.vector_store %arg9[%swap3A_426], %select_n3A_418 {strides = array<i32>} : memref<1024xi32, #tpu.memory_space<vmem>>, vector<16xi32>,
      %mul3A_428 = arith.constant 16 : i32
      %mul3A_429 = arith.muli %or3A_391, %mul3A_428 : i32
      %swap3A_430 = arith.index_cast %mul3A_429 : i32 to index
      %swap3A_431 = tpu.vector_load %arg8[%swap3A_430] {strides = array<i32>} : memref<1024xi32, #tpu.memory_space<vmem>>, vector<16xi32>,
      tpu.vector_store %arg8[%swap3A_430], %select_n3A_419 {strides = array<i32>} : memref<1024xi32, #tpu.memory_space<vmem>>, vector<16xi32>,
      %mul3A_432 = arith.constant 16 : i32
      %mul3A_433 = arith.muli %or3A_391, %mul3A_432 : i32
      %swap3A_434 = arith.index_cast %mul3A_433 : i32 to index
      %swap3A_435 = tpu.vector_load %arg9[%swap3A_434] {strides = array<i32>} : memref<1024xi32, #tpu.memory_space<vmem>>, vector<16xi32>,
      tpu.vector_store %arg9[%swap3A_434], %select_n3A_420 {strides = array<i32>} : memref<1024xi32, #tpu.memory_space<vmem>>, vector<16xi32>,
      %scan3A_436 = arith.constant 0 : i32
      scf.yield %scan3A_436 : i32
    }
    %scan3A_143 = arith.constant 32 : i32
    %scan3A_144 = arith.constant 0 : i32
    %scan3A_145 = arith.constant 0 : i32
    %scan3A_146 = arith.constant 32 : i32
    %scan3A_147 = arith.addi %scan3A_145, %scan3A_146 : i32
    %scan3A_148 = arith.constant 1 : i32
    %scan3A_149 = scf.for %scan3A_382 = %scan3A_145 to %scan3A_147 step %scan3A_148 iter_args(%scan3A_383 = %scan3A_144) -> (i32)  : i32 {
      %and3A = arith.constant -1 : i32
      %and3A_384 = arith.andi %scan3A_382, %and3A : i32
      %shift_left3A_385 = arith.constant 1 : i32
      %shift_left3A_386 = arith.shli %and3A_384, %shift_left3A_385 : i32
      %and3A_387 = arith.constant 0 : i32
      %and3A_388 = arith.andi %scan3A_382, %and3A_387 : i32
      %or3A_389 = arith.ori %shift_left3A_386, %and3A_388 : i32
      %or3A_390 = arith.constant 1 : i32
      %or3A_391 = arith.ori %or3A_389, %or3A_390 : i32
      %mul3A_392 = arith.constant 16 : i32
      %mul3A_393 = arith.muli %or3A_389, %mul3A_392 : i32
      %get3A = arith.index_cast %mul3A_393 : i32 to index
      %get3A_394 = tpu.vector_load %arg8[%get3A] {strides = array<i32>} : memref<1024xi32, #tpu.memory_space<vmem>>, vector<16xi32>,
      %mul3A_395 = arith.constant 16 : i32
      %mul3A_396 = arith.muli %or3A_389, %mul3A_395 : i32
      %get3A_397 = arith.index_cast %mul3A_396 : i32 to index
      %get3A_398 = tpu.vector_load %arg9[%get3A_397] {strides = array<i32>} : memref<1024xi32, #tpu.memory_space<vmem>>, vector<16xi32>,
      %mul3A_399 = arith.constant 16 : i32
      %mul3A_400 = arith.muli %or3A_391, %mul3A_399 : i32
      %get3A_401 = arith.index_cast %mul3A_400 : i32 to index
      %get3A_402 = tpu.vector_load %arg8[%get3A_401] {strides = array<i32>} : memref<1024xi32, #tpu.memory_space<vmem>>, vector<16xi32>,
      %mul3A_403 = arith.constant 16 : i32
      %mul3A_404 = arith.muli %or3A_391, %mul3A_403 : i32
      %get3A_405 = arith.index_cast %mul3A_404 : i32 to index
      %get3A_406 = tpu.vector_load %arg9[%get3A_405] {strides = array<i32>} : memref<1024xi32, #tpu.memory_space<vmem>>, vector<16xi32>,
      %gt3A = arith.cmpi ugt, %get3A_394, %get3A_402 : vector<16xi32>
      %eq3A = arith.cmpi eq, %get3A_394, %get3A_402 : vector<16xi32>
      %lt3A = arith.cmpi slt, %get3A_398, %get3A_406 : vector<16xi32>
      %and3A_407 = arith.andi %eq3A, %lt3A : vector<16xi1>
      %or3A_408 = arith.ori %gt3A, %and3A_407 : vector<16xi1>
      %mul3A_409 = arith.constant 16 : i32
      %mul3A_410 = arith.muli %or3A_389, %mul3A_409 : i32
      %and3A_411 = arith.constant 64 : i32
      %and3A_412 = arith.andi %mul3A_410, %and3A_411 : i32
      %eq3A_413 = arith.constant 0 : i32
      %eq3A_414 = arith.cmpi eq, %and3A_412, %eq3A_413 : i32
      %broadcast_in_dim3A_415 = vector.broadcast %eq3A_414 : i1 to vector<16xi1>
      %not3A = arith.constant dense<true> : vector<16xi1>
      %not3A_416 = arith.xori %or3A_408, %not3A : vector<16xi1>
      %select_n3A = arith.select %broadcast_in_dim3A_415, %or3A_408, %not3A_416 : vector<16xi1>, vector<16xi1>
      %select_n3A_417 = arith.select %select_n3A, %get3A_394, %get3A_402 : vector<16xi1>, vector<16xi32>
      %select_n3A_418 = arith.select %select_n3A, %get3A_398, %get3A_406 : vector<16xi1>, vector<16xi32>
      %select_n3A_419 = arith.select %select_n3A, %get3A_402, %get3A_394 : vector<16xi1>, vector<16xi32>
      %select_n3A_420 = arith.select %select_n3A, %get3A_406, %get3A_398 : vector<16xi1>, vector<16xi32>
      %mul3A_421 = arith.constant 16 : i32
      %mul3A_422 = arith.muli %or3A_389, %mul3A_421 : i32
      %swap3A = arith.index_cast %mul3A_422 : i32 to index
      %swap3A_423 = tpu.vector_load %arg8[%swap3A] {strides = array<i32>} : memref<1024xi32, #tpu.memory_space<vmem>>, vector<16xi32>,
      tpu.vector_store %arg8[%swap3A], %select_n3A_417 {strides = array<i32>} : memref<1024xi32, #tpu.memory_space<vmem>>, vector<16xi32>,
      %mul3A_424 = arith.constant 16 : i32
      %mul3A_425 = arith.muli %or3A_389, %mul3A_424 : i32
      %swap3A_426 = arith.index_cast %mul3A_425 : i32 to index
      %swap3A_427 = tpu.vector_load %arg9[%swap3A_426] {strides = array<i32>} : memref<1024xi32, #tpu.memory_space<vmem>>, vector<16xi32>,
      tpu.vector_store %arg9[%swap3A_426], %select_n3A_418 {strides = array<i32>} : memref<1024xi32, #tpu.memory_space<vmem>>, vector<16xi32>,
      %mul3A_428 = arith.constant 16 : i32
      %mul3A_429 = arith.muli %or3A_391, %mul3A_428 : i32
      %swap3A_430 = arith.index_cast %mul3A_429 : i32 to index
      %swap3A_431 = tpu.vector_load %arg8[%swap3A_430] {strides = array<i32>} : memref<1024xi32, #tpu.memory_space<vmem>>, vector<16xi32>,
      tpu.vector_store %arg8[%swap3A_430], %select_n3A_419 {strides = array<i32>} : memref<1024xi32, #tpu.memory_space<vmem>>, vector<16xi32>,
      %mul3A_432 = arith.constant 16 : i32
      %mul3A_433 = arith.muli %or3A_391, %mul3A_432 : i32
      %swap3A_434 = arith.index_cast %mul3A_433 : i32 to index
      %swap3A_435 = tpu.vector_load %arg9[%swap3A_434] {strides = array<i32>} : memref<1024xi32, #tpu.memory_space<vmem>>, vector<16xi32>,
      tpu.vector_store %arg9[%swap3A_434], %select_n3A_420 {strides = array<i32>} : memref<1024xi32, #tpu.memory_space<vmem>>, vector<16xi32>,
      %scan3A_436 = arith.constant 0 : i32
      scf.yield %scan3A_436 : i32
    }
    %scan3A_150 = arith.constant 32 : i32
    %scan3A_151 = arith.constant 0 : i32
    %scan3A_152 = arith.constant 0 : i32
    %scan3A_153 = arith.constant 64 : i32
    %scan3A_154 = arith.addi %scan3A_152, %scan3A_153 : i32
    %scan3A_155 = arith.constant 1 : i32
    %scan3A_156 = scf.for %scan3A_382 = %scan3A_152 to %scan3A_154 step %scan3A_155 iter_args(%scan3A_383 = %scan3A_151) -> (i32)  : i32 {
      %mul3A_384 = arith.constant 16 : i32
      %mul3A_385 = arith.muli %scan3A_382, %mul3A_384 : i32
      %and3A = arith.constant 64 : i32
      %and3A_386 = arith.andi %mul3A_385, %and3A : i32
      %eq3A = arith.constant 0 : i32
      %eq3A_387 = arith.cmpi eq, %and3A_386, %eq3A : i32
      %mul3A_388 = arith.constant 16 : i32
      %mul3A_389 = arith.muli %scan3A_382, %mul3A_388 : i32
      %get3A = arith.index_cast %mul3A_389 : i32 to index
      %get3A_390 = tpu.vector_load %arg8[%get3A] {strides = array<i32>} : memref<1024xi32, #tpu.memory_space<vmem>>, vector<16xi32>,
      %mul3A_391 = arith.constant 16 : i32
      %mul3A_392 = arith.muli %scan3A_382, %mul3A_391 : i32
      %get3A_393 = arith.index_cast %mul3A_392 : i32 to index
      %get3A_394 = tpu.vector_load %arg9[%get3A_393] {strides = array<i32>} : memref<1024xi32, #tpu.memory_space<vmem>>, vector<16xi32>,
      %masked_sort3A = arith.constant dense<true> : vector<16xi1>
      %masked_sort3A_395, %masked_sort3A_396, %masked_sort3A_397 = tpu.sort %get3A_390, %get3A_394 masked %masked_sort3A : (vector<16xi32>, vector<16xi32>, vector<16xi1>) -> (vector<16xi1>, vector<16xi32>, vector<16xi32>)
      %broadcast_in_dim3A_398 = vector.broadcast %eq3A_387 : i1 to vector<16xi1>
      %rev3A = arith.constant 15 : i32
      %rev3A_399 = vector.broadcast %rev3A : i32 to vector<16xi32>
      %rev3A_400 = tpu.iota {dimensions = array<i32: 0>} : vector<16xi32>
      %rev3A_401 = arith.subi %rev3A_399, %rev3A_400 : vector<16xi32>
      %rev3A_402 = tpu.dynamic_gather %masked_sort3A_396[%rev3A_401] in [0] : vector<16xi32>, vector<16xi32> -> vector<16xi32>
      %select_n3A = arith.select %broadcast_in_dim3A_398, %rev3A_402, %masked_sort3A_396 : vector<16xi1>, vector<16xi32>
      %rev3A_403 = arith.constant 15 : i32
      %rev3A_404 = vector.broadcast %rev3A_403 : i32 to vector<16xi32>
      %rev3A_405 = tpu.iota {dimensions = array<i32: 0>} : vector<16xi32>
      %rev3A_406 = arith.subi %rev3A_404, %rev3A_405 : vector<16xi32>
      %rev3A_407 = tpu.dynamic_gather %masked_sort3A_397[%rev3A_406] in [0] : vector<16xi32>, vector<16xi32> -> vector<16xi32>
      %select_n3A_408 = arith.select %broadcast_in_dim3A_398, %rev3A_407, %masked_sort3A_397 : vector<16xi1>, vector<16xi32>
      %mul3A_409 = arith.constant 16 : i32
      %mul3A_410 = arith.muli %scan3A_382, %mul3A_409 : i32
      %swap3A = arith.index_cast %mul3A_410 : i32 to index
      %swap3A_411 = tpu.vector_load %arg8[%swap3A] {strides = array<i32>} : memref<1024xi32, #tpu.memory_space<vmem>>, vector<16xi32>,
      tpu.vector_store %arg8[%swap3A], %select_n3A {strides = array<i32>} : memref<1024xi32, #tpu.memory_space<vmem>>, vector<16xi32>,
      %mul3A_412 = arith.constant 16 : i32
      %mul3A_413 = arith.muli %scan3A_382, %mul3A_412 : i32
      %swap3A_414 = arith.index_cast %mul3A_413 : i32 to index
      %swap3A_415 = tpu.vector_load %arg9[%swap3A_414] {strides = array<i32>} : memref<1024xi32, #tpu.memory_space<vmem>>, vector<16xi32>,
      tpu.vector_store %arg9[%swap3A_414], %select_n3A_408 {strides = array<i32>} : memref<1024xi32, #tpu.memory_space<vmem>>, vector<16xi32>,
      %scan3A_416 = arith.constant 0 : i32
      scf.yield %scan3A_416 : i32
    }
    %scan3A_157 = arith.constant 64 : i32
    %scan3A_158 = arith.constant 0 : i32
    %scan3A_159 = arith.constant 0 : i32
    %scan3A_160 = arith.constant 32 : i32
    %scan3A_161 = arith.addi %scan3A_159, %scan3A_160 : i32
    %scan3A_162 = arith.constant 1 : i32
    %scan3A_163 = scf.for %scan3A_382 = %scan3A_159 to %scan3A_161 step %scan3A_162 iter_args(%scan3A_383 = %scan3A_158) -> (i32)  : i32 {
      %and3A = arith.constant -4 : i32
      %and3A_384 = arith.andi %scan3A_382, %and3A : i32
      %shift_left3A_385 = arith.constant 1 : i32
      %shift_left3A_386 = arith.shli %and3A_384, %shift_left3A_385 : i32
      %and3A_387 = arith.constant 3 : i32
      %and3A_388 = arith.andi %scan3A_382, %and3A_387 : i32
      %or3A_389 = arith.ori %shift_left3A_386, %and3A_388 : i32
      %or3A_390 = arith.constant 4 : i32
      %or3A_391 = arith.ori %or3A_389, %or3A_390 : i32
      %mul3A_392 = arith.constant 16 : i32
      %mul3A_393 = arith.muli %or3A_389, %mul3A_392 : i32
      %get3A = arith.index_cast %mul3A_393 : i32 to index
      %get3A_394 = tpu.vector_load %arg8[%get3A] {strides = array<i32>} : memref<1024xi32, #tpu.memory_space<vmem>>, vector<16xi32>,
      %mul3A_395 = arith.constant 16 : i32
      %mul3A_396 = arith.muli %or3A_389, %mul3A_395 : i32
      %get3A_397 = arith.index_cast %mul3A_396 : i32 to index
      %get3A_398 = tpu.vector_load %arg9[%get3A_397] {strides = array<i32>} : memref<1024xi32, #tpu.memory_space<vmem>>, vector<16xi32>,
      %mul3A_399 = arith.constant 16 : i32
      %mul3A_400 = arith.muli %or3A_391, %mul3A_399 : i32
      %get3A_401 = arith.index_cast %mul3A_400 : i32 to index
      %get3A_402 = tpu.vector_load %arg8[%get3A_401] {strides = array<i32>} : memref<1024xi32, #tpu.memory_space<vmem>>, vector<16xi32>,
      %mul3A_403 = arith.constant 16 : i32
      %mul3A_404 = arith.muli %or3A_391, %mul3A_403 : i32
      %get3A_405 = arith.index_cast %mul3A_404 : i32 to index
      %get3A_406 = tpu.vector_load %arg9[%get3A_405] {strides = array<i32>} : memref<1024xi32, #tpu.memory_space<vmem>>, vector<16xi32>,
      %gt3A = arith.cmpi ugt, %get3A_394, %get3A_402 : vector<16xi32>
      %eq3A = arith.cmpi eq, %get3A_394, %get3A_402 : vector<16xi32>
      %lt3A = arith.cmpi slt, %get3A_398, %get3A_406 : vector<16xi32>
      %and3A_407 = arith.andi %eq3A, %lt3A : vector<16xi1>
      %or3A_408 = arith.ori %gt3A, %and3A_407 : vector<16xi1>
      %mul3A_409 = arith.constant 16 : i32
      %mul3A_410 = arith.muli %or3A_389, %mul3A_409 : i32
      %and3A_411 = arith.constant 128 : i32
      %and3A_412 = arith.andi %mul3A_410, %and3A_411 : i32
      %eq3A_413 = arith.constant 0 : i32
      %eq3A_414 = arith.cmpi eq, %and3A_412, %eq3A_413 : i32
      %broadcast_in_dim3A_415 = vector.broadcast %eq3A_414 : i1 to vector<16xi1>
      %not3A = arith.constant dense<true> : vector<16xi1>
      %not3A_416 = arith.xori %or3A_408, %not3A : vector<16xi1>
      %select_n3A = arith.select %broadcast_in_dim3A_415, %or3A_408, %not3A_416 : vector<16xi1>, vector<16xi1>
      %select_n3A_417 = arith.select %select_n3A, %get3A_394, %get3A_402 : vector<16xi1>, vector<16xi32>
      %select_n3A_418 = arith.select %select_n3A, %get3A_398, %get3A_406 : vector<16xi1>, vector<16xi32>
      %select_n3A_419 = arith.select %select_n3A, %get3A_402, %get3A_394 : vector<16xi1>, vector<16xi32>
      %select_n3A_420 = arith.select %select_n3A, %get3A_406, %get3A_398 : vector<16xi1>, vector<16xi32>
      %mul3A_421 = arith.constant 16 : i32
      %mul3A_422 = arith.muli %or3A_389, %mul3A_421 : i32
      %swap3A = arith.index_cast %mul3A_422 : i32 to index
      %swap3A_423 = tpu.vector_load %arg8[%swap3A] {strides = array<i32>} : memref<1024xi32, #tpu.memory_space<vmem>>, vector<16xi32>,
      tpu.vector_store %arg8[%swap3A], %select_n3A_417 {strides = array<i32>} : memref<1024xi32, #tpu.memory_space<vmem>>, vector<16xi32>,
      %mul3A_424 = arith.constant 16 : i32
      %mul3A_425 = arith.muli %or3A_389, %mul3A_424 : i32
      %swap3A_426 = arith.index_cast %mul3A_425 : i32 to index
      %swap3A_427 = tpu.vector_load %arg9[%swap3A_426] {strides = array<i32>} : memref<1024xi32, #tpu.memory_space<vmem>>, vector<16xi32>,
      tpu.vector_store %arg9[%swap3A_426], %select_n3A_418 {strides = array<i32>} : memref<1024xi32, #tpu.memory_space<vmem>>, vector<16xi32>,
      %mul3A_428 = arith.constant 16 : i32
      %mul3A_429 = arith.muli %or3A_391, %mul3A_428 : i32
      %swap3A_430 = arith.index_cast %mul3A_429 : i32 to index
      %swap3A_431 = tpu.vector_load %arg8[%swap3A_430] {strides = array<i32>} : memref<1024xi32, #tpu.memory_space<vmem>>, vector<16xi32>,
      tpu.vector_store %arg8[%swap3A_430], %select_n3A_419 {strides = array<i32>} : memref<1024xi32, #tpu.memory_space<vmem>>, vector<16xi32>,
      %mul3A_432 = arith.constant 16 : i32
      %mul3A_433 = arith.muli %or3A_391, %mul3A_432 : i32
      %swap3A_434 = arith.index_cast %mul3A_433 : i32 to index
      %swap3A_435 = tpu.vector_load %arg9[%swap3A_434] {strides = array<i32>} : memref<1024xi32, #tpu.memory_space<vmem>>, vector<16xi32>,
      tpu.vector_store %arg9[%swap3A_434], %select_n3A_420 {strides = array<i32>} : memref<1024xi32, #tpu.memory_space<vmem>>, vector<16xi32>,
      %scan3A_436 = arith.constant 0 : i32
      scf.yield %scan3A_436 : i32
    }
    %scan3A_164 = arith.constant 32 : i32
    %scan3A_165 = arith.constant 0 : i32
    %scan3A_166 = arith.constant 0 : i32
    %scan3A_167 = arith.constant 32 : i32
    %scan3A_168 = arith.addi %scan3A_166, %scan3A_167 : i32
    %scan3A_169 = arith.constant 1 : i32
    %scan3A_170 = scf.for %scan3A_382 = %scan3A_166 to %scan3A_168 step %scan3A_169 iter_args(%scan3A_383 = %scan3A_165) -> (i32)  : i32 {
      %and3A = arith.constant -2 : i32
      %and3A_384 = arith.andi %scan3A_382, %and3A : i32
      %shift_left3A_385 = arith.constant 1 : i32
      %shift_left3A_386 = arith.shli %and3A_384, %shift_left3A_385 : i32
      %and3A_387 = arith.constant 1 : i32
      %and3A_388 = arith.andi %scan3A_382, %and3A_387 : i32
      %or3A_389 = arith.ori %shift_left3A_386, %and3A_388 : i32
      %or3A_390 = arith.constant 2 : i32
      %or3A_391 = arith.ori %or3A_389, %or3A_390 : i32
      %mul3A_392 = arith.constant 16 : i32
      %mul3A_393 = arith.muli %or3A_389, %mul3A_392 : i32
      %get3A = arith.index_cast %mul3A_393 : i32 to index
      %get3A_394 = tpu.vector_load %arg8[%get3A] {strides = array<i32>} : memref<1024xi32, #tpu.memory_space<vmem>>, vector<16xi32>,
      %mul3A_395 = arith.constant 16 : i32
      %mul3A_396 = arith.muli %or3A_389, %mul3A_395 : i32
      %get3A_397 = arith.index_cast %mul3A_396 : i32 to index
      %get3A_398 = tpu.vector_load %arg9[%get3A_397] {strides = array<i32>} : memref<1024xi32, #tpu.memory_space<vmem>>, vector<16xi32>,
      %mul3A_399 = arith.constant 16 : i32
      %mul3A_400 = arith.muli %or3A_391, %mul3A_399 : i32
      %get3A_401 = arith.index_cast %mul3A_400 : i32 to index
      %get3A_402 = tpu.vector_load %arg8[%get3A_401] {strides = array<i32>} : memref<1024xi32, #tpu.memory_space<vmem>>, vector<16xi32>,
      %mul3A_403 = arith.constant 16 : i32
      %mul3A_404 = arith.muli %or3A_391, %mul3A_403 : i32
      %get3A_405 = arith.index_cast %mul3A_404 : i32 to index
      %get3A_406 = tpu.vector_load %arg9[%get3A_405] {strides = array<i32>} : memref<1024xi32, #tpu.memory_space<vmem>>, vector<16xi32>,
      %gt3A = arith.cmpi ugt, %get3A_394, %get3A_402 : vector<16xi32>
      %eq3A = arith.cmpi eq, %get3A_394, %get3A_402 : vector<16xi32>
      %lt3A = arith.cmpi slt, %get3A_398, %get3A_406 : vector<16xi32>
      %and3A_407 = arith.andi %eq3A, %lt3A : vector<16xi1>
      %or3A_408 = arith.ori %gt3A, %and3A_407 : vector<16xi1>
      %mul3A_409 = arith.constant 16 : i32
      %mul3A_410 = arith.muli %or3A_389, %mul3A_409 : i32
      %and3A_411 = arith.constant 128 : i32
      %and3A_412 = arith.andi %mul3A_410, %and3A_411 : i32
      %eq3A_413 = arith.constant 0 : i32
      %eq3A_414 = arith.cmpi eq, %and3A_412, %eq3A_413 : i32
      %broadcast_in_dim3A_415 = vector.broadcast %eq3A_414 : i1 to vector<16xi1>
      %not3A = arith.constant dense<true> : vector<16xi1>
      %not3A_416 = arith.xori %or3A_408, %not3A : vector<16xi1>
      %select_n3A = arith.select %broadcast_in_dim3A_415, %or3A_408, %not3A_416 : vector<16xi1>, vector<16xi1>
      %select_n3A_417 = arith.select %select_n3A, %get3A_394, %get3A_402 : vector<16xi1>, vector<16xi32>
      %select_n3A_418 = arith.select %select_n3A, %get3A_398, %get3A_406 : vector<16xi1>, vector<16xi32>
      %select_n3A_419 = arith.select %select_n3A, %get3A_402, %get3A_394 : vector<16xi1>, vector<16xi32>
      %select_n3A_420 = arith.select %select_n3A, %get3A_406, %get3A_398 : vector<16xi1>, vector<16xi32>
      %mul3A_421 = arith.constant 16 : i32
      %mul3A_422 = arith.muli %or3A_389, %mul3A_421 : i32
      %swap3A = arith.index_cast %mul3A_422 : i32 to index
      %swap3A_423 = tpu.vector_load %arg8[%swap3A] {strides = array<i32>} : memref<1024xi32, #tpu.memory_space<vmem>>, vector<16xi32>,
      tpu.vector_store %arg8[%swap3A], %select_n3A_417 {strides = array<i32>} : memref<1024xi32, #tpu.memory_space<vmem>>, vector<16xi32>,
      %mul3A_424 = arith.constant 16 : i32
      %mul3A_425 = arith.muli %or3A_389, %mul3A_424 : i32
      %swap3A_426 = arith.index_cast %mul3A_425 : i32 to index
      %swap3A_427 = tpu.vector_load %arg9[%swap3A_426] {strides = array<i32>} : memref<1024xi32, #tpu.memory_space<vmem>>, vector<16xi32>,
      tpu.vector_store %arg9[%swap3A_426], %select_n3A_418 {strides = array<i32>} : memref<1024xi32, #tpu.memory_space<vmem>>, vector<16xi32>,
      %mul3A_428 = arith.constant 16 : i32
      %mul3A_429 = arith.muli %or3A_391, %mul3A_428 : i32
      %swap3A_430 = arith.index_cast %mul3A_429 : i32 to index
      %swap3A_431 = tpu.vector_load %arg8[%swap3A_430] {strides = array<i32>} : memref<1024xi32, #tpu.memory_space<vmem>>, vector<16xi32>,
      tpu.vector_store %arg8[%swap3A_430], %select_n3A_419 {strides = array<i32>} : memref<1024xi32, #tpu.memory_space<vmem>>, vector<16xi32>,
      %mul3A_432 = arith.constant 16 : i32
      %mul3A_433 = arith.muli %or3A_391, %mul3A_432 : i32
      %swap3A_434 = arith.index_cast %mul3A_433 : i32 to index
      %swap3A_435 = tpu.vector_load %arg9[%swap3A_434] {strides = array<i32>} : memref<1024xi32, #tpu.memory_space<vmem>>, vector<16xi32>,
      tpu.vector_store %arg9[%swap3A_434], %select_n3A_420 {strides = array<i32>} : memref<1024xi32, #tpu.memory_space<vmem>>, vector<16xi32>,
      %scan3A_436 = arith.constant 0 : i32
      scf.yield %scan3A_436 : i32
    }
    %scan3A_171 = arith.constant 32 : i32
    %scan3A_172 = arith.constant 0 : i32
    %scan3A_173 = arith.constant 0 : i32
    %scan3A_174 = arith.constant 32 : i32
    %scan3A_175 = arith.addi %scan3A_173, %scan3A_174 : i32
    %scan3A_176 = arith.constant 1 : i32
    %scan3A_177 = scf.for %scan3A_382 = %scan3A_173 to %scan3A_175 step %scan3A_176 iter_args(%scan3A_383 = %scan3A_172) -> (i32)  : i32 {
      %and3A = arith.constant -1 : i32
      %and3A_384 = arith.andi %scan3A_382, %and3A : i32
      %shift_left3A_385 = arith.constant 1 : i32
      %shift_left3A_386 = arith.shli %and3A_384, %shift_left3A_385 : i32
      %and3A_387 = arith.constant 0 : i32
      %and3A_388 = arith.andi %scan3A_382, %and3A_387 : i32
      %or3A_389 = arith.ori %shift_left3A_386, %and3A_388 : i32
      %or3A_390 = arith.constant 1 : i32
      %or3A_391 = arith.ori %or3A_389, %or3A_390 : i32
      %mul3A_392 = arith.constant 16 : i32
      %mul3A_393 = arith.muli %or3A_389, %mul3A_392 : i32
      %get3A = arith.index_cast %mul3A_393 : i32 to index
      %get3A_394 = tpu.vector_load %arg8[%get3A] {strides = array<i32>} : memref<1024xi32, #tpu.memory_space<vmem>>, vector<16xi32>,
      %mul3A_395 = arith.constant 16 : i32
      %mul3A_396 = arith.muli %or3A_389, %mul3A_395 : i32
      %get3A_397 = arith.index_cast %mul3A_396 : i32 to index
      %get3A_398 = tpu.vector_load %arg9[%get3A_397] {strides = array<i32>} : memref<1024xi32, #tpu.memory_space<vmem>>, vector<16xi32>,
      %mul3A_399 = arith.constant 16 : i32
      %mul3A_400 = arith.muli %or3A_391, %mul3A_399 : i32
      %get3A_401 = arith.index_cast %mul3A_400 : i32 to index
      %get3A_402 = tpu.vector_load %arg8[%get3A_401] {strides = array<i32>} : memref<1024xi32, #tpu.memory_space<vmem>>, vector<16xi32>,
      %mul3A_403 = arith.constant 16 : i32
      %mul3A_404 = arith.muli %or3A_391, %mul3A_403 : i32
      %get3A_405 = arith.index_cast %mul3A_404 : i32 to index
      %get3A_406 = tpu.vector_load %arg9[%get3A_405] {strides = array<i32>} : memref<1024xi32, #tpu.memory_space<vmem>>, vector<16xi32>,
      %gt3A = arith.cmpi ugt, %get3A_394, %get3A_402 : vector<16xi32>
      %eq3A = arith.cmpi eq, %get3A_394, %get3A_402 : vector<16xi32>
      %lt3A = arith.cmpi slt, %get3A_398, %get3A_406 : vector<16xi32>
      %and3A_407 = arith.andi %eq3A, %lt3A : vector<16xi1>
      %or3A_408 = arith.ori %gt3A, %and3A_407 : vector<16xi1>
      %mul3A_409 = arith.constant 16 : i32
      %mul3A_410 = arith.muli %or3A_389, %mul3A_409 : i32
      %and3A_411 = arith.constant 128 : i32
      %and3A_412 = arith.andi %mul3A_410, %and3A_411 : i32
      %eq3A_413 = arith.constant 0 : i32
      %eq3A_414 = arith.cmpi eq, %and3A_412, %eq3A_413 : i32
      %broadcast_in_dim3A_415 = vector.broadcast %eq3A_414 : i1 to vector<16xi1>
      %not3A = arith.constant dense<true> : vector<16xi1>
      %not3A_416 = arith.xori %or3A_408, %not3A : vector<16xi1>
      %select_n3A = arith.select %broadcast_in_dim3A_415, %or3A_408, %not3A_416 : vector<16xi1>, vector<16xi1>
      %select_n3A_417 = arith.select %select_n3A, %get3A_394, %get3A_402 : vector<16xi1>, vector<16xi32>
      %select_n3A_418 = arith.select %select_n3A, %get3A_398, %get3A_406 : vector<16xi1>, vector<16xi32>
      %select_n3A_419 = arith.select %select_n3A, %get3A_402, %get3A_394 : vector<16xi1>, vector<16xi32>
      %select_n3A_420 = arith.select %select_n3A, %get3A_406, %get3A_398 : vector<16xi1>, vector<16xi32>
      %mul3A_421 = arith.constant 16 : i32
      %mul3A_422 = arith.muli %or3A_389, %mul3A_421 : i32
      %swap3A = arith.index_cast %mul3A_422 : i32 to index
      %swap3A_423 = tpu.vector_load %arg8[%swap3A] {strides = array<i32>} : memref<1024xi32, #tpu.memory_space<vmem>>, vector<16xi32>,
      tpu.vector_store %arg8[%swap3A], %select_n3A_417 {strides = array<i32>} : memref<1024xi32, #tpu.memory_space<vmem>>, vector<16xi32>,
      %mul3A_424 = arith.constant 16 : i32
      %mul3A_425 = arith.muli %or3A_389, %mul3A_424 : i32
      %swap3A_426 = arith.index_cast %mul3A_425 : i32 to index
      %swap3A_427 = tpu.vector_load %arg9[%swap3A_426] {strides = array<i32>} : memref<1024xi32, #tpu.memory_space<vmem>>, vector<16xi32>,
      tpu.vector_store %arg9[%swap3A_426], %select_n3A_418 {strides = array<i32>} : memref<1024xi32, #tpu.memory_space<vmem>>, vector<16xi32>,
      %mul3A_428 = arith.constant 16 : i32
      %mul3A_429 = arith.muli %or3A_391, %mul3A_428 : i32
      %swap3A_430 = arith.index_cast %mul3A_429 : i32 to index
      %swap3A_431 = tpu.vector_load %arg8[%swap3A_430] {strides = array<i32>} : memref<1024xi32, #tpu.memory_space<vmem>>, vector<16xi32>,
      tpu.vector_store %arg8[%swap3A_430], %select_n3A_419 {strides = array<i32>} : memref<1024xi32, #tpu.memory_space<vmem>>, vector<16xi32>,
      %mul3A_432 = arith.constant 16 : i32
      %mul3A_433 = arith.muli %or3A_391, %mul3A_432 : i32
      %swap3A_434 = arith.index_cast %mul3A_433 : i32 to index
      %swap3A_435 = tpu.vector_load %arg9[%swap3A_434] {strides = array<i32>} : memref<1024xi32, #tpu.memory_space<vmem>>, vector<16xi32>,
      tpu.vector_store %arg9[%swap3A_434], %select_n3A_420 {strides = array<i32>} : memref<1024xi32, #tpu.memory_space<vmem>>, vector<16xi32>,
      %scan3A_436 = arith.constant 0 : i32
      scf.yield %scan3A_436 : i32
    }
    %scan3A_178 = arith.constant 32 : i32
    %scan3A_179 = arith.constant 0 : i32
    %scan3A_180 = arith.constant 0 : i32
    %scan3A_181 = arith.constant 64 : i32
    %scan3A_182 = arith.addi %scan3A_180, %scan3A_181 : i32
    %scan3A_183 = arith.constant 1 : i32
    %scan3A_184 = scf.for %scan3A_382 = %scan3A_180 to %scan3A_182 step %scan3A_183 iter_args(%scan3A_383 = %scan3A_179) -> (i32)  : i32 {
      %mul3A_384 = arith.constant 16 : i32
      %mul3A_385 = arith.muli %scan3A_382, %mul3A_384 : i32
      %and3A = arith.constant 128 : i32
      %and3A_386 = arith.andi %mul3A_385, %and3A : i32
      %eq3A = arith.constant 0 : i32
      %eq3A_387 = arith.cmpi eq, %and3A_386, %eq3A : i32
      %mul3A_388 = arith.constant 16 : i32
      %mul3A_389 = arith.muli %scan3A_382, %mul3A_388 : i32
      %get3A = arith.index_cast %mul3A_389 : i32 to index
      %get3A_390 = tpu.vector_load %arg8[%get3A] {strides = array<i32>} : memref<1024xi32, #tpu.memory_space<vmem>>, vector<16xi32>,
      %mul3A_391 = arith.constant 16 : i32
      %mul3A_392 = arith.muli %scan3A_382, %mul3A_391 : i32
      %get3A_393 = arith.index_cast %mul3A_392 : i32 to index
      %get3A_394 = tpu.vector_load %arg9[%get3A_393] {strides = array<i32>} : memref<1024xi32, #tpu.memory_space<vmem>>, vector<16xi32>,
      %masked_sort3A = arith.constant dense<true> : vector<16xi1>
      %masked_sort3A_395, %masked_sort3A_396, %masked_sort3A_397 = tpu.sort %get3A_390, %get3A_394 masked %masked_sort3A : (vector<16xi32>, vector<16xi32>, vector<16xi1>) -> (vector<16xi1>, vector<16xi32>, vector<16xi32>)
      %broadcast_in_dim3A_398 = vector.broadcast %eq3A_387 : i1 to vector<16xi1>
      %rev3A = arith.constant 15 : i32
      %rev3A_399 = vector.broadcast %rev3A : i32 to vector<16xi32>
      %rev3A_400 = tpu.iota {dimensions = array<i32: 0>} : vector<16xi32>
      %rev3A_401 = arith.subi %rev3A_399, %rev3A_400 : vector<16xi32>
      %rev3A_402 = tpu.dynamic_gather %masked_sort3A_396[%rev3A_401] in [0] : vector<16xi32>, vector<16xi32> -> vector<16xi32>
      %select_n3A = arith.select %broadcast_in_dim3A_398, %rev3A_402, %masked_sort3A_396 : vector<16xi1>, vector<16xi32>
      %rev3A_403 = arith.constant 15 : i32
      %rev3A_404 = vector.broadcast %rev3A_403 : i32 to vector<16xi32>
      %rev3A_405 = tpu.iota {dimensions = array<i32: 0>} : vector<16xi32>
      %rev3A_406 = arith.subi %rev3A_404, %rev3A_405 : vector<16xi32>
      %rev3A_407 = tpu.dynamic_gather %masked_sort3A_397[%rev3A_406] in [0] : vector<16xi32>, vector<16xi32> -> vector<16xi32>
      %select_n3A_408 = arith.select %broadcast_in_dim3A_398, %rev3A_407, %masked_sort3A_397 : vector<16xi1>, vector<16xi32>
      %mul3A_409 = arith.constant 16 : i32
      %mul3A_410 = arith.muli %scan3A_382, %mul3A_409 : i32
      %swap3A = arith.index_cast %mul3A_410 : i32 to index
      %swap3A_411 = tpu.vector_load %arg8[%swap3A] {strides = array<i32>} : memref<1024xi32, #tpu.memory_space<vmem>>, vector<16xi32>,
      tpu.vector_store %arg8[%swap3A], %select_n3A {strides = array<i32>} : memref<1024xi32, #tpu.memory_space<vmem>>, vector<16xi32>,
      %mul3A_412 = arith.constant 16 : i32
      %mul3A_413 = arith.muli %scan3A_382, %mul3A_412 : i32
      %swap3A_414 = arith.index_cast %mul3A_413 : i32 to index
      %swap3A_415 = tpu.vector_load %arg9[%swap3A_414] {strides = array<i32>} : memref<1024xi32, #tpu.memory_space<vmem>>, vector<16xi32>,
      tpu.vector_store %arg9[%swap3A_414], %select_n3A_408 {strides = array<i32>} : memref<1024xi32, #tpu.memory_space<vmem>>, vector<16xi32>,
      %scan3A_416 = arith.constant 0 : i32
      scf.yield %scan3A_416 : i32
    }
    %scan3A_185 = arith.constant 64 : i32
    %scan3A_186 = arith.constant 0 : i32
    %scan3A_187 = arith.constant 0 : i32
    %scan3A_188 = arith.constant 32 : i32
    %scan3A_189 = arith.addi %scan3A_187, %scan3A_188 : i32
    %scan3A_190 = arith.constant 1 : i32
    %scan3A_191 = scf.for %scan3A_382 = %scan3A_187 to %scan3A_189 step %scan3A_190 iter_args(%scan3A_383 = %scan3A_186) -> (i32)  : i32 {
      %and3A = arith.constant -8 : i32
      %and3A_384 = arith.andi %scan3A_382, %and3A : i32
      %shift_left3A_385 = arith.constant 1 : i32
      %shift_left3A_386 = arith.shli %and3A_384, %shift_left3A_385 : i32
      %and3A_387 = arith.constant 7 : i32
      %and3A_388 = arith.andi %scan3A_382, %and3A_387 : i32
      %or3A_389 = arith.ori %shift_left3A_386, %and3A_388 : i32
      %or3A_390 = arith.constant 8 : i32
      %or3A_391 = arith.ori %or3A_389, %or3A_390 : i32
      %mul3A_392 = arith.constant 16 : i32
      %mul3A_393 = arith.muli %or3A_389, %mul3A_392 : i32
      %get3A = arith.index_cast %mul3A_393 : i32 to index
      %get3A_394 = tpu.vector_load %arg8[%get3A] {strides = array<i32>} : memref<1024xi32, #tpu.memory_space<vmem>>, vector<16xi32>,
      %mul3A_395 = arith.constant 16 : i32
      %mul3A_396 = arith.muli %or3A_389, %mul3A_395 : i32
      %get3A_397 = arith.index_cast %mul3A_396 : i32 to index
      %get3A_398 = tpu.vector_load %arg9[%get3A_397] {strides = array<i32>} : memref<1024xi32, #tpu.memory_space<vmem>>, vector<16xi32>,
      %mul3A_399 = arith.constant 16 : i32
      %mul3A_400 = arith.muli %or3A_391, %mul3A_399 : i32
      %get3A_401 = arith.index_cast %mul3A_400 : i32 to index
      %get3A_402 = tpu.vector_load %arg8[%get3A_401] {strides = array<i32>} : memref<1024xi32, #tpu.memory_space<vmem>>, vector<16xi32>,
      %mul3A_403 = arith.constant 16 : i32
      %mul3A_404 = arith.muli %or3A_391, %mul3A_403 : i32
      %get3A_405 = arith.index_cast %mul3A_404 : i32 to index
      %get3A_406 = tpu.vector_load %arg9[%get3A_405] {strides = array<i32>} : memref<1024xi32, #tpu.memory_space<vmem>>, vector<16xi32>,
      %gt3A = arith.cmpi ugt, %get3A_394, %get3A_402 : vector<16xi32>
      %eq3A = arith.cmpi eq, %get3A_394, %get3A_402 : vector<16xi32>
      %lt3A = arith.cmpi slt, %get3A_398, %get3A_406 : vector<16xi32>
      %and3A_407 = arith.andi %eq3A, %lt3A : vector<16xi1>
      %or3A_408 = arith.ori %gt3A, %and3A_407 : vector<16xi1>
      %mul3A_409 = arith.constant 16 : i32
      %mul3A_410 = arith.muli %or3A_389, %mul3A_409 : i32
      %and3A_411 = arith.constant 256 : i32
      %and3A_412 = arith.andi %mul3A_410, %and3A_411 : i32
      %eq3A_413 = arith.constant 0 : i32
      %eq3A_414 = arith.cmpi eq, %and3A_412, %eq3A_413 : i32
      %broadcast_in_dim3A_415 = vector.broadcast %eq3A_414 : i1 to vector<16xi1>
      %not3A = arith.constant dense<true> : vector<16xi1>
      %not3A_416 = arith.xori %or3A_408, %not3A : vector<16xi1>
      %select_n3A = arith.select %broadcast_in_dim3A_415, %or3A_408, %not3A_416 : vector<16xi1>, vector<16xi1>
      %select_n3A_417 = arith.select %select_n3A, %get3A_394, %get3A_402 : vector<16xi1>, vector<16xi32>
      %select_n3A_418 = arith.select %select_n3A, %get3A_398, %get3A_406 : vector<16xi1>, vector<16xi32>
      %select_n3A_419 = arith.select %select_n3A, %get3A_402, %get3A_394 : vector<16xi1>, vector<16xi32>
      %select_n3A_420 = arith.select %select_n3A, %get3A_406, %get3A_398 : vector<16xi1>, vector<16xi32>
      %mul3A_421 = arith.constant 16 : i32
      %mul3A_422 = arith.muli %or3A_389, %mul3A_421 : i32
      %swap3A = arith.index_cast %mul3A_422 : i32 to index
      %swap3A_423 = tpu.vector_load %arg8[%swap3A] {strides = array<i32>} : memref<1024xi32, #tpu.memory_space<vmem>>, vector<16xi32>,
      tpu.vector_store %arg8[%swap3A], %select_n3A_417 {strides = array<i32>} : memref<1024xi32, #tpu.memory_space<vmem>>, vector<16xi32>,
      %mul3A_424 = arith.constant 16 : i32
      %mul3A_425 = arith.muli %or3A_389, %mul3A_424 : i32
      %swap3A_426 = arith.index_cast %mul3A_425 : i32 to index
      %swap3A_427 = tpu.vector_load %arg9[%swap3A_426] {strides = array<i32>} : memref<1024xi32, #tpu.memory_space<vmem>>, vector<16xi32>,
      tpu.vector_store %arg9[%swap3A_426], %select_n3A_418 {strides = array<i32>} : memref<1024xi32, #tpu.memory_space<vmem>>, vector<16xi32>,
      %mul3A_428 = arith.constant 16 : i32
      %mul3A_429 = arith.muli %or3A_391, %mul3A_428 : i32
      %swap3A_430 = arith.index_cast %mul3A_429 : i32 to index
      %swap3A_431 = tpu.vector_load %arg8[%swap3A_430] {strides = array<i32>} : memref<1024xi32, #tpu.memory_space<vmem>>, vector<16xi32>,
      tpu.vector_store %arg8[%swap3A_430], %select_n3A_419 {strides = array<i32>} : memref<1024xi32, #tpu.memory_space<vmem>>, vector<16xi32>,
      %mul3A_432 = arith.constant 16 : i32
      %mul3A_433 = arith.muli %or3A_391, %mul3A_432 : i32
      %swap3A_434 = arith.index_cast %mul3A_433 : i32 to index
      %swap3A_435 = tpu.vector_load %arg9[%swap3A_434] {strides = array<i32>} : memref<1024xi32, #tpu.memory_space<vmem>>, vector<16xi32>,
      tpu.vector_store %arg9[%swap3A_434], %select_n3A_420 {strides = array<i32>} : memref<1024xi32, #tpu.memory_space<vmem>>, vector<16xi32>,
      %scan3A_436 = arith.constant 0 : i32
      scf.yield %scan3A_436 : i32
    }
    %scan3A_192 = arith.constant 32 : i32
    %scan3A_193 = arith.constant 0 : i32
    %scan3A_194 = arith.constant 0 : i32
    %scan3A_195 = arith.constant 32 : i32
    %scan3A_196 = arith.addi %scan3A_194, %scan3A_195 : i32
    %scan3A_197 = arith.constant 1 : i32
    %scan3A_198 = scf.for %scan3A_382 = %scan3A_194 to %scan3A_196 step %scan3A_197 iter_args(%scan3A_383 = %scan3A_193) -> (i32)  : i32 {
      %and3A = arith.constant -4 : i32
      %and3A_384 = arith.andi %scan3A_382, %and3A : i32
      %shift_left3A_385 = arith.constant 1 : i32
      %shift_left3A_386 = arith.shli %and3A_384, %shift_left3A_385 : i32
      %and3A_387 = arith.constant 3 : i32
      %and3A_388 = arith.andi %scan3A_382, %and3A_387 : i32
      %or3A_389 = arith.ori %shift_left3A_386, %and3A_388 : i32
      %or3A_390 = arith.constant 4 : i32
      %or3A_391 = arith.ori %or3A_389, %or3A_390 : i32
      %mul3A_392 = arith.constant 16 : i32
      %mul3A_393 = arith.muli %or3A_389, %mul3A_392 : i32
      %get3A = arith.index_cast %mul3A_393 : i32 to index
      %get3A_394 = tpu.vector_load %arg8[%get3A] {strides = array<i32>} : memref<1024xi32, #tpu.memory_space<vmem>>, vector<16xi32>,
      %mul3A_395 = arith.constant 16 : i32
      %mul3A_396 = arith.muli %or3A_389, %mul3A_395 : i32
      %get3A_397 = arith.index_cast %mul3A_396 : i32 to index
      %get3A_398 = tpu.vector_load %arg9[%get3A_397] {strides = array<i32>} : memref<1024xi32, #tpu.memory_space<vmem>>, vector<16xi32>,
      %mul3A_399 = arith.constant 16 : i32
      %mul3A_400 = arith.muli %or3A_391, %mul3A_399 : i32
      %get3A_401 = arith.index_cast %mul3A_400 : i32 to index
      %get3A_402 = tpu.vector_load %arg8[%get3A_401] {strides = array<i32>} : memref<1024xi32, #tpu.memory_space<vmem>>, vector<16xi32>,
      %mul3A_403 = arith.constant 16 : i32
      %mul3A_404 = arith.muli %or3A_391, %mul3A_403 : i32
      %get3A_405 = arith.index_cast %mul3A_404 : i32 to index
      %get3A_406 = tpu.vector_load %arg9[%get3A_405] {strides = array<i32>} : memref<1024xi32, #tpu.memory_space<vmem>>, vector<16xi32>,
      %gt3A = arith.cmpi ugt, %get3A_394, %get3A_402 : vector<16xi32>
      %eq3A = arith.cmpi eq, %get3A_394, %get3A_402 : vector<16xi32>
      %lt3A = arith.cmpi slt, %get3A_398, %get3A_406 : vector<16xi32>
      %and3A_407 = arith.andi %eq3A, %lt3A : vector<16xi1>
      %or3A_408 = arith.ori %gt3A, %and3A_407 : vector<16xi1>
      %mul3A_409 = arith.constant 16 : i32
      %mul3A_410 = arith.muli %or3A_389, %mul3A_409 : i32
      %and3A_411 = arith.constant 256 : i32
      %and3A_412 = arith.andi %mul3A_410, %and3A_411 : i32
      %eq3A_413 = arith.constant 0 : i32
      %eq3A_414 = arith.cmpi eq, %and3A_412, %eq3A_413 : i32
      %broadcast_in_dim3A_415 = vector.broadcast %eq3A_414 : i1 to vector<16xi1>
      %not3A = arith.constant dense<true> : vector<16xi1>
      %not3A_416 = arith.xori %or3A_408, %not3A : vector<16xi1>
      %select_n3A = arith.select %broadcast_in_dim3A_415, %or3A_408, %not3A_416 : vector<16xi1>, vector<16xi1>
      %select_n3A_417 = arith.select %select_n3A, %get3A_394, %get3A_402 : vector<16xi1>, vector<16xi32>
      %select_n3A_418 = arith.select %select_n3A, %get3A_398, %get3A_406 : vector<16xi1>, vector<16xi32>
      %select_n3A_419 = arith.select %select_n3A, %get3A_402, %get3A_394 : vector<16xi1>, vector<16xi32>
      %select_n3A_420 = arith.select %select_n3A, %get3A_406, %get3A_398 : vector<16xi1>, vector<16xi32>
      %mul3A_421 = arith.constant 16 : i32
      %mul3A_422 = arith.muli %or3A_389, %mul3A_421 : i32
      %swap3A = arith.index_cast %mul3A_422 : i32 to index
      %swap3A_423 = tpu.vector_load %arg8[%swap3A] {strides = array<i32>} : memref<1024xi32, #tpu.memory_space<vmem>>, vector<16xi32>,
      tpu.vector_store %arg8[%swap3A], %select_n3A_417 {strides = array<i32>} : memref<1024xi32, #tpu.memory_space<vmem>>, vector<16xi32>,
      %mul3A_424 = arith.constant 16 : i32
      %mul3A_425 = arith.muli %or3A_389, %mul3A_424 : i32
      %swap3A_426 = arith.index_cast %mul3A_425 : i32 to index
      %swap3A_427 = tpu.vector_load %arg9[%swap3A_426] {strides = array<i32>} : memref<1024xi32, #tpu.memory_space<vmem>>, vector<16xi32>,
      tpu.vector_store %arg9[%swap3A_426], %select_n3A_418 {strides = array<i32>} : memref<1024xi32, #tpu.memory_space<vmem>>, vector<16xi32>,
      %mul3A_428 = arith.constant 16 : i32
      %mul3A_429 = arith.muli %or3A_391, %mul3A_428 : i32
      %swap3A_430 = arith.index_cast %mul3A_429 : i32 to index
      %swap3A_431 = tpu.vector_load %arg8[%swap3A_430] {strides = array<i32>} : memref<1024xi32, #tpu.memory_space<vmem>>, vector<16xi32>,
      tpu.vector_store %arg8[%swap3A_430], %select_n3A_419 {strides = array<i32>} : memref<1024xi32, #tpu.memory_space<vmem>>, vector<16xi32>,
      %mul3A_432 = arith.constant 16 : i32
      %mul3A_433 = arith.muli %or3A_391, %mul3A_432 : i32
      %swap3A_434 = arith.index_cast %mul3A_433 : i32 to index
      %swap3A_435 = tpu.vector_load %arg9[%swap3A_434] {strides = array<i32>} : memref<1024xi32, #tpu.memory_space<vmem>>, vector<16xi32>,
      tpu.vector_store %arg9[%swap3A_434], %select_n3A_420 {strides = array<i32>} : memref<1024xi32, #tpu.memory_space<vmem>>, vector<16xi32>,
      %scan3A_436 = arith.constant 0 : i32
      scf.yield %scan3A_436 : i32
    }
    %scan3A_199 = arith.constant 32 : i32
    %scan3A_200 = arith.constant 0 : i32
    %scan3A_201 = arith.constant 0 : i32
    %scan3A_202 = arith.constant 32 : i32
    %scan3A_203 = arith.addi %scan3A_201, %scan3A_202 : i32
    %scan3A_204 = arith.constant 1 : i32
    %scan3A_205 = scf.for %scan3A_382 = %scan3A_201 to %scan3A_203 step %scan3A_204 iter_args(%scan3A_383 = %scan3A_200) -> (i32)  : i32 {
      %and3A = arith.constant -2 : i32
      %and3A_384 = arith.andi %scan3A_382, %and3A : i32
      %shift_left3A_385 = arith.constant 1 : i32
      %shift_left3A_386 = arith.shli %and3A_384, %shift_left3A_385 : i32
      %and3A_387 = arith.constant 1 : i32
      %and3A_388 = arith.andi %scan3A_382, %and3A_387 : i32
      %or3A_389 = arith.ori %shift_left3A_386, %and3A_388 : i32
      %or3A_390 = arith.constant 2 : i32
      %or3A_391 = arith.ori %or3A_389, %or3A_390 : i32
      %mul3A_392 = arith.constant 16 : i32
      %mul3A_393 = arith.muli %or3A_389, %mul3A_392 : i32
      %get3A = arith.index_cast %mul3A_393 : i32 to index
      %get3A_394 = tpu.vector_load %arg8[%get3A] {strides = array<i32>} : memref<1024xi32, #tpu.memory_space<vmem>>, vector<16xi32>,
      %mul3A_395 = arith.constant 16 : i32
      %mul3A_396 = arith.muli %or3A_389, %mul3A_395 : i32
      %get3A_397 = arith.index_cast %mul3A_396 : i32 to index
      %get3A_398 = tpu.vector_load %arg9[%get3A_397] {strides = array<i32>} : memref<1024xi32, #tpu.memory_space<vmem>>, vector<16xi32>,
      %mul3A_399 = arith.constant 16 : i32
      %mul3A_400 = arith.muli %or3A_391, %mul3A_399 : i32
      %get3A_401 = arith.index_cast %mul3A_400 : i32 to index
      %get3A_402 = tpu.vector_load %arg8[%get3A_401] {strides = array<i32>} : memref<1024xi32, #tpu.memory_space<vmem>>, vector<16xi32>,
      %mul3A_403 = arith.constant 16 : i32
      %mul3A_404 = arith.muli %or3A_391, %mul3A_403 : i32
      %get3A_405 = arith.index_cast %mul3A_404 : i32 to index
      %get3A_406 = tpu.vector_load %arg9[%get3A_405] {strides = array<i32>} : memref<1024xi32, #tpu.memory_space<vmem>>, vector<16xi32>,
      %gt3A = arith.cmpi ugt, %get3A_394, %get3A_402 : vector<16xi32>
      %eq3A = arith.cmpi eq, %get3A_394, %get3A_402 : vector<16xi32>
      %lt3A = arith.cmpi slt, %get3A_398, %get3A_406 : vector<16xi32>
      %and3A_407 = arith.andi %eq3A, %lt3A : vector<16xi1>
      %or3A_408 = arith.ori %gt3A, %and3A_407 : vector<16xi1>
      %mul3A_409 = arith.constant 16 : i32
      %mul3A_410 = arith.muli %or3A_389, %mul3A_409 : i32
      %and3A_411 = arith.constant 256 : i32
      %and3A_412 = arith.andi %mul3A_410, %and3A_411 : i32
      %eq3A_413 = arith.constant 0 : i32
      %eq3A_414 = arith.cmpi eq, %and3A_412, %eq3A_413 : i32
      %broadcast_in_dim3A_415 = vector.broadcast %eq3A_414 : i1 to vector<16xi1>
      %not3A = arith.constant dense<true> : vector<16xi1>
      %not3A_416 = arith.xori %or3A_408, %not3A : vector<16xi1>
      %select_n3A = arith.select %broadcast_in_dim3A_415, %or3A_408, %not3A_416 : vector<16xi1>, vector<16xi1>
      %select_n3A_417 = arith.select %select_n3A, %get3A_394, %get3A_402 : vector<16xi1>, vector<16xi32>
      %select_n3A_418 = arith.select %select_n3A, %get3A_398, %get3A_406 : vector<16xi1>, vector<16xi32>
      %select_n3A_419 = arith.select %select_n3A, %get3A_402, %get3A_394 : vector<16xi1>, vector<16xi32>
      %select_n3A_420 = arith.select %select_n3A, %get3A_406, %get3A_398 : vector<16xi1>, vector<16xi32>
      %mul3A_421 = arith.constant 16 : i32
      %mul3A_422 = arith.muli %or3A_389, %mul3A_421 : i32
      %swap3A = arith.index_cast %mul3A_422 : i32 to index
      %swap3A_423 = tpu.vector_load %arg8[%swap3A] {strides = array<i32>} : memref<1024xi32, #tpu.memory_space<vmem>>, vector<16xi32>,
      tpu.vector_store %arg8[%swap3A], %select_n3A_417 {strides = array<i32>} : memref<1024xi32, #tpu.memory_space<vmem>>, vector<16xi32>,
      %mul3A_424 = arith.constant 16 : i32
      %mul3A_425 = arith.muli %or3A_389, %mul3A_424 : i32
      %swap3A_426 = arith.index_cast %mul3A_425 : i32 to index
      %swap3A_427 = tpu.vector_load %arg9[%swap3A_426] {strides = array<i32>} : memref<1024xi32, #tpu.memory_space<vmem>>, vector<16xi32>,
      tpu.vector_store %arg9[%swap3A_426], %select_n3A_418 {strides = array<i32>} : memref<1024xi32, #tpu.memory_space<vmem>>, vector<16xi32>,
      %mul3A_428 = arith.constant 16 : i32
      %mul3A_429 = arith.muli %or3A_391, %mul3A_428 : i32
      %swap3A_430 = arith.index_cast %mul3A_429 : i32 to index
      %swap3A_431 = tpu.vector_load %arg8[%swap3A_430] {strides = array<i32>} : memref<1024xi32, #tpu.memory_space<vmem>>, vector<16xi32>,
      tpu.vector_store %arg8[%swap3A_430], %select_n3A_419 {strides = array<i32>} : memref<1024xi32, #tpu.memory_space<vmem>>, vector<16xi32>,
      %mul3A_432 = arith.constant 16 : i32
      %mul3A_433 = arith.muli %or3A_391, %mul3A_432 : i32
      %swap3A_434 = arith.index_cast %mul3A_433 : i32 to index
      %swap3A_435 = tpu.vector_load %arg9[%swap3A_434] {strides = array<i32>} : memref<1024xi32, #tpu.memory_space<vmem>>, vector<16xi32>,
      tpu.vector_store %arg9[%swap3A_434], %select_n3A_420 {strides = array<i32>} : memref<1024xi32, #tpu.memory_space<vmem>>, vector<16xi32>,
      %scan3A_436 = arith.constant 0 : i32
      scf.yield %scan3A_436 : i32
    }
    %scan3A_206 = arith.constant 32 : i32
    %scan3A_207 = arith.constant 0 : i32
    %scan3A_208 = arith.constant 0 : i32
    %scan3A_209 = arith.constant 32 : i32
    %scan3A_210 = arith.addi %scan3A_208, %scan3A_209 : i32
    %scan3A_211 = arith.constant 1 : i32
    %scan3A_212 = scf.for %scan3A_382 = %scan3A_208 to %scan3A_210 step %scan3A_211 iter_args(%scan3A_383 = %scan3A_207) -> (i32)  : i32 {
      %and3A = arith.constant -1 : i32
      %and3A_384 = arith.andi %scan3A_382, %and3A : i32
      %shift_left3A_385 = arith.constant 1 : i32
      %shift_left3A_386 = arith.shli %and3A_384, %shift_left3A_385 : i32
      %and3A_387 = arith.constant 0 : i32
      %and3A_388 = arith.andi %scan3A_382, %and3A_387 : i32
      %or3A_389 = arith.ori %shift_left3A_386, %and3A_388 : i32
      %or3A_390 = arith.constant 1 : i32
      %or3A_391 = arith.ori %or3A_389, %or3A_390 : i32
      %mul3A_392 = arith.constant 16 : i32
      %mul3A_393 = arith.muli %or3A_389, %mul3A_392 : i32
      %get3A = arith.index_cast %mul3A_393 : i32 to index
      %get3A_394 = tpu.vector_load %arg8[%get3A] {strides = array<i32>} : memref<1024xi32, #tpu.memory_space<vmem>>, vector<16xi32>,
      %mul3A_395 = arith.constant 16 : i32
      %mul3A_396 = arith.muli %or3A_389, %mul3A_395 : i32
      %get3A_397 = arith.index_cast %mul3A_396 : i32 to index
      %get3A_398 = tpu.vector_load %arg9[%get3A_397] {strides = array<i32>} : memref<1024xi32, #tpu.memory_space<vmem>>, vector<16xi32>,
      %mul3A_399 = arith.constant 16 : i32
      %mul3A_400 = arith.muli %or3A_391, %mul3A_399 : i32
      %get3A_401 = arith.index_cast %mul3A_400 : i32 to index
      %get3A_402 = tpu.vector_load %arg8[%get3A_401] {strides = array<i32>} : memref<1024xi32, #tpu.memory_space<vmem>>, vector<16xi32>,
      %mul3A_403 = arith.constant 16 : i32
      %mul3A_404 = arith.muli %or3A_391, %mul3A_403 : i32
      %get3A_405 = arith.index_cast %mul3A_404 : i32 to index
      %get3A_406 = tpu.vector_load %arg9[%get3A_405] {strides = array<i32>} : memref<1024xi32, #tpu.memory_space<vmem>>, vector<16xi32>,
      %gt3A = arith.cmpi ugt, %get3A_394, %get3A_402 : vector<16xi32>
      %eq3A = arith.cmpi eq, %get3A_394, %get3A_402 : vector<16xi32>
      %lt3A = arith.cmpi slt, %get3A_398, %get3A_406 : vector<16xi32>
      %and3A_407 = arith.andi %eq3A, %lt3A : vector<16xi1>
      %or3A_408 = arith.ori %gt3A, %and3A_407 : vector<16xi1>
      %mul3A_409 = arith.constant 16 : i32
      %mul3A_410 = arith.muli %or3A_389, %mul3A_409 : i32
      %and3A_411 = arith.constant 256 : i32
      %and3A_412 = arith.andi %mul3A_410, %and3A_411 : i32
      %eq3A_413 = arith.constant 0 : i32
      %eq3A_414 = arith.cmpi eq, %and3A_412, %eq3A_413 : i32
      %broadcast_in_dim3A_415 = vector.broadcast %eq3A_414 : i1 to vector<16xi1>
      %not3A = arith.constant dense<true> : vector<16xi1>
      %not3A_416 = arith.xori %or3A_408, %not3A : vector<16xi1>
      %select_n3A = arith.select %broadcast_in_dim3A_415, %or3A_408, %not3A_416 : vector<16xi1>, vector<16xi1>
      %select_n3A_417 = arith.select %select_n3A, %get3A_394, %get3A_402 : vector<16xi1>, vector<16xi32>
      %select_n3A_418 = arith.select %select_n3A, %get3A_398, %get3A_406 : vector<16xi1>, vector<16xi32>
      %select_n3A_419 = arith.select %select_n3A, %get3A_402, %get3A_394 : vector<16xi1>, vector<16xi32>
      %select_n3A_420 = arith.select %select_n3A, %get3A_406, %get3A_398 : vector<16xi1>, vector<16xi32>
      %mul3A_421 = arith.constant 16 : i32
      %mul3A_422 = arith.muli %or3A_389, %mul3A_421 : i32
      %swap3A = arith.index_cast %mul3A_422 : i32 to index
      %swap3A_423 = tpu.vector_load %arg8[%swap3A] {strides = array<i32>} : memref<1024xi32, #tpu.memory_space<vmem>>, vector<16xi32>,
      tpu.vector_store %arg8[%swap3A], %select_n3A_417 {strides = array<i32>} : memref<1024xi32, #tpu.memory_space<vmem>>, vector<16xi32>,
      %mul3A_424 = arith.constant 16 : i32
      %mul3A_425 = arith.muli %or3A_389, %mul3A_424 : i32
      %swap3A_426 = arith.index_cast %mul3A_425 : i32 to index
      %swap3A_427 = tpu.vector_load %arg9[%swap3A_426] {strides = array<i32>} : memref<1024xi32, #tpu.memory_space<vmem>>, vector<16xi32>,
      tpu.vector_store %arg9[%swap3A_426], %select_n3A_418 {strides = array<i32>} : memref<1024xi32, #tpu.memory_space<vmem>>, vector<16xi32>,
      %mul3A_428 = arith.constant 16 : i32
      %mul3A_429 = arith.muli %or3A_391, %mul3A_428 : i32
      %swap3A_430 = arith.index_cast %mul3A_429 : i32 to index
      %swap3A_431 = tpu.vector_load %arg8[%swap3A_430] {strides = array<i32>} : memref<1024xi32, #tpu.memory_space<vmem>>, vector<16xi32>,
      tpu.vector_store %arg8[%swap3A_430], %select_n3A_419 {strides = array<i32>} : memref<1024xi32, #tpu.memory_space<vmem>>, vector<16xi32>,
      %mul3A_432 = arith.constant 16 : i32
      %mul3A_433 = arith.muli %or3A_391, %mul3A_432 : i32
      %swap3A_434 = arith.index_cast %mul3A_433 : i32 to index
      %swap3A_435 = tpu.vector_load %arg9[%swap3A_434] {strides = array<i32>} : memref<1024xi32, #tpu.memory_space<vmem>>, vector<16xi32>,
      tpu.vector_store %arg9[%swap3A_434], %select_n3A_420 {strides = array<i32>} : memref<1024xi32, #tpu.memory_space<vmem>>, vector<16xi32>,
      %scan3A_436 = arith.constant 0 : i32
      scf.yield %scan3A_436 : i32
    }
    %scan3A_213 = arith.constant 32 : i32
    %scan3A_214 = arith.constant 0 : i32
    %scan3A_215 = arith.constant 0 : i32
    %scan3A_216 = arith.constant 64 : i32
    %scan3A_217 = arith.addi %scan3A_215, %scan3A_216 : i32
    %scan3A_218 = arith.constant 1 : i32
    %scan3A_219 = scf.for %scan3A_382 = %scan3A_215 to %scan3A_217 step %scan3A_218 iter_args(%scan3A_383 = %scan3A_214) -> (i32)  : i32 {
      %mul3A_384 = arith.constant 16 : i32
      %mul3A_385 = arith.muli %scan3A_382, %mul3A_384 : i32
      %and3A = arith.constant 256 : i32
      %and3A_386 = arith.andi %mul3A_385, %and3A : i32
      %eq3A = arith.constant 0 : i32
      %eq3A_387 = arith.cmpi eq, %and3A_386, %eq3A : i32
      %mul3A_388 = arith.constant 16 : i32
      %mul3A_389 = arith.muli %scan3A_382, %mul3A_388 : i32
      %get3A = arith.index_cast %mul3A_389 : i32 to index
      %get3A_390 = tpu.vector_load %arg8[%get3A] {strides = array<i32>} : memref<1024xi32, #tpu.memory_space<vmem>>, vector<16xi32>,
      %mul3A_391 = arith.constant 16 : i32
      %mul3A_392 = arith.muli %scan3A_382, %mul3A_391 : i32
      %get3A_393 = arith.index_cast %mul3A_392 : i32 to index
      %get3A_394 = tpu.vector_load %arg9[%get3A_393] {strides = array<i32>} : memref<1024xi32, #tpu.memory_space<vmem>>, vector<16xi32>,
      %masked_sort3A = arith.constant dense<true> : vector<16xi1>
      %masked_sort3A_395, %masked_sort3A_396, %masked_sort3A_397 = tpu.sort %get3A_390, %get3A_394 masked %masked_sort3A : (vector<16xi32>, vector<16xi32>, vector<16xi1>) -> (vector<16xi1>, vector<16xi32>, vector<16xi32>)
      %broadcast_in_dim3A_398 = vector.broadcast %eq3A_387 : i1 to vector<16xi1>
      %rev3A = arith.constant 15 : i32
      %rev3A_399 = vector.broadcast %rev3A : i32 to vector<16xi32>
      %rev3A_400 = tpu.iota {dimensions = array<i32: 0>} : vector<16xi32>
      %rev3A_401 = arith.subi %rev3A_399, %rev3A_400 : vector<16xi32>
      %rev3A_402 = tpu.dynamic_gather %masked_sort3A_396[%rev3A_401] in [0] : vector<16xi32>, vector<16xi32> -> vector<16xi32>
      %select_n3A = arith.select %broadcast_in_dim3A_398, %rev3A_402, %masked_sort3A_396 : vector<16xi1>, vector<16xi32>
      %rev3A_403 = arith.constant 15 : i32
      %rev3A_404 = vector.broadcast %rev3A_403 : i32 to vector<16xi32>
      %rev3A_405 = tpu.iota {dimensions = array<i32: 0>} : vector<16xi32>
      %rev3A_406 = arith.subi %rev3A_404, %rev3A_405 : vector<16xi32>
      %rev3A_407 = tpu.dynamic_gather %masked_sort3A_397[%rev3A_406] in [0] : vector<16xi32>, vector<16xi32> -> vector<16xi32>
      %select_n3A_408 = arith.select %broadcast_in_dim3A_398, %rev3A_407, %masked_sort3A_397 : vector<16xi1>, vector<16xi32>
      %mul3A_409 = arith.constant 16 : i32
      %mul3A_410 = arith.muli %scan3A_382, %mul3A_409 : i32
      %swap3A = arith.index_cast %mul3A_410 : i32 to index
      %swap3A_411 = tpu.vector_load %arg8[%swap3A] {strides = array<i32>} : memref<1024xi32, #tpu.memory_space<vmem>>, vector<16xi32>,
      tpu.vector_store %arg8[%swap3A], %select_n3A {strides = array<i32>} : memref<1024xi32, #tpu.memory_space<vmem>>, vector<16xi32>,
      %mul3A_412 = arith.constant 16 : i32
      %mul3A_413 = arith.muli %scan3A_382, %mul3A_412 : i32
      %swap3A_414 = arith.index_cast %mul3A_413 : i32 to index
      %swap3A_415 = tpu.vector_load %arg9[%swap3A_414] {strides = array<i32>} : memref<1024xi32, #tpu.memory_space<vmem>>, vector<16xi32>,
      tpu.vector_store %arg9[%swap3A_414], %select_n3A_408 {strides = array<i32>} : memref<1024xi32, #tpu.memory_space<vmem>>, vector<16xi32>,
      %scan3A_416 = arith.constant 0 : i32
      scf.yield %scan3A_416 : i32
    }
    %scan3A_220 = arith.constant 64 : i32
    %scan3A_221 = arith.constant 0 : i32
    %scan3A_222 = arith.constant 0 : i32
    %scan3A_223 = arith.constant 32 : i32
    %scan3A_224 = arith.addi %scan3A_222, %scan3A_223 : i32
    %scan3A_225 = arith.constant 1 : i32
    %scan3A_226 = scf.for %scan3A_382 = %scan3A_222 to %scan3A_224 step %scan3A_225 iter_args(%scan3A_383 = %scan3A_221) -> (i32)  : i32 {
      %and3A = arith.constant -16 : i32
      %and3A_384 = arith.andi %scan3A_382, %and3A : i32
      %shift_left3A_385 = arith.constant 1 : i32
      %shift_left3A_386 = arith.shli %and3A_384, %shift_left3A_385 : i32
      %and3A_387 = arith.constant 15 : i32
      %and3A_388 = arith.andi %scan3A_382, %and3A_387 : i32
      %or3A_389 = arith.ori %shift_left3A_386, %and3A_388 : i32
      %or3A_390 = arith.constant 16 : i32
      %or3A_391 = arith.ori %or3A_389, %or3A_390 : i32
      %mul3A_392 = arith.constant 16 : i32
      %mul3A_393 = arith.muli %or3A_389, %mul3A_392 : i32
      %get3A = arith.index_cast %mul3A_393 : i32 to index
      %get3A_394 = tpu.vector_load %arg8[%get3A] {strides = array<i32>} : memref<1024xi32, #tpu.memory_space<vmem>>, vector<16xi32>,
      %mul3A_395 = arith.constant 16 : i32
      %mul3A_396 = arith.muli %or3A_389, %mul3A_395 : i32
      %get3A_397 = arith.index_cast %mul3A_396 : i32 to index
      %get3A_398 = tpu.vector_load %arg9[%get3A_397] {strides = array<i32>} : memref<1024xi32, #tpu.memory_space<vmem>>, vector<16xi32>,
      %mul3A_399 = arith.constant 16 : i32
      %mul3A_400 = arith.muli %or3A_391, %mul3A_399 : i32
      %get3A_401 = arith.index_cast %mul3A_400 : i32 to index
      %get3A_402 = tpu.vector_load %arg8[%get3A_401] {strides = array<i32>} : memref<1024xi32, #tpu.memory_space<vmem>>, vector<16xi32>,
      %mul3A_403 = arith.constant 16 : i32
      %mul3A_404 = arith.muli %or3A_391, %mul3A_403 : i32
      %get3A_405 = arith.index_cast %mul3A_404 : i32 to index
      %get3A_406 = tpu.vector_load %arg9[%get3A_405] {strides = array<i32>} : memref<1024xi32, #tpu.memory_space<vmem>>, vector<16xi32>,
      %gt3A = arith.cmpi ugt, %get3A_394, %get3A_402 : vector<16xi32>
      %eq3A = arith.cmpi eq, %get3A_394, %get3A_402 : vector<16xi32>
      %lt3A = arith.cmpi slt, %get3A_398, %get3A_406 : vector<16xi32>
      %and3A_407 = arith.andi %eq3A, %lt3A : vector<16xi1>
      %or3A_408 = arith.ori %gt3A, %and3A_407 : vector<16xi1>
      %mul3A_409 = arith.constant 16 : i32
      %mul3A_410 = arith.muli %or3A_389, %mul3A_409 : i32
      %and3A_411 = arith.constant 512 : i32
      %and3A_412 = arith.andi %mul3A_410, %and3A_411 : i32
      %eq3A_413 = arith.constant 0 : i32
      %eq3A_414 = arith.cmpi eq, %and3A_412, %eq3A_413 : i32
      %broadcast_in_dim3A_415 = vector.broadcast %eq3A_414 : i1 to vector<16xi1>
      %not3A = arith.constant dense<true> : vector<16xi1>
      %not3A_416 = arith.xori %or3A_408, %not3A : vector<16xi1>
      %select_n3A = arith.select %broadcast_in_dim3A_415, %or3A_408, %not3A_416 : vector<16xi1>, vector<16xi1>
      %select_n3A_417 = arith.select %select_n3A, %get3A_394, %get3A_402 : vector<16xi1>, vector<16xi32>
      %select_n3A_418 = arith.select %select_n3A, %get3A_398, %get3A_406 : vector<16xi1>, vector<16xi32>
      %select_n3A_419 = arith.select %select_n3A, %get3A_402, %get3A_394 : vector<16xi1>, vector<16xi32>
      %select_n3A_420 = arith.select %select_n3A, %get3A_406, %get3A_398 : vector<16xi1>, vector<16xi32>
      %mul3A_421 = arith.constant 16 : i32
      %mul3A_422 = arith.muli %or3A_389, %mul3A_421 : i32
      %swap3A = arith.index_cast %mul3A_422 : i32 to index
      %swap3A_423 = tpu.vector_load %arg8[%swap3A] {strides = array<i32>} : memref<1024xi32, #tpu.memory_space<vmem>>, vector<16xi32>,
      tpu.vector_store %arg8[%swap3A], %select_n3A_417 {strides = array<i32>} : memref<1024xi32, #tpu.memory_space<vmem>>, vector<16xi32>,
      %mul3A_424 = arith.constant 16 : i32
      %mul3A_425 = arith.muli %or3A_389, %mul3A_424 : i32
      %swap3A_426 = arith.index_cast %mul3A_425 : i32 to index
      %swap3A_427 = tpu.vector_load %arg9[%swap3A_426] {strides = array<i32>} : memref<1024xi32, #tpu.memory_space<vmem>>, vector<16xi32>,
      tpu.vector_store %arg9[%swap3A_426], %select_n3A_418 {strides = array<i32>} : memref<1024xi32, #tpu.memory_space<vmem>>, vector<16xi32>,
      %mul3A_428 = arith.constant 16 : i32
      %mul3A_429 = arith.muli %or3A_391, %mul3A_428 : i32
      %swap3A_430 = arith.index_cast %mul3A_429 : i32 to index
      %swap3A_431 = tpu.vector_load %arg8[%swap3A_430] {strides = array<i32>} : memref<1024xi32, #tpu.memory_space<vmem>>, vector<16xi32>,
      tpu.vector_store %arg8[%swap3A_430], %select_n3A_419 {strides = array<i32>} : memref<1024xi32, #tpu.memory_space<vmem>>, vector<16xi32>,
      %mul3A_432 = arith.constant 16 : i32
      %mul3A_433 = arith.muli %or3A_391, %mul3A_432 : i32
      %swap3A_434 = arith.index_cast %mul3A_433 : i32 to index
      %swap3A_435 = tpu.vector_load %arg9[%swap3A_434] {strides = array<i32>} : memref<1024xi32, #tpu.memory_space<vmem>>, vector<16xi32>,
      tpu.vector_store %arg9[%swap3A_434], %select_n3A_420 {strides = array<i32>} : memref<1024xi32, #tpu.memory_space<vmem>>, vector<16xi32>,
      %scan3A_436 = arith.constant 0 : i32
      scf.yield %scan3A_436 : i32
    }
    %scan3A_227 = arith.constant 32 : i32
    %scan3A_228 = arith.constant 0 : i32
    %scan3A_229 = arith.constant 0 : i32
    %scan3A_230 = arith.constant 32 : i32
    %scan3A_231 = arith.addi %scan3A_229, %scan3A_230 : i32
    %scan3A_232 = arith.constant 1 : i32
    %scan3A_233 = scf.for %scan3A_382 = %scan3A_229 to %scan3A_231 step %scan3A_232 iter_args(%scan3A_383 = %scan3A_228) -> (i32)  : i32 {
      %and3A = arith.constant -8 : i32
      %and3A_384 = arith.andi %scan3A_382, %and3A : i32
      %shift_left3A_385 = arith.constant 1 : i32
      %shift_left3A_386 = arith.shli %and3A_384, %shift_left3A_385 : i32
      %and3A_387 = arith.constant 7 : i32
      %and3A_388 = arith.andi %scan3A_382, %and3A_387 : i32
      %or3A_389 = arith.ori %shift_left3A_386, %and3A_388 : i32
      %or3A_390 = arith.constant 8 : i32
      %or3A_391 = arith.ori %or3A_389, %or3A_390 : i32
      %mul3A_392 = arith.constant 16 : i32
      %mul3A_393 = arith.muli %or3A_389, %mul3A_392 : i32
      %get3A = arith.index_cast %mul3A_393 : i32 to index
      %get3A_394 = tpu.vector_load %arg8[%get3A] {strides = array<i32>} : memref<1024xi32, #tpu.memory_space<vmem>>, vector<16xi32>,
      %mul3A_395 = arith.constant 16 : i32
      %mul3A_396 = arith.muli %or3A_389, %mul3A_395 : i32
      %get3A_397 = arith.index_cast %mul3A_396 : i32 to index
      %get3A_398 = tpu.vector_load %arg9[%get3A_397] {strides = array<i32>} : memref<1024xi32, #tpu.memory_space<vmem>>, vector<16xi32>,
      %mul3A_399 = arith.constant 16 : i32
      %mul3A_400 = arith.muli %or3A_391, %mul3A_399 : i32
      %get3A_401 = arith.index_cast %mul3A_400 : i32 to index
      %get3A_402 = tpu.vector_load %arg8[%get3A_401] {strides = array<i32>} : memref<1024xi32, #tpu.memory_space<vmem>>, vector<16xi32>,
      %mul3A_403 = arith.constant 16 : i32
      %mul3A_404 = arith.muli %or3A_391, %mul3A_403 : i32
      %get3A_405 = arith.index_cast %mul3A_404 : i32 to index
      %get3A_406 = tpu.vector_load %arg9[%get3A_405] {strides = array<i32>} : memref<1024xi32, #tpu.memory_space<vmem>>, vector<16xi32>,
      %gt3A = arith.cmpi ugt, %get3A_394, %get3A_402 : vector<16xi32>
      %eq3A = arith.cmpi eq, %get3A_394, %get3A_402 : vector<16xi32>
      %lt3A = arith.cmpi slt, %get3A_398, %get3A_406 : vector<16xi32>
      %and3A_407 = arith.andi %eq3A, %lt3A : vector<16xi1>
      %or3A_408 = arith.ori %gt3A, %and3A_407 : vector<16xi1>
      %mul3A_409 = arith.constant 16 : i32
      %mul3A_410 = arith.muli %or3A_389, %mul3A_409 : i32
      %and3A_411 = arith.constant 512 : i32
      %and3A_412 = arith.andi %mul3A_410, %and3A_411 : i32
      %eq3A_413 = arith.constant 0 : i32
      %eq3A_414 = arith.cmpi eq, %and3A_412, %eq3A_413 : i32
      %broadcast_in_dim3A_415 = vector.broadcast %eq3A_414 : i1 to vector<16xi1>
      %not3A = arith.constant dense<true> : vector<16xi1>
      %not3A_416 = arith.xori %or3A_408, %not3A : vector<16xi1>
      %select_n3A = arith.select %broadcast_in_dim3A_415, %or3A_408, %not3A_416 : vector<16xi1>, vector<16xi1>
      %select_n3A_417 = arith.select %select_n3A, %get3A_394, %get3A_402 : vector<16xi1>, vector<16xi32>
      %select_n3A_418 = arith.select %select_n3A, %get3A_398, %get3A_406 : vector<16xi1>, vector<16xi32>
      %select_n3A_419 = arith.select %select_n3A, %get3A_402, %get3A_394 : vector<16xi1>, vector<16xi32>
      %select_n3A_420 = arith.select %select_n3A, %get3A_406, %get3A_398 : vector<16xi1>, vector<16xi32>
      %mul3A_421 = arith.constant 16 : i32
      %mul3A_422 = arith.muli %or3A_389, %mul3A_421 : i32
      %swap3A = arith.index_cast %mul3A_422 : i32 to index
      %swap3A_423 = tpu.vector_load %arg8[%swap3A] {strides = array<i32>} : memref<1024xi32, #tpu.memory_space<vmem>>, vector<16xi32>,
      tpu.vector_store %arg8[%swap3A], %select_n3A_417 {strides = array<i32>} : memref<1024xi32, #tpu.memory_space<vmem>>, vector<16xi32>,
      %mul3A_424 = arith.constant 16 : i32
      %mul3A_425 = arith.muli %or3A_389, %mul3A_424 : i32
      %swap3A_426 = arith.index_cast %mul3A_425 : i32 to index
      %swap3A_427 = tpu.vector_load %arg9[%swap3A_426] {strides = array<i32>} : memref<1024xi32, #tpu.memory_space<vmem>>, vector<16xi32>,
      tpu.vector_store %arg9[%swap3A_426], %select_n3A_418 {strides = array<i32>} : memref<1024xi32, #tpu.memory_space<vmem>>, vector<16xi32>,
      %mul3A_428 = arith.constant 16 : i32
      %mul3A_429 = arith.muli %or3A_391, %mul3A_428 : i32
      %swap3A_430 = arith.index_cast %mul3A_429 : i32 to index
      %swap3A_431 = tpu.vector_load %arg8[%swap3A_430] {strides = array<i32>} : memref<1024xi32, #tpu.memory_space<vmem>>, vector<16xi32>,
      tpu.vector_store %arg8[%swap3A_430], %select_n3A_419 {strides = array<i32>} : memref<1024xi32, #tpu.memory_space<vmem>>, vector<16xi32>,
      %mul3A_432 = arith.constant 16 : i32
      %mul3A_433 = arith.muli %or3A_391, %mul3A_432 : i32
      %swap3A_434 = arith.index_cast %mul3A_433 : i32 to index
      %swap3A_435 = tpu.vector_load %arg9[%swap3A_434] {strides = array<i32>} : memref<1024xi32, #tpu.memory_space<vmem>>, vector<16xi32>,
      tpu.vector_store %arg9[%swap3A_434], %select_n3A_420 {strides = array<i32>} : memref<1024xi32, #tpu.memory_space<vmem>>, vector<16xi32>,
      %scan3A_436 = arith.constant 0 : i32
      scf.yield %scan3A_436 : i32
    }
    %scan3A_234 = arith.constant 32 : i32
    %scan3A_235 = arith.constant 0 : i32
    %scan3A_236 = arith.constant 0 : i32
    %scan3A_237 = arith.constant 32 : i32
    %scan3A_238 = arith.addi %scan3A_236, %scan3A_237 : i32
    %scan3A_239 = arith.constant 1 : i32
    %scan3A_240 = scf.for %scan3A_382 = %scan3A_236 to %scan3A_238 step %scan3A_239 iter_args(%scan3A_383 = %scan3A_235) -> (i32)  : i32 {
      %and3A = arith.constant -4 : i32
      %and3A_384 = arith.andi %scan3A_382, %and3A : i32
      %shift_left3A_385 = arith.constant 1 : i32
      %shift_left3A_386 = arith.shli %and3A_384, %shift_left3A_385 : i32
      %and3A_387 = arith.constant 3 : i32
      %and3A_388 = arith.andi %scan3A_382, %and3A_387 : i32
      %or3A_389 = arith.ori %shift_left3A_386, %and3A_388 : i32
      %or3A_390 = arith.constant 4 : i32
      %or3A_391 = arith.ori %or3A_389, %or3A_390 : i32
      %mul3A_392 = arith.constant 16 : i32
      %mul3A_393 = arith.muli %or3A_389, %mul3A_392 : i32
      %get3A = arith.index_cast %mul3A_393 : i32 to index
      %get3A_394 = tpu.vector_load %arg8[%get3A] {strides = array<i32>} : memref<1024xi32, #tpu.memory_space<vmem>>, vector<16xi32>,
      %mul3A_395 = arith.constant 16 : i32
      %mul3A_396 = arith.muli %or3A_389, %mul3A_395 : i32
      %get3A_397 = arith.index_cast %mul3A_396 : i32 to index
      %get3A_398 = tpu.vector_load %arg9[%get3A_397] {strides = array<i32>} : memref<1024xi32, #tpu.memory_space<vmem>>, vector<16xi32>,
      %mul3A_399 = arith.constant 16 : i32
      %mul3A_400 = arith.muli %or3A_391, %mul3A_399 : i32
      %get3A_401 = arith.index_cast %mul3A_400 : i32 to index
      %get3A_402 = tpu.vector_load %arg8[%get3A_401] {strides = array<i32>} : memref<1024xi32, #tpu.memory_space<vmem>>, vector<16xi32>,
      %mul3A_403 = arith.constant 16 : i32
      %mul3A_404 = arith.muli %or3A_391, %mul3A_403 : i32
      %get3A_405 = arith.index_cast %mul3A_404 : i32 to index
      %get3A_406 = tpu.vector_load %arg9[%get3A_405] {strides = array<i32>} : memref<1024xi32, #tpu.memory_space<vmem>>, vector<16xi32>,
      %gt3A = arith.cmpi ugt, %get3A_394, %get3A_402 : vector<16xi32>
      %eq3A = arith.cmpi eq, %get3A_394, %get3A_402 : vector<16xi32>
      %lt3A = arith.cmpi slt, %get3A_398, %get3A_406 : vector<16xi32>
      %and3A_407 = arith.andi %eq3A, %lt3A : vector<16xi1>
      %or3A_408 = arith.ori %gt3A, %and3A_407 : vector<16xi1>
      %mul3A_409 = arith.constant 16 : i32
      %mul3A_410 = arith.muli %or3A_389, %mul3A_409 : i32
      %and3A_411 = arith.constant 512 : i32
      %and3A_412 = arith.andi %mul3A_410, %and3A_411 : i32
      %eq3A_413 = arith.constant 0 : i32
      %eq3A_414 = arith.cmpi eq, %and3A_412, %eq3A_413 : i32
      %broadcast_in_dim3A_415 = vector.broadcast %eq3A_414 : i1 to vector<16xi1>
      %not3A = arith.constant dense<true> : vector<16xi1>
      %not3A_416 = arith.xori %or3A_408, %not3A : vector<16xi1>
      %select_n3A = arith.select %broadcast_in_dim3A_415, %or3A_408, %not3A_416 : vector<16xi1>, vector<16xi1>
      %select_n3A_417 = arith.select %select_n3A, %get3A_394, %get3A_402 : vector<16xi1>, vector<16xi32>
      %select_n3A_418 = arith.select %select_n3A, %get3A_398, %get3A_406 : vector<16xi1>, vector<16xi32>
      %select_n3A_419 = arith.select %select_n3A, %get3A_402, %get3A_394 : vector<16xi1>, vector<16xi32>
      %select_n3A_420 = arith.select %select_n3A, %get3A_406, %get3A_398 : vector<16xi1>, vector<16xi32>
      %mul3A_421 = arith.constant 16 : i32
      %mul3A_422 = arith.muli %or3A_389, %mul3A_421 : i32
      %swap3A = arith.index_cast %mul3A_422 : i32 to index
      %swap3A_423 = tpu.vector_load %arg8[%swap3A] {strides = array<i32>} : memref<1024xi32, #tpu.memory_space<vmem>>, vector<16xi32>,
      tpu.vector_store %arg8[%swap3A], %select_n3A_417 {strides = array<i32>} : memref<1024xi32, #tpu.memory_space<vmem>>, vector<16xi32>,
      %mul3A_424 = arith.constant 16 : i32
      %mul3A_425 = arith.muli %or3A_389, %mul3A_424 : i32
      %swap3A_426 = arith.index_cast %mul3A_425 : i32 to index
      %swap3A_427 = tpu.vector_load %arg9[%swap3A_426] {strides = array<i32>} : memref<1024xi32, #tpu.memory_space<vmem>>, vector<16xi32>,
      tpu.vector_store %arg9[%swap3A_426], %select_n3A_418 {strides = array<i32>} : memref<1024xi32, #tpu.memory_space<vmem>>, vector<16xi32>,
      %mul3A_428 = arith.constant 16 : i32
      %mul3A_429 = arith.muli %or3A_391, %mul3A_428 : i32
      %swap3A_430 = arith.index_cast %mul3A_429 : i32 to index
      %swap3A_431 = tpu.vector_load %arg8[%swap3A_430] {strides = array<i32>} : memref<1024xi32, #tpu.memory_space<vmem>>, vector<16xi32>,
      tpu.vector_store %arg8[%swap3A_430], %select_n3A_419 {strides = array<i32>} : memref<1024xi32, #tpu.memory_space<vmem>>, vector<16xi32>,
      %mul3A_432 = arith.constant 16 : i32
      %mul3A_433 = arith.muli %or3A_391, %mul3A_432 : i32
      %swap3A_434 = arith.index_cast %mul3A_433 : i32 to index
      %swap3A_435 = tpu.vector_load %arg9[%swap3A_434] {strides = array<i32>} : memref<1024xi32, #tpu.memory_space<vmem>>, vector<16xi32>,
      tpu.vector_store %arg9[%swap3A_434], %select_n3A_420 {strides = array<i32>} : memref<1024xi32, #tpu.memory_space<vmem>>, vector<16xi32>,
      %scan3A_436 = arith.constant 0 : i32
      scf.yield %scan3A_436 : i32
    }
    %scan3A_241 = arith.constant 32 : i32
    %scan3A_242 = arith.constant 0 : i32
    %scan3A_243 = arith.constant 0 : i32
    %scan3A_244 = arith.constant 32 : i32
    %scan3A_245 = arith.addi %scan3A_243, %scan3A_244 : i32
    %scan3A_246 = arith.constant 1 : i32
    %scan3A_247 = scf.for %scan3A_382 = %scan3A_243 to %scan3A_245 step %scan3A_246 iter_args(%scan3A_383 = %scan3A_242) -> (i32)  : i32 {
      %and3A = arith.constant -2 : i32
      %and3A_384 = arith.andi %scan3A_382, %and3A : i32
      %shift_left3A_385 = arith.constant 1 : i32
      %shift_left3A_386 = arith.shli %and3A_384, %shift_left3A_385 : i32
      %and3A_387 = arith.constant 1 : i32
      %and3A_388 = arith.andi %scan3A_382, %and3A_387 : i32
      %or3A_389 = arith.ori %shift_left3A_386, %and3A_388 : i32
      %or3A_390 = arith.constant 2 : i32
      %or3A_391 = arith.ori %or3A_389, %or3A_390 : i32
      %mul3A_392 = arith.constant 16 : i32
      %mul3A_393 = arith.muli %or3A_389, %mul3A_392 : i32
      %get3A = arith.index_cast %mul3A_393 : i32 to index
      %get3A_394 = tpu.vector_load %arg8[%get3A] {strides = array<i32>} : memref<1024xi32, #tpu.memory_space<vmem>>, vector<16xi32>,
      %mul3A_395 = arith.constant 16 : i32
      %mul3A_396 = arith.muli %or3A_389, %mul3A_395 : i32
      %get3A_397 = arith.index_cast %mul3A_396 : i32 to index
      %get3A_398 = tpu.vector_load %arg9[%get3A_397] {strides = array<i32>} : memref<1024xi32, #tpu.memory_space<vmem>>, vector<16xi32>,
      %mul3A_399 = arith.constant 16 : i32
      %mul3A_400 = arith.muli %or3A_391, %mul3A_399 : i32
      %get3A_401 = arith.index_cast %mul3A_400 : i32 to index
      %get3A_402 = tpu.vector_load %arg8[%get3A_401] {strides = array<i32>} : memref<1024xi32, #tpu.memory_space<vmem>>, vector<16xi32>,
      %mul3A_403 = arith.constant 16 : i32
      %mul3A_404 = arith.muli %or3A_391, %mul3A_403 : i32
      %get3A_405 = arith.index_cast %mul3A_404 : i32 to index
      %get3A_406 = tpu.vector_load %arg9[%get3A_405] {strides = array<i32>} : memref<1024xi32, #tpu.memory_space<vmem>>, vector<16xi32>,
      %gt3A = arith.cmpi ugt, %get3A_394, %get3A_402 : vector<16xi32>
      %eq3A = arith.cmpi eq, %get3A_394, %get3A_402 : vector<16xi32>
      %lt3A = arith.cmpi slt, %get3A_398, %get3A_406 : vector<16xi32>
      %and3A_407 = arith.andi %eq3A, %lt3A : vector<16xi1>
      %or3A_408 = arith.ori %gt3A, %and3A_407 : vector<16xi1>
      %mul3A_409 = arith.constant 16 : i32
      %mul3A_410 = arith.muli %or3A_389, %mul3A_409 : i32
      %and3A_411 = arith.constant 512 : i32
      %and3A_412 = arith.andi %mul3A_410, %and3A_411 : i32
      %eq3A_413 = arith.constant 0 : i32
      %eq3A_414 = arith.cmpi eq, %and3A_412, %eq3A_413 : i32
      %broadcast_in_dim3A_415 = vector.broadcast %eq3A_414 : i1 to vector<16xi1>
      %not3A = arith.constant dense<true> : vector<16xi1>
      %not3A_416 = arith.xori %or3A_408, %not3A : vector<16xi1>
      %select_n3A = arith.select %broadcast_in_dim3A_415, %or3A_408, %not3A_416 : vector<16xi1>, vector<16xi1>
      %select_n3A_417 = arith.select %select_n3A, %get3A_394, %get3A_402 : vector<16xi1>, vector<16xi32>
      %select_n3A_418 = arith.select %select_n3A, %get3A_398, %get3A_406 : vector<16xi1>, vector<16xi32>
      %select_n3A_419 = arith.select %select_n3A, %get3A_402, %get3A_394 : vector<16xi1>, vector<16xi32>
      %select_n3A_420 = arith.select %select_n3A, %get3A_406, %get3A_398 : vector<16xi1>, vector<16xi32>
      %mul3A_421 = arith.constant 16 : i32
      %mul3A_422 = arith.muli %or3A_389, %mul3A_421 : i32
      %swap3A = arith.index_cast %mul3A_422 : i32 to index
      %swap3A_423 = tpu.vector_load %arg8[%swap3A] {strides = array<i32>} : memref<1024xi32, #tpu.memory_space<vmem>>, vector<16xi32>,
      tpu.vector_store %arg8[%swap3A], %select_n3A_417 {strides = array<i32>} : memref<1024xi32, #tpu.memory_space<vmem>>, vector<16xi32>,
      %mul3A_424 = arith.constant 16 : i32
      %mul3A_425 = arith.muli %or3A_389, %mul3A_424 : i32
      %swap3A_426 = arith.index_cast %mul3A_425 : i32 to index
      %swap3A_427 = tpu.vector_load %arg9[%swap3A_426] {strides = array<i32>} : memref<1024xi32, #tpu.memory_space<vmem>>, vector<16xi32>,
      tpu.vector_store %arg9[%swap3A_426], %select_n3A_418 {strides = array<i32>} : memref<1024xi32, #tpu.memory_space<vmem>>, vector<16xi32>,
      %mul3A_428 = arith.constant 16 : i32
      %mul3A_429 = arith.muli %or3A_391, %mul3A_428 : i32
      %swap3A_430 = arith.index_cast %mul3A_429 : i32 to index
      %swap3A_431 = tpu.vector_load %arg8[%swap3A_430] {strides = array<i32>} : memref<1024xi32, #tpu.memory_space<vmem>>, vector<16xi32>,
      tpu.vector_store %arg8[%swap3A_430], %select_n3A_419 {strides = array<i32>} : memref<1024xi32, #tpu.memory_space<vmem>>, vector<16xi32>,
      %mul3A_432 = arith.constant 16 : i32
      %mul3A_433 = arith.muli %or3A_391, %mul3A_432 : i32
      %swap3A_434 = arith.index_cast %mul3A_433 : i32 to index
      %swap3A_435 = tpu.vector_load %arg9[%swap3A_434] {strides = array<i32>} : memref<1024xi32, #tpu.memory_space<vmem>>, vector<16xi32>,
      tpu.vector_store %arg9[%swap3A_434], %select_n3A_420 {strides = array<i32>} : memref<1024xi32, #tpu.memory_space<vmem>>, vector<16xi32>,
      %scan3A_436 = arith.constant 0 : i32
      scf.yield %scan3A_436 : i32
    }
    %scan3A_248 = arith.constant 32 : i32
    %scan3A_249 = arith.constant 0 : i32
    %scan3A_250 = arith.constant 0 : i32
    %scan3A_251 = arith.constant 32 : i32
    %scan3A_252 = arith.addi %scan3A_250, %scan3A_251 : i32
    %scan3A_253 = arith.constant 1 : i32
    %scan3A_254 = scf.for %scan3A_382 = %scan3A_250 to %scan3A_252 step %scan3A_253 iter_args(%scan3A_383 = %scan3A_249) -> (i32)  : i32 {
      %and3A = arith.constant -1 : i32
      %and3A_384 = arith.andi %scan3A_382, %and3A : i32
      %shift_left3A_385 = arith.constant 1 : i32
      %shift_left3A_386 = arith.shli %and3A_384, %shift_left3A_385 : i32
      %and3A_387 = arith.constant 0 : i32
      %and3A_388 = arith.andi %scan3A_382, %and3A_387 : i32
      %or3A_389 = arith.ori %shift_left3A_386, %and3A_388 : i32
      %or3A_390 = arith.constant 1 : i32
      %or3A_391 = arith.ori %or3A_389, %or3A_390 : i32
      %mul3A_392 = arith.constant 16 : i32
      %mul3A_393 = arith.muli %or3A_389, %mul3A_392 : i32
      %get3A = arith.index_cast %mul3A_393 : i32 to index
      %get3A_394 = tpu.vector_load %arg8[%get3A] {strides = array<i32>} : memref<1024xi32, #tpu.memory_space<vmem>>, vector<16xi32>,
      %mul3A_395 = arith.constant 16 : i32
      %mul3A_396 = arith.muli %or3A_389, %mul3A_395 : i32
      %get3A_397 = arith.index_cast %mul3A_396 : i32 to index
      %get3A_398 = tpu.vector_load %arg9[%get3A_397] {strides = array<i32>} : memref<1024xi32, #tpu.memory_space<vmem>>, vector<16xi32>,
      %mul3A_399 = arith.constant 16 : i32
      %mul3A_400 = arith.muli %or3A_391, %mul3A_399 : i32
      %get3A_401 = arith.index_cast %mul3A_400 : i32 to index
      %get3A_402 = tpu.vector_load %arg8[%get3A_401] {strides = array<i32>} : memref<1024xi32, #tpu.memory_space<vmem>>, vector<16xi32>,
      %mul3A_403 = arith.constant 16 : i32
      %mul3A_404 = arith.muli %or3A_391, %mul3A_403 : i32
      %get3A_405 = arith.index_cast %mul3A_404 : i32 to index
      %get3A_406 = tpu.vector_load %arg9[%get3A_405] {strides = array<i32>} : memref<1024xi32, #tpu.memory_space<vmem>>, vector<16xi32>,
      %gt3A = arith.cmpi ugt, %get3A_394, %get3A_402 : vector<16xi32>
      %eq3A = arith.cmpi eq, %get3A_394, %get3A_402 : vector<16xi32>
      %lt3A = arith.cmpi slt, %get3A_398, %get3A_406 : vector<16xi32>
      %and3A_407 = arith.andi %eq3A, %lt3A : vector<16xi1>
      %or3A_408 = arith.ori %gt3A, %and3A_407 : vector<16xi1>
      %mul3A_409 = arith.constant 16 : i32
      %mul3A_410 = arith.muli %or3A_389, %mul3A_409 : i32
      %and3A_411 = arith.constant 512 : i32
      %and3A_412 = arith.andi %mul3A_410, %and3A_411 : i32
      %eq3A_413 = arith.constant 0 : i32
      %eq3A_414 = arith.cmpi eq, %and3A_412, %eq3A_413 : i32
      %broadcast_in_dim3A_415 = vector.broadcast %eq3A_414 : i1 to vector<16xi1>
      %not3A = arith.constant dense<true> : vector<16xi1>
      %not3A_416 = arith.xori %or3A_408, %not3A : vector<16xi1>
      %select_n3A = arith.select %broadcast_in_dim3A_415, %or3A_408, %not3A_416 : vector<16xi1>, vector<16xi1>
      %select_n3A_417 = arith.select %select_n3A, %get3A_394, %get3A_402 : vector<16xi1>, vector<16xi32>
      %select_n3A_418 = arith.select %select_n3A, %get3A_398, %get3A_406 : vector<16xi1>, vector<16xi32>
      %select_n3A_419 = arith.select %select_n3A, %get3A_402, %get3A_394 : vector<16xi1>, vector<16xi32>
      %select_n3A_420 = arith.select %select_n3A, %get3A_406, %get3A_398 : vector<16xi1>, vector<16xi32>
      %mul3A_421 = arith.constant 16 : i32
      %mul3A_422 = arith.muli %or3A_389, %mul3A_421 : i32
      %swap3A = arith.index_cast %mul3A_422 : i32 to index
      %swap3A_423 = tpu.vector_load %arg8[%swap3A] {strides = array<i32>} : memref<1024xi32, #tpu.memory_space<vmem>>, vector<16xi32>,
      tpu.vector_store %arg8[%swap3A], %select_n3A_417 {strides = array<i32>} : memref<1024xi32, #tpu.memory_space<vmem>>, vector<16xi32>,
      %mul3A_424 = arith.constant 16 : i32
      %mul3A_425 = arith.muli %or3A_389, %mul3A_424 : i32
      %swap3A_426 = arith.index_cast %mul3A_425 : i32 to index
      %swap3A_427 = tpu.vector_load %arg9[%swap3A_426] {strides = array<i32>} : memref<1024xi32, #tpu.memory_space<vmem>>, vector<16xi32>,
      tpu.vector_store %arg9[%swap3A_426], %select_n3A_418 {strides = array<i32>} : memref<1024xi32, #tpu.memory_space<vmem>>, vector<16xi32>,
      %mul3A_428 = arith.constant 16 : i32
      %mul3A_429 = arith.muli %or3A_391, %mul3A_428 : i32
      %swap3A_430 = arith.index_cast %mul3A_429 : i32 to index
      %swap3A_431 = tpu.vector_load %arg8[%swap3A_430] {strides = array<i32>} : memref<1024xi32, #tpu.memory_space<vmem>>, vector<16xi32>,
      tpu.vector_store %arg8[%swap3A_430], %select_n3A_419 {strides = array<i32>} : memref<1024xi32, #tpu.memory_space<vmem>>, vector<16xi32>,
      %mul3A_432 = arith.constant 16 : i32
      %mul3A_433 = arith.muli %or3A_391, %mul3A_432 : i32
      %swap3A_434 = arith.index_cast %mul3A_433 : i32 to index
      %swap3A_435 = tpu.vector_load %arg9[%swap3A_434] {strides = array<i32>} : memref<1024xi32, #tpu.memory_space<vmem>>, vector<16xi32>,
      tpu.vector_store %arg9[%swap3A_434], %select_n3A_420 {strides = array<i32>} : memref<1024xi32, #tpu.memory_space<vmem>>, vector<16xi32>,
      %scan3A_436 = arith.constant 0 : i32
      scf.yield %scan3A_436 : i32
    }
    %scan3A_255 = arith.constant 32 : i32
    %scan3A_256 = arith.constant 0 : i32
    %scan3A_257 = arith.constant 0 : i32
    %scan3A_258 = arith.constant 64 : i32
    %scan3A_259 = arith.addi %scan3A_257, %scan3A_258 : i32
    %scan3A_260 = arith.constant 1 : i32
    %scan3A_261 = scf.for %scan3A_382 = %scan3A_257 to %scan3A_259 step %scan3A_260 iter_args(%scan3A_383 = %scan3A_256) -> (i32)  : i32 {
      %mul3A_384 = arith.constant 16 : i32
      %mul3A_385 = arith.muli %scan3A_382, %mul3A_384 : i32
      %and3A = arith.constant 512 : i32
      %and3A_386 = arith.andi %mul3A_385, %and3A : i32
      %eq3A = arith.constant 0 : i32
      %eq3A_387 = arith.cmpi eq, %and3A_386, %eq3A : i32
      %mul3A_388 = arith.constant 16 : i32
      %mul3A_389 = arith.muli %scan3A_382, %mul3A_388 : i32
      %get3A = arith.index_cast %mul3A_389 : i32 to index
      %get3A_390 = tpu.vector_load %arg8[%get3A] {strides = array<i32>} : memref<1024xi32, #tpu.memory_space<vmem>>, vector<16xi32>,
      %mul3A_391 = arith.constant 16 : i32
      %mul3A_392 = arith.muli %scan3A_382, %mul3A_391 : i32
      %get3A_393 = arith.index_cast %mul3A_392 : i32 to index
      %get3A_394 = tpu.vector_load %arg9[%get3A_393] {strides = array<i32>} : memref<1024xi32, #tpu.memory_space<vmem>>, vector<16xi32>,
      %masked_sort3A = arith.constant dense<true> : vector<16xi1>
      %masked_sort3A_395, %masked_sort3A_396, %masked_sort3A_397 = tpu.sort %get3A_390, %get3A_394 masked %masked_sort3A : (vector<16xi32>, vector<16xi32>, vector<16xi1>) -> (vector<16xi1>, vector<16xi32>, vector<16xi32>)
      %broadcast_in_dim3A_398 = vector.broadcast %eq3A_387 : i1 to vector<16xi1>
      %rev3A = arith.constant 15 : i32
      %rev3A_399 = vector.broadcast %rev3A : i32 to vector<16xi32>
      %rev3A_400 = tpu.iota {dimensions = array<i32: 0>} : vector<16xi32>
      %rev3A_401 = arith.subi %rev3A_399, %rev3A_400 : vector<16xi32>
      %rev3A_402 = tpu.dynamic_gather %masked_sort3A_396[%rev3A_401] in [0] : vector<16xi32>, vector<16xi32> -> vector<16xi32>
      %select_n3A = arith.select %broadcast_in_dim3A_398, %rev3A_402, %masked_sort3A_396 : vector<16xi1>, vector<16xi32>
      %rev3A_403 = arith.constant 15 : i32
      %rev3A_404 = vector.broadcast %rev3A_403 : i32 to vector<16xi32>
      %rev3A_405 = tpu.iota {dimensions = array<i32: 0>} : vector<16xi32>
      %rev3A_406 = arith.subi %rev3A_404, %rev3A_405 : vector<16xi32>
      %rev3A_407 = tpu.dynamic_gather %masked_sort3A_397[%rev3A_406] in [0] : vector<16xi32>, vector<16xi32> -> vector<16xi32>
      %select_n3A_408 = arith.select %broadcast_in_dim3A_398, %rev3A_407, %masked_sort3A_397 : vector<16xi1>, vector<16xi32>
      %mul3A_409 = arith.constant 16 : i32
      %mul3A_410 = arith.muli %scan3A_382, %mul3A_409 : i32
      %swap3A = arith.index_cast %mul3A_410 : i32 to index
      %swap3A_411 = tpu.vector_load %arg8[%swap3A] {strides = array<i32>} : memref<1024xi32, #tpu.memory_space<vmem>>, vector<16xi32>,
      tpu.vector_store %arg8[%swap3A], %select_n3A {strides = array<i32>} : memref<1024xi32, #tpu.memory_space<vmem>>, vector<16xi32>,
      %mul3A_412 = arith.constant 16 : i32
      %mul3A_413 = arith.muli %scan3A_382, %mul3A_412 : i32
      %swap3A_414 = arith.index_cast %mul3A_413 : i32 to index
      %swap3A_415 = tpu.vector_load %arg9[%swap3A_414] {strides = array<i32>} : memref<1024xi32, #tpu.memory_space<vmem>>, vector<16xi32>,
      tpu.vector_store %arg9[%swap3A_414], %select_n3A_408 {strides = array<i32>} : memref<1024xi32, #tpu.memory_space<vmem>>, vector<16xi32>,
      %scan3A_416 = arith.constant 0 : i32
      scf.yield %scan3A_416 : i32
    }
    %scan3A_262 = arith.constant 64 : i32
    %scan3A_263 = arith.constant 0 : i32
    %scan3A_264 = arith.constant 0 : i32
    %scan3A_265 = arith.constant 32 : i32
    %scan3A_266 = arith.addi %scan3A_264, %scan3A_265 : i32
    %scan3A_267 = arith.constant 1 : i32
    %scan3A_268 = scf.for %scan3A_382 = %scan3A_264 to %scan3A_266 step %scan3A_267 iter_args(%scan3A_383 = %scan3A_263) -> (i32)  : i32 {
      %and3A = arith.constant -32 : i32
      %and3A_384 = arith.andi %scan3A_382, %and3A : i32
      %shift_left3A_385 = arith.constant 1 : i32
      %shift_left3A_386 = arith.shli %and3A_384, %shift_left3A_385 : i32
      %and3A_387 = arith.constant 31 : i32
      %and3A_388 = arith.andi %scan3A_382, %and3A_387 : i32
      %or3A_389 = arith.ori %shift_left3A_386, %and3A_388 : i32
      %or3A_390 = arith.constant 32 : i32
      %or3A_391 = arith.ori %or3A_389, %or3A_390 : i32
      %mul3A_392 = arith.constant 16 : i32
      %mul3A_393 = arith.muli %or3A_389, %mul3A_392 : i32
      %get3A = arith.index_cast %mul3A_393 : i32 to index
      %get3A_394 = tpu.vector_load %arg8[%get3A] {strides = array<i32>} : memref<1024xi32, #tpu.memory_space<vmem>>, vector<16xi32>,
      %mul3A_395 = arith.constant 16 : i32
      %mul3A_396 = arith.muli %or3A_389, %mul3A_395 : i32
      %get3A_397 = arith.index_cast %mul3A_396 : i32 to index
      %get3A_398 = tpu.vector_load %arg9[%get3A_397] {strides = array<i32>} : memref<1024xi32, #tpu.memory_space<vmem>>, vector<16xi32>,
      %mul3A_399 = arith.constant 16 : i32
      %mul3A_400 = arith.muli %or3A_391, %mul3A_399 : i32
      %get3A_401 = arith.index_cast %mul3A_400 : i32 to index
      %get3A_402 = tpu.vector_load %arg8[%get3A_401] {strides = array<i32>} : memref<1024xi32, #tpu.memory_space<vmem>>, vector<16xi32>,
      %mul3A_403 = arith.constant 16 : i32
      %mul3A_404 = arith.muli %or3A_391, %mul3A_403 : i32
      %get3A_405 = arith.index_cast %mul3A_404 : i32 to index
      %get3A_406 = tpu.vector_load %arg9[%get3A_405] {strides = array<i32>} : memref<1024xi32, #tpu.memory_space<vmem>>, vector<16xi32>,
      %gt3A = arith.cmpi ugt, %get3A_394, %get3A_402 : vector<16xi32>
      %eq3A = arith.cmpi eq, %get3A_394, %get3A_402 : vector<16xi32>
      %lt3A = arith.cmpi slt, %get3A_398, %get3A_406 : vector<16xi32>
      %and3A_407 = arith.andi %eq3A, %lt3A : vector<16xi1>
      %or3A_408 = arith.ori %gt3A, %and3A_407 : vector<16xi1>
      %mul3A_409 = arith.constant 16 : i32
      %mul3A_410 = arith.muli %or3A_389, %mul3A_409 : i32
      %and3A_411 = arith.constant 1024 : i32
      %and3A_412 = arith.andi %mul3A_410, %and3A_411 : i32
      %eq3A_413 = arith.constant 0 : i32
      %eq3A_414 = arith.cmpi eq, %and3A_412, %eq3A_413 : i32
      %broadcast_in_dim3A_415 = vector.broadcast %eq3A_414 : i1 to vector<16xi1>
      %not3A = arith.constant dense<true> : vector<16xi1>
      %not3A_416 = arith.xori %or3A_408, %not3A : vector<16xi1>
      %select_n3A = arith.select %broadcast_in_dim3A_415, %or3A_408, %not3A_416 : vector<16xi1>, vector<16xi1>
      %select_n3A_417 = arith.select %select_n3A, %get3A_394, %get3A_402 : vector<16xi1>, vector<16xi32>
      %select_n3A_418 = arith.select %select_n3A, %get3A_398, %get3A_406 : vector<16xi1>, vector<16xi32>
      %select_n3A_419 = arith.select %select_n3A, %get3A_402, %get3A_394 : vector<16xi1>, vector<16xi32>
      %select_n3A_420 = arith.select %select_n3A, %get3A_406, %get3A_398 : vector<16xi1>, vector<16xi32>
      %mul3A_421 = arith.constant 16 : i32
      %mul3A_422 = arith.muli %or3A_389, %mul3A_421 : i32
      %swap3A = arith.index_cast %mul3A_422 : i32 to index
      %swap3A_423 = tpu.vector_load %arg8[%swap3A] {strides = array<i32>} : memref<1024xi32, #tpu.memory_space<vmem>>, vector<16xi32>,
      tpu.vector_store %arg8[%swap3A], %select_n3A_417 {strides = array<i32>} : memref<1024xi32, #tpu.memory_space<vmem>>, vector<16xi32>,
      %mul3A_424 = arith.constant 16 : i32
      %mul3A_425 = arith.muli %or3A_389, %mul3A_424 : i32
      %swap3A_426 = arith.index_cast %mul3A_425 : i32 to index
      %swap3A_427 = tpu.vector_load %arg9[%swap3A_426] {strides = array<i32>} : memref<1024xi32, #tpu.memory_space<vmem>>, vector<16xi32>,
      tpu.vector_store %arg9[%swap3A_426], %select_n3A_418 {strides = array<i32>} : memref<1024xi32, #tpu.memory_space<vmem>>, vector<16xi32>,
      %mul3A_428 = arith.constant 16 : i32
      %mul3A_429 = arith.muli %or3A_391, %mul3A_428 : i32
      %swap3A_430 = arith.index_cast %mul3A_429 : i32 to index
      %swap3A_431 = tpu.vector_load %arg8[%swap3A_430] {strides = array<i32>} : memref<1024xi32, #tpu.memory_space<vmem>>, vector<16xi32>,
      tpu.vector_store %arg8[%swap3A_430], %select_n3A_419 {strides = array<i32>} : memref<1024xi32, #tpu.memory_space<vmem>>, vector<16xi32>,
      %mul3A_432 = arith.constant 16 : i32
      %mul3A_433 = arith.muli %or3A_391, %mul3A_432 : i32
      %swap3A_434 = arith.index_cast %mul3A_433 : i32 to index
      %swap3A_435 = tpu.vector_load %arg9[%swap3A_434] {strides = array<i32>} : memref<1024xi32, #tpu.memory_space<vmem>>, vector<16xi32>,
      tpu.vector_store %arg9[%swap3A_434], %select_n3A_420 {strides = array<i32>} : memref<1024xi32, #tpu.memory_space<vmem>>, vector<16xi32>,
      %scan3A_436 = arith.constant 0 : i32
      scf.yield %scan3A_436 : i32
    }
    %scan3A_269 = arith.constant 32 : i32
    %scan3A_270 = arith.constant 0 : i32
    %scan3A_271 = arith.constant 0 : i32
    %scan3A_272 = arith.constant 32 : i32
    %scan3A_273 = arith.addi %scan3A_271, %scan3A_272 : i32
    %scan3A_274 = arith.constant 1 : i32
    %scan3A_275 = scf.for %scan3A_382 = %scan3A_271 to %scan3A_273 step %scan3A_274 iter_args(%scan3A_383 = %scan3A_270) -> (i32)  : i32 {
      %and3A = arith.constant -16 : i32
      %and3A_384 = arith.andi %scan3A_382, %and3A : i32
      %shift_left3A_385 = arith.constant 1 : i32
      %shift_left3A_386 = arith.shli %and3A_384, %shift_left3A_385 : i32
      %and3A_387 = arith.constant 15 : i32
      %and3A_388 = arith.andi %scan3A_382, %and3A_387 : i32
      %or3A_389 = arith.ori %shift_left3A_386, %and3A_388 : i32
      %or3A_390 = arith.constant 16 : i32
      %or3A_391 = arith.ori %or3A_389, %or3A_390 : i32
      %mul3A_392 = arith.constant 16 : i32
      %mul3A_393 = arith.muli %or3A_389, %mul3A_392 : i32
      %get3A = arith.index_cast %mul3A_393 : i32 to index
      %get3A_394 = tpu.vector_load %arg8[%get3A] {strides = array<i32>} : memref<1024xi32, #tpu.memory_space<vmem>>, vector<16xi32>,
      %mul3A_395 = arith.constant 16 : i32
      %mul3A_396 = arith.muli %or3A_389, %mul3A_395 : i32
      %get3A_397 = arith.index_cast %mul3A_396 : i32 to index
      %get3A_398 = tpu.vector_load %arg9[%get3A_397] {strides = array<i32>} : memref<1024xi32, #tpu.memory_space<vmem>>, vector<16xi32>,
      %mul3A_399 = arith.constant 16 : i32
      %mul3A_400 = arith.muli %or3A_391, %mul3A_399 : i32
      %get3A_401 = arith.index_cast %mul3A_400 : i32 to index
      %get3A_402 = tpu.vector_load %arg8[%get3A_401] {strides = array<i32>} : memref<1024xi32, #tpu.memory_space<vmem>>, vector<16xi32>,
      %mul3A_403 = arith.constant 16 : i32
      %mul3A_404 = arith.muli %or3A_391, %mul3A_403 : i32
      %get3A_405 = arith.index_cast %mul3A_404 : i32 to index
      %get3A_406 = tpu.vector_load %arg9[%get3A_405] {strides = array<i32>} : memref<1024xi32, #tpu.memory_space<vmem>>, vector<16xi32>,
      %gt3A = arith.cmpi ugt, %get3A_394, %get3A_402 : vector<16xi32>
      %eq3A = arith.cmpi eq, %get3A_394, %get3A_402 : vector<16xi32>
      %lt3A = arith.cmpi slt, %get3A_398, %get3A_406 : vector<16xi32>
      %and3A_407 = arith.andi %eq3A, %lt3A : vector<16xi1>
      %or3A_408 = arith.ori %gt3A, %and3A_407 : vector<16xi1>
      %mul3A_409 = arith.constant 16 : i32
      %mul3A_410 = arith.muli %or3A_389, %mul3A_409 : i32
      %and3A_411 = arith.constant 1024 : i32
      %and3A_412 = arith.andi %mul3A_410, %and3A_411 : i32
      %eq3A_413 = arith.constant 0 : i32
      %eq3A_414 = arith.cmpi eq, %and3A_412, %eq3A_413 : i32
      %broadcast_in_dim3A_415 = vector.broadcast %eq3A_414 : i1 to vector<16xi1>
      %not3A = arith.constant dense<true> : vector<16xi1>
      %not3A_416 = arith.xori %or3A_408, %not3A : vector<16xi1>
      %select_n3A = arith.select %broadcast_in_dim3A_415, %or3A_408, %not3A_416 : vector<16xi1>, vector<16xi1>
      %select_n3A_417 = arith.select %select_n3A, %get3A_394, %get3A_402 : vector<16xi1>, vector<16xi32>
      %select_n3A_418 = arith.select %select_n3A, %get3A_398, %get3A_406 : vector<16xi1>, vector<16xi32>
      %select_n3A_419 = arith.select %select_n3A, %get3A_402, %get3A_394 : vector<16xi1>, vector<16xi32>
      %select_n3A_420 = arith.select %select_n3A, %get3A_406, %get3A_398 : vector<16xi1>, vector<16xi32>
      %mul3A_421 = arith.constant 16 : i32
      %mul3A_422 = arith.muli %or3A_389, %mul3A_421 : i32
      %swap3A = arith.index_cast %mul3A_422 : i32 to index
      %swap3A_423 = tpu.vector_load %arg8[%swap3A] {strides = array<i32>} : memref<1024xi32, #tpu.memory_space<vmem>>, vector<16xi32>,
      tpu.vector_store %arg8[%swap3A], %select_n3A_417 {strides = array<i32>} : memref<1024xi32, #tpu.memory_space<vmem>>, vector<16xi32>,
      %mul3A_424 = arith.constant 16 : i32
      %mul3A_425 = arith.muli %or3A_389, %mul3A_424 : i32
      %swap3A_426 = arith.index_cast %mul3A_425 : i32 to index
      %swap3A_427 = tpu.vector_load %arg9[%swap3A_426] {strides = array<i32>} : memref<1024xi32, #tpu.memory_space<vmem>>, vector<16xi32>,
      tpu.vector_store %arg9[%swap3A_426], %select_n3A_418 {strides = array<i32>} : memref<1024xi32, #tpu.memory_space<vmem>>, vector<16xi32>,
      %mul3A_428 = arith.constant 16 : i32
      %mul3A_429 = arith.muli %or3A_391, %mul3A_428 : i32
      %swap3A_430 = arith.index_cast %mul3A_429 : i32 to index
      %swap3A_431 = tpu.vector_load %arg8[%swap3A_430] {strides = array<i32>} : memref<1024xi32, #tpu.memory_space<vmem>>, vector<16xi32>,
      tpu.vector_store %arg8[%swap3A_430], %select_n3A_419 {strides = array<i32>} : memref<1024xi32, #tpu.memory_space<vmem>>, vector<16xi32>,
      %mul3A_432 = arith.constant 16 : i32
      %mul3A_433 = arith.muli %or3A_391, %mul3A_432 : i32
      %swap3A_434 = arith.index_cast %mul3A_433 : i32 to index
      %swap3A_435 = tpu.vector_load %arg9[%swap3A_434] {strides = array<i32>} : memref<1024xi32, #tpu.memory_space<vmem>>, vector<16xi32>,
      tpu.vector_store %arg9[%swap3A_434], %select_n3A_420 {strides = array<i32>} : memref<1024xi32, #tpu.memory_space<vmem>>, vector<16xi32>,
      %scan3A_436 = arith.constant 0 : i32
      scf.yield %scan3A_436 : i32
    }
    %scan3A_276 = arith.constant 32 : i32
    %scan3A_277 = arith.constant 0 : i32
    %scan3A_278 = arith.constant 0 : i32
    %scan3A_279 = arith.constant 32 : i32
    %scan3A_280 = arith.addi %scan3A_278, %scan3A_279 : i32
    %scan3A_281 = arith.constant 1 : i32
    %scan3A_282 = scf.for %scan3A_382 = %scan3A_278 to %scan3A_280 step %scan3A_281 iter_args(%scan3A_383 = %scan3A_277) -> (i32)  : i32 {
      %and3A = arith.constant -8 : i32
      %and3A_384 = arith.andi %scan3A_382, %and3A : i32
      %shift_left3A_385 = arith.constant 1 : i32
      %shift_left3A_386 = arith.shli %and3A_384, %shift_left3A_385 : i32
      %and3A_387 = arith.constant 7 : i32
      %and3A_388 = arith.andi %scan3A_382, %and3A_387 : i32
      %or3A_389 = arith.ori %shift_left3A_386, %and3A_388 : i32
      %or3A_390 = arith.constant 8 : i32
      %or3A_391 = arith.ori %or3A_389, %or3A_390 : i32
      %mul3A_392 = arith.constant 16 : i32
      %mul3A_393 = arith.muli %or3A_389, %mul3A_392 : i32
      %get3A = arith.index_cast %mul3A_393 : i32 to index
      %get3A_394 = tpu.vector_load %arg8[%get3A] {strides = array<i32>} : memref<1024xi32, #tpu.memory_space<vmem>>, vector<16xi32>,
      %mul3A_395 = arith.constant 16 : i32
      %mul3A_396 = arith.muli %or3A_389, %mul3A_395 : i32
      %get3A_397 = arith.index_cast %mul3A_396 : i32 to index
      %get3A_398 = tpu.vector_load %arg9[%get3A_397] {strides = array<i32>} : memref<1024xi32, #tpu.memory_space<vmem>>, vector<16xi32>,
      %mul3A_399 = arith.constant 16 : i32
      %mul3A_400 = arith.muli %or3A_391, %mul3A_399 : i32
      %get3A_401 = arith.index_cast %mul3A_400 : i32 to index
      %get3A_402 = tpu.vector_load %arg8[%get3A_401] {strides = array<i32>} : memref<1024xi32, #tpu.memory_space<vmem>>, vector<16xi32>,
      %mul3A_403 = arith.constant 16 : i32
      %mul3A_404 = arith.muli %or3A_391, %mul3A_403 : i32
      %get3A_405 = arith.index_cast %mul3A_404 : i32 to index
      %get3A_406 = tpu.vector_load %arg9[%get3A_405] {strides = array<i32>} : memref<1024xi32, #tpu.memory_space<vmem>>, vector<16xi32>,
      %gt3A = arith.cmpi ugt, %get3A_394, %get3A_402 : vector<16xi32>
      %eq3A = arith.cmpi eq, %get3A_394, %get3A_402 : vector<16xi32>
      %lt3A = arith.cmpi slt, %get3A_398, %get3A_406 : vector<16xi32>
      %and3A_407 = arith.andi %eq3A, %lt3A : vector<16xi1>
      %or3A_408 = arith.ori %gt3A, %and3A_407 : vector<16xi1>
      %mul3A_409 = arith.constant 16 : i32
      %mul3A_410 = arith.muli %or3A_389, %mul3A_409 : i32
      %and3A_411 = arith.constant 1024 : i32
      %and3A_412 = arith.andi %mul3A_410, %and3A_411 : i32
      %eq3A_413 = arith.constant 0 : i32
      %eq3A_414 = arith.cmpi eq, %and3A_412, %eq3A_413 : i32
      %broadcast_in_dim3A_415 = vector.broadcast %eq3A_414 : i1 to vector<16xi1>
      %not3A = arith.constant dense<true> : vector<16xi1>
      %not3A_416 = arith.xori %or3A_408, %not3A : vector<16xi1>
      %select_n3A = arith.select %broadcast_in_dim3A_415, %or3A_408, %not3A_416 : vector<16xi1>, vector<16xi1>
      %select_n3A_417 = arith.select %select_n3A, %get3A_394, %get3A_402 : vector<16xi1>, vector<16xi32>
      %select_n3A_418 = arith.select %select_n3A, %get3A_398, %get3A_406 : vector<16xi1>, vector<16xi32>
      %select_n3A_419 = arith.select %select_n3A, %get3A_402, %get3A_394 : vector<16xi1>, vector<16xi32>
      %select_n3A_420 = arith.select %select_n3A, %get3A_406, %get3A_398 : vector<16xi1>, vector<16xi32>
      %mul3A_421 = arith.constant 16 : i32
      %mul3A_422 = arith.muli %or3A_389, %mul3A_421 : i32
      %swap3A = arith.index_cast %mul3A_422 : i32 to index
      %swap3A_423 = tpu.vector_load %arg8[%swap3A] {strides = array<i32>} : memref<1024xi32, #tpu.memory_space<vmem>>, vector<16xi32>,
      tpu.vector_store %arg8[%swap3A], %select_n3A_417 {strides = array<i32>} : memref<1024xi32, #tpu.memory_space<vmem>>, vector<16xi32>,
      %mul3A_424 = arith.constant 16 : i32
      %mul3A_425 = arith.muli %or3A_389, %mul3A_424 : i32
      %swap3A_426 = arith.index_cast %mul3A_425 : i32 to index
      %swap3A_427 = tpu.vector_load %arg9[%swap3A_426] {strides = array<i32>} : memref<1024xi32, #tpu.memory_space<vmem>>, vector<16xi32>,
      tpu.vector_store %arg9[%swap3A_426], %select_n3A_418 {strides = array<i32>} : memref<1024xi32, #tpu.memory_space<vmem>>, vector<16xi32>,
      %mul3A_428 = arith.constant 16 : i32
      %mul3A_429 = arith.muli %or3A_391, %mul3A_428 : i32
      %swap3A_430 = arith.index_cast %mul3A_429 : i32 to index
      %swap3A_431 = tpu.vector_load %arg8[%swap3A_430] {strides = array<i32>} : memref<1024xi32, #tpu.memory_space<vmem>>, vector<16xi32>,
      tpu.vector_store %arg8[%swap3A_430], %select_n3A_419 {strides = array<i32>} : memref<1024xi32, #tpu.memory_space<vmem>>, vector<16xi32>,
      %mul3A_432 = arith.constant 16 : i32
      %mul3A_433 = arith.muli %or3A_391, %mul3A_432 : i32
      %swap3A_434 = arith.index_cast %mul3A_433 : i32 to index
      %swap3A_435 = tpu.vector_load %arg9[%swap3A_434] {strides = array<i32>} : memref<1024xi32, #tpu.memory_space<vmem>>, vector<16xi32>,
      tpu.vector_store %arg9[%swap3A_434], %select_n3A_420 {strides = array<i32>} : memref<1024xi32, #tpu.memory_space<vmem>>, vector<16xi32>,
      %scan3A_436 = arith.constant 0 : i32
      scf.yield %scan3A_436 : i32
    }
    %scan3A_283 = arith.constant 32 : i32
    %scan3A_284 = arith.constant 0 : i32
    %scan3A_285 = arith.constant 0 : i32
    %scan3A_286 = arith.constant 32 : i32
    %scan3A_287 = arith.addi %scan3A_285, %scan3A_286 : i32
    %scan3A_288 = arith.constant 1 : i32
    %scan3A_289 = scf.for %scan3A_382 = %scan3A_285 to %scan3A_287 step %scan3A_288 iter_args(%scan3A_383 = %scan3A_284) -> (i32)  : i32 {
      %and3A = arith.constant -4 : i32
      %and3A_384 = arith.andi %scan3A_382, %and3A : i32
      %shift_left3A_385 = arith.constant 1 : i32
      %shift_left3A_386 = arith.shli %and3A_384, %shift_left3A_385 : i32
      %and3A_387 = arith.constant 3 : i32
      %and3A_388 = arith.andi %scan3A_382, %and3A_387 : i32
      %or3A_389 = arith.ori %shift_left3A_386, %and3A_388 : i32
      %or3A_390 = arith.constant 4 : i32
      %or3A_391 = arith.ori %or3A_389, %or3A_390 : i32
      %mul3A_392 = arith.constant 16 : i32
      %mul3A_393 = arith.muli %or3A_389, %mul3A_392 : i32
      %get3A = arith.index_cast %mul3A_393 : i32 to index
      %get3A_394 = tpu.vector_load %arg8[%get3A] {strides = array<i32>} : memref<1024xi32, #tpu.memory_space<vmem>>, vector<16xi32>,
      %mul3A_395 = arith.constant 16 : i32
      %mul3A_396 = arith.muli %or3A_389, %mul3A_395 : i32
      %get3A_397 = arith.index_cast %mul3A_396 : i32 to index
      %get3A_398 = tpu.vector_load %arg9[%get3A_397] {strides = array<i32>} : memref<1024xi32, #tpu.memory_space<vmem>>, vector<16xi32>,
      %mul3A_399 = arith.constant 16 : i32
      %mul3A_400 = arith.muli %or3A_391, %mul3A_399 : i32
      %get3A_401 = arith.index_cast %mul3A_400 : i32 to index
      %get3A_402 = tpu.vector_load %arg8[%get3A_401] {strides = array<i32>} : memref<1024xi32, #tpu.memory_space<vmem>>, vector<16xi32>,
      %mul3A_403 = arith.constant 16 : i32
      %mul3A_404 = arith.muli %or3A_391, %mul3A_403 : i32
      %get3A_405 = arith.index_cast %mul3A_404 : i32 to index
      %get3A_406 = tpu.vector_load %arg9[%get3A_405] {strides = array<i32>} : memref<1024xi32, #tpu.memory_space<vmem>>, vector<16xi32>,
      %gt3A = arith.cmpi ugt, %get3A_394, %get3A_402 : vector<16xi32>
      %eq3A = arith.cmpi eq, %get3A_394, %get3A_402 : vector<16xi32>
      %lt3A = arith.cmpi slt, %get3A_398, %get3A_406 : vector<16xi32>
      %and3A_407 = arith.andi %eq3A, %lt3A : vector<16xi1>
      %or3A_408 = arith.ori %gt3A, %and3A_407 : vector<16xi1>
      %mul3A_409 = arith.constant 16 : i32
      %mul3A_410 = arith.muli %or3A_389, %mul3A_409 : i32
      %and3A_411 = arith.constant 1024 : i32
      %and3A_412 = arith.andi %mul3A_410, %and3A_411 : i32
      %eq3A_413 = arith.constant 0 : i32
      %eq3A_414 = arith.cmpi eq, %and3A_412, %eq3A_413 : i32
      %broadcast_in_dim3A_415 = vector.broadcast %eq3A_414 : i1 to vector<16xi1>
      %not3A = arith.constant dense<true> : vector<16xi1>
      %not3A_416 = arith.xori %or3A_408, %not3A : vector<16xi1>
      %select_n3A = arith.select %broadcast_in_dim3A_415, %or3A_408, %not3A_416 : vector<16xi1>, vector<16xi1>
      %select_n3A_417 = arith.select %select_n3A, %get3A_394, %get3A_402 : vector<16xi1>, vector<16xi32>
      %select_n3A_418 = arith.select %select_n3A, %get3A_398, %get3A_406 : vector<16xi1>, vector<16xi32>
      %select_n3A_419 = arith.select %select_n3A, %get3A_402, %get3A_394 : vector<16xi1>, vector<16xi32>
      %select_n3A_420 = arith.select %select_n3A, %get3A_406, %get3A_398 : vector<16xi1>, vector<16xi32>
      %mul3A_421 = arith.constant 16 : i32
      %mul3A_422 = arith.muli %or3A_389, %mul3A_421 : i32
      %swap3A = arith.index_cast %mul3A_422 : i32 to index
      %swap3A_423 = tpu.vector_load %arg8[%swap3A] {strides = array<i32>} : memref<1024xi32, #tpu.memory_space<vmem>>, vector<16xi32>,
      tpu.vector_store %arg8[%swap3A], %select_n3A_417 {strides = array<i32>} : memref<1024xi32, #tpu.memory_space<vmem>>, vector<16xi32>,
      %mul3A_424 = arith.constant 16 : i32
      %mul3A_425 = arith.muli %or3A_389, %mul3A_424 : i32
      %swap3A_426 = arith.index_cast %mul3A_425 : i32 to index
      %swap3A_427 = tpu.vector_load %arg9[%swap3A_426] {strides = array<i32>} : memref<1024xi32, #tpu.memory_space<vmem>>, vector<16xi32>,
      tpu.vector_store %arg9[%swap3A_426], %select_n3A_418 {strides = array<i32>} : memref<1024xi32, #tpu.memory_space<vmem>>, vector<16xi32>,
      %mul3A_428 = arith.constant 16 : i32
      %mul3A_429 = arith.muli %or3A_391, %mul3A_428 : i32
      %swap3A_430 = arith.index_cast %mul3A_429 : i32 to index
      %swap3A_431 = tpu.vector_load %arg8[%swap3A_430] {strides = array<i32>} : memref<1024xi32, #tpu.memory_space<vmem>>, vector<16xi32>,
      tpu.vector_store %arg8[%swap3A_430], %select_n3A_419 {strides = array<i32>} : memref<1024xi32, #tpu.memory_space<vmem>>, vector<16xi32>,
      %mul3A_432 = arith.constant 16 : i32
      %mul3A_433 = arith.muli %or3A_391, %mul3A_432 : i32
      %swap3A_434 = arith.index_cast %mul3A_433 : i32 to index
      %swap3A_435 = tpu.vector_load %arg9[%swap3A_434] {strides = array<i32>} : memref<1024xi32, #tpu.memory_space<vmem>>, vector<16xi32>,
      tpu.vector_store %arg9[%swap3A_434], %select_n3A_420 {strides = array<i32>} : memref<1024xi32, #tpu.memory_space<vmem>>, vector<16xi32>,
      %scan3A_436 = arith.constant 0 : i32
      scf.yield %scan3A_436 : i32
    }
    %scan3A_290 = arith.constant 32 : i32
    %scan3A_291 = arith.constant 0 : i32
    %scan3A_292 = arith.constant 0 : i32
    %scan3A_293 = arith.constant 32 : i32
    %scan3A_294 = arith.addi %scan3A_292, %scan3A_293 : i32
    %scan3A_295 = arith.constant 1 : i32
    %scan3A_296 = scf.for %scan3A_382 = %scan3A_292 to %scan3A_294 step %scan3A_295 iter_args(%scan3A_383 = %scan3A_291) -> (i32)  : i32 {
      %and3A = arith.constant -2 : i32
      %and3A_384 = arith.andi %scan3A_382, %and3A : i32
      %shift_left3A_385 = arith.constant 1 : i32
      %shift_left3A_386 = arith.shli %and3A_384, %shift_left3A_385 : i32
      %and3A_387 = arith.constant 1 : i32
      %and3A_388 = arith.andi %scan3A_382, %and3A_387 : i32
      %or3A_389 = arith.ori %shift_left3A_386, %and3A_388 : i32
      %or3A_390 = arith.constant 2 : i32
      %or3A_391 = arith.ori %or3A_389, %or3A_390 : i32
      %mul3A_392 = arith.constant 16 : i32
      %mul3A_393 = arith.muli %or3A_389, %mul3A_392 : i32
      %get3A = arith.index_cast %mul3A_393 : i32 to index
      %get3A_394 = tpu.vector_load %arg8[%get3A] {strides = array<i32>} : memref<1024xi32, #tpu.memory_space<vmem>>, vector<16xi32>,
      %mul3A_395 = arith.constant 16 : i32
      %mul3A_396 = arith.muli %or3A_389, %mul3A_395 : i32
      %get3A_397 = arith.index_cast %mul3A_396 : i32 to index
      %get3A_398 = tpu.vector_load %arg9[%get3A_397] {strides = array<i32>} : memref<1024xi32, #tpu.memory_space<vmem>>, vector<16xi32>,
      %mul3A_399 = arith.constant 16 : i32
      %mul3A_400 = arith.muli %or3A_391, %mul3A_399 : i32
      %get3A_401 = arith.index_cast %mul3A_400 : i32 to index
      %get3A_402 = tpu.vector_load %arg8[%get3A_401] {strides = array<i32>} : memref<1024xi32, #tpu.memory_space<vmem>>, vector<16xi32>,
      %mul3A_403 = arith.constant 16 : i32
      %mul3A_404 = arith.muli %or3A_391, %mul3A_403 : i32
      %get3A_405 = arith.index_cast %mul3A_404 : i32 to index
      %get3A_406 = tpu.vector_load %arg9[%get3A_405] {strides = array<i32>} : memref<1024xi32, #tpu.memory_space<vmem>>, vector<16xi32>,
      %gt3A = arith.cmpi ugt, %get3A_394, %get3A_402 : vector<16xi32>
      %eq3A = arith.cmpi eq, %get3A_394, %get3A_402 : vector<16xi32>
      %lt3A = arith.cmpi slt, %get3A_398, %get3A_406 : vector<16xi32>
      %and3A_407 = arith.andi %eq3A, %lt3A : vector<16xi1>
      %or3A_408 = arith.ori %gt3A, %and3A_407 : vector<16xi1>
      %mul3A_409 = arith.constant 16 : i32
      %mul3A_410 = arith.muli %or3A_389, %mul3A_409 : i32
      %and3A_411 = arith.constant 1024 : i32
      %and3A_412 = arith.andi %mul3A_410, %and3A_411 : i32
      %eq3A_413 = arith.constant 0 : i32
      %eq3A_414 = arith.cmpi eq, %and3A_412, %eq3A_413 : i32
      %broadcast_in_dim3A_415 = vector.broadcast %eq3A_414 : i1 to vector<16xi1>
      %not3A = arith.constant dense<true> : vector<16xi1>
      %not3A_416 = arith.xori %or3A_408, %not3A : vector<16xi1>
      %select_n3A = arith.select %broadcast_in_dim3A_415, %or3A_408, %not3A_416 : vector<16xi1>, vector<16xi1>
      %select_n3A_417 = arith.select %select_n3A, %get3A_394, %get3A_402 : vector<16xi1>, vector<16xi32>
      %select_n3A_418 = arith.select %select_n3A, %get3A_398, %get3A_406 : vector<16xi1>, vector<16xi32>
      %select_n3A_419 = arith.select %select_n3A, %get3A_402, %get3A_394 : vector<16xi1>, vector<16xi32>
      %select_n3A_420 = arith.select %select_n3A, %get3A_406, %get3A_398 : vector<16xi1>, vector<16xi32>
      %mul3A_421 = arith.constant 16 : i32
      %mul3A_422 = arith.muli %or3A_389, %mul3A_421 : i32
      %swap3A = arith.index_cast %mul3A_422 : i32 to index
      %swap3A_423 = tpu.vector_load %arg8[%swap3A] {strides = array<i32>} : memref<1024xi32, #tpu.memory_space<vmem>>, vector<16xi32>,
      tpu.vector_store %arg8[%swap3A], %select_n3A_417 {strides = array<i32>} : memref<1024xi32, #tpu.memory_space<vmem>>, vector<16xi32>,
      %mul3A_424 = arith.constant 16 : i32
      %mul3A_425 = arith.muli %or3A_389, %mul3A_424 : i32
      %swap3A_426 = arith.index_cast %mul3A_425 : i32 to index
      %swap3A_427 = tpu.vector_load %arg9[%swap3A_426] {strides = array<i32>} : memref<1024xi32, #tpu.memory_space<vmem>>, vector<16xi32>,
      tpu.vector_store %arg9[%swap3A_426], %select_n3A_418 {strides = array<i32>} : memref<1024xi32, #tpu.memory_space<vmem>>, vector<16xi32>,
      %mul3A_428 = arith.constant 16 : i32
      %mul3A_429 = arith.muli %or3A_391, %mul3A_428 : i32
      %swap3A_430 = arith.index_cast %mul3A_429 : i32 to index
      %swap3A_431 = tpu.vector_load %arg8[%swap3A_430] {strides = array<i32>} : memref<1024xi32, #tpu.memory_space<vmem>>, vector<16xi32>,
      tpu.vector_store %arg8[%swap3A_430], %select_n3A_419 {strides = array<i32>} : memref<1024xi32, #tpu.memory_space<vmem>>, vector<16xi32>,
      %mul3A_432 = arith.constant 16 : i32
      %mul3A_433 = arith.muli %or3A_391, %mul3A_432 : i32
      %swap3A_434 = arith.index_cast %mul3A_433 : i32 to index
      %swap3A_435 = tpu.vector_load %arg9[%swap3A_434] {strides = array<i32>} : memref<1024xi32, #tpu.memory_space<vmem>>, vector<16xi32>,
      tpu.vector_store %arg9[%swap3A_434], %select_n3A_420 {strides = array<i32>} : memref<1024xi32, #tpu.memory_space<vmem>>, vector<16xi32>,
      %scan3A_436 = arith.constant 0 : i32
      scf.yield %scan3A_436 : i32
    }
    %scan3A_297 = arith.constant 32 : i32
    %scan3A_298 = arith.constant 0 : i32
    %scan3A_299 = arith.constant 0 : i32
    %scan3A_300 = arith.constant 32 : i32
    %scan3A_301 = arith.addi %scan3A_299, %scan3A_300 : i32
    %scan3A_302 = arith.constant 1 : i32
    %scan3A_303 = scf.for %scan3A_382 = %scan3A_299 to %scan3A_301 step %scan3A_302 iter_args(%scan3A_383 = %scan3A_298) -> (i32)  : i32 {
      %and3A = arith.constant -1 : i32
      %and3A_384 = arith.andi %scan3A_382, %and3A : i32
      %shift_left3A_385 = arith.constant 1 : i32
      %shift_left3A_386 = arith.shli %and3A_384, %shift_left3A_385 : i32
      %and3A_387 = arith.constant 0 : i32
      %and3A_388 = arith.andi %scan3A_382, %and3A_387 : i32
      %or3A_389 = arith.ori %shift_left3A_386, %and3A_388 : i32
      %or3A_390 = arith.constant 1 : i32
      %or3A_391 = arith.ori %or3A_389, %or3A_390 : i32
      %mul3A_392 = arith.constant 16 : i32
      %mul3A_393 = arith.muli %or3A_389, %mul3A_392 : i32
      %get3A = arith.index_cast %mul3A_393 : i32 to index
      %get3A_394 = tpu.vector_load %arg8[%get3A] {strides = array<i32>} : memref<1024xi32, #tpu.memory_space<vmem>>, vector<16xi32>,
      %mul3A_395 = arith.constant 16 : i32
      %mul3A_396 = arith.muli %or3A_389, %mul3A_395 : i32
      %get3A_397 = arith.index_cast %mul3A_396 : i32 to index
      %get3A_398 = tpu.vector_load %arg9[%get3A_397] {strides = array<i32>} : memref<1024xi32, #tpu.memory_space<vmem>>, vector<16xi32>,
      %mul3A_399 = arith.constant 16 : i32
      %mul3A_400 = arith.muli %or3A_391, %mul3A_399 : i32
      %get3A_401 = arith.index_cast %mul3A_400 : i32 to index
      %get3A_402 = tpu.vector_load %arg8[%get3A_401] {strides = array<i32>} : memref<1024xi32, #tpu.memory_space<vmem>>, vector<16xi32>,
      %mul3A_403 = arith.constant 16 : i32
      %mul3A_404 = arith.muli %or3A_391, %mul3A_403 : i32
      %get3A_405 = arith.index_cast %mul3A_404 : i32 to index
      %get3A_406 = tpu.vector_load %arg9[%get3A_405] {strides = array<i32>} : memref<1024xi32, #tpu.memory_space<vmem>>, vector<16xi32>,
      %gt3A = arith.cmpi ugt, %get3A_394, %get3A_402 : vector<16xi32>
      %eq3A = arith.cmpi eq, %get3A_394, %get3A_402 : vector<16xi32>
      %lt3A = arith.cmpi slt, %get3A_398, %get3A_406 : vector<16xi32>
      %and3A_407 = arith.andi %eq3A, %lt3A : vector<16xi1>
      %or3A_408 = arith.ori %gt3A, %and3A_407 : vector<16xi1>
      %mul3A_409 = arith.constant 16 : i32
      %mul3A_410 = arith.muli %or3A_389, %mul3A_409 : i32
      %and3A_411 = arith.constant 1024 : i32
      %and3A_412 = arith.andi %mul3A_410, %and3A_411 : i32
      %eq3A_413 = arith.constant 0 : i32
      %eq3A_414 = arith.cmpi eq, %and3A_412, %eq3A_413 : i32
      %broadcast_in_dim3A_415 = vector.broadcast %eq3A_414 : i1 to vector<16xi1>
      %not3A = arith.constant dense<true> : vector<16xi1>
      %not3A_416 = arith.xori %or3A_408, %not3A : vector<16xi1>
      %select_n3A = arith.select %broadcast_in_dim3A_415, %or3A_408, %not3A_416 : vector<16xi1>, vector<16xi1>
      %select_n3A_417 = arith.select %select_n3A, %get3A_394, %get3A_402 : vector<16xi1>, vector<16xi32>
      %select_n3A_418 = arith.select %select_n3A, %get3A_398, %get3A_406 : vector<16xi1>, vector<16xi32>
      %select_n3A_419 = arith.select %select_n3A, %get3A_402, %get3A_394 : vector<16xi1>, vector<16xi32>
      %select_n3A_420 = arith.select %select_n3A, %get3A_406, %get3A_398 : vector<16xi1>, vector<16xi32>
      %mul3A_421 = arith.constant 16 : i32
      %mul3A_422 = arith.muli %or3A_389, %mul3A_421 : i32
      %swap3A = arith.index_cast %mul3A_422 : i32 to index
      %swap3A_423 = tpu.vector_load %arg8[%swap3A] {strides = array<i32>} : memref<1024xi32, #tpu.memory_space<vmem>>, vector<16xi32>,
      tpu.vector_store %arg8[%swap3A], %select_n3A_417 {strides = array<i32>} : memref<1024xi32, #tpu.memory_space<vmem>>, vector<16xi32>,
      %mul3A_424 = arith.constant 16 : i32
      %mul3A_425 = arith.muli %or3A_389, %mul3A_424 : i32
      %swap3A_426 = arith.index_cast %mul3A_425 : i32 to index
      %swap3A_427 = tpu.vector_load %arg9[%swap3A_426] {strides = array<i32>} : memref<1024xi32, #tpu.memory_space<vmem>>, vector<16xi32>,
      tpu.vector_store %arg9[%swap3A_426], %select_n3A_418 {strides = array<i32>} : memref<1024xi32, #tpu.memory_space<vmem>>, vector<16xi32>,
      %mul3A_428 = arith.constant 16 : i32
      %mul3A_429 = arith.muli %or3A_391, %mul3A_428 : i32
      %swap3A_430 = arith.index_cast %mul3A_429 : i32 to index
      %swap3A_431 = tpu.vector_load %arg8[%swap3A_430] {strides = array<i32>} : memref<1024xi32, #tpu.memory_space<vmem>>, vector<16xi32>,
      tpu.vector_store %arg8[%swap3A_430], %select_n3A_419 {strides = array<i32>} : memref<1024xi32, #tpu.memory_space<vmem>>, vector<16xi32>,
      %mul3A_432 = arith.constant 16 : i32
      %mul3A_433 = arith.muli %or3A_391, %mul3A_432 : i32
      %swap3A_434 = arith.index_cast %mul3A_433 : i32 to index
      %swap3A_435 = tpu.vector_load %arg9[%swap3A_434] {strides = array<i32>} : memref<1024xi32, #tpu.memory_space<vmem>>, vector<16xi32>,
      tpu.vector_store %arg9[%swap3A_434], %select_n3A_420 {strides = array<i32>} : memref<1024xi32, #tpu.memory_space<vmem>>, vector<16xi32>,
      %scan3A_436 = arith.constant 0 : i32
      scf.yield %scan3A_436 : i32
    }
    %scan3A_304 = arith.constant 32 : i32
    %scan3A_305 = arith.constant 0 : i32
    %scan3A_306 = arith.constant 0 : i32
    %scan3A_307 = arith.constant 64 : i32
    %scan3A_308 = arith.addi %scan3A_306, %scan3A_307 : i32
    %scan3A_309 = arith.constant 1 : i32
    %scan3A_310 = scf.for %scan3A_382 = %scan3A_306 to %scan3A_308 step %scan3A_309 iter_args(%scan3A_383 = %scan3A_305) -> (i32)  : i32 {
      %mul3A_384 = arith.constant 16 : i32
      %mul3A_385 = arith.muli %scan3A_382, %mul3A_384 : i32
      %and3A = arith.constant 1024 : i32
      %and3A_386 = arith.andi %mul3A_385, %and3A : i32
      %eq3A = arith.constant 0 : i32
      %eq3A_387 = arith.cmpi eq, %and3A_386, %eq3A : i32
      %mul3A_388 = arith.constant 16 : i32
      %mul3A_389 = arith.muli %scan3A_382, %mul3A_388 : i32
      %get3A = arith.index_cast %mul3A_389 : i32 to index
      %get3A_390 = tpu.vector_load %arg8[%get3A] {strides = array<i32>} : memref<1024xi32, #tpu.memory_space<vmem>>, vector<16xi32>,
      %mul3A_391 = arith.constant 16 : i32
      %mul3A_392 = arith.muli %scan3A_382, %mul3A_391 : i32
      %get3A_393 = arith.index_cast %mul3A_392 : i32 to index
      %get3A_394 = tpu.vector_load %arg9[%get3A_393] {strides = array<i32>} : memref<1024xi32, #tpu.memory_space<vmem>>, vector<16xi32>,
      %masked_sort3A = arith.constant dense<true> : vector<16xi1>
      %masked_sort3A_395, %masked_sort3A_396, %masked_sort3A_397 = tpu.sort %get3A_390, %get3A_394 masked %masked_sort3A : (vector<16xi32>, vector<16xi32>, vector<16xi1>) -> (vector<16xi1>, vector<16xi32>, vector<16xi32>)
      %broadcast_in_dim3A_398 = vector.broadcast %eq3A_387 : i1 to vector<16xi1>
      %rev3A = arith.constant 15 : i32
      %rev3A_399 = vector.broadcast %rev3A : i32 to vector<16xi32>
      %rev3A_400 = tpu.iota {dimensions = array<i32: 0>} : vector<16xi32>
      %rev3A_401 = arith.subi %rev3A_399, %rev3A_400 : vector<16xi32>
      %rev3A_402 = tpu.dynamic_gather %masked_sort3A_396[%rev3A_401] in [0] : vector<16xi32>, vector<16xi32> -> vector<16xi32>
      %select_n3A = arith.select %broadcast_in_dim3A_398, %rev3A_402, %masked_sort3A_396 : vector<16xi1>, vector<16xi32>
      %rev3A_403 = arith.constant 15 : i32
      %rev3A_404 = vector.broadcast %rev3A_403 : i32 to vector<16xi32>
      %rev3A_405 = tpu.iota {dimensions = array<i32: 0>} : vector<16xi32>
      %rev3A_406 = arith.subi %rev3A_404, %rev3A_405 : vector<16xi32>
      %rev3A_407 = tpu.dynamic_gather %masked_sort3A_397[%rev3A_406] in [0] : vector<16xi32>, vector<16xi32> -> vector<16xi32>
      %select_n3A_408 = arith.select %broadcast_in_dim3A_398, %rev3A_407, %masked_sort3A_397 : vector<16xi1>, vector<16xi32>
      %mul3A_409 = arith.constant 16 : i32
      %mul3A_410 = arith.muli %scan3A_382, %mul3A_409 : i32
      %swap3A = arith.index_cast %mul3A_410 : i32 to index
      %swap3A_411 = tpu.vector_load %arg8[%swap3A] {strides = array<i32>} : memref<1024xi32, #tpu.memory_space<vmem>>, vector<16xi32>,
      tpu.vector_store %arg8[%swap3A], %select_n3A {strides = array<i32>} : memref<1024xi32, #tpu.memory_space<vmem>>, vector<16xi32>,
      %mul3A_412 = arith.constant 16 : i32
      %mul3A_413 = arith.muli %scan3A_382, %mul3A_412 : i32
      %swap3A_414 = arith.index_cast %mul3A_413 : i32 to index
      %swap3A_415 = tpu.vector_load %arg9[%swap3A_414] {strides = array<i32>} : memref<1024xi32, #tpu.memory_space<vmem>>, vector<16xi32>,
      tpu.vector_store %arg9[%swap3A_414], %select_n3A_408 {strides = array<i32>} : memref<1024xi32, #tpu.memory_space<vmem>>, vector<16xi32>,
      %scan3A_416 = arith.constant 0 : i32
      scf.yield %scan3A_416 : i32
    }
    %scan3A_311 = arith.constant 64 : i32
    %scan3A_312 = arith.constant 0 : i32
    %scan3A_313 = arith.constant 0 : i32
    %scan3A_314 = arith.constant 64 : i32
    %scan3A_315 = arith.addi %scan3A_313, %scan3A_314 : i32
    %scan3A_316 = arith.constant 1 : i32
    %scan3A_317 = scf.for %scan3A_382 = %scan3A_313 to %scan3A_315 step %scan3A_316 iter_args(%scan3A_383 = %scan3A_312) -> (i32)  : i32 {
      %mul3A_384 = arith.constant 16 : i32
      %mul3A_385 = arith.muli %scan3A_382, %mul3A_384 : i32
      %get3A = arith.index_cast %mul3A_385 : i32 to index
      %get3A_386 = tpu.vector_load %arg8[%get3A] {strides = array<i32>} : memref<1024xi32, #tpu.memory_space<vmem>>, vector<16xi32>,
      %bitcast_convert_type3A = tpu.bitcast %get3A_386 : vector<16xi32> -> vector<16xf32>
      %mul3A_387 = arith.constant 16 : i32
      %mul3A_388 = arith.muli %scan3A_382, %mul3A_387 : i32
      %swap3A = arith.index_cast %mul3A_388 : i32 to index
      %swap3A_389 = tpu.vector_load %arg5[%swap3A] {strides = array<i32>} : memref<32768xf32, #tpu.memory_space<vmem>>, vector<16xf32>,
      tpu.vector_store %arg5[%swap3A], %bitcast_convert_type3A {strides = array<i32>} : memref<32768xf32, #tpu.memory_space<vmem>>, vector<16xf32>,
      %scan3A_390 = arith.constant 0 : i32
      scf.yield %scan3A_390 : i32
    }
    %scan3A_318 = arith.constant 64 : i32
    %scan3A_319 = arith.constant 0 : i32
    %scan3A_320 = arith.constant 0 : i32
    %scan3A_321 = arith.constant 64 : i32
    %scan3A_322 = arith.addi %scan3A_320, %scan3A_321 : i32
    %scan3A_323 = arith.constant 1 : i32
    %scan3A_324 = scf.for %scan3A_382 = %scan3A_320 to %scan3A_322 step %scan3A_323 iter_args(%scan3A_383 = %scan3A_319) -> (i32)  : i32 {
      %mul3A_384 = arith.constant 16 : i32
      %mul3A_385 = arith.muli %scan3A_382, %mul3A_384 : i32
      %add3A_386 = vector.broadcast %mul3A_385 : i32 to vector<16xi32>
      %add3A_387 = arith.addi %add3A_386, %iota3A : vector<16xi32>
      %xor3A = arith.constant 1 : i32
      %xor3A_388 = vector.broadcast %xor3A : i32 to vector<16xi32>
      %xor3A_389 = arith.xori %add3A_387, %xor3A_388 : vector<16xi32>
      %get3A = arith.index_cast %mul3A_385 : i32 to index
      %get3A_390 = tpu.vector_load %arg8[%get3A] {strides = array<i32>} : memref<1024xi32, #tpu.memory_space<vmem>>, vector<16xi32>,
      %gather3A = tpu.vector_load_idx %arg5[%xor3A_389] : memref<32768xf32, #tpu.memory_space<vmem>>[vector<16xi32>], vector<16xf32>,
      %bitcast_convert_type3A = tpu.bitcast %gather3A : vector<16xf32> -> vector<16xi32>
      %get3A_391 = arith.index_cast %mul3A_385 : i32 to index
      %get3A_392 = tpu.vector_load %arg9[%get3A_391] {strides = array<i32>} : memref<1024xi32, #tpu.memory_space<vmem>>, vector<16xi32>,
      %gather3A_393 = tpu.vector_load_idx %arg9[%xor3A_389] : memref<1024xi32, #tpu.memory_space<vmem>>[vector<16xi32>], vector<16xi32>,
      %eq3A = arith.cmpi eq, %get3A_390, %bitcast_convert_type3A : vector<16xi32>
      %lt3A = arith.cmpi slt, %add3A_387, %xor3A_389 : vector<16xi32>
      %min3A = arith.minsi %get3A_392, %gather3A_393 : vector<16xi32>
      %max3A = arith.maxsi %get3A_392, %gather3A_393 : vector<16xi32>
      %select_n3A = arith.select %lt3A, %min3A, %max3A : vector<16xi1>, vector<16xi32>
      %select_n3A_394 = arith.select %eq3A, %select_n3A, %get3A_392 : vector<16xi1>, vector<16xi32>
      %swap3A = arith.index_cast %mul3A_385 : i32 to index
      %swap3A_395 = tpu.vector_load %arg10[%swap3A] {strides = array<i32>} : memref<1024xi32, #tpu.memory_space<vmem>>, vector<16xi32>,
      tpu.vector_store %arg10[%swap3A], %select_n3A_394 {strides = array<i32>} : memref<1024xi32, #tpu.memory_space<vmem>>, vector<16xi32>,
      %scan3A_396 = arith.constant 0 : i32
      scf.yield %scan3A_396 : i32
    }
    %scan3A_325 = arith.constant 64 : i32
    %scan3A_326 = arith.constant 0 : i32
    %scan3A_327 = arith.constant 0 : i32
    %scan3A_328 = arith.constant 64 : i32
    %scan3A_329 = arith.addi %scan3A_327, %scan3A_328 : i32
    %scan3A_330 = arith.constant 1 : i32
    %scan3A_331 = scf.for %scan3A_382 = %scan3A_327 to %scan3A_329 step %scan3A_330 iter_args(%scan3A_383 = %scan3A_326) -> (i32)  : i32 {
      %mul3A_384 = arith.constant 16 : i32
      %mul3A_385 = arith.muli %scan3A_382, %mul3A_384 : i32
      %add3A_386 = vector.broadcast %mul3A_385 : i32 to vector<16xi32>
      %add3A_387 = arith.addi %add3A_386, %iota3A : vector<16xi32>
      %add3A_388 = arith.constant 1 : i32
      %add3A_389 = vector.broadcast %add3A_388 : i32 to vector<16xi32>
      %add3A_390 = arith.addi %add3A_387, %add3A_389 : vector<16xi32>
      %xor3A = arith.constant 1 : i32
      %xor3A_391 = vector.broadcast %xor3A : i32 to vector<16xi32>
      %xor3A_392 = arith.xori %add3A_390, %xor3A_391 : vector<16xi32>
      %sub3A_393 = arith.constant 1 : i32
      %sub3A_394 = vector.broadcast %sub3A_393 : i32 to vector<16xi32>
      %sub3A_395 = arith.subi %xor3A_392, %sub3A_394 : vector<16xi32>
      %max3A = arith.constant 0 : i32
      %max3A_396 = vector.broadcast %max3A : i32 to vector<16xi32>
      %max3A_397 = arith.maxsi %sub3A_395, %max3A_396 : vector<16xi32>
      %min3A = arith.constant 1023 : i32
      %min3A_398 = vector.broadcast %min3A : i32 to vector<16xi32>
      %min3A_399 = arith.minsi %max3A_397, %min3A_398 : vector<16xi32>
      %get3A = arith.index_cast %mul3A_385 : i32 to index
      %get3A_400 = tpu.vector_load %arg8[%get3A] {strides = array<i32>} : memref<1024xi32, #tpu.memory_space<vmem>>, vector<16xi32>,
      %gather3A = tpu.vector_load_idx %arg5[%min3A_399] : memref<32768xf32, #tpu.memory_space<vmem>>[vector<16xi32>], vector<16xf32>,
      %bitcast_convert_type3A = tpu.bitcast %gather3A : vector<16xf32> -> vector<16xi32>
      %get3A_401 = arith.index_cast %mul3A_385 : i32 to index
      %get3A_402 = tpu.vector_load %arg10[%get3A_401] {strides = array<i32>} : memref<1024xi32, #tpu.memory_space<vmem>>, vector<16xi32>,
      %gather3A_403 = tpu.vector_load_idx %arg10[%min3A_399] : memref<1024xi32, #tpu.memory_space<vmem>>[vector<16xi32>], vector<16xi32>,
      %eq3A = arith.cmpi eq, %get3A_400, %bitcast_convert_type3A : vector<16xi32>
      %lt3A = arith.cmpi slt, %add3A_387, %min3A_399 : vector<16xi32>
      %min3A_404 = arith.minsi %get3A_402, %gather3A_403 : vector<16xi32>
      %max3A_405 = arith.maxsi %get3A_402, %gather3A_403 : vector<16xi32>
      %select_n3A = arith.select %lt3A, %min3A_404, %max3A_405 : vector<16xi1>, vector<16xi32>
      %select_n3A_406 = arith.select %eq3A, %select_n3A, %get3A_402 : vector<16xi1>, vector<16xi32>
      %swap3A = arith.index_cast %mul3A_385 : i32 to index
      %swap3A_407 = tpu.vector_load %arg9[%swap3A] {strides = array<i32>} : memref<1024xi32, #tpu.memory_space<vmem>>, vector<16xi32>,
      tpu.vector_store %arg9[%swap3A], %select_n3A_406 {strides = array<i32>} : memref<1024xi32, #tpu.memory_space<vmem>>, vector<16xi32>,
      %scan3A_408 = arith.constant 0 : i32
      scf.yield %scan3A_408 : i32
    }
    %scan3A_332 = arith.constant 64 : i32
    %scan3A_333 = arith.constant 0 : i32
    %scan3A_334 = arith.constant 0 : i32
    %scan3A_335 = arith.constant 64 : i32
    %scan3A_336 = arith.addi %scan3A_334, %scan3A_335 : i32
    %scan3A_337 = arith.constant 1 : i32
    %scan3A_338 = scf.for %scan3A_382 = %scan3A_334 to %scan3A_336 step %scan3A_337 iter_args(%scan3A_383 = %scan3A_333) -> (i32)  : i32 {
      %mul3A_384 = arith.constant 16 : i32
      %mul3A_385 = arith.muli %scan3A_382, %mul3A_384 : i32
      %add3A_386 = vector.broadcast %mul3A_385 : i32 to vector<16xi32>
      %add3A_387 = arith.addi %add3A_386, %iota3A : vector<16xi32>
      %xor3A = arith.constant 1 : i32
      %xor3A_388 = vector.broadcast %xor3A : i32 to vector<16xi32>
      %xor3A_389 = arith.xori %add3A_387, %xor3A_388 : vector<16xi32>
      %get3A = arith.index_cast %mul3A_385 : i32 to index
      %get3A_390 = tpu.vector_load %arg8[%get3A] {strides = array<i32>} : memref<1024xi32, #tpu.memory_space<vmem>>, vector<16xi32>,
      %gather3A = tpu.vector_load_idx %arg5[%xor3A_389] : memref<32768xf32, #tpu.memory_space<vmem>>[vector<16xi32>], vector<16xf32>,
      %bitcast_convert_type3A = tpu.bitcast %gather3A : vector<16xf32> -> vector<16xi32>
      %get3A_391 = arith.index_cast %mul3A_385 : i32 to index
      %get3A_392 = tpu.vector_load %arg9[%get3A_391] {strides = array<i32>} : memref<1024xi32, #tpu.memory_space<vmem>>, vector<16xi32>,
      %gather3A_393 = tpu.vector_load_idx %arg9[%xor3A_389] : memref<1024xi32, #tpu.memory_space<vmem>>[vector<16xi32>], vector<16xi32>,
      %eq3A = arith.cmpi eq, %get3A_390, %bitcast_convert_type3A : vector<16xi32>
      %lt3A = arith.cmpi slt, %add3A_387, %xor3A_389 : vector<16xi32>
      %min3A = arith.minsi %get3A_392, %gather3A_393 : vector<16xi32>
      %max3A = arith.maxsi %get3A_392, %gather3A_393 : vector<16xi32>
      %select_n3A = arith.select %lt3A, %min3A, %max3A : vector<16xi1>, vector<16xi32>
      %select_n3A_394 = arith.select %eq3A, %select_n3A, %get3A_392 : vector<16xi1>, vector<16xi32>
      %swap3A = arith.index_cast %mul3A_385 : i32 to index
      %swap3A_395 = tpu.vector_load %arg10[%swap3A] {strides = array<i32>} : memref<1024xi32, #tpu.memory_space<vmem>>, vector<16xi32>,
      tpu.vector_store %arg10[%swap3A], %select_n3A_394 {strides = array<i32>} : memref<1024xi32, #tpu.memory_space<vmem>>, vector<16xi32>,
      %scan3A_396 = arith.constant 0 : i32
      scf.yield %scan3A_396 : i32
    }
    %scan3A_339 = arith.constant 64 : i32
    %scan3A_340 = arith.constant 0 : i32
    %scan3A_341 = arith.constant 0 : i32
    %scan3A_342 = arith.constant 64 : i32
    %scan3A_343 = arith.addi %scan3A_341, %scan3A_342 : i32
    %scan3A_344 = arith.constant 1 : i32
    %scan3A_345 = scf.for %scan3A_382 = %scan3A_341 to %scan3A_343 step %scan3A_344 iter_args(%scan3A_383 = %scan3A_340) -> (i32)  : i32 {
      %mul3A_384 = arith.constant 16 : i32
      %mul3A_385 = arith.muli %scan3A_382, %mul3A_384 : i32
      %add3A_386 = vector.broadcast %mul3A_385 : i32 to vector<16xi32>
      %add3A_387 = arith.addi %add3A_386, %iota3A : vector<16xi32>
      %add3A_388 = arith.constant 1 : i32
      %add3A_389 = vector.broadcast %add3A_388 : i32 to vector<16xi32>
      %add3A_390 = arith.addi %add3A_387, %add3A_389 : vector<16xi32>
      %xor3A = arith.constant 1 : i32
      %xor3A_391 = vector.broadcast %xor3A : i32 to vector<16xi32>
      %xor3A_392 = arith.xori %add3A_390, %xor3A_391 : vector<16xi32>
      %sub3A_393 = arith.constant 1 : i32
      %sub3A_394 = vector.broadcast %sub3A_393 : i32 to vector<16xi32>
      %sub3A_395 = arith.subi %xor3A_392, %sub3A_394 : vector<16xi32>
      %max3A = arith.constant 0 : i32
      %max3A_396 = vector.broadcast %max3A : i32 to vector<16xi32>
      %max3A_397 = arith.maxsi %sub3A_395, %max3A_396 : vector<16xi32>
      %min3A = arith.constant 1023 : i32
      %min3A_398 = vector.broadcast %min3A : i32 to vector<16xi32>
      %min3A_399 = arith.minsi %max3A_397, %min3A_398 : vector<16xi32>
      %get3A = arith.index_cast %mul3A_385 : i32 to index
      %get3A_400 = tpu.vector_load %arg8[%get3A] {strides = array<i32>} : memref<1024xi32, #tpu.memory_space<vmem>>, vector<16xi32>,
      %gather3A = tpu.vector_load_idx %arg5[%min3A_399] : memref<32768xf32, #tpu.memory_space<vmem>>[vector<16xi32>], vector<16xf32>,
      %bitcast_convert_type3A = tpu.bitcast %gather3A : vector<16xf32> -> vector<16xi32>
      %get3A_401 = arith.index_cast %mul3A_385 : i32 to index
      %get3A_402 = tpu.vector_load %arg10[%get3A_401] {strides = array<i32>} : memref<1024xi32, #tpu.memory_space<vmem>>, vector<16xi32>,
      %gather3A_403 = tpu.vector_load_idx %arg10[%min3A_399] : memref<1024xi32, #tpu.memory_space<vmem>>[vector<16xi32>], vector<16xi32>,
      %eq3A = arith.cmpi eq, %get3A_400, %bitcast_convert_type3A : vector<16xi32>
      %lt3A = arith.cmpi slt, %add3A_387, %min3A_399 : vector<16xi32>
      %min3A_404 = arith.minsi %get3A_402, %gather3A_403 : vector<16xi32>
      %max3A_405 = arith.maxsi %get3A_402, %gather3A_403 : vector<16xi32>
      %select_n3A = arith.select %lt3A, %min3A_404, %max3A_405 : vector<16xi1>, vector<16xi32>
      %select_n3A_406 = arith.select %eq3A, %select_n3A, %get3A_402 : vector<16xi1>, vector<16xi32>
      %swap3A = arith.index_cast %mul3A_385 : i32 to index
      %swap3A_407 = tpu.vector_load %arg9[%swap3A] {strides = array<i32>} : memref<1024xi32, #tpu.memory_space<vmem>>, vector<16xi32>,
      tpu.vector_store %arg9[%swap3A], %select_n3A_406 {strides = array<i32>} : memref<1024xi32, #tpu.memory_space<vmem>>, vector<16xi32>,
      %scan3A_408 = arith.constant 0 : i32
      scf.yield %scan3A_408 : i32
    }
    %scan3A_346 = arith.constant 64 : i32
    %scan3A_347 = arith.constant 0 : i32
    %scan3A_348 = arith.constant 0 : i32
    %scan3A_349 = arith.constant 64 : i32
    %scan3A_350 = arith.addi %scan3A_348, %scan3A_349 : i32
    %scan3A_351 = arith.constant 1 : i32
    %scan3A_352 = scf.for %scan3A_382 = %scan3A_348 to %scan3A_350 step %scan3A_351 iter_args(%scan3A_383 = %scan3A_347) -> (i32)  : i32 {
      %mul3A_384 = arith.constant 16 : i32
      %mul3A_385 = arith.muli %scan3A_382, %mul3A_384 : i32
      %add3A_386 = vector.broadcast %mul3A_385 : i32 to vector<16xi32>
      %add3A_387 = arith.addi %add3A_386, %iota3A : vector<16xi32>
      %xor3A = arith.constant 1 : i32
      %xor3A_388 = vector.broadcast %xor3A : i32 to vector<16xi32>
      %xor3A_389 = arith.xori %add3A_387, %xor3A_388 : vector<16xi32>
      %get3A = arith.index_cast %mul3A_385 : i32 to index
      %get3A_390 = tpu.vector_load %arg8[%get3A] {strides = array<i32>} : memref<1024xi32, #tpu.memory_space<vmem>>, vector<16xi32>,
      %gather3A = tpu.vector_load_idx %arg5[%xor3A_389] : memref<32768xf32, #tpu.memory_space<vmem>>[vector<16xi32>], vector<16xf32>,
      %bitcast_convert_type3A = tpu.bitcast %gather3A : vector<16xf32> -> vector<16xi32>
      %get3A_391 = arith.index_cast %mul3A_385 : i32 to index
      %get3A_392 = tpu.vector_load %arg9[%get3A_391] {strides = array<i32>} : memref<1024xi32, #tpu.memory_space<vmem>>, vector<16xi32>,
      %gather3A_393 = tpu.vector_load_idx %arg9[%xor3A_389] : memref<1024xi32, #tpu.memory_space<vmem>>[vector<16xi32>], vector<16xi32>,
      %eq3A = arith.cmpi eq, %get3A_390, %bitcast_convert_type3A : vector<16xi32>
      %lt3A = arith.cmpi slt, %add3A_387, %xor3A_389 : vector<16xi32>
      %min3A = arith.minsi %get3A_392, %gather3A_393 : vector<16xi32>
      %max3A = arith.maxsi %get3A_392, %gather3A_393 : vector<16xi32>
      %select_n3A = arith.select %lt3A, %min3A, %max3A : vector<16xi1>, vector<16xi32>
      %select_n3A_394 = arith.select %eq3A, %select_n3A, %get3A_392 : vector<16xi1>, vector<16xi32>
      %swap3A = arith.index_cast %mul3A_385 : i32 to index
      %swap3A_395 = tpu.vector_load %arg10[%swap3A] {strides = array<i32>} : memref<1024xi32, #tpu.memory_space<vmem>>, vector<16xi32>,
      tpu.vector_store %arg10[%swap3A], %select_n3A_394 {strides = array<i32>} : memref<1024xi32, #tpu.memory_space<vmem>>, vector<16xi32>,
      %scan3A_396 = arith.constant 0 : i32
      scf.yield %scan3A_396 : i32
    }
    %scan3A_353 = arith.constant 64 : i32
    %scan3A_354 = arith.constant 0 : i32
    %scan3A_355 = arith.constant 0 : i32
    %scan3A_356 = arith.constant 64 : i32
    %scan3A_357 = arith.addi %scan3A_355, %scan3A_356 : i32
    %scan3A_358 = arith.constant 1 : i32
    %scan3A_359 = scf.for %scan3A_382 = %scan3A_355 to %scan3A_357 step %scan3A_358 iter_args(%scan3A_383 = %scan3A_354) -> (i32)  : i32 {
      %mul3A_384 = arith.constant 16 : i32
      %mul3A_385 = arith.muli %scan3A_382, %mul3A_384 : i32
      %add3A_386 = vector.broadcast %mul3A_385 : i32 to vector<16xi32>
      %add3A_387 = arith.addi %add3A_386, %iota3A : vector<16xi32>
      %add3A_388 = arith.constant 1 : i32
      %add3A_389 = vector.broadcast %add3A_388 : i32 to vector<16xi32>
      %add3A_390 = arith.addi %add3A_387, %add3A_389 : vector<16xi32>
      %xor3A = arith.constant 1 : i32
      %xor3A_391 = vector.broadcast %xor3A : i32 to vector<16xi32>
      %xor3A_392 = arith.xori %add3A_390, %xor3A_391 : vector<16xi32>
      %sub3A_393 = arith.constant 1 : i32
      %sub3A_394 = vector.broadcast %sub3A_393 : i32 to vector<16xi32>
      %sub3A_395 = arith.subi %xor3A_392, %sub3A_394 : vector<16xi32>
      %max3A = arith.constant 0 : i32
      %max3A_396 = vector.broadcast %max3A : i32 to vector<16xi32>
      %max3A_397 = arith.maxsi %sub3A_395, %max3A_396 : vector<16xi32>
      %min3A = arith.constant 1023 : i32
      %min3A_398 = vector.broadcast %min3A : i32 to vector<16xi32>
      %min3A_399 = arith.minsi %max3A_397, %min3A_398 : vector<16xi32>
      %get3A = arith.index_cast %mul3A_385 : i32 to index
      %get3A_400 = tpu.vector_load %arg8[%get3A] {strides = array<i32>} : memref<1024xi32, #tpu.memory_space<vmem>>, vector<16xi32>,
      %gather3A = tpu.vector_load_idx %arg5[%min3A_399] : memref<32768xf32, #tpu.memory_space<vmem>>[vector<16xi32>], vector<16xf32>,
      %bitcast_convert_type3A = tpu.bitcast %gather3A : vector<16xf32> -> vector<16xi32>
      %get3A_401 = arith.index_cast %mul3A_385 : i32 to index
      %get3A_402 = tpu.vector_load %arg10[%get3A_401] {strides = array<i32>} : memref<1024xi32, #tpu.memory_space<vmem>>, vector<16xi32>,
      %gather3A_403 = tpu.vector_load_idx %arg10[%min3A_399] : memref<1024xi32, #tpu.memory_space<vmem>>[vector<16xi32>], vector<16xi32>,
      %eq3A = arith.cmpi eq, %get3A_400, %bitcast_convert_type3A : vector<16xi32>
      %lt3A = arith.cmpi slt, %add3A_387, %min3A_399 : vector<16xi32>
      %min3A_404 = arith.minsi %get3A_402, %gather3A_403 : vector<16xi32>
      %max3A_405 = arith.maxsi %get3A_402, %gather3A_403 : vector<16xi32>
      %select_n3A = arith.select %lt3A, %min3A_404, %max3A_405 : vector<16xi1>, vector<16xi32>
      %select_n3A_406 = arith.select %eq3A, %select_n3A, %get3A_402 : vector<16xi1>, vector<16xi32>
      %swap3A = arith.index_cast %mul3A_385 : i32 to index
      %swap3A_407 = tpu.vector_load %arg9[%swap3A] {strides = array<i32>} : memref<1024xi32, #tpu.memory_space<vmem>>, vector<16xi32>,
      tpu.vector_store %arg9[%swap3A], %select_n3A_406 {strides = array<i32>} : memref<1024xi32, #tpu.memory_space<vmem>>, vector<16xi32>,
      %scan3A_408 = arith.constant 0 : i32
      scf.yield %scan3A_408 : i32
    }
    %scan3A_360 = arith.constant 64 : i32
    %scan3A_361 = arith.constant 0 : i32
    %scan3A_362 = arith.constant 0 : i32
    %scan3A_363 = arith.constant 64 : i32
    %scan3A_364 = arith.addi %scan3A_362, %scan3A_363 : i32
    %scan3A_365 = arith.constant 1 : i32
    %scan3A_366 = scf.for %scan3A_382 = %scan3A_362 to %scan3A_364 step %scan3A_365 iter_args(%scan3A_383 = %scan3A_361) -> (i32)  : i32 {
      %mul3A_384 = arith.constant 16 : i32
      %mul3A_385 = arith.muli %scan3A_382, %mul3A_384 : i32
      %add3A_386 = vector.broadcast %mul3A_385 : i32 to vector<16xi32>
      %add3A_387 = arith.addi %add3A_386, %iota3A : vector<16xi32>
      %xor3A = arith.constant 1 : i32
      %xor3A_388 = vector.broadcast %xor3A : i32 to vector<16xi32>
      %xor3A_389 = arith.xori %add3A_387, %xor3A_388 : vector<16xi32>
      %get3A = arith.index_cast %mul3A_385 : i32 to index
      %get3A_390 = tpu.vector_load %arg8[%get3A] {strides = array<i32>} : memref<1024xi32, #tpu.memory_space<vmem>>, vector<16xi32>,
      %gather3A = tpu.vector_load_idx %arg5[%xor3A_389] : memref<32768xf32, #tpu.memory_space<vmem>>[vector<16xi32>], vector<16xf32>,
      %bitcast_convert_type3A = tpu.bitcast %gather3A : vector<16xf32> -> vector<16xi32>
      %get3A_391 = arith.index_cast %mul3A_385 : i32 to index
      %get3A_392 = tpu.vector_load %arg9[%get3A_391] {strides = array<i32>} : memref<1024xi32, #tpu.memory_space<vmem>>, vector<16xi32>,
      %gather3A_393 = tpu.vector_load_idx %arg9[%xor3A_389] : memref<1024xi32, #tpu.memory_space<vmem>>[vector<16xi32>], vector<16xi32>,
      %eq3A = arith.cmpi eq, %get3A_390, %bitcast_convert_type3A : vector<16xi32>
      %lt3A = arith.cmpi slt, %add3A_387, %xor3A_389 : vector<16xi32>
      %min3A = arith.minsi %get3A_392, %gather3A_393 : vector<16xi32>
      %max3A = arith.maxsi %get3A_392, %gather3A_393 : vector<16xi32>
      %select_n3A = arith.select %lt3A, %min3A, %max3A : vector<16xi1>, vector<16xi32>
      %select_n3A_394 = arith.select %eq3A, %select_n3A, %get3A_392 : vector<16xi1>, vector<16xi32>
      %swap3A = arith.index_cast %mul3A_385 : i32 to index
      %swap3A_395 = tpu.vector_load %arg10[%swap3A] {strides = array<i32>} : memref<1024xi32, #tpu.memory_space<vmem>>, vector<16xi32>,
      tpu.vector_store %arg10[%swap3A], %select_n3A_394 {strides = array<i32>} : memref<1024xi32, #tpu.memory_space<vmem>>, vector<16xi32>,
      %scan3A_396 = arith.constant 0 : i32
      scf.yield %scan3A_396 : i32
    }
    %scan3A_367 = arith.constant 64 : i32
    %scan3A_368 = arith.constant 0 : i32
    %scan3A_369 = arith.constant 0 : i32
    %scan3A_370 = arith.constant 64 : i32
    %scan3A_371 = arith.addi %scan3A_369, %scan3A_370 : i32
    %scan3A_372 = arith.constant 1 : i32
    %scan3A_373 = scf.for %scan3A_382 = %scan3A_369 to %scan3A_371 step %scan3A_372 iter_args(%scan3A_383 = %scan3A_368) -> (i32)  : i32 {
      %mul3A_384 = arith.constant 16 : i32
      %mul3A_385 = arith.muli %scan3A_382, %mul3A_384 : i32
      %add3A_386 = vector.broadcast %mul3A_385 : i32 to vector<16xi32>
      %add3A_387 = arith.addi %add3A_386, %iota3A : vector<16xi32>
      %add3A_388 = arith.constant 1 : i32
      %add3A_389 = vector.broadcast %add3A_388 : i32 to vector<16xi32>
      %add3A_390 = arith.addi %add3A_387, %add3A_389 : vector<16xi32>
      %xor3A = arith.constant 1 : i32
      %xor3A_391 = vector.broadcast %xor3A : i32 to vector<16xi32>
      %xor3A_392 = arith.xori %add3A_390, %xor3A_391 : vector<16xi32>
      %sub3A_393 = arith.constant 1 : i32
      %sub3A_394 = vector.broadcast %sub3A_393 : i32 to vector<16xi32>
      %sub3A_395 = arith.subi %xor3A_392, %sub3A_394 : vector<16xi32>
      %max3A = arith.constant 0 : i32
      %max3A_396 = vector.broadcast %max3A : i32 to vector<16xi32>
      %max3A_397 = arith.maxsi %sub3A_395, %max3A_396 : vector<16xi32>
      %min3A = arith.constant 1023 : i32
      %min3A_398 = vector.broadcast %min3A : i32 to vector<16xi32>
      %min3A_399 = arith.minsi %max3A_397, %min3A_398 : vector<16xi32>
      %get3A = arith.index_cast %mul3A_385 : i32 to index
      %get3A_400 = tpu.vector_load %arg8[%get3A] {strides = array<i32>} : memref<1024xi32, #tpu.memory_space<vmem>>, vector<16xi32>,
      %gather3A = tpu.vector_load_idx %arg5[%min3A_399] : memref<32768xf32, #tpu.memory_space<vmem>>[vector<16xi32>], vector<16xf32>,
      %bitcast_convert_type3A = tpu.bitcast %gather3A : vector<16xf32> -> vector<16xi32>
      %get3A_401 = arith.index_cast %mul3A_385 : i32 to index
      %get3A_402 = tpu.vector_load %arg10[%get3A_401] {strides = array<i32>} : memref<1024xi32, #tpu.memory_space<vmem>>, vector<16xi32>,
      %gather3A_403 = tpu.vector_load_idx %arg10[%min3A_399] : memref<1024xi32, #tpu.memory_space<vmem>>[vector<16xi32>], vector<16xi32>,
      %eq3A = arith.cmpi eq, %get3A_400, %bitcast_convert_type3A : vector<16xi32>
      %lt3A = arith.cmpi slt, %add3A_387, %min3A_399 : vector<16xi32>
      %min3A_404 = arith.minsi %get3A_402, %gather3A_403 : vector<16xi32>
      %max3A_405 = arith.maxsi %get3A_402, %gather3A_403 : vector<16xi32>
      %select_n3A = arith.select %lt3A, %min3A_404, %max3A_405 : vector<16xi1>, vector<16xi32>
      %select_n3A_406 = arith.select %eq3A, %select_n3A, %get3A_402 : vector<16xi1>, vector<16xi32>
      %swap3A = arith.index_cast %mul3A_385 : i32 to index
      %swap3A_407 = tpu.vector_load %arg9[%swap3A] {strides = array<i32>} : memref<1024xi32, #tpu.memory_space<vmem>>, vector<16xi32>,
      tpu.vector_store %arg9[%swap3A], %select_n3A_406 {strides = array<i32>} : memref<1024xi32, #tpu.memory_space<vmem>>, vector<16xi32>,
      %scan3A_408 = arith.constant 0 : i32
      scf.yield %scan3A_408 : i32
    }
    %scan3A_374 = arith.constant 64 : i32
    %scan3A_375 = arith.constant 0 : i32
    %scan3A_376 = arith.constant 0 : i32
    %scan3A_377 = arith.constant 64 : i32
    %scan3A_378 = arith.addi %scan3A_376, %scan3A_377 : i32
    %scan3A_379 = arith.constant 1 : i32
    %scan3A_380 = scf.for %scan3A_382 = %scan3A_376 to %scan3A_378 step %scan3A_379 iter_args(%scan3A_383 = %scan3A_375) -> (i32)  : i32 {
      %mul3A_384 = arith.constant 16 : i32
      %mul3A_385 = arith.muli %scan3A_382, %mul3A_384 : i32
      %get3A = arith.index_cast %mul3A_385 : i32 to index
      %get3A_386 = tpu.vector_load %arg8[%get3A] {strides = array<i32>} : memref<1024xi32, #tpu.memory_space<vmem>>, vector<16xi32>,
      %mul3A_387 = arith.constant 16 : i32
      %mul3A_388 = arith.muli %scan3A_382, %mul3A_387 : i32
      %get3A_389 = arith.index_cast %mul3A_388 : i32 to index
      %get3A_390 = tpu.vector_load %arg9[%get3A_389] {strides = array<i32>} : memref<1024xi32, #tpu.memory_space<vmem>>, vector<16xi32>,
      %shift_right_logical3A = arith.constant 31 : i32
      %shift_right_logical3A_391 = vector.broadcast %shift_right_logical3A : i32 to vector<16xi32>
      %shift_right_logical3A_392 = arith.shrui %get3A_386, %shift_right_logical3A_391 : vector<16xi32>
      %ne3A = arith.constant 0 : i32
      %ne3A_393 = vector.broadcast %ne3A : i32 to vector<16xi32>
      %ne3A_394 = arith.cmpi ne, %shift_right_logical3A_392, %ne3A_393 : vector<16xi32>
      %xor3A = arith.constant -2147483648 : i32
      %xor3A_395 = vector.broadcast %xor3A : i32 to vector<16xi32>
      %xor3A_396 = arith.xori %get3A_386, %xor3A_395 : vector<16xi32>
      %not3A = arith.constant dense<-1> : vector<16xi32>
      %not3A_397 = arith.xori %get3A_386, %not3A : vector<16xi32>
      %select_n3A = arith.select %ne3A_394, %xor3A_396, %not3A_397 : vector<16xi1>, vector<16xi32>
      %bitcast_convert_type3A = tpu.bitcast %select_n3A : vector<16xi32> -> vector<16xf32>
      %mul3A_398 = arith.constant 16 : i32
      %mul3A_399 = arith.muli %scan3A_382, %mul3A_398 : i32
      %swap3A = arith.index_cast %mul3A_399 : i32 to index
      %swap3A_400 = tpu.vector_load %arg11[%swap3A] {strides = array<i32>} : memref<1024xf32, #tpu.memory_space<vmem>>, vector<16xf32>,
      tpu.vector_store %arg11[%swap3A], %bitcast_convert_type3A {strides = array<i32>} : memref<1024xf32, #tpu.memory_space<vmem>>, vector<16xf32>,
      %convert_element_type3A = arith.sitofp %get3A_390 : vector<16xi32> to vector<16xf32>
      %mul3A_401 = arith.constant 16 : i32
      %mul3A_402 = arith.muli %scan3A_382, %mul3A_401 : i32
      %swap3A_403 = arith.index_cast %mul3A_402 : i32 to index
      %swap3A_404 = tpu.vector_load %arg12[%swap3A_403] {strides = array<i32>} : memref<1024xf32, #tpu.memory_space<vmem>>, vector<16xf32>,
      tpu.vector_store %arg12[%swap3A_403], %convert_element_type3A {strides = array<i32>} : memref<1024xf32, #tpu.memory_space<vmem>>, vector<16xf32>,
      %scan3A_405 = arith.constant 0 : i32
      scf.yield %scan3A_405 : i32
    }
    %scan3A_381 = arith.constant 64 : i32
    "tpu.region"() ({
      %run_scoped3A = tpu.sem_alloc : memref<!tpu.dma_semaphore, #tpu.memory_space<semaphore_mem>>
      %dma_start3A = arith.constant 0 : i32
      %dma_start3A_382 = tpu.memref_slice %arg3[%add3A, %dma_start3A] : memref<32x1024xf32, #tpu.memory_space<hbm>> -> memref<1x1024xf32, #tpu.memory_space<hbm>>
      %dma_start3A_383 = tpu.memref_squeeze %dma_start3A_382 : memref<1x1024xf32, #tpu.memory_space<hbm>> -> memref<1024xf32, #tpu.memory_space<hbm>>
      %dma_start3A_384 = arith.constant 0 : i32
      %dma_start3A_385 = tpu.memref_slice %arg3[%add3A, %dma_start3A_384] : memref<32x1024xf32, #tpu.memory_space<hbm>> -> memref<1x1024xf32, #tpu.memory_space<hbm>>
      %dma_start3A_386 = tpu.memref_squeeze %dma_start3A_385 : memref<1x1024xf32, #tpu.memory_space<hbm>> -> memref<1024xf32, #tpu.memory_space<hbm>>
      tpu.enqueue_dma source(%arg11 : memref<1024xf32, #tpu.memory_space<vmem>>) target(%dma_start3A_386 : memref<1024xf32, #tpu.memory_space<hbm>>) target_semaphore(%run_scoped3A : memref<!tpu.dma_semaphore, #tpu.memory_space<semaphore_mem>>)
      %dma_wait3A = arith.constant 0 : i32
      %dma_wait3A_387 = tpu.memref_slice %arg3[%add3A, %dma_wait3A] : memref<32x1024xf32, #tpu.memory_space<hbm>> -> memref<1x1024xf32, #tpu.memory_space<hbm>>
      %dma_wait3A_388 = tpu.memref_squeeze %dma_wait3A_387 : memref<1x1024xf32, #tpu.memory_space<hbm>> -> memref<1024xf32, #tpu.memory_space<hbm>>
      %dma_wait3A_389 = arith.constant 0 : i32
      %dma_wait3A_390 = tpu.memref_slice %arg3[%add3A, %dma_wait3A_389] : memref<32x1024xf32, #tpu.memory_space<hbm>> -> memref<1x1024xf32, #tpu.memory_space<hbm>>
      %dma_wait3A_391 = tpu.memref_squeeze %dma_wait3A_390 : memref<1x1024xf32, #tpu.memory_space<hbm>> -> memref<1024xf32, #tpu.memory_space<hbm>>
      tpu.wait_dma2 semaphore(%run_scoped3A : memref<!tpu.dma_semaphore, #tpu.memory_space<semaphore_mem>>) src(%arg11 : memref<1024xf32, #tpu.memory_space<vmem>>) dst(%dma_wait3A_391 : memref<1024xf32, #tpu.memory_space<hbm>>)
      tpu.yield
    }) : () -> ()
    "tpu.region"() ({
      %run_scoped3A = tpu.sem_alloc : memref<!tpu.dma_semaphore, #tpu.memory_space<semaphore_mem>>
      %dma_start3A = arith.constant 0 : i32
      %dma_start3A_382 = tpu.memref_slice %arg4[%add3A, %dma_start3A] : memref<32x1024xf32, #tpu.memory_space<hbm>> -> memref<1x1024xf32, #tpu.memory_space<hbm>>
      %dma_start3A_383 = tpu.memref_squeeze %dma_start3A_382 : memref<1x1024xf32, #tpu.memory_space<hbm>> -> memref<1024xf32, #tpu.memory_space<hbm>>
      %dma_start3A_384 = arith.constant 0 : i32
      %dma_start3A_385 = tpu.memref_slice %arg4[%add3A, %dma_start3A_384] : memref<32x1024xf32, #tpu.memory_space<hbm>> -> memref<1x1024xf32, #tpu.memory_space<hbm>>
      %dma_start3A_386 = tpu.memref_squeeze %dma_start3A_385 : memref<1x1024xf32, #tpu.memory_space<hbm>> -> memref<1024xf32, #tpu.memory_space<hbm>>
      tpu.enqueue_dma source(%arg12 : memref<1024xf32, #tpu.memory_space<vmem>>) target(%dma_start3A_386 : memref<1024xf32, #tpu.memory_space<hbm>>) target_semaphore(%run_scoped3A : memref<!tpu.dma_semaphore, #tpu.memory_space<semaphore_mem>>)
      %dma_wait3A = arith.constant 0 : i32
      %dma_wait3A_387 = tpu.memref_slice %arg4[%add3A, %dma_wait3A] : memref<32x1024xf32, #tpu.memory_space<hbm>> -> memref<1x1024xf32, #tpu.memory_space<hbm>>
      %dma_wait3A_388 = tpu.memref_squeeze %dma_wait3A_387 : memref<1x1024xf32, #tpu.memory_space<hbm>> -> memref<1024xf32, #tpu.memory_space<hbm>>
      %dma_wait3A_389 = arith.constant 0 : i32
      %dma_wait3A_390 = tpu.memref_slice %arg4[%add3A, %dma_wait3A_389] : memref<32x1024xf32, #tpu.memory_space<hbm>> -> memref<1x1024xf32, #tpu.memory_space<hbm>>
      %dma_wait3A_391 = tpu.memref_squeeze %dma_wait3A_390 : memref<1x1024xf32, #tpu.memory_space<hbm>> -> memref<1024xf32, #tpu.memory_space<hbm>>
      tpu.wait_dma2 semaphore(%run_scoped3A : memref<!tpu.dma_semaphore, #tpu.memory_space<semaphore_mem>>) src(%arg12 : memref<1024xf32, #tpu.memory_space<vmem>>) dst(%dma_wait3A_391 : memref<1024xf32, #tpu.memory_space<hbm>>)
      tpu.yield
    }) : () -> ()
    return
  }
}

module attributes {stable_mosaic.version = 14 : i64} {
  func.func @_maxarg_body(%arg0: i32, %arg1: memref<1x32768x80xf32, #tpu.memory_space<vmem>>, %arg2: memref<1x1x32768xf32, #tpu.memory_space<vmem>>, %arg3: memref<1x1x32768xf32, #tpu.memory_space<vmem>>) attributes {dimension_semantics = [#tpu.dimension_semantics<arbitrary>], iteration_bounds = array<i64: 32>, scalar_prefetch = 0 : i64, scratch_operands = 0 : i64, tpu.core_type = #tpu.core_type<tc>, window_params = [{transform_indices = @transform_0, window_bounds = array<i64: 1, 32768, 80>}, {transform_indices = @transform_1, window_bounds = array<i64: 1, 1, 32768>}, {transform_indices = @transform_2, window_bounds = array<i64: 1, 1, 32768>}]} {
    %get3A = arith.constant 0 : index
    %get3A_0 = arith.constant 0 : index
    %get3A_1 = arith.constant 0 : index
    %get3A_2 = vector.load %arg1[%get3A, %get3A_0, %get3A_1] : memref<1x32768x80xf32, #tpu.memory_space<vmem>>, vector<1x32768x80xf32>
    %get3A_3 = vector.shape_cast %get3A_2 : vector<1x32768x80xf32> to vector<32768x80xf32>
    %transpose3A = tpu.transpose %get3A_3, [1, 0] : vector<32768x80xf32> -> vector<80x32768xf32>
    %reduce_max3A = arith.constant dense<0xFF800000> : vector<32768xf32>
    %reduce_max3A_4 = vector.multi_reduction <maximumf>, %transpose3A, %reduce_max3A [0] : vector<80x32768xf32> to vector<32768xf32>
    %iota3A = tpu.iota {dimensions = array<i32: 0>} : vector<80x32768xi32>
    %broadcast_in_dim3A = vector.shape_cast %reduce_max3A_4 : vector<32768xf32> to vector<1x32768xf32>
    %eq3A = vector.broadcast %broadcast_in_dim3A : vector<1x32768xf32> to vector<80x32768xf32>
    %eq3A_5 = arith.cmpf oeq, %transpose3A, %eq3A : vector<80x32768xf32>
    %jit3A = arith.constant 80 : i32
    %broadcast_in_dim3A_6 = vector.broadcast %jit3A : i32 to vector<80x32768xi32>
    %select_n3A = arith.select %eq3A_5, %iota3A, %broadcast_in_dim3A_6 : vector<80x32768xi1>, vector<80x32768xi32>
    %reduce_min3A = arith.constant dense<2147483647> : vector<32768xi32>
    %reduce_min3A_7 = vector.multi_reduction <minsi>, %select_n3A, %reduce_min3A [0] : vector<80x32768xi32> to vector<32768xi32>
    %swap3A = arith.constant 0 : index
    %swap3A_8 = arith.constant 0 : index
    %swap3A_9 = arith.constant 0 : index
    %swap3A_10 = vector.load %arg2[%swap3A, %swap3A_8, %swap3A_9] : memref<1x1x32768xf32, #tpu.memory_space<vmem>>, vector<1x1x32768xf32>
    %swap3A_11 = vector.shape_cast %swap3A_10 : vector<1x1x32768xf32> to vector<32768xf32>
    %swap3A_12 = vector.shape_cast %reduce_max3A_4 : vector<32768xf32> to vector<1x1x32768xf32>
    tpu.vector_store %arg2[%swap3A, %swap3A_8, %swap3A_9], %swap3A_12 {strides = array<i32>} : memref<1x1x32768xf32, #tpu.memory_space<vmem>>, vector<1x1x32768xf32>,
    %convert_element_type3A = arith.sitofp %reduce_min3A_7 : vector<32768xi32> to vector<32768xf32>
    %swap3A_13 = arith.constant 0 : index
    %swap3A_14 = arith.constant 0 : index
    %swap3A_15 = arith.constant 0 : index
    %swap3A_16 = vector.load %arg3[%swap3A_13, %swap3A_14, %swap3A_15] : memref<1x1x32768xf32, #tpu.memory_space<vmem>>, vector<1x1x32768xf32>
    %swap3A_17 = vector.shape_cast %swap3A_16 : vector<1x1x32768xf32> to vector<32768xf32>
    %swap3A_18 = vector.shape_cast %convert_element_type3A : vector<32768xf32> to vector<1x1x32768xf32>
    tpu.vector_store %arg3[%swap3A_13, %swap3A_14, %swap3A_15], %swap3A_18 {strides = array<i32>} : memref<1x1x32768xf32, #tpu.memory_space<vmem>>, vector<1x1x32768xf32>,
    return
  }
  func.func @transform_0(%arg0: i32) -> (i32, i32, i32) {
    %jit3A = arith.constant 1 : i32
    %div3A = arith.divsi %arg0, %jit3A : i32
    %sign3A = arith.constant 0 : i32
    %sign3A_0 = arith.cmpi sgt, %arg0, %sign3A : i32
    %sign3A_1 = arith.extui %sign3A_0 : i1 to i32
    %sign3A_2 = arith.constant 0 : i32
    %sign3A_3 = arith.cmpi slt, %arg0, %sign3A_2 : i32
    %sign3A_4 = arith.extui %sign3A_3 : i1 to i32
    %sign3A_5 = arith.subi %sign3A_1, %sign3A_4 : i32
    %sign3A_6 = arith.constant 0 : i32
    %sign3A_7 = arith.cmpi sgt, %jit3A, %sign3A_6 : i32
    %sign3A_8 = arith.extui %sign3A_7 : i1 to i32
    %sign3A_9 = arith.constant 0 : i32
    %sign3A_10 = arith.cmpi slt, %jit3A, %sign3A_9 : i32
    %sign3A_11 = arith.extui %sign3A_10 : i1 to i32
    %sign3A_12 = arith.subi %sign3A_8, %sign3A_11 : i32
    %ne3A = arith.cmpi ne, %sign3A_5, %sign3A_12 : i32
    %rem3A = arith.remsi %arg0, %jit3A : i32
    %ne3A_13 = arith.constant 0 : i32
    %ne3A_14 = arith.cmpi ne, %rem3A, %ne3A_13 : i32
    %and3A = arith.andi %ne3A, %ne3A_14 : i1
    %sub3A = arith.constant 1 : i32
    %sub3A_15 = arith.subi %div3A, %sub3A : i32
    %select_n3A = arith.select %and3A, %sub3A_15, %div3A : i32
    %jit3A_16 = arith.constant 1 : i32
    %eq3A = arith.constant 0 : i32
    %eq3A_17 = arith.cmpi eq, %jit3A_16, %eq3A : i32
    %jit3A_18 = arith.constant 1 : i32
    %select_n3A_19 = arith.select %eq3A_17, %jit3A_18, %jit3A_16 : i32
    %rem3A_20 = arith.remsi %arg0, %select_n3A_19 : i32
    %ne3A_21 = arith.constant 0 : i32
    %ne3A_22 = arith.cmpi ne, %rem3A_20, %ne3A_21 : i32
    %lt3A = arith.constant 0 : i32
    %lt3A_23 = arith.cmpi slt, %rem3A_20, %lt3A : i32
    %lt3A_24 = arith.constant 0 : i32
    %lt3A_25 = arith.cmpi slt, %select_n3A_19, %lt3A_24 : i32
    %ne3A_26 = arith.xori %lt3A_23, %lt3A_25 : i1
    %and3A_27 = arith.andi %ne3A_26, %ne3A_22 : i1
    %add3A = arith.addi %rem3A_20, %select_n3A_19 : i32
    %select_n3A_28 = arith.select %and3A_27, %add3A, %rem3A_20 : i32
    %c0_i32 = arith.constant 0 : i32
    %c0_i32_29 = arith.constant 0 : i32
    return %select_n3A, %select_n3A_28, %c0_i32 : i32, i32, i32
  }
  func.func @transform_1(%arg0: i32) -> (i32, i32, i32) {
    %c0_i32 = arith.constant 0 : i32
    %c0_i32_0 = arith.constant 0 : i32
    %c0_i32_1 = arith.constant 0 : i32
    return %arg0, %c0_i32, %c0_i32_0 : i32, i32, i32
  }
  func.func @transform_2(%arg0: i32) -> (i32, i32, i32) {
    %c0_i32 = arith.constant 0 : i32
    %c0_i32_0 = arith.constant 0 : i32
    %c0_i32_1 = arith.constant 0 : i32
    return %arg0, %c0_i32, %c0_i32_0 : i32, i32, i32
  }
}

</mosaic_0001>

<sc_bundles>
// kernel: kernel.4.cloned.1.call-start
scs
__scs_entry_jumppad:
0x0: {  	(pc) =	sbr.rel $0x88, $3  }
0x1: {  	(tag) =	ssettag $0x0;
	lr =	simm.s32 $0x1  }
0x2: {  	[smem:$0x3FA0] =	sst lr;
	_ =	strace $0xD0000000  }
0x3: {  	_ = 	snop  }
0x4: {  	_ = 	snop  }
0x5: {  	_ = 	snop  }
0x6: {  	_ = 	snop  }
0x7: {  	_ = 	snop  }
__scs_overlays_trampoline_lowered:
0x8: {  	[smem:$0x3FAF] =	sst s0  }
0x9: {  	[smem:$0x3FB0] =	sst s1  }
0xa: {  	[smem:$0x3FB1] =	sst s2  }
0xb: {  	[smem:$0x3FB2] =	sst s3  }
0xc: {  	[smem:$0x3FB3] =	sst s4  }
0xd: {  	[smem:$0x3FB4] =	sst s5  }
0xe: {  	[smem:$0x3FB5] =	sst s6  }
0xf: {  	[smem:$0x3FB6] =	sst s7  }
0x10: {  	[smem:$0x3FB7] =	sst s8  }
0x11: {  	[smem:$0x3FB8] =	sst s9;
	s0 =	simm.s32 @!p0 $0x0  }
0x12: {  	s1 =	sld [smem:$0x3F9E];
	s0 =	simm.s32 @p0 $0x1  }
0x13: {  	[smem:$0x3FB9] =	sst s0;
	s0 =	simm.s32 @!p1 $0x0  }
0x14: {  	s2 =	sld [smem:$0x3F9D];
	s0 =	simm.s32 @p1 $0x1  }
0x15: {  	[smem:$0x3FBA] =	sst s0;
	s0 =	simm.s32 @!p2 $0x0  }
0x16: {  	s3 =	sld [smem:$0x3FDB];
	s0 =	simm.s32 @p2 $0x1  }
0x17: {  	s4 =	simm.s32 $0x1BF5;
	[smem:$0x3FBC] =	sst s0  }
0x18: {  	s0 =	sld [smem:$0x3F9F];
	_ =	swait.ge [sflag:s4], $0x0  }
0x19: {  	s7 =	sld [smem:$0x3FA0]  }
0x1a: {  	s8 =	sadd.s32 $0xFFFFE003, lr  }
0x1b: {  	s9 =	sadd.s32 $0xFFFFFEF7, lr;
	s5 =	simm.s32 $0xFFFFFFFF;
	p2 =	slt.u32 s8, $0xFFFFF086  }
0x1c: {  	p1 =	slt.u32 s9, $0xF7A;
	s5 =	simm.s32 @!p2 $0x0  }
0x1d: {  	s5 =	simm.s32 @p1 $0x1;
	p0 =	seq.s32 s7, s2  }
0x1e: {  	s7 =	smul.u32 @!p0 $0xF7A, s2;
	p2 =	seq.s32 @!p0 s5, $0x0  }
0x1f: {  	s9 =	smul.u32 $0xF7A, s1;
	s8 =	simm.s32 @!p0 $0x1BF5;
	p2 =	por !p2, p0  }
0x20: {  	[sflag:s8] =	ssyncset.s32 @!p0 $0xFFFFF086;
	s6 =	sadd.s32 @!p0 s3, s7;
	s7 =	simm.s32 @!p0 $0x108  }
0x21: {  	s3 =	sadd.s32 s3, s9;
	s6 =	sadd.s32 @!p0 $0x88, s6;
	s7 =	simm.s32 @p2 $0x1082  }
0x22: {  	[simem:s7], [sflag:s8] =	dma.local @!p0 [hbm:s6], $0xF7A  }
0x23: {  	s9 =	sor.u32 $0xD0000000, s2;
	s6 =	simm.s32 $0x108;
	_ =	swait.ge @!p0 [sflag:s8], $0x0  }
0x24: {  	s3 =	sadd.s32 $0x88, s3;
	s6 =	simm.s32 @!p1 $0x1082;
	[sflag:s4] =	ssyncset.s32 $0xFFFFF086  }
0x25: {  	[simem:s6], [sflag:s4] =	dma.local [hbm:s3], $0xF7A  }
0x26: {  	[smem:$0x3FA0] =	sst s1;
	(tag) =	ssettag s2;
	_ =	strace s9  }
0x27: {  	s1 =	sld [smem:$0x3FB0]  }
0x28: {  	s2 =	sld [smem:$0x3FB1]  }
0x29: {  	s4 =	sld [smem:$0x3FB3]  }
0x2a: {  	p0 =	seq.s32 s5, $0x0;
	s5 =	sld [smem:$0x3FB4]  }
0x2b: {  	s6 =	sld [smem:$0x3FB5]  }
0x2c: {  	s7 =	sld [smem:$0x3FB6]  }
0x2d: {  	s3 =	simm.s32 $0x108;
	s8 =	sld [smem:$0x3FB7]  }
0x2e: {  	s3 =	simm.s32 @!p0 $0x1082;
	s9 =	sld [smem:$0x3FB8]  }
0x2f: {  	lr =	sadd.s32 s0, s3;
	s0 =	sld [smem:$0x3FAF]  }
0x30: {  	s3 =	sld [smem:$0x3FB2]  }
0x31: {  	[smem:$0x3FBB] =	sst s10  }
0x32: {  	s10 =	sld [smem:$0x3FB9];
	_ =	sdelay $0x3  }
0x33: {  	p0 =	seq.s32 s10, $0x1;
	s10 =	sld [smem:$0x3FBB];
	_ =	sdelay $0x3  }
0x34: {  	[smem:$0x3FBB] =	sst s10  }
0x35: {  	s10 =	sld [smem:$0x3FBA];
	_ =	sdelay $0x3  }
0x36: {  	p1 =	seq.s32 s10, $0x1;
	s10 =	sld [smem:$0x3FBB];
	_ =	sdelay $0x3  }
0x37: {  	[smem:$0x3FBB] =	sst s10  }
0x38: {  	s10 =	sld [smem:$0x3FBC]  }
0x39: {  	_ = 	snop;
	(pc) =	sbr.ind lr, $3  }
0x3a: {  	_ = 	snop  }
0x3b: {  	_ = 	snop  }
0x3c: {  	p2 =	seq.s32 s10, $0x1;
	s10 =	sld [smem:$0x3FBB]  }
0x3d: {  	_ =	shalt  }
0x3e: {  	_ =	shalt  }
0x3f: {  	_ =	shalt  }
0x40: {  	_ =	shalt  }
0x41: {  	_ =	shalt  }
0x42: {  	_ =	shalt  }
0x43: {  	_ =	shalt  }
0x44: {  	_ =	shalt  }
0x45: {  	_ =	shalt  }
0x46: {  	_ =	shalt  }
0x47: {  	_ =	shalt  }
0x48: {  	_ =	shalt  }
0x49: {  	_ =	shalt  }
0x4a: {  	_ =	shalt  }
0x4b: {  	_ =	shalt  }
0x4c: {  	_ =	shalt  }
0x4d: {  	_ =	shalt  }
0x4e: {  	_ =	shalt  }
0x4f: {  	_ =	shalt  }
0x50: {  	_ =	shalt  }
0x51: {  	_ =	shalt  }
0x52: {  	_ =	shalt  }
0x53: {  	_ =	shalt  }
0x54: {  	_ =	shalt  }
0x55: {  	_ =	shalt  }
0x56: {  	_ =	shalt  }
0x57: {  	_ =	shalt  }
0x58: {  	_ =	shalt  }
0x59: {  	_ =	shalt  }
0x5a: {  	_ =	shalt  }
0x5b: {  	_ =	shalt  }
0x5c: {  	_ =	shalt  }
0x5d: {  	_ =	shalt  }
0x5e: {  	_ =	shalt  }
0x5f: {  	_ =	shalt  }
0x60: {  	_ =	shalt  }
0x61: {  	_ =	shalt  }
0x62: {  	_ =	shalt  }
0x63: {  	_ =	shalt  }
0x64: {  	_ =	shalt  }
0x65: {  	_ =	shalt  }
0x66: {  	_ =	shalt  }
0x67: {  	_ =	shalt  }
0x68: {  	_ =	shalt  }
0x69: {  	_ =	shalt  }
0x6a: {  	_ =	shalt  }
0x6b: {  	_ =	shalt  }
0x6c: {  	_ =	shalt  }
0x6d: {  	_ =	shalt  }
0x6e: {  	_ =	shalt  }
0x6f: {  	_ =	shalt  }
0x70: {  	_ =	shalt  }
0x71: {  	_ =	shalt  }
0x72: {  	_ =	shalt  }
0x73: {  	_ =	shalt  }
0x74: {  	_ =	shalt  }
0x75: {  	_ =	shalt  }
0x76: {  	_ =	shalt  }
0x77: {  	_ =	shalt  }
0x78: {  	_ =	shalt  }
0x79: {  	_ =	shalt  }
0x7a: {  	_ =	shalt  }
0x7b: {  	_ =	shalt  }
0x7c: {  	_ =	shalt  }
0x7d: {  	_ =	shalt  }
0x7e: {  	_ =	shalt  }
0x7f: {  	_ =	shalt  }
0x80: {  	_ =	shalt  }
0x81: {  	_ =	shalt  }
0x82: {  	_ =	shalt  }
0x83: {  	_ =	shalt  }
0x84: {  	_ =	shalt  }
0x85: {  	_ =	shalt  }
0x86: {  	_ =	shalt  }
0x87: {  	_ =	shalt  }
.Lfunc_end0:
.L_simem_size_0:
called_computation_lowered:
.L_overlay_start_0:
0x88: {  	s2 =	sld [smem:$0x3FD9]  }
0x89: {  	s3 =	sld [smem:$0x3FFE];
	_ =	sdelay $0x1  }
0x8a: {  	s1 =	srdreg.scid  }
0x8b: {  	s0 =	sand.u32 $0x1, s1  }
0x8c: {  	s14 =	sshll.u32 s0, $0xA;
	s2 =	sadd.s32 s3, s2  }
0x8d: {  	s2 =	sadd.s32 s2, s14  }
0x8e: {  	[smem:$0x3FC7] =	sst s2  }
0x8f: {  	_ = 	snop  }
0x90: {  	s2 =	sld [smem:$0x3FD0];
	_ =	sdelay $0x2  }
0x91: {  	s15 =	simm.s32 $0xA;
	s4 =	simm.s32 $0x10  }
0x92: {  	[smem:s4], [sflag:s15] =	dma.local [hbm:s2], $0x1  }
0x93: {  	_ =	swait.eq [sflag:s15], $0x1  }
0x94: {  	[sflag:s15] =	ssyncset.done $0x0  }
0x95: {  	s16 =	sld [smem:$0x10];
	[sflag:s15] =	ssyncadd.s32 $0xFFFFFFFF  }
0x96: {  	s17 =	sld [smem:$0x11];
	(tm) =	ssettm $0x1  }
0x97: {  	s18 =	sld [smem:$0x3FFB];
	_ =	sdelay $0x3  }
0x98: {  	_ =	strace s18  }
0x99: {  	s4 =	sld [smem:$0x3FFC];
	_ =	sdelay $0x3  }
0x9a: {  	_ =	strace s4  }
0x9b: {  	s4 =	sld [smem:$0x3FFD];
	_ =	sdelay $0x3  }
0x9c: {  	_ =	strace s4  }
0x9d: {  	_ =	strace $0x8FFFFFFF  }
0x9e: {  	s19 =	sld [smem:$0x3FDB];
	_ =	sdelay $0x1  }
0x9f: {  	s5 =	simm.s32 $_scs_section_size  }
0xa0: {  	s6 =	simm.s32 $_size__tile_overlayer_lowered;
	s7 =	simm.s32 $_tile_overlayer_lowered  }
0xa1: {  	s22 =	simm.s32 $0x1BFF;
	s21 =	sshll.u32 s7, $0x1;
	s4 =	sadd.s32 s5, s19  }
0xa2: {  	s8 =	simm.s32 $0x0;
	s20 =	sshll.u32 s6, $0x1;
	s6 =	sadd.s32 s21, s4  }
0xa3: {  	[timem:s8], [sflag:s22] =	dma.local [hbm:s6], s20  }
0xa4: {  	_ =	swait.ge [sflag:s22], s20  }
0xa5: {  	s5 =	ssub.s32 $0x0, s20;
	[sflag:s22] =	ssyncset.done $0x0  }
0xa6: {  	[sflag:s22] =	ssyncadd.s32 s5;
	_ =	sdelay $0x1  }
0xa7: {  	s23 =	simm.s32 $0x1B8B  }
0xa8: {  	_ =	swait.ge [sflag:s23], $0x1  }
0xa9: {  	[sflag:s23] =	ssyncset.done $0x0  }
0xaa: {  	s25 =	simm.s32 $0x1B8E;
	s24 =	sld [smem:$0x3FFE];
	[sflag:s23] =	ssyncadd.s32 $0xFFFFFFFF  }
0xab: {  	s26 =	simm.s32 $execute0_lowered;
	[smem:$0x3FD2] =	sst s25  }
0xac: {  	s6 =	sshll.u32 s26, $0x1;
	_ =	strace $0x80000046;
	[dreg:$0x1] =	wrdreg $0xFFFFFFFF  }
0xad: {  	s28 =	simm.s32 $_size_execute0_lowered;
	s4 =	sadd.s32 s4, s6;
	[dreg:$0x0] =	wrdreg $0x0  }
0xae: {  	s6 =	sshll.u32 s28, $0x1;
	[dreg:$0x2] =	wrdreg s4  }
0xaf: {  	[dreg:$0x3] =	wrdreg s6  }
0xb0: {  	[dreg:$0x4] =	wrdreg $0xC0  }
0xb1: {  	_ =	task [dreg:s8], $0x5FFFF  }
0xb2: {  	[dreg:$0x1] =	wrdreg $0xFFFFFFFF  }
0xb3: {  	[dreg:$0x0] =	wrdreg $0x60  }
0xb4: {  	[dreg:$0x2] =	wrdreg s24  }
0xb5: {  	[dreg:$0x3] =	wrdreg s16  }
0xb6: {  	[dreg:$0x4] =	wrdreg s17  }
0xb7: {  	[dreg:$0x5] =	wrdreg $0x9  }
0xb8: {  	_ =	task.clear_ibuf [dreg:s8], $0x6FFFF;
	_ =	strace $0x90000046  }
0xb9: {  	s29 =	simm.s32 $0x9;
	_ =	strace $0x80000048  }
0xba: {  	_ =	swait.ge [sflag:s29], $0x1  }
0xbb: {  	[sflag:s29] =	ssyncadd.s32 $0xFFFFFFFF  }
0xbc: {  	_ =	strace $0x90000048  }
0xbd: {  	_ =	sfence  }
0xbe: {  	s30 =	sld [smem:$0x0];
	_ =	sdelay $0x2  }
0xbf: {  	s31 =	sshll.u32 s1, $0xD;
	s1 =	sshrl.u32 s1, $0x2  }
0xc0: {  	s3 =	sand.u32 $0x4000, s31;
	s1 =	sadd.s32 s1, s30  }
0xc1: {  	s0 =	sor.u32 s3, s0;
	s1 =	sshll.u32 s1, $0x11  }
0xc2: {  	s0 =	sor.u32 s1, s0  }
0xc3: {  	s0 =	sadd.s32 $0x8F2B, s0  }
0xc4: {  	[sflag:s0] =	ssyncadd.remote.s32 $0x1  }
0xc5: {  	_ =	sfence.sel $0xFFFF  }
0xc6: {  	[dreg:$0x0] =	wrdreg $0xFFFFFFFF;
	(pc) =	sbr.abs _section_cstart, $3  }
0xc7: {  	[dreg:$0x1] =	wrdreg $0xFFFFFFFF  }
0xc8: {  	_ =	task.clear_ibuf [dreg:s8], $0x2FFFF;
	_ =	strace $0x9FFFFFFF  }
0xc9: {  	(tm) =	ssettm $0x7FFFFFFF  }
tec
execute0_lowered:
.L_overlay_start_1:
0x0: {  	(tag) =	ssettag $0x1  }
0x1: {  	s3 =	rddreg [dreg:$0x0]  }
0x2: {  	s4 =	rddreg [dreg:$0x1]  }
0x3: {  	s5 =	rddreg [dreg:$0x2]  }
0x4: {  	s0 =	rddreg [dreg:$0x3]  }
0x5: {  	s2 =	simm.s32 $0x0;
	s6 =	srdreg.scid;
	s1 =	stileid.u32  }
0x6: {  	s11 =	simm.s32 $0x18800;
	s12 =	simm.s32 $0x18C00;
	s13 =	simm.s32 $0x19000  }
0x7: {  	s14 =	simm.s32 $0x0;
	[smem:$0x7FF] =	sst s2;
	s6 =	sand.u32 $0x1, s6  }
0x8: {  	s7 =	sshll.u32 s1, $0x8;
	s8 =	sshrl.u32 s1, $0x2;
	s9 =	sshll.u32 s6, $0x7  }
0x9: {  	s7 =	sand.u32 $0x300, s7;
	_ =	strace $0x80000047;
	s31 =	sshll.u32 s8, $0x12  }
0xa: {  	s6 =	ssub.s32 $0x2, s6;
	s8 =	sshll.u32 s8, $0xD;
	s7 =	sor.u32 s9, s7  }
0xb: {  	s10 =	sshrl.u32 s6, $0x1;
	s9 =	sor.u32 s31, s7;
	s7 =	sor.u32 s8, s7  }
0xc: {  	v0 =	vlaneseq.u32;
	s6 =	ssub.s32 s6, s10;
	s8 =	simm.s32 $0x400;
	s10 =	simm.s32 $0x10000  }
0xd: {  	v4 =	vmul.u32 $0xFFFFFFFF, v0;
	s9 =	sshrl.u32 s9, $0x3;
	s7 =	sshrl.u32 s7, $0x3;
	s6 =	smax.u32 s6, $0x1  }
0xe: {  	v1 =	vimm.s32 $0x0;
	v3 =	vimm.s32 $0x1;
	vm0 =	vmxor vm0, vm0;
	s3 =	sadd.s32 s9, s3;
	s4 =	sadd.s32 s4, s7;
	s5 =	sadd.s32 s5, s7  }
0xf: {  	v5 =	vimm.s32 $0x80000000;
	v2 =	vmul.u32 $0x800, v0;
	v4 =	vadd.s32 $0xF, v4;
	s7 =	simm.s32 $0x80;
	s9 =	simm.s32 $0x1;
	s3 =	sadd.s32 $0xC00, s3  }
.LBB2_1:
0x10: {  	[tilespmem:s2], [sflag:$0x1] =	stream.strided.gather [hbm4b:s3+s7], $0x8000, s8, s7, $0x38;
	[tilespmem:$0x19400] =	vst v63  }
0x11: {  	_ =	swait.ge [sflag:s9], $0x8000  }
0x12: {  	[sflag:s9] =	ssyncset.done $0x0  }
0x13: {  	s16 =	simm.s32 $0x0;
	[sflag:s9] =	ssyncadd.s32 $0xFFFF8000  }
0x14: {  	v6 =	vld [tilespmem:s16+$0x30]  }
0x15: {  	v7 =	vld [tilespmem:s16+$0x0]  }
0x16: {  	v10 =	vld [tilespmem:s16+$0x10]  }
0x17: {  	v11 =	vld [tilespmem:s16+$0x20];
	_ =	sdelay $0x1  }
0x18: {  	s15 =	simm.s32 $0x40;
	v8 =	vor.u32 $0x80000000, v6;
	v12 =	vxor.u32 $0xFFFFFFFF, v6;
	vm1 =	vlt.s32 v6, $0x0  }
0x19: {  	v9 =	vld [tilespmem:s15+$0x30];
	v13 =	vor.u32 $0x80000000, v7;
	v8 =	vsel vm1, v12, v8  }
0x1a: {  	v6 =	vld [tilespmem:s15+$0x0];
	v63 =	vxor.u32 $0xFFFFFFFF, v7;
	v14 =	vor.u32 $0x80000000, v10;
	v15 =	vxor.u32 $0xFFFFFFFF, v10;
	[tilespmem:s16+$0x8030] =	vst v8  }
0x1b: {  	vm2 =	vlt.s32 v10, $0x0;
	v10 =	vor.u32 $0x80000000, v11;
	vm1 =	vlt.s32 v7, $0x0;
	v8 =	vld [tilespmem:s15+$0x10]  }
0x1c: {  	v16 =	vxor.u32 $0xFFFFFFFF, v11;
	v12 =	vsel vm1, v63, v13;
	vm1 =	vlt.s32 v11, $0x0;
	v7 =	vld [tilespmem:s15+$0x20]  }
0x1d: {  	s17 =	simm.s32 $0x200;
	v11 =	vsel vm2, v15, v14;
	[tilespmem:s16+$0x8000] =	vst v12;
	v10 =	vsel vm1, v16, v10  }
.LBB2_2:
0x1e: {  	s18 =	sshra.s32 s17, $0x2;
	p0 =	sne.s32 s17, $0x1FF00;
	s17 =	sadd.s32 $0x100, s17;
	v12 =	vor.u32 $0x80000000, v9;
	v13 =	vxor.u32 $0xFFFFFFFF, v9;
	vm1 =	vlt.s32 v9, $0x0;
	[tilespmem:s16+$0x8010] =	vst v11  }
.Ltmp0:
0x1f: {  	v9 =	vld [tilespmem:s18+$0x30];
	v11 =	vor.u32 $0x80000000, v6;
	v14 =	vxor.u32 $0xFFFFFFFF, v6;
	v12 =	vsel vm1, v13, v12;
	[tilespmem:s16+$0x8020] =	vst v10;
	s16 =	smov.u32 s15;
	s15 =	smov.u32 s18;
	(pc) =	sbr.rel @p0 .LBB2_2-.Ltmp0, $4  }
0x20: {  	vm1 =	vlt.s32 v6, $0x0;
	v6 =	vld [tilespmem:s15+$0x0];
	v10 =	vor.u32 $0x80000000, v8;
	v13 =	vxor.u32 $0xFFFFFFFF, v8;
	[tilespmem:s16+$0x8030] =	vst v12  }
0x21: {  	vm2 =	vlt.s32 v8, $0x0;
	v8 =	vld [tilespmem:s15+$0x10];
	v12 =	vor.u32 $0x80000000, v7;
	v15 =	vxor.u32 $0xFFFFFFFF, v7  }
0x22: {  	v14 =	vsel vm1, v14, v11;
	v11 =	vsel vm2, v13, v10;
	vm1 =	vlt.s32 v7, $0x0;
	v7 =	vld [tilespmem:s15+$0x20]  }
0x23: {  	v10 =	vsel vm1, v15, v12;
	[tilespmem:s16+$0x8000] =	vst v14  }
0x24: {  	v12 =	vor.u32 $0x80000000, v9;
	v13 =	vxor.u32 $0xFFFFFFFF, v9;
	vm1 =	vlt.s32 v9, $0x0  }
0x25: {  	[tilespmem:s16+$0x8010] =	vst v11;
	p0 =	por $0x1, $0x1;
	v59 =	vor.u32 $0x80000000, v6;
	v60 =	vxor.u32 $0xFFFFFFFF, v6;
	v12 =	vsel vm1, v13, v12  }
.Ltmp1:
0x26: {  	[tilespmem:s16+$0x8020] =	vst v10;
	vm1 =	vlt.s32 v6, $0x0;
	v6 =	vor.u32 $0x80000000, v8;
	v61 =	vxor.u32 $0xFFFFFFFF, v8;
	(pc) =	sbr.rel @!p0 .LBB2_5-.Ltmp1, $4  }
0x27: {  	[tilespmem:s15+$0x8030] =	vst v12;
	vm2 =	vlt.s32 v8, $0x0;
	v9 =	vsel vm1, v60, v59;
	v62 =	vor.u32 $0x80000000, v7  }
0x28: {  	v63 =	vxor.u32 $0xFFFFFFFF, v7;
	v6 =	vsel vm2, v61, v6;
	vm1 =	vlt.s32 v7, $0x0;
	[tilespmem:s15+$0x8000] =	vst v9  }
0x29: {  	v7 =	vsel vm1, v63, v62;
	[tilespmem:s15+$0x8010] =	vst v6  }
0x2a: {  	s16 =	simm.s32 $0x0;
	s17 =	simm.s32 $0x100;
	[tilespmem:s15+$0x8020] =	vst v7;
	s15 =	simm.s32 $0x0  }
.LBB2_4:
0x2b: {  	p0 =	sne.s32 s17, $0x1FF00;
	[tilespmem:s15+$0x10030] =	vst v1;
	s18 =	smov.u32 s17;
	s17 =	sadd.s32 $0x100, s17  }
.Ltmp2:
0x2c: {  	[tilespmem:s15+$0x10020] =	vst v1;
	(pc) =	sbr.rel @p0 .LBB2_4-.Ltmp2, $3  }
0x2d: {  	[tilespmem:s15+$0x10000] =	vst v1  }
0x2e: {  	[tilespmem:s15+$0x10010] =	vst v1;
	_ =	sdelay $0x1  }
0x2f: {  	s15 =	sshra.s32 s18, $0x2  }
.LBB2_5:
0x30: {  	[tilespmem:s15+$0x10030] =	vst v1  }
0x31: {  	[tilespmem:s15+$0x10020] =	vst v1  }
0x32: {  	[tilespmem:s15+$0x10000] =	vst v1  }
0x33: {  	[tilespmem:s15+$0x10010] =	vst v1  }
.LBB2_6:
0x34: {  	s15 =	sshra.s32 s16, $0x2  }
0x35: {  	v6 =	vld [tilespmem:s15+$0x8000];
	_ =	sdelay $0x4  }
0x36: {  	v6 =	vshrl.u32 v6, $0x15  }
0x37: {  	v7 =	vand.u32 $0x780, v6  }
0x38: {  	v6 =	vand.u32 $0x7F, v6;
	v7 =	vor.u32 v2, v7  }
0x39: {  	v6 =	vor.u32 v6, v7;
	_ =	sdelay $0x4  }
0x3a: {  	[tilespmem:v6+s10+$0x0] =	vst.idx.add.s32.msk $0xffff, v3  }
0x3b: {  	v6 =	vld [tilespmem:s15+$0x8010];
	_ =	sdelay $0x4  }
0x3c: {  	v6 =	vshrl.u32 v6, $0x15  }
0x3d: {  	v7 =	vand.u32 $0x780, v6  }
0x3e: {  	v6 =	vand.u32 $0x7F, v6;
	v7 =	vor.u32 v2, v7  }
0x3f: {  	v6 =	vor.u32 v6, v7;
	_ =	sdelay $0x4  }
0x40: {  	[tilespmem:v6+s10+$0x0] =	vst.idx.add.s32.msk $0xffff, v3  }
0x41: {  	v6 =	vld [tilespmem:s15+$0x8020];
	_ =	sdelay $0x4  }
0x42: {  	v6 =	vshrl.u32 v6, $0x15  }
0x43: {  	v7 =	vand.u32 $0x780, v6  }
0x44: {  	v6 =	vand.u32 $0x7F, v6;
	v7 =	vor.u32 v2, v7  }
0x45: {  	v6 =	vor.u32 v6, v7;
	_ =	sdelay $0x4  }
0x46: {  	[tilespmem:v6+s10+$0x0] =	vst.idx.add.s32.msk $0xffff, v3  }
0x47: {  	v6 =	vld [tilespmem:s15+$0x8030];
	_ =	sdelay $0x4  }
0x48: {  	v6 =	vshrl.u32 v6, $0x15  }
0x49: {  	v7 =	vand.u32 $0x780, v6  }
0x4a: {  	v6 =	vand.u32 $0x7F, v6;
	v7 =	vor.u32 v2, v7  }
0x4b: {  	p0 =	sne.s32 s16, $0x1FF00;
	v6 =	vor.u32 v6, v7  }
.Ltmp3:
0x4c: {  	_ = 	snop;
	(pc) =	sbr.rel @p0 .LBB2_6-.Ltmp3, $2  }
0x4d: {  	_ =	sdelay $0x2  }
0x4e: {  	s16 =	sadd.s32 $0x100, s16;
	[tilespmem:v6+s10+$0x0] =	vst.idx.add.s32.msk $0xffff, v3  }
0x4f: {  	s15 =	simm.s32 $0x0  }
0x50: {  	v6 =	vld [tilespmem:s15+$0x107F0]  }
0x51: {  	v7 =	vld [tilespmem:s15+$0x10FF0]  }
0x52: {  	v8 =	vld [tilespmem:s15+$0x117F0]  }
0x53: {  	v9 =	vld [tilespmem:s15+$0x11FF0]  }
0x54: {  	v10 =	vld [tilespmem:s15+$0x127F0]  }
0x55: {  	v11 =	vld [tilespmem:s15+$0x12FF0]  }
0x56: {  	v6 =	vadd.s32 v6, v7;
	v7 =	vld [tilespmem:s15+$0x137F0]  }
0x57: {  	v6 =	vadd.s32 v8, v6;
	v8 =	vld [tilespmem:s15+$0x13FF0]  }
0x58: {  	v6 =	vadd.s32 v9, v6;
	v9 =	vld [tilespmem:s15+$0x147F0]  }
0x59: {  	v6 =	vadd.s32 v10, v6;
	v10 =	vld [tilespmem:s15+$0x14FF0]  }
0x5a: {  	v6 =	vadd.s32 v11, v6;
	v11 =	vld [tilespmem:s15+$0x157F0]  }
0x5b: {  	v6 =	vadd.s32 v7, v6;
	v7 =	vld [tilespmem:s15+$0x15FF0]  }
0x5c: {  	v6 =	vadd.s32 v8, v6;
	v8 =	vld [tilespmem:s15+$0x167F0]  }
0x5d: {  	v6 =	vadd.s32 v9, v6;
	v9 =	vld [tilespmem:s15+$0x16FF0]  }
0x5e: {  	v6 =	vadd.s32 v10, v6;
	v10 =	vld [tilespmem:s15+$0x177F0]  }
0x5f: {  	s28 =	simm.s32 $0xFFFFFFF0;
	v6 =	vadd.s32 v11, v6;
	v11 =	vld [tilespmem:s15+$0x17FF0]  }
0x60: {  	v6 =	vadd.s32 v7, v6;
	v7 =	vld [tilespmem:s28+$0x107F0]  }
0x61: {  	v6 =	vadd.s32 v8, v6;
	v8 =	vld [tilespmem:s28+$0x10FF0]  }
0x62: {  	v6 =	vadd.s32 v9, v6;
	v9 =	vld [tilespmem:s28+$0x117F0]  }
0x63: {  	v6 =	vadd.s32 v10, v6;
	v10 =	vld [tilespmem:s28+$0x11FF0]  }
0x64: {  	v6 =	vadd.s32 v11, v6;
	v11 =	vld [tilespmem:s28+$0x127F0]  }
0x65: {  	v13 =	vld [tilespmem:s28+$0x12FF0]  }
0x66: {  	v12 =	vperm.xlane v6, v4;
	(xrf0) =	vadd.scan.msk.s32 $0xffff, v6;
	v6 =	vadd.s32 v7, v8;
	v7 =	vld [tilespmem:s28+$0x137F0]  }
0x67: {  	v8 =	vld [tilespmem:s28+$0x13FF0];
	v6 =	vadd.s32 v9, v6  }
0x68: {  	(xrf0) =	vadd.scan.msk.s32 $0xffff, v12;
	v9 =	vld [tilespmem:s28+$0x147F0];
	v6 =	vadd.s32 v10, v6  }
0x69: {  	v10 =	vld [tilespmem:s28+$0x14FF0];
	v6 =	vadd.s32 v11, v6  }
0x6a: {  	v11 =	vld [tilespmem:s28+$0x157F0];
	v6 =	vadd.s32 v13, v6  }
0x6b: {  	v6 =	vadd.s32 v7, v6;
	v7 =	vld [tilespmem:s28+$0x15FF0]  }
0x6c: {  	v6 =	vadd.s32 v8, v6;
	v8 =	vld [tilespmem:s28+$0x167F0]  }
0x6d: {  	v13, _, _ =	vpop (xrf0);
	v6 =	vadd.s32 v9, v6;
	v9 =	vld [tilespmem:s28+$0x16FF0]  }
0x6e: {  	s16 =	simm.s32 $0x0;
	v14, _, _ =	vpop (xrf0);
	v6 =	vadd.s32 v10, v6;
	v10 =	vld [tilespmem:s28+$0x177F0]  }
0x6f: {  	(v2sf) =	vpush v13, $0xF;
	v13 =	vadd.s32 s16, v14;
	v6 =	vadd.s32 v11, v6;
	v11 =	vld [tilespmem:s28+$0x17FF0]  }
0x70: {  	s18 =	simm.s32 $0xFFFFFFE0;
	vm1 =	vgt.s32 v13, $0x3E7;
	v6 =	vadd.s32 v7, v6  }
0x71: {  	v14 =	vld [tilespmem:s18+$0x107F0];
	v13 =	vsel vm1, $0x1, v1;
	v6 =	vadd.s32 v8, v6  }
0x72: {  	v7 =	vor.u32 $0x80000000, v13;
	v13 =	vld [tilespmem:s18+$0x10FF0];
	v6 =	vadd.s32 v9, v6  }
0x73: {  	v6 =	vadd.s32 v10, v6  }
0x74: {  	(xrf0) =	vmax.scan.msk.u32 $0xffff, v7;
	v7 =	vld [tilespmem:s18+$0x117F0];
	v6 =	vadd.s32 v11, v6  }
0x75: {  	v8 =	vld [tilespmem:s18+$0x11FF0];
	(xrf0) =	vadd.scan.msk.s32 $0xffff, v6  }
0x76: {  	v9 =	vld [tilespmem:s18+$0x127F0]  }
0x77: {  	v10 =	vld [tilespmem:s18+$0x12FF0];
	v13 =	vadd.s32 v14, v13  }
0x78: {  	v14 =	vld [tilespmem:s18+$0x137F0]  }
0x79: {  	v11 =	vperm.xlane v6, v4;
	v6 =	vadd.s32 v7, v13;
	v7 =	vld [tilespmem:s18+$0x13FF0]  }
0x7a: {  	v6 =	vadd.s32 v8, v6;
	v8 =	vld [tilespmem:s18+$0x147F0];
	v13, _, _ =	vpop (xrf0)  }
0x7b: {  	v6 =	vadd.s32 v9, v6;
	v9 =	vld [tilespmem:s18+$0x14FF0];
	v15, _, _ =	vpop (xrf0)  }
0x7c: {  	v6 =	vadd.s32 v10, v6;
	v10 =	vld [tilespmem:s18+$0x157F0];
	(v2sf) =	vpush v15, $0xF  }
0x7d: {  	(xrf0) =	vadd.scan.msk.s32 $0xffff, v11;
	v6 =	vadd.s32 v14, v6;
	v14 =	vld [tilespmem:s18+$0x15FF0]  }
0x7e: {  	v6 =	vadd.s32 v7, v6;
	v7 =	vld [tilespmem:s18+$0x167F0]  }
0x7f: {  	v6 =	vadd.s32 v8, v6;
	v8 =	vld [tilespmem:s18+$0x16FF0]  }
0x80: {  	v6 =	vadd.s32 v9, v6;
	v9 =	vld [tilespmem:s18+$0x177F0]  }
0x81: {  	(xrf0) =	vmax.scan.msk.u32 $0xffff, v13;
	v16 =	vxor.u32 $0x80000000, v13;
	vm1 =	veq.s32 v13, $0x80000000;
	v6 =	vadd.s32 v10, v6;
	v10 =	vld [tilespmem:s18+$0x17FF0]  }
0x82: {  	s29 =	spop (v2sf);
	v12 =	vnsel vm1, $0x0, v12;
	(xrf0) =	vadd.scan.msk.s32 $0xffff, v16;
	v6 =	vadd.s32 v14, v6  }
0x83: {  	s17 =	sadd.s32 $0x0, s29;
	(xrf0) =	vadd.scan.msk.s32 $0xffff, v12;
	v17, _, _ =	vpop (xrf0);
	v6 =	vadd.s32 v7, v6  }
0x84: {  	v13 =	vadd.s32 s17, v17;
	v6 =	vadd.s32 v8, v6  }
0x85: {  	s30 =	simm.s32 $0xFFFFFFD0;
	vm2 =	vgt.s32 v13, $0x3E7;
	v6 =	vadd.s32 v9, v6  }
0x86: {  	v12 =	vld [tilespmem:s30+$0x10FF0];
	v14 =	vsel vm2, $0x1, v1;
	v9 =	vadd.s32 v10, v6  }
0x87: {  	v13 =	vld [tilespmem:s30+$0x107F0];
	v15, _, _ =	vpop (xrf0);
	v7 =	vor.u32 $0x80000000, v14  }
0x88: {  	(v2sf) =	vpush v15, $0xF;
	v14 =	vld [tilespmem:s30+$0x117F0];
	v15, _, _ =	vpop (xrf0);
	(xrf0) =	vmax.scan.msk.u32 $0xffff, v7  }
0x89: {  	v7 =	vld [tilespmem:s30+$0x11FF0];
	v6 =	vperm.xlane v9, v4;
	(xrf0) =	vadd.scan.msk.s32 $0xffff, v9;
	v9, _, _ =	vpop (xrf0)  }
0x8a: {  	v8 =	vld [tilespmem:s30+$0x127F0];
	(v2sf) =	vpush v9, $0xF  }
0x8b: {  	v10 =	vld [tilespmem:s30+$0x12FF0];
	s31 =	spop (v2sf);
	(v2sf) =	vpush v15, $0xF  }
0x8c: {  	v12 =	vadd.s32 v13, v12;
	v13 =	vld [tilespmem:s30+$0x137F0]  }
0x8d: {  	v12 =	vadd.s32 v14, v12;
	v14 =	vld [tilespmem:s30+$0x13FF0];
	(xrf0) =	vadd.scan.msk.s32 $0xffff, v6  }
0x8e: {  	v7 =	vadd.s32 v7, v12;
	v12 =	vld [tilespmem:s30+$0x147F0]  }
0x8f: {  	v7 =	vadd.s32 v8, v7  }
0x90: {  	v62, _, _ =	vpop (xrf0);
	v7 =	vadd.s32 v10, v7  }
0x91: {  	v63 =	vld [tilespmem:s30+$0x14FF0];
	v8 =	vxor.u32 $0x80000000, v62;
	(xrf0) =	vmax.scan.msk.u32 $0xffff, v62;
	vm1 =	veq.s32 v62, $0x80000000;
	v7 =	vadd.s32 v13, v7  }
0x92: {  	v10 =	vld [tilespmem:s30+$0x157F0];
	(xrf0) =	vadd.scan.msk.s32 $0xffff, v8;
	v11 =	vnsel vm1, $0x0, v11;
	v8 =	vadd.s32 v14, v7;
	v14, _, _ =	vpop (xrf0)  }
0x93: {  	v13 =	vld [tilespmem:s30+$0x15FF0];
	(xrf0) =	vadd.scan.msk.s32 $0xffff, v11;
	v9 =	vadd.s32 v12, v8;
	s18 =	sadd.s32 s17, s31;
	v12, _, _ =	vpop (xrf0)  }
0x94: {  	v7 =	vld [tilespmem:s30+$0x167F0];
	v12 =	vadd.s32 s18, v12  }
0x95: {  	v8 =	vld [tilespmem:s30+$0x16FF0];
	(v2sf) =	vpush v14, $0xF  }
0x96: {  	p0 =	por $0x0, $0x0;
	s19 =	simm.s32 $0x7EF;
	s21 =	simm.s32 $0xFFFFFFC0;
	v15 =	vadd.s32 v63, v9;
	v9 =	vld [tilespmem:s30+$0x177F0]  }
0x97: {  	s22 =	simm.s32 $0xFFFFFEC0;
	p2 =	por !p0, !p0;
	v14 =	vadd.s32 v10, v15;
	v10 =	vld [tilespmem:s30+$0x17FF0];
	vm1 =	vgt.s32 v12, $0x3E7;
	s20 =	spop (v2sf);
	v12, _, _ =	vpop (xrf0)  }
0x98: {  	s15 =	simm.s32 $0x0;
	v11 =	vld [tilespmem:s21+$0x107F0];
	v14 =	vadd.s32 v13, v14;
	v13 =	vsel vm1, $0x1, v1;
	p1 =	sgt.u32 s20, $0x80000000;
	s20 =	simm.s32 $0x0;
	(v2sf) =	vpush v12, $0xF;
	v12, _, _ =	vpop (xrf0)  }
.LBB2_8:
0x99: {  	p3 =	sne.s32 s22, $0xFFFFE040;
	v15 =	vld [tilespmem:s21+$0x10FF0];
	v7 =	vadd.s32 v7, v14;
	v13 =	vor.u32 $0x80000000, v13;
	v14, _, _ =	vpop (xrf0);
	p2 =	por !p1, !p2;
	s23 =	spop (v2sf)  }
0x9a: {  	v16 =	vld [tilespmem:s21+$0x117F0];
	v7 =	vadd.s32 v8, v7;
	(xrf0) =	vmax.scan.msk.u32 $0xffff, v13;
	(v2sf) =	vpush v14, $0xF;
	s20 =	sadd.s32 s20, s23;
	p2 =	por !p2, !p2;
	s23 =	spop (v2sf)  }
0x9b: {  	v8 =	vld [tilespmem:s21+$0x11FF0];
	v7 =	vadd.s32 v9, v7;
	(v2sf) =	vpush v12, $0xF;
	s23 =	sadd.s32 s19, s23;
	s16 =	smov.u32 @p2 s20;
	s20 =	smov.u32 s17  }
0x9c: {  	s17 =	smov.u32 s18;
	v9 =	vld [tilespmem:s21+$0x127F0];
	v7 =	vadd.s32 v10, v7;
	s15 =	smov.u32 @p2 s23  }
0x9d: {  	v10 =	vld [tilespmem:s21+$0x12FF0];
	v12 =	vperm.xlane v7, v4  }
0x9e: {  	v11 =	vadd.s32 v11, v15;
	v13 =	vld [tilespmem:s21+$0x137F0];
	(xrf0) =	vadd.scan.msk.s32 $0xffff, v7  }
0x9f: {  	v7 =	vadd.s32 v16, v11;
	v11 =	vld [tilespmem:s21+$0x13FF0];
	(xrf0) =	vadd.scan.msk.s32 $0xffff, v12  }
0xa0: {  	v7 =	vadd.s32 v8, v7;
	v8 =	vld [tilespmem:s21+$0x147F0];
	v14, _, _ =	vpop (xrf0)  }
0xa1: {  	v7 =	vadd.s32 v9, v7;
	v9 =	vld [tilespmem:s21+$0x14FF0];
	v15 =	vxor.u32 $0x80000000, v14;
	vm1 =	veq.s32 v14, $0x80000000;
	(xrf0) =	vmax.scan.msk.u32 $0xffff, v14  }
0xa2: {  	v7 =	vadd.s32 v10, v7;
	v10 =	vld [tilespmem:s21+$0x157F0];
	v14 =	vnsel vm1, $0x0, v6;
	(xrf0) =	vadd.scan.msk.s32 $0xffff, v15;
	v6 =	vmov v12  }
0xa3: {  	v7 =	vadd.s32 v13, v7;
	v12 =	vld [tilespmem:s21+$0x15FF0];
	(xrf0) =	vadd.scan.msk.s32 $0xffff, v14  }
.Ltmp4:
0xa4: {  	v11 =	vadd.s32 v11, v7;
	v7 =	vld [tilespmem:s21+$0x167F0];
	v13, _, _ =	vpop (xrf0);
	s23 =	spop (v2sf);
	(pc) =	sbr.rel @p3 .LBB2_8-.Ltmp4, $4  }
0xa5: {  	v11 =	vadd.s32 v8, v11;
	v8 =	vld [tilespmem:s21+$0x16FF0];
	v14, _, _ =	vpop (xrf0);
	(v2sf) =	vpush v13, $0xF;
	s18 =	sadd.s32 s18, s23  }
0xa6: {  	s19 =	sadd.s32 $0xFFFFFFF0, s19;
	v11 =	vadd.s32 v9, v11;
	v9 =	vld [tilespmem:s21+$0x177F0];
	v13 =	vadd.s32 s18, v14  }
0xa7: {  	p0 =	por p0, p1;
	v14 =	vadd.s32 v10, v11;
	v10 =	vld [tilespmem:s21+$0x17FF0];
	s21 =	sshra.s32 s22, $0x2;
	vm1 =	vgt.s32 v13, $0x3E7;
	v15, _, _ =	vpop (xrf0);
	s23 =	spop (v2sf)  }
0xa8: {  	p2 =	por !p0, !p0;
	s22 =	sadd.s32 $0xFFFFFFC0, s22;
	v11 =	vld [tilespmem:s21+$0x107F0];
	v14 =	vadd.s32 v12, v14;
	v13 =	vsel vm1, $0x1, v1;
	(v2sf) =	vpush v15, $0xF;
	v12, _, _ =	vpop (xrf0);
	p1 =	sgt.u32 s23, $0x80000000  }
0xa9: {  	v15 =	vld [tilespmem:s21+$0x10FF0]  }
0xaa: {  	v7 =	vadd.s32 v7, v14;
	v32 =	vld [tilespmem:s21+$0x117F0]  }
0xab: {  	v33 =	vld [tilespmem:s21+$0x11FF0];
	v7 =	vadd.s32 v8, v7  }
0xac: {  	v13 =	vor.u32 $0x80000000, v13;
	v34 =	vld [tilespmem:s21+$0x127F0];
	v7 =	vadd.s32 v9, v7  }
0xad: {  	v35 =	vld [tilespmem:s21+$0x12FF0];
	(xrf0) =	vmax.scan.msk.u32 $0xffff, v13;
	v7 =	vadd.s32 v10, v7  }
0xae: {  	v36 =	vld [tilespmem:s21+$0x137F0];
	(xrf0) =	vadd.scan.msk.s32 $0xffff, v7;
	v11 =	vadd.s32 v11, v15  }
0xaf: {  	v37 =	vld [tilespmem:s21+$0x13FF0];
	v11 =	vadd.s32 v32, v11  }
0xb0: {  	v38 =	vld [tilespmem:s21+$0x147F0];
	v7 =	vperm.xlane v7, v4;
	v8 =	vadd.s32 v33, v11  }
0xb1: {  	v39 =	vld [tilespmem:s21+$0x14FF0];
	v8 =	vadd.s32 v34, v8  }
0xb2: {  	v40, _, _ =	vpop (xrf0);
	v41 =	vld [tilespmem:s21+$0x157F0];
	(xrf0) =	vadd.scan.msk.s32 $0xffff, v7;
	v8 =	vadd.s32 v35, v8  }
0xb3: {  	v43 =	vld [tilespmem:s21+$0x15FF0];
	(v2sf) =	vpush v40, $0xF;
	v42, _, _ =	vpop (xrf0);
	v8 =	vadd.s32 v36, v8  }
0xb4: {  	v44 =	vld [tilespmem:s21+$0x167F0];
	(v2sf) =	vpush v12, $0xF;
	v45, _, _ =	vpop (xrf0);
	v8 =	vadd.s32 v37, v8  }
0xb5: {  	s24 =	spop (v2sf);
	v46 =	vld [tilespmem:s21+$0x16FF0];
	(v2sf) =	vpush v45, $0xF;
	v8 =	vadd.s32 v38, v8  }
0xb6: {  	v47 =	vld [tilespmem:s21+$0x177F0];
	s23 =	spop (v2sf);
	v8 =	vadd.s32 v39, v8  }
0xb7: {  	v48 =	vld [tilespmem:s21+$0x17FF0];
	s22 =	spop (v2sf);
	v8 =	vadd.s32 v41, v8  }
0xb8: {  	v49, _, _ =	vpop (xrf0);
	s21 =	sadd.s32 s18, s22;
	v8 =	vadd.s32 v43, v8  }
0xb9: {  	v50 =	vxor.u32 $0x80000000, v42;
	v14 =	vadd.s32 s21, v49;
	v8 =	vadd.s32 v44, v8  }
0xba: {  	vm1 =	veq.s32 v42, $0x80000000;
	(xrf0) =	vmax.scan.msk.u32 $0xffff, v42;
	vm2 =	vgt.s32 v14, $0x3E7;
	v8 =	vadd.s32 v46, v8  }
0xbb: {  	v6 =	vnsel vm1, $0x0, v6;
	(xrf0) =	vadd.scan.msk.s32 $0xffff, v50;
	v51 =	vsel vm2, $0x1, v1;
	v8 =	vadd.s32 v47, v8  }
0xbc: {  	(xrf0) =	vadd.scan.msk.s32 $0xffff, v6;
	v6 =	vor.u32 $0x80000000, v51;
	v8 =	vadd.s32 v48, v8  }
0xbd: {  	(xrf0) =	vmax.scan.msk.u32 $0xffff, v6;
	v6 =	vperm.xlane v8, v4  }
0xbe: {  	(xrf0) =	vadd.scan.msk.s32 $0xffff, v8  }
0xbf: {  	(xrf0) =	vadd.scan.msk.s32 $0xffff, v6  }
0xc0: {  	v52, _, _ =	vpop (xrf0)  }
0xc1: {  	s25 =	spop (v2sf);
	v53, _, _ =	vpop (xrf0)  }
0xc2: {  	v54, _, _ =	vpop (xrf0);
	s26 =	spop (v2sf)  }
0xc3: {  	s28 =	spop (v2sf);
	v55, _, _ =	vpop (xrf0)  }
0xc4: {  	v56, _, _ =	vpop (xrf0);
	s31 =	spop (v2sf)  }
0xc5: {  	s22 =	sadd.s32 s21, s31;
	v57, _, _ =	vpop (xrf0)  }
0xc6: {  	v13 =	vadd.s32 s22, v57  }
0xc7: {  	v58 =	vxor.u32 $0x80000000, v55;
	vm1 =	veq.s32 v55, $0x80000000;
	(xrf0) =	vmax.scan.msk.u32 $0xffff, v55;
	vm2 =	vgt.s32 v13, $0x3E7  }
0xc8: {  	v7 =	vnsel vm1, $0x0, v7;
	(xrf0) =	vadd.scan.msk.s32 $0xffff, v58;
	v59 =	vsel vm2, $0x1, v1  }
0xc9: {  	(xrf0) =	vadd.scan.msk.s32 $0xffff, v7;
	v7 =	vor.u32 $0x80000000, v59  }
0xca: {  	(xrf0) =	vmax.scan.msk.u32 $0xffff, v7;
	_ =	sdelay $0x2  }
0xcb: {  	v7, _, _ =	vpop (xrf0)  }
0xcc: {  	v60, _, _ =	vpop (xrf0)  }
0xcd: {  	v61, _, _ =	vpop (xrf0)  }
0xce: {  	(v2sf) =	vpush v52, $0xF;
	v62, _, _ =	vpop (xrf0)  }
0xcf: {  	v63 =	vxor.u32 $0x80000000, v62;
	vm1 =	veq.s32 v62, $0x80000000;
	(xrf0) =	vmax.scan.msk.u32 $0xffff, v62  }
0xd0: {  	(v2sf) =	vpush v54, $0xF;
	v6 =	vnsel vm1, $0x0, v6;
	(xrf0) =	vadd.scan.msk.s32 $0xffff, v63  }
0xd1: {  	(v2sf) =	vpush v53, $0xF;
	(xrf0) =	vadd.scan.msk.s32 $0xffff, v6  }
0xd2: {  	(v2sf) =	vpush v56, $0xF  }
0xd3: {  	(v2sf) =	vpush v7, $0xF  }
0xd4: {  	(v2sf) =	vpush v61, $0xF  }
0xd5: {  	(v2sf) =	vpush v60, $0xF;
	v6, _, _ =	vpop (xrf0)  }
0xd6: {  	(v2sf) =	vpush v6, $0xF;
	v6, _, _ =	vpop (xrf0)  }
0xd7: {  	p2 =	por !p1, !p2;
	v7, _, _ =	vpop (xrf0)  }
0xd8: {  	p0 =	por p0, p1;
	s20 =	sadd.s32 s20, s24;
	p1 =	por !p2, !p2;
	(v2sf) =	vpush v7, $0xF  }
0xd9: {  	p4 =	por !p0, !p0;
	s23 =	sadd.s32 s19, s23;
	s16 =	smov.u32 @p1 s20;
	(v2sf) =	vpush v6, $0xF  }
0xda: {  	s15 =	smov.u32 @p1 s23;
	p3 =	sgt.u32 s25, $0x80000000;
	s25 =	sadd.s32 $0xFFFFFFF0, s19  }
0xdb: {  	p5 =	por !p3, !p4;
	p0 =	por p0, p3;
	s19 =	sadd.s32 $0xFFFFFFF0, s25  }
0xdc: {  	s17 =	sadd.s32 s17, s26;
	p1 =	por !p5, !p5;
	p3 =	por !p0, !p0  }
0xdd: {  	s23 =	sadd.s32 s25, s28;
	s16 =	smov.u32 @p1 s17;
	s26 =	spop (v2sf)  }
0xde: {  	s25 =	sadd.s32 $0xFFFFFFF0, s19;
	s15 =	smov.u32 @p1 s23;
	p6 =	sgt.u32 s26, $0x80000000  }
0xdf: {  	s28 =	spop (v2sf);
	p2 =	por !p6, !p3;
	p0 =	por p0, p6  }
0xe0: {  	s29 =	spop (v2sf);
	s17 =	sadd.s32 s18, s28;
	p2 =	por !p2, !p2  }
0xe1: {  	p5 =	por !p0, !p0;
	s20 =	sadd.s32 s19, s29;
	s30 =	spop (v2sf)  }
0xe2: {  	s16 =	smov.u32 @p2 s17;
	s29 =	sadd.s32 $0xFFFFFFF0, s25;
	s31 =	spop (v2sf)  }
0xe3: {  	s15 =	smov.u32 @p2 s20;
	p4 =	sgt.u32 s31, $0x80000000;
	s24 =	spop (v2sf)  }
0xe4: {  	p2 =	por !p4, !p5;
	p0 =	por p0, p4;
	s26 =	spop (v2sf)  }
0xe5: {  	s17 =	sadd.s32 s21, s24;
	p2 =	por !p2, !p2;
	s28 =	spop (v2sf)  }
0xe6: {  	p0 =	por !p0, !p0;
	s19 =	sadd.s32 s25, s26;
	p6 =	sgt.u32 s28, $0x80000000  }
0xe7: {  	s16 =	smov.u32 @p2 s17;
	p0 =	por !p6, !p0;
	s30 =	spop (v2sf)  }
0xe8: {  	s18 =	sadd.s32 s22, s30;
	p0 =	por !p0, !p0;
	s31 =	spop (v2sf)  }
0xe9: {  	s15 =	smov.u32 @p2 s19;
	s17 =	sadd.s32 s29, s31;
	s16 =	smov.u32 @p0 s18  }
0xea: {  	s18 =	simm.s32 $0x100;
	s15 =	smov.u32 @p0 s17;
	s17 =	simm.s32 $0x0  }
.LBB2_10:
0xeb: {  	p0 =	sne.s32 s18, $0x1FF00;
	[tilespmem:s17+$0x10030] =	vst v1;
	s19 =	smov.u32 s18;
	s18 =	sadd.s32 $0x100, s18  }
.Ltmp5:
0xec: {  	[tilespmem:s17+$0x10020] =	vst v1;
	(pc) =	sbr.rel @p0 .LBB2_10-.Ltmp5, $3  }
0xed: {  	[tilespmem:s17+$0x10000] =	vst v1  }
0xee: {  	[tilespmem:s17+$0x10010] =	vst v1;
	_ =	sdelay $0x1  }
0xef: {  	s17 =	sshra.s32 s19, $0x2  }
0xf0: {  	[tilespmem:s17+$0x10030] =	vst v1  }
0xf1: {  	[tilespmem:s17+$0x10020] =	vst v1  }
0xf2: {  	[tilespmem:s17+$0x10000] =	vst v1  }
0xf3: {  	[tilespmem:s17+$0x10010] =	vst v1;
	v6 =	vmov s15;
	s17 =	simm.s32 $0x0  }
.LBB2_12:
0xf4: {  	s18 =	sshra.s32 s17, $0x2  }
0xf5: {  	v7 =	vld [tilespmem:s18+$0x8000];
	_ =	sdelay $0x4  }
0xf6: {  	v8 =	vshrl.u32 v7, $0x15;
	v7 =	vshrl.u32 v7, $0xA  }
0xf7: {  	vm1 =	veq.s32 v8, v6;
	v7 =	vand.u32 $0x7FF, v7  }
0xf8: {  	v7 =	vor.u32 v2, v7;
	_ =	sdelay $0x4  }
0xf9: {  	[tilespmem:v7+s10+$0x0] =	vst.idx.add.s32.msk vm1, v3  }
0xfa: {  	v7 =	vld [tilespmem:s18+$0x8010];
	_ =	sdelay $0x4  }
0xfb: {  	v8 =	vshrl.u32 v7, $0x15;
	v7 =	vshrl.u32 v7, $0xA  }
0xfc: {  	vm1 =	veq.s32 v8, v6;
	v7 =	vand.u32 $0x7FF, v7  }
0xfd: {  	v7 =	vor.u32 v2, v7;
	_ =	sdelay $0x4  }
0xfe: {  	[tilespmem:v7+s10+$0x0] =	vst.idx.add.s32.msk vm1, v3  }
0xff: {  	v7 =	vld [tilespmem:s18+$0x8020];
	_ =	sdelay $0x4  }
0x100: {  	v8 =	vshrl.u32 v7, $0x15;
	v7 =	vshrl.u32 v7, $0xA  }
0x101: {  	vm1 =	veq.s32 v8, v6;
	v7 =	vand.u32 $0x7FF, v7  }
0x102: {  	v7 =	vor.u32 v2, v7;
	_ =	sdelay $0x4  }
0x103: {  	[tilespmem:v7+s10+$0x0] =	vst.idx.add.s32.msk vm1, v3  }
0x104: {  	v7 =	vld [tilespmem:s18+$0x8030];
	_ =	sdelay $0x4  }
0x105: {  	v8 =	vshrl.u32 v7, $0x15;
	v7 =	vshrl.u32 v7, $0xA  }
0x106: {  	vm1 =	veq.s32 v8, v6;
	v7 =	vand.u32 $0x7FF, v7  }
0x107: {  	p0 =	seq.s32 s17, $0x1FF00;
	v7 =	vor.u32 v2, v7  }
.Ltmp6:
0x108: {  	_ = 	snop;
	(pc) =	sbr.rel @!p0 .LBB2_12-.Ltmp6, $2  }
0x109: {  	_ =	sdelay $0x2  }
0x10a: {  	s17 =	sadd.s32 $0x100, s17;
	[tilespmem:v7+s10+$0x0] =	vst.idx.add.s32.msk vm1, v3  }
0x10b: {  	s26 =	simm.s32 $0x0  }
0x10c: {  	v7 =	vld [tilespmem:s26+$0x107F0]  }
0x10d: {  	v8 =	vld [tilespmem:s26+$0x10FF0]  }
0x10e: {  	v9 =	vld [tilespmem:s26+$0x117F0]  }
0x10f: {  	v10 =	vld [tilespmem:s26+$0x11FF0]  }
0x110: {  	v11 =	vld [tilespmem:s26+$0x127F0]  }
0x111: {  	v12 =	vld [tilespmem:s26+$0x12FF0]  }
0x112: {  	v7 =	vadd.s32 v7, v8;
	v8 =	vld [tilespmem:s26+$0x137F0]  }
0x113: {  	v7 =	vadd.s32 v9, v7;
	v9 =	vld [tilespmem:s26+$0x13FF0]  }
0x114: {  	v7 =	vadd.s32 v10, v7;
	v10 =	vld [tilespmem:s26+$0x147F0]  }
0x115: {  	v7 =	vadd.s32 v11, v7;
	v11 =	vld [tilespmem:s26+$0x14FF0]  }
0x116: {  	v7 =	vadd.s32 v12, v7;
	v12 =	vld [tilespmem:s26+$0x157F0]  }
0x117: {  	v7 =	vadd.s32 v8, v7;
	v8 =	vld [tilespmem:s26+$0x15FF0]  }
0x118: {  	v7 =	vadd.s32 v9, v7;
	v9 =	vld [tilespmem:s26+$0x167F0]  }
0x119: {  	v7 =	vadd.s32 v10, v7;
	v10 =	vld [tilespmem:s26+$0x16FF0]  }
0x11a: {  	v7 =	vadd.s32 v11, v7;
	v11 =	vld [tilespmem:s26+$0x177F0]  }
0x11b: {  	s28 =	simm.s32 $0xFFFFFFF0;
	v7 =	vadd.s32 v12, v7;
	v12 =	vld [tilespmem:s26+$0x17FF0]  }
0x11c: {  	v7 =	vadd.s32 v8, v7;
	v8 =	vld [tilespmem:s28+$0x107F0]  }
0x11d: {  	v7 =	vadd.s32 v9, v7;
	v9 =	vld [tilespmem:s28+$0x10FF0]  }
0x11e: {  	v7 =	vadd.s32 v10, v7;
	v10 =	vld [tilespmem:s28+$0x117F0]  }
0x11f: {  	v7 =	vadd.s32 v11, v7;
	v11 =	vld [tilespmem:s28+$0x11FF0]  }
0x120: {  	v7 =	vadd.s32 v12, v7;
	v12 =	vld [tilespmem:s28+$0x127F0]  }
0x121: {  	v14 =	vld [tilespmem:s28+$0x12FF0]  }
0x122: {  	v13 =	vperm.xlane v7, v4;
	(xrf0) =	vadd.scan.msk.s32 $0xffff, v7;
	v7 =	vadd.s32 v8, v9;
	v8 =	vld [tilespmem:s28+$0x137F0]  }
0x123: {  	v9 =	vld [tilespmem:s28+$0x13FF0];
	v7 =	vadd.s32 v10, v7  }
0x124: {  	(xrf0) =	vadd.scan.msk.s32 $0xffff, v13;
	v10 =	vld [tilespmem:s28+$0x147F0];
	v7 =	vadd.s32 v11, v7  }
0x125: {  	v11 =	vld [tilespmem:s28+$0x14FF0];
	v7 =	vadd.s32 v12, v7  }
0x126: {  	v12 =	vld [tilespmem:s28+$0x157F0];
	v7 =	vadd.s32 v14, v7  }
0x127: {  	v7 =	vadd.s32 v8, v7;
	v8 =	vld [tilespmem:s28+$0x15FF0]  }
0x128: {  	v7 =	vadd.s32 v9, v7;
	v9 =	vld [tilespmem:s28+$0x167F0]  }
0x129: {  	s17 =	ssub.s32 $0x3E8, s16;
	v14, _, _ =	vpop (xrf0);
	v7 =	vadd.s32 v10, v7;
	v10 =	vld [tilespmem:s28+$0x16FF0]  }
0x12a: {  	s18 =	simm.s32 $0x0;
	v6 =	vmov s17;
	v15, _, _ =	vpop (xrf0);
	v7 =	vadd.s32 v11, v7;
	v11 =	vld [tilespmem:s28+$0x177F0]  }
0x12b: {  	(v2sf) =	vpush v14, $0xF;
	v14 =	vadd.s32 s18, v15;
	v7 =	vadd.s32 v12, v7;
	v12 =	vld [tilespmem:s28+$0x17FF0]  }
0x12c: {  	s21 =	simm.s32 $0xFFFFFFE0;
	vm1 =	vge.s32 v14, v6;
	v7 =	vadd.s32 v8, v7  }
0x12d: {  	v15 =	vld [tilespmem:s21+$0x107F0];
	v14 =	vsel vm1, $0x1, v1;
	v7 =	vadd.s32 v9, v7  }
0x12e: {  	v8 =	vor.u32 $0x80000000, v14;
	v14 =	vld [tilespmem:s21+$0x10FF0];
	v7 =	vadd.s32 v10, v7  }
0x12f: {  	v7 =	vadd.s32 v11, v7  }
0x130: {  	(xrf0) =	vmax.scan.msk.u32 $0xffff, v8;
	v8 =	vld [tilespmem:s21+$0x117F0];
	v7 =	vadd.s32 v12, v7  }
0x131: {  	v9 =	vld [tilespmem:s21+$0x11FF0];
	(xrf0) =	vadd.scan.msk.s32 $0xffff, v7  }
0x132: {  	v10 =	vld [tilespmem:s21+$0x127F0]  }
0x133: {  	v11 =	vld [tilespmem:s21+$0x12FF0];
	v14 =	vadd.s32 v15, v14  }
0x134: {  	v15 =	vld [tilespmem:s21+$0x137F0]  }
0x135: {  	v12 =	vperm.xlane v7, v4;
	v7 =	vadd.s32 v8, v14;
	v8 =	vld [tilespmem:s21+$0x13FF0]  }
0x136: {  	v7 =	vadd.s32 v9, v7;
	v9 =	vld [tilespmem:s21+$0x147F0];
	v14, _, _ =	vpop (xrf0)  }
0x137: {  	v7 =	vadd.s32 v10, v7;
	v10 =	vld [tilespmem:s21+$0x14FF0];
	v16, _, _ =	vpop (xrf0)  }
0x138: {  	v7 =	vadd.s32 v11, v7;
	v11 =	vld [tilespmem:s21+$0x157F0];
	(v2sf) =	vpush v16, $0xF  }
0x139: {  	(xrf0) =	vadd.scan.msk.s32 $0xffff, v12;
	v7 =	vadd.s32 v15, v7;
	v15 =	vld [tilespmem:s21+$0x15FF0]  }
0x13a: {  	v7 =	vadd.s32 v8, v7;
	v8 =	vld [tilespmem:s21+$0x167F0]  }
0x13b: {  	(xrf0) =	vmax.scan.msk.u32 $0xffff, v14;
	v7 =	vadd.s32 v9, v7;
	v9 =	vld [tilespmem:s21+$0x16FF0]  }
0x13c: {  	v7 =	vadd.s32 v10, v7;
	v10 =	vld [tilespmem:s21+$0x177F0]  }
0x13d: {  	v17 =	vxor.u32 $0x80000000, v14;
	vm1 =	veq.s32 v14, $0x80000000;
	v7 =	vadd.s32 v11, v7;
	v11 =	vld [tilespmem:s21+$0x17FF0]  }
0x13e: {  	s29 =	spop (v2sf);
	v13 =	vnsel vm1, $0x0, v13;
	(xrf0) =	vadd.scan.msk.s32 $0xffff, v17;
	v7 =	vadd.s32 v15, v7  }
0x13f: {  	s20 =	sadd.s32 $0x0, s29;
	v18, _, _ =	vpop (xrf0);
	(xrf0) =	vadd.scan.msk.s32 $0xffff, v13;
	v7 =	vadd.s32 v8, v7  }
0x140: {  	v14 =	vadd.s32 s20, v18;
	v7 =	vadd.s32 v9, v7  }
0x141: {  	s30 =	simm.s32 $0xFFFFFFD0;
	vm2 =	vge.s32 v14, v6;
	v16, _, _ =	vpop (xrf0);
	v7 =	vadd.s32 v10, v7  }
0x142: {  	v13 =	vld [tilespmem:s30+$0x10FF0];
	v15 =	vsel vm2, $0x1, v1;
	(v2sf) =	vpush v16, $0xF;
	v10 =	vadd.s32 v11, v7  }
0x143: {  	v14 =	vld [tilespmem:s30+$0x107F0];
	v8 =	vor.u32 $0x80000000, v15  }
0x144: {  	v15 =	vld [tilespmem:s30+$0x117F0];
	v16, _, _ =	vpop (xrf0);
	(xrf0) =	vmax.scan.msk.u32 $0xffff, v8  }
0x145: {  	v8 =	vld [tilespmem:s30+$0x11FF0];
	v7 =	vperm.xlane v10, v4;
	(xrf0) =	vadd.scan.msk.s32 $0xffff, v10;
	v10, _, _ =	vpop (xrf0)  }
0x146: {  	v9 =	vld [tilespmem:s30+$0x127F0];
	(v2sf) =	vpush v10, $0xF  }
0x147: {  	v11 =	vld [tilespmem:s30+$0x12FF0];
	s31 =	spop (v2sf);
	(v2sf) =	vpush v16, $0xF  }
0x148: {  	v13 =	vadd.s32 v14, v13;
	v14 =	vld [tilespmem:s30+$0x137F0]  }
0x149: {  	v13 =	vadd.s32 v15, v13;
	v15 =	vld [tilespmem:s30+$0x13FF0];
	(xrf0) =	vadd.scan.msk.s32 $0xffff, v7  }
0x14a: {  	v8 =	vadd.s32 v8, v13;
	v13 =	vld [tilespmem:s30+$0x147F0]  }
0x14b: {  	v8 =	vadd.s32 v9, v8  }
0x14c: {  	v17, _, _ =	vpop (xrf0);
	v8 =	vadd.s32 v11, v8  }
0x14d: {  	v63 =	vld [tilespmem:s30+$0x14FF0];
	v9 =	vxor.u32 $0x80000000, v17;
	(xrf0) =	vmax.scan.msk.u32 $0xffff, v17;
	vm1 =	veq.s32 v17, $0x80000000;
	v8 =	vadd.s32 v14, v8  }
0x14e: {  	v11 =	vld [tilespmem:s30+$0x157F0];
	(xrf0) =	vadd.scan.msk.s32 $0xffff, v9;
	v12 =	vnsel vm1, $0x0, v12;
	v9 =	vadd.s32 v15, v8;
	v15, _, _ =	vpop (xrf0)  }
0x14f: {  	v14 =	vld [tilespmem:s30+$0x15FF0];
	(xrf0) =	vadd.scan.msk.s32 $0xffff, v12;
	v10 =	vadd.s32 v13, v9;
	s21 =	sadd.s32 s20, s31;
	v13, _, _ =	vpop (xrf0)  }
0x150: {  	v8 =	vld [tilespmem:s30+$0x167F0];
	v13 =	vadd.s32 s21, v13  }
0x151: {  	v9 =	vld [tilespmem:s30+$0x16FF0];
	s22 =	spop (v2sf);
	(v2sf) =	vpush v15, $0xF  }
0x152: {  	p0 =	por $0x0, $0x0;
	s19 =	simm.s32 $0x7EF;
	v16 =	vadd.s32 v63, v10;
	v10 =	vld [tilespmem:s30+$0x177F0]  }
0x153: {  	s23 =	simm.s32 $0xFFFFFFC0;
	s24 =	simm.s32 $0xFFFFFEC0;
	s16 =	simm.s32 $0x0;
	vm1 =	vge.s32 v13, v6;
	v15 =	vadd.s32 v11, v16;
	v11 =	vld [tilespmem:s30+$0x17FF0];
	v13, _, _ =	vpop (xrf0)  }
0x154: {  	p2 =	por !p0, !p0;
	v12 =	vld [tilespmem:s23+$0x107F0];
	p1 =	sgt.u32 s22, $0x80000000;
	v15 =	vadd.s32 v14, v15;
	v14 =	vsel vm1, $0x1, v1;
	s22 =	simm.s32 $0x0;
	(v2sf) =	vpush v13, $0xF;
	v13, _, _ =	vpop (xrf0)  }
.LBB2_14:
0x155: {  	p3 =	sne.s32 s24, $0xFFFFE040;
	v16 =	vld [tilespmem:s23+$0x10FF0];
	v8 =	vadd.s32 v8, v15;
	v14 =	vor.u32 $0x80000000, v14;
	v15, _, _ =	vpop (xrf0);
	p2 =	por !p1, !p2;
	s25 =	spop (v2sf)  }
0x156: {  	v17 =	vld [tilespmem:s23+$0x117F0];
	v8 =	vadd.s32 v9, v8;
	(xrf0) =	vmax.scan.msk.u32 $0xffff, v14;
	(v2sf) =	vpush v15, $0xF;
	s22 =	sadd.s32 s22, s25;
	p2 =	por !p2, !p2;
	s25 =	spop (v2sf)  }
0x157: {  	v9 =	vld [tilespmem:s23+$0x11FF0];
	v8 =	vadd.s32 v10, v8;
	(v2sf) =	vpush v13, $0xF;
	s25 =	sadd.s32 s19, s25;
	s18 =	smov.u32 @p2 s22;
	s22 =	smov.u32 s20  }
0x158: {  	s20 =	smov.u32 s21;
	v10 =	vld [tilespmem:s23+$0x127F0];
	v8 =	vadd.s32 v11, v8;
	s16 =	smov.u32 @p2 s25  }
0x159: {  	v11 =	vld [tilespmem:s23+$0x12FF0];
	v13 =	vperm.xlane v8, v4  }
0x15a: {  	v12 =	vadd.s32 v12, v16;
	v14 =	vld [tilespmem:s23+$0x137F0];
	(xrf0) =	vadd.scan.msk.s32 $0xffff, v8  }
0x15b: {  	v8 =	vadd.s32 v17, v12;
	v12 =	vld [tilespmem:s23+$0x13FF0];
	(xrf0) =	vadd.scan.msk.s32 $0xffff, v13  }
0x15c: {  	v8 =	vadd.s32 v9, v8;
	v9 =	vld [tilespmem:s23+$0x147F0];
	v15, _, _ =	vpop (xrf0)  }
0x15d: {  	v8 =	vadd.s32 v10, v8;
	v10 =	vld [tilespmem:s23+$0x14FF0];
	v16 =	vxor.u32 $0x80000000, v15;
	vm1 =	veq.s32 v15, $0x80000000;
	(xrf0) =	vmax.scan.msk.u32 $0xffff, v15  }
0x15e: {  	v8 =	vadd.s32 v11, v8;
	v11 =	vld [tilespmem:s23+$0x157F0];
	v15 =	vnsel vm1, $0x0, v7;
	(xrf0) =	vadd.scan.msk.s32 $0xffff, v16;
	v7 =	vmov v13  }
0x15f: {  	v8 =	vadd.s32 v14, v8;
	v13 =	vld [tilespmem:s23+$0x15FF0];
	(xrf0) =	vadd.scan.msk.s32 $0xffff, v15  }
.Ltmp7:
0x160: {  	v12 =	vadd.s32 v12, v8;
	v8 =	vld [tilespmem:s23+$0x167F0];
	v14, _, _ =	vpop (xrf0);
	s25 =	spop (v2sf);
	(pc) =	sbr.rel @p3 .LBB2_14-.Ltmp7, $4  }
0x161: {  	v12 =	vadd.s32 v9, v12;
	v9 =	vld [tilespmem:s23+$0x16FF0];
	v15, _, _ =	vpop (xrf0);
	(v2sf) =	vpush v14, $0xF;
	s21 =	sadd.s32 s21, s25  }
0x162: {  	s19 =	sadd.s32 $0xFFFFFFF0, s19;
	v12 =	vadd.s32 v10, v12;
	v10 =	vld [tilespmem:s23+$0x177F0];
	v14 =	vadd.s32 s21, v15  }
0x163: {  	p0 =	por p0, p1;
	v15 =	vadd.s32 v11, v12;
	v11 =	vld [tilespmem:s23+$0x17FF0];
	s23 =	sshra.s32 s24, $0x2;
	vm1 =	vge.s32 v14, v6;
	v16, _, _ =	vpop (xrf0);
	s25 =	spop (v2sf)  }
0x164: {  	p2 =	por !p0, !p0;
	s24 =	sadd.s32 $0xFFFFFFC0, s24;
	v12 =	vld [tilespmem:s23+$0x107F0];
	v15 =	vadd.s32 v13, v15;
	v14 =	vsel vm1, $0x1, v1;
	(v2sf) =	vpush v16, $0xF;
	v13, _, _ =	vpop (xrf0);
	p1 =	sgt.u32 s25, $0x80000000  }
0x165: {  	v16 =	vld [tilespmem:s23+$0x10FF0]  }
0x166: {  	v8 =	vadd.s32 v8, v15;
	v32 =	vld [tilespmem:s23+$0x117F0]  }
0x167: {  	v33 =	vld [tilespmem:s23+$0x11FF0];
	v8 =	vadd.s32 v9, v8  }
0x168: {  	v14 =	vor.u32 $0x80000000, v14;
	v34 =	vld [tilespmem:s23+$0x127F0];
	v8 =	vadd.s32 v10, v8  }
0x169: {  	v35 =	vld [tilespmem:s23+$0x12FF0];
	(xrf0) =	vmax.scan.msk.u32 $0xffff, v14;
	v8 =	vadd.s32 v11, v8  }
0x16a: {  	v36 =	vld [tilespmem:s23+$0x137F0];
	(xrf0) =	vadd.scan.msk.s32 $0xffff, v8;
	v12 =	vadd.s32 v12, v16  }
0x16b: {  	v37 =	vld [tilespmem:s23+$0x13FF0];
	v12 =	vadd.s32 v32, v12  }
0x16c: {  	v38 =	vld [tilespmem:s23+$0x147F0];
	v8 =	vperm.xlane v8, v4;
	v9 =	vadd.s32 v33, v12  }
0x16d: {  	v39 =	vld [tilespmem:s23+$0x14FF0];
	v9 =	vadd.s32 v34, v9  }
0x16e: {  	v40, _, _ =	vpop (xrf0);
	v41 =	vld [tilespmem:s23+$0x157F0];
	(xrf0) =	vadd.scan.msk.s32 $0xffff, v8;
	v9 =	vadd.s32 v35, v9  }
0x16f: {  	v43 =	vld [tilespmem:s23+$0x15FF0];
	(v2sf) =	vpush v40, $0xF;
	v42, _, _ =	vpop (xrf0);
	v9 =	vadd.s32 v36, v9  }
0x170: {  	v44 =	vld [tilespmem:s23+$0x167F0];
	(v2sf) =	vpush v13, $0xF;
	v45, _, _ =	vpop (xrf0);
	v9 =	vadd.s32 v37, v9  }
0x171: {  	s26 =	spop (v2sf);
	v46 =	vld [tilespmem:s23+$0x16FF0];
	(v2sf) =	vpush v45, $0xF;
	v9 =	vadd.s32 v38, v9  }
0x172: {  	v47 =	vld [tilespmem:s23+$0x177F0];
	s25 =	spop (v2sf);
	v9 =	vadd.s32 v39, v9  }
0x173: {  	v48 =	vld [tilespmem:s23+$0x17FF0];
	s24 =	spop (v2sf);
	v9 =	vadd.s32 v41, v9  }
0x174: {  	v49, _, _ =	vpop (xrf0);
	s23 =	sadd.s32 s21, s24;
	v9 =	vadd.s32 v43, v9  }
0x175: {  	v50 =	vxor.u32 $0x80000000, v42;
	v15 =	vadd.s32 s23, v49;
	v9 =	vadd.s32 v44, v9  }
0x176: {  	vm1 =	veq.s32 v42, $0x80000000;
	(xrf0) =	vmax.scan.msk.u32 $0xffff, v42;
	vm2 =	vge.s32 v15, v6;
	v9 =	vadd.s32 v46, v9  }
0x177: {  	v7 =	vnsel vm1, $0x0, v7;
	(xrf0) =	vadd.scan.msk.s32 $0xffff, v50;
	v51 =	vsel vm2, $0x1, v1;
	v9 =	vadd.s32 v47, v9  }
0x178: {  	(xrf0) =	vadd.scan.msk.s32 $0xffff, v7;
	v7 =	vor.u32 $0x80000000, v51;
	v9 =	vadd.s32 v48, v9  }
0x179: {  	(xrf0) =	vmax.scan.msk.u32 $0xffff, v7;
	v7 =	vperm.xlane v9, v4  }
0x17a: {  	(xrf0) =	vadd.scan.msk.s32 $0xffff, v9  }
0x17b: {  	(xrf0) =	vadd.scan.msk.s32 $0xffff, v7  }
0x17c: {  	v52, _, _ =	vpop (xrf0)  }
0x17d: {  	s28 =	spop (v2sf);
	v53, _, _ =	vpop (xrf0)  }
0x17e: {  	v54, _, _ =	vpop (xrf0);
	s29 =	spop (v2sf)  }
0x17f: {  	s30 =	spop (v2sf);
	v55, _, _ =	vpop (xrf0)  }
0x180: {  	v56, _, _ =	vpop (xrf0);
	s31 =	spop (v2sf)  }
0x181: {  	s24 =	sadd.s32 s23, s31;
	v57, _, _ =	vpop (xrf0)  }
0x182: {  	v14 =	vadd.s32 s24, v57  }
0x183: {  	v58 =	vxor.u32 $0x80000000, v55;
	vm1 =	veq.s32 v55, $0x80000000;
	(xrf0) =	vmax.scan.msk.u32 $0xffff, v55;
	vm2 =	vge.s32 v14, v6  }
0x184: {  	(xrf0) =	vadd.scan.msk.s32 $0xffff, v58;
	v6 =	vnsel vm1, $0x0, v8;
	v59 =	vsel vm2, $0x1, v1  }
0x185: {  	(xrf0) =	vadd.scan.msk.s32 $0xffff, v6;
	v6 =	vor.u32 $0x80000000, v59  }
0x186: {  	(xrf0) =	vmax.scan.msk.u32 $0xffff, v6;
	_ =	sdelay $0x2  }
0x187: {  	v6, _, _ =	vpop (xrf0)  }
0x188: {  	v60, _, _ =	vpop (xrf0)  }
0x189: {  	v61, _, _ =	vpop (xrf0)  }
0x18a: {  	(v2sf) =	vpush v52, $0xF;
	v62, _, _ =	vpop (xrf0)  }
0x18b: {  	(v2sf) =	vpush v54, $0xF;
	v63 =	vxor.u32 $0x80000000, v62;
	vm1 =	veq.s32 v62, $0x80000000;
	(xrf0) =	vmax.scan.msk.u32 $0xffff, v62  }
0x18c: {  	(v2sf) =	vpush v53, $0xF;
	v7 =	vnsel vm1, $0x0, v7;
	(xrf0) =	vadd.scan.msk.s32 $0xffff, v63  }
0x18d: {  	(v2sf) =	vpush v56, $0xF;
	(xrf0) =	vadd.scan.msk.s32 $0xffff, v7  }
0x18e: {  	(v2sf) =	vpush v6, $0xF;
	_ =	sdelay $0x1  }
0x18f: {  	(v2sf) =	vpush v61, $0xF  }
0x190: {  	(v2sf) =	vpush v60, $0xF;
	v6, _, _ =	vpop (xrf0)  }
0x191: {  	(v2sf) =	vpush v6, $0xF;
	v6, _, _ =	vpop (xrf0)  }
0x192: {  	p2 =	por !p1, !p2;
	v7, _, _ =	vpop (xrf0)  }
0x193: {  	p0 =	por p0, p1;
	s22 =	sadd.s32 s22, s26;
	p1 =	por !p2, !p2;
	(v2sf) =	vpush v7, $0xF  }
0x194: {  	p4 =	por !p0, !p0;
	s25 =	sadd.s32 s19, s25;
	s18 =	smov.u32 @p1 s22;
	(v2sf) =	vpush v6, $0xF  }
0x195: {  	s19 =	sadd.s32 $0xFFFFFFF0, s19;
	s16 =	smov.u32 @p1 s25;
	p3 =	sgt.u32 s28, $0x80000000  }
0x196: {  	p5 =	por !p3, !p4;
	p0 =	por p0, p3;
	s20 =	sadd.s32 s20, s29  }
0x197: {  	p1 =	por !p5, !p5;
	p3 =	por !p0, !p0;
	s25 =	sadd.s32 s19, s30  }
0x198: {  	s18 =	smov.u32 @p1 s20;
	s19 =	sadd.s32 $0xFFFFFFF0, s19;
	s26 =	spop (v2sf)  }
0x199: {  	s16 =	smov.u32 @p1 s25;
	p6 =	sgt.u32 s26, $0x80000000;
	s28 =	spop (v2sf)  }
0x19a: {  	p2 =	por !p6, !p3;
	p0 =	por p0, p6;
	s29 =	spop (v2sf)  }
0x19b: {  	s20 =	sadd.s32 s21, s28;
	p2 =	por !p2, !p2;
	s30 =	spop (v2sf)  }
0x19c: {  	p5 =	por !p0, !p0;
	s22 =	sadd.s32 s19, s29;
	s31 =	spop (v2sf)  }
0x19d: {  	s18 =	smov.u32 @p2 s20;
	s19 =	sadd.s32 $0xFFFFFFF0, s19;
	p4 =	sgt.u32 s31, $0x80000000  }
0x19e: {  	s16 =	smov.u32 @p2 s22;
	s26 =	spop (v2sf);
	p2 =	por !p4, !p5  }
0x19f: {  	p0 =	por p0, p4;
	s20 =	sadd.s32 s23, s26;
	s28 =	spop (v2sf)  }
0x1a0: {  	p2 =	por !p2, !p2;
	p0 =	por !p0, !p0;
	s29 =	spop (v2sf)  }
0x1a1: {  	s21 =	sadd.s32 s19, s28;
	s18 =	smov.u32 @p2 s20;
	p6 =	sgt.u32 s29, $0x80000000  }
0x1a2: {  	s19 =	sadd.s32 $0xFFFFFFF0, s19;
	p0 =	por !p6, !p0;
	s30 =	spop (v2sf)  }
0x1a3: {  	s20 =	sadd.s32 s24, s30;
	p0 =	por !p0, !p0;
	s31 =	spop (v2sf)  }
0x1a4: {  	s16 =	smov.u32 @p2 s21;
	s19 =	sadd.s32 s19, s31;
	s18 =	smov.u32 @p0 s20  }
0x1a5: {  	s20 =	simm.s32 $0x100;
	s16 =	smov.u32 @p0 s19;
	s19 =	simm.s32 $0x0  }
.LBB2_16:
0x1a6: {  	p0 =	sne.s32 s20, $0x1FF00;
	[tilespmem:s19+$0x10030] =	vst v1;
	s21 =	smov.u32 s20;
	s20 =	sadd.s32 $0x100, s20  }
.Ltmp8:
0x1a7: {  	[tilespmem:s19+$0x10020] =	vst v1;
	(pc) =	sbr.rel @p0 .LBB2_16-.Ltmp8, $3  }
0x1a8: {  	[tilespmem:s19+$0x10000] =	vst v1  }
0x1a9: {  	[tilespmem:s19+$0x10010] =	vst v1;
	_ =	sdelay $0x1  }
0x1aa: {  	s19 =	sshra.s32 s21, $0x2  }
0x1ab: {  	[tilespmem:s19+$0x10030] =	vst v1  }
0x1ac: {  	[tilespmem:s19+$0x10020] =	vst v1;
	s20 =	sshll.u32 s15, $0xB  }
0x1ad: {  	[tilespmem:s19+$0x10000] =	vst v1;
	s20 =	sor.u32 s20, s16  }
0x1ae: {  	[tilespmem:s19+$0x10010] =	vst v1;
	s19 =	simm.s32 $0x0;
	v6 =	vmov s20  }
.LBB2_18:
0x1af: {  	s20 =	sshra.s32 s19, $0x2  }
0x1b0: {  	v7 =	vld [tilespmem:s20+$0x8000];
	_ =	sdelay $0x4  }
0x1b1: {  	v8 =	vshrl.u32 v7, $0xA  }
0x1b2: {  	v7 =	vand.u32 $0x3FF, v7;
	vm1 =	veq.s32 v8, v6  }
0x1b3: {  	v7 =	vor.u32 v2, v7;
	_ =	sdelay $0x4  }
0x1b4: {  	[tilespmem:v7+s10+$0x0] =	vst.idx.add.s32.msk vm1, v3  }
0x1b5: {  	v7 =	vld [tilespmem:s20+$0x8010];
	_ =	sdelay $0x4  }
0x1b6: {  	v8 =	vshrl.u32 v7, $0xA  }
0x1b7: {  	v7 =	vand.u32 $0x3FF, v7;
	vm1 =	veq.s32 v8, v6  }
0x1b8: {  	v7 =	vor.u32 v2, v7;
	_ =	sdelay $0x4  }
0x1b9: {  	[tilespmem:v7+s10+$0x0] =	vst.idx.add.s32.msk vm1, v3  }
0x1ba: {  	v7 =	vld [tilespmem:s20+$0x8020];
	_ =	sdelay $0x4  }
0x1bb: {  	v8 =	vshrl.u32 v7, $0xA  }
0x1bc: {  	v7 =	vand.u32 $0x3FF, v7;
	vm1 =	veq.s32 v8, v6  }
0x1bd: {  	v7 =	vor.u32 v2, v7;
	_ =	sdelay $0x4  }
0x1be: {  	[tilespmem:v7+s10+$0x0] =	vst.idx.add.s32.msk vm1, v3  }
0x1bf: {  	v7 =	vld [tilespmem:s20+$0x8030];
	_ =	sdelay $0x4  }
0x1c0: {  	v8 =	vshrl.u32 v7, $0xA  }
0x1c1: {  	v7 =	vand.u32 $0x3FF, v7;
	vm1 =	veq.s32 v8, v6  }
0x1c2: {  	p0 =	seq.s32 s19, $0x1FF00;
	v7 =	vor.u32 v2, v7  }
.Ltmp9:
0x1c3: {  	_ = 	snop;
	(pc) =	sbr.rel @!p0 .LBB2_18-.Ltmp9, $2  }
0x1c4: {  	_ =	sdelay $0x2  }
0x1c5: {  	s19 =	sadd.s32 $0x100, s19;
	[tilespmem:v7+s10+$0x0] =	vst.idx.add.s32.msk vm1, v3  }
0x1c6: {  	s20 =	simm.s32 $0x0  }
0x1c7: {  	v7 =	vld [tilespmem:s20+$0x103F0]  }
0x1c8: {  	v8 =	vld [tilespmem:s20+$0x10BF0]  }
0x1c9: {  	v9 =	vld [tilespmem:s20+$0x113F0]  }
0x1ca: {  	v10 =	vld [tilespmem:s20+$0x11BF0]  }
0x1cb: {  	v11 =	vld [tilespmem:s20+$0x123F0]  }
0x1cc: {  	v12 =	vld [tilespmem:s20+$0x12BF0]  }
0x1cd: {  	v7 =	vadd.s32 v7, v8;
	v8 =	vld [tilespmem:s20+$0x133F0]  }
0x1ce: {  	v7 =	vadd.s32 v9, v7;
	v9 =	vld [tilespmem:s20+$0x13BF0]  }
0x1cf: {  	v7 =	vadd.s32 v10, v7;
	v10 =	vld [tilespmem:s20+$0x143F0]  }
0x1d0: {  	v7 =	vadd.s32 v11, v7;
	v11 =	vld [tilespmem:s20+$0x14BF0]  }
0x1d1: {  	v7 =	vadd.s32 v12, v7;
	v12 =	vld [tilespmem:s20+$0x153F0]  }
0x1d2: {  	v7 =	vadd.s32 v8, v7;
	v8 =	vld [tilespmem:s20+$0x15BF0]  }
0x1d3: {  	v7 =	vadd.s32 v9, v7;
	v9 =	vld [tilespmem:s20+$0x163F0]  }
0x1d4: {  	v7 =	vadd.s32 v10, v7;
	v10 =	vld [tilespmem:s20+$0x16BF0]  }
0x1d5: {  	v7 =	vadd.s32 v11, v7;
	v11 =	vld [tilespmem:s20+$0x173F0]  }
0x1d6: {  	s28 =	simm.s32 $0xFFFFFFF0;
	v7 =	vadd.s32 v12, v7;
	v12 =	vld [tilespmem:s20+$0x17BF0]  }
0x1d7: {  	v7 =	vadd.s32 v8, v7;
	v8 =	vld [tilespmem:s28+$0x103F0]  }
0x1d8: {  	v7 =	vadd.s32 v9, v7;
	v9 =	vld [tilespmem:s28+$0x10BF0]  }
0x1d9: {  	v7 =	vadd.s32 v10, v7;
	v10 =	vld [tilespmem:s28+$0x113F0]  }
0x1da: {  	v7 =	vadd.s32 v11, v7;
	v11 =	vld [tilespmem:s28+$0x11BF0]  }
0x1db: {  	v7 =	vadd.s32 v12, v7;
	v12 =	vld [tilespmem:s28+$0x123F0]  }
0x1dc: {  	v14 =	vld [tilespmem:s28+$0x12BF0]  }
0x1dd: {  	v13 =	vperm.xlane v7, v4;
	(xrf0) =	vadd.scan.msk.s32 $0xffff, v7;
	v7 =	vadd.s32 v8, v9;
	v8 =	vld [tilespmem:s28+$0x133F0]  }
0x1de: {  	v9 =	vld [tilespmem:s28+$0x13BF0];
	v7 =	vadd.s32 v10, v7  }
0x1df: {  	(xrf0) =	vadd.scan.msk.s32 $0xffff, v13;
	v10 =	vld [tilespmem:s28+$0x143F0];
	v7 =	vadd.s32 v11, v7  }
0x1e0: {  	v11 =	vld [tilespmem:s28+$0x14BF0];
	v7 =	vadd.s32 v12, v7  }
0x1e1: {  	v12 =	vld [tilespmem:s28+$0x153F0];
	v7 =	vadd.s32 v14, v7  }
0x1e2: {  	v7 =	vadd.s32 v8, v7;
	v8 =	vld [tilespmem:s28+$0x15BF0]  }
0x1e3: {  	v7 =	vadd.s32 v9, v7;
	v9 =	vld [tilespmem:s28+$0x163F0]  }
0x1e4: {  	s17 =	ssub.s32 s17, s18;
	v14, _, _ =	vpop (xrf0);
	v7 =	vadd.s32 v10, v7;
	v10 =	vld [tilespmem:s28+$0x16BF0]  }
0x1e5: {  	s18 =	simm.s32 $0x0;
	v6 =	vmov s17;
	v15, _, _ =	vpop (xrf0);
	v7 =	vadd.s32 v11, v7;
	v11 =	vld [tilespmem:s28+$0x173F0]  }
0x1e6: {  	(v2sf) =	vpush v14, $0xF;
	v14 =	vadd.s32 s18, v15;
	v7 =	vadd.s32 v12, v7;
	v12 =	vld [tilespmem:s28+$0x17BF0]  }
0x1e7: {  	s21 =	simm.s32 $0xFFFFFFE0;
	vm1 =	vge.s32 v14, v6;
	v7 =	vadd.s32 v8, v7  }
0x1e8: {  	v15 =	vld [tilespmem:s21+$0x103F0];
	v14 =	vsel vm1, $0x1, v1;
	v7 =	vadd.s32 v9, v7  }
0x1e9: {  	v8 =	vor.u32 $0x80000000, v14;
	v14 =	vld [tilespmem:s21+$0x10BF0];
	v7 =	vadd.s32 v10, v7  }
0x1ea: {  	v7 =	vadd.s32 v11, v7  }
0x1eb: {  	(xrf0) =	vmax.scan.msk.u32 $0xffff, v8;
	v8 =	vld [tilespmem:s21+$0x113F0];
	v7 =	vadd.s32 v12, v7  }
0x1ec: {  	v9 =	vld [tilespmem:s21+$0x11BF0];
	(xrf0) =	vadd.scan.msk.s32 $0xffff, v7  }
0x1ed: {  	v10 =	vld [tilespmem:s21+$0x123F0]  }
0x1ee: {  	v11 =	vld [tilespmem:s21+$0x12BF0];
	v14 =	vadd.s32 v15, v14  }
0x1ef: {  	v15 =	vld [tilespmem:s21+$0x133F0]  }
0x1f0: {  	v12 =	vperm.xlane v7, v4;
	v7 =	vadd.s32 v8, v14;
	v8 =	vld [tilespmem:s21+$0x13BF0]  }
0x1f1: {  	v7 =	vadd.s32 v9, v7;
	v9 =	vld [tilespmem:s21+$0x143F0];
	v14, _, _ =	vpop (xrf0)  }
0x1f2: {  	v7 =	vadd.s32 v10, v7;
	v10 =	vld [tilespmem:s21+$0x14BF0];
	v16, _, _ =	vpop (xrf0)  }
0x1f3: {  	v7 =	vadd.s32 v11, v7;
	v11 =	vld [tilespmem:s21+$0x153F0];
	(v2sf) =	vpush v16, $0xF  }
0x1f4: {  	(xrf0) =	vadd.scan.msk.s32 $0xffff, v12;
	v7 =	vadd.s32 v15, v7;
	v15 =	vld [tilespmem:s21+$0x15BF0]  }
0x1f5: {  	v7 =	vadd.s32 v8, v7;
	v8 =	vld [tilespmem:s21+$0x163F0]  }
0x1f6: {  	(xrf0) =	vmax.scan.msk.u32 $0xffff, v14;
	v7 =	vadd.s32 v9, v7;
	v9 =	vld [tilespmem:s21+$0x16BF0]  }
0x1f7: {  	v7 =	vadd.s32 v10, v7;
	v10 =	vld [tilespmem:s21+$0x173F0]  }
0x1f8: {  	v17 =	vxor.u32 $0x80000000, v14;
	vm1 =	veq.s32 v14, $0x80000000;
	v7 =	vadd.s32 v11, v7;
	v11 =	vld [tilespmem:s21+$0x17BF0]  }
0x1f9: {  	s29 =	spop (v2sf);
	v13 =	vnsel vm1, $0x0, v13;
	(xrf0) =	vadd.scan.msk.s32 $0xffff, v17;
	v7 =	vadd.s32 v15, v7  }
0x1fa: {  	s20 =	sadd.s32 $0x0, s29;
	v18, _, _ =	vpop (xrf0);
	(xrf0) =	vadd.scan.msk.s32 $0xffff, v13;
	v7 =	vadd.s32 v8, v7  }
0x1fb: {  	v14 =	vadd.s32 s20, v18;
	v7 =	vadd.s32 v9, v7  }
0x1fc: {  	s23 =	simm.s32 $0xFFFFFFD0;
	vm2 =	vge.s32 v14, v6;
	v16, _, _ =	vpop (xrf0);
	v7 =	vadd.s32 v10, v7  }
0x1fd: {  	v13 =	vld [tilespmem:s23+$0x10BF0];
	v15 =	vsel vm2, $0x1, v1;
	(v2sf) =	vpush v16, $0xF;
	v10 =	vadd.s32 v11, v7  }
0x1fe: {  	v14 =	vld [tilespmem:s23+$0x103F0];
	v8 =	vor.u32 $0x80000000, v15  }
0x1ff: {  	v15 =	vld [tilespmem:s23+$0x113F0];
	v16, _, _ =	vpop (xrf0);
	(xrf0) =	vmax.scan.msk.u32 $0xffff, v8  }
0x200: {  	v8 =	vld [tilespmem:s23+$0x11BF0];
	v7 =	vperm.xlane v10, v4;
	(xrf0) =	vadd.scan.msk.s32 $0xffff, v10;
	v10, _, _ =	vpop (xrf0)  }
0x201: {  	v9 =	vld [tilespmem:s23+$0x123F0];
	(v2sf) =	vpush v10, $0xF  }
0x202: {  	v11 =	vld [tilespmem:s23+$0x12BF0];
	s30 =	spop (v2sf);
	(v2sf) =	vpush v16, $0xF  }
0x203: {  	v13 =	vadd.s32 v14, v13;
	v14 =	vld [tilespmem:s23+$0x133F0]  }
0x204: {  	v13 =	vadd.s32 v15, v13;
	v15 =	vld [tilespmem:s23+$0x13BF0];
	(xrf0) =	vadd.scan.msk.s32 $0xffff, v7  }
0x205: {  	v8 =	vadd.s32 v8, v13;
	v13 =	vld [tilespmem:s23+$0x143F0]  }
0x206: {  	v8 =	vadd.s32 v9, v8  }
0x207: {  	v17, _, _ =	vpop (xrf0);
	v8 =	vadd.s32 v11, v8  }
0x208: {  	v63 =	vld [tilespmem:s23+$0x14BF0];
	v9 =	vxor.u32 $0x80000000, v17;
	(xrf0) =	vmax.scan.msk.u32 $0xffff, v17;
	vm1 =	veq.s32 v17, $0x80000000;
	v8 =	vadd.s32 v14, v8  }
0x209: {  	v11 =	vld [tilespmem:s23+$0x153F0];
	(xrf0) =	vadd.scan.msk.s32 $0xffff, v9;
	v12 =	vnsel vm1, $0x0, v12;
	v9 =	vadd.s32 v15, v8;
	v15, _, _ =	vpop (xrf0)  }
0x20a: {  	v14 =	vld [tilespmem:s23+$0x15BF0];
	(xrf0) =	vadd.scan.msk.s32 $0xffff, v12;
	v10 =	vadd.s32 v13, v9;
	s22 =	sadd.s32 s20, s30;
	v13, _, _ =	vpop (xrf0)  }
0x20b: {  	v8 =	vld [tilespmem:s23+$0x163F0];
	v13 =	vadd.s32 s22, v13  }
0x20c: {  	v9 =	vld [tilespmem:s23+$0x16BF0];
	s31 =	spop (v2sf);
	(v2sf) =	vpush v15, $0xF  }
0x20d: {  	p0 =	por $0x0, $0x0;
	s19 =	simm.s32 $0x3EF;
	v16 =	vadd.s32 v63, v10;
	v10 =	vld [tilespmem:s23+$0x173F0]  }
0x20e: {  	s24 =	simm.s32 $0xFFFFFFC0;
	s25 =	simm.s32 $0xFFFFFEC0;
	p2 =	por !p0, !p0;
	vm1 =	vge.s32 v13, v6;
	v15 =	vadd.s32 v11, v16;
	v11 =	vld [tilespmem:s23+$0x17BF0];
	v13, _, _ =	vpop (xrf0)  }
0x20f: {  	s21 =	simm.s32 $0x0;
	v12 =	vld [tilespmem:s24+$0x103F0];
	s23 =	simm.s32 $0x0;
	p1 =	sgt.u32 s31, $0x80000000;
	v15 =	vadd.s32 v14, v15;
	v14 =	vsel vm1, $0x1, v1;
	(v2sf) =	vpush v13, $0xF;
	v13, _, _ =	vpop (xrf0)  }
.LBB2_20:
0x210: {  	p3 =	seq.s32 s25, $0xFFFFF040;
	v16 =	vld [tilespmem:s24+$0x10BF0];
	v8 =	vadd.s32 v8, v15;
	v14 =	vor.u32 $0x80000000, v14;
	v15, _, _ =	vpop (xrf0);
	p2 =	por !p1, !p2;
	s26 =	spop (v2sf)  }
0x211: {  	v17 =	vld [tilespmem:s24+$0x113F0];
	v8 =	vadd.s32 v9, v8;
	(xrf0) =	vmax.scan.msk.u32 $0xffff, v14;
	(v2sf) =	vpush v15, $0xF;
	s23 =	sadd.s32 s23, s26;
	p2 =	por !p2, !p2;
	s26 =	spop (v2sf)  }
0x212: {  	v9 =	vld [tilespmem:s24+$0x11BF0];
	v8 =	vadd.s32 v10, v8;
	(v2sf) =	vpush v13, $0xF;
	s26 =	sadd.s32 s19, s26;
	s18 =	smov.u32 @p2 s23;
	s23 =	smov.u32 s20  }
0x213: {  	s20 =	smov.u32 s22;
	v10 =	vld [tilespmem:s24+$0x123F0];
	v8 =	vadd.s32 v11, v8;
	s21 =	smov.u32 @p2 s26  }
0x214: {  	v11 =	vld [tilespmem:s24+$0x12BF0];
	v13 =	vperm.xlane v8, v4  }
0x215: {  	v12 =	vadd.s32 v12, v16;
	v14 =	vld [tilespmem:s24+$0x133F0];
	(xrf0) =	vadd.scan.msk.s32 $0xffff, v8  }
0x216: {  	v8 =	vadd.s32 v17, v12;
	v12 =	vld [tilespmem:s24+$0x13BF0];
	(xrf0) =	vadd.scan.msk.s32 $0xffff, v13  }
0x217: {  	v8 =	vadd.s32 v9, v8;
	v9 =	vld [tilespmem:s24+$0x143F0];
	v15, _, _ =	vpop (xrf0)  }
0x218: {  	v8 =	vadd.s32 v10, v8;
	v10 =	vld [tilespmem:s24+$0x14BF0];
	v16 =	vxor.u32 $0x80000000, v15;
	vm1 =	veq.s32 v15, $0x80000000;
	(xrf0) =	vmax.scan.msk.u32 $0xffff, v15  }
0x219: {  	v8 =	vadd.s32 v11, v8;
	v11 =	vld [tilespmem:s24+$0x153F0];
	v15 =	vnsel vm1, $0x0, v7;
	(xrf0) =	vadd.scan.msk.s32 $0xffff, v16;
	v7 =	vmov v13  }
0x21a: {  	v8 =	vadd.s32 v14, v8;
	v13 =	vld [tilespmem:s24+$0x15BF0];
	(xrf0) =	vadd.scan.msk.s32 $0xffff, v15  }
.Ltmp10:
0x21b: {  	v12 =	vadd.s32 v12, v8;
	v8 =	vld [tilespmem:s24+$0x163F0];
	v14, _, _ =	vpop (xrf0);
	s26 =	spop (v2sf);
	(pc) =	sbr.rel @!p3 .LBB2_20-.Ltmp10, $4  }
0x21c: {  	v12 =	vadd.s32 v9, v12;
	v9 =	vld [tilespmem:s24+$0x16BF0];
	v15, _, _ =	vpop (xrf0);
	(v2sf) =	vpush v14, $0xF;
	s22 =	sadd.s32 s22, s26  }
0x21d: {  	s19 =	sadd.s32 $0xFFFFFFF0, s19;
	v12 =	vadd.s32 v10, v12;
	v10 =	vld [tilespmem:s24+$0x173F0];
	v14 =	vadd.s32 s22, v15  }
0x21e: {  	p0 =	por p0, p1;
	v15 =	vadd.s32 v11, v12;
	v11 =	vld [tilespmem:s24+$0x17BF0];
	s24 =	sshra.s32 s25, $0x2;
	vm1 =	vge.s32 v14, v6;
	v16, _, _ =	vpop (xrf0);
	s26 =	spop (v2sf)  }
0x21f: {  	p2 =	por !p0, !p0;
	s25 =	sadd.s32 $0xFFFFFFC0, s25;
	v12 =	vld [tilespmem:s24+$0x103F0];
	v15 =	vadd.s32 v13, v15;
	v14 =	vsel vm1, $0x1, v1;
	(v2sf) =	vpush v16, $0xF;
	v13, _, _ =	vpop (xrf0);
	p1 =	sgt.u32 s26, $0x80000000  }
0x220: {  	v16 =	vld [tilespmem:s24+$0x10BF0]  }
0x221: {  	v8 =	vadd.s32 v8, v15;
	v32 =	vld [tilespmem:s24+$0x113F0]  }
0x222: {  	v33 =	vld [tilespmem:s24+$0x11BF0];
	v8 =	vadd.s32 v9, v8  }
0x223: {  	v14 =	vor.u32 $0x80000000, v14;
	v34 =	vld [tilespmem:s24+$0x123F0];
	v8 =	vadd.s32 v10, v8  }
0x224: {  	v35 =	vld [tilespmem:s24+$0x12BF0];
	(xrf0) =	vmax.scan.msk.u32 $0xffff, v14;
	v8 =	vadd.s32 v11, v8  }
0x225: {  	v36 =	vld [tilespmem:s24+$0x133F0];
	(xrf0) =	vadd.scan.msk.s32 $0xffff, v8;
	v12 =	vadd.s32 v12, v16  }
0x226: {  	v37 =	vld [tilespmem:s24+$0x13BF0];
	v12 =	vadd.s32 v32, v12  }
0x227: {  	v38 =	vld [tilespmem:s24+$0x143F0];
	v8 =	vperm.xlane v8, v4;
	v9 =	vadd.s32 v33, v12  }
0x228: {  	v39 =	vld [tilespmem:s24+$0x14BF0];
	v9 =	vadd.s32 v34, v9  }
0x229: {  	v40, _, _ =	vpop (xrf0);
	v41 =	vld [tilespmem:s24+$0x153F0];
	(xrf0) =	vadd.scan.msk.s32 $0xffff, v8;
	v9 =	vadd.s32 v35, v9  }
0x22a: {  	v43 =	vld [tilespmem:s24+$0x15BF0];
	(v2sf) =	vpush v40, $0xF;
	v42, _, _ =	vpop (xrf0);
	v9 =	vadd.s32 v36, v9  }
0x22b: {  	v44 =	vld [tilespmem:s24+$0x163F0];
	(v2sf) =	vpush v13, $0xF;
	v45, _, _ =	vpop (xrf0);
	v9 =	vadd.s32 v37, v9  }
0x22c: {  	s26 =	spop (v2sf);
	v46 =	vld [tilespmem:s24+$0x16BF0];
	(v2sf) =	vpush v45, $0xF;
	v9 =	vadd.s32 v38, v9  }
0x22d: {  	v47 =	vld [tilespmem:s24+$0x173F0];
	s28 =	spop (v2sf);
	v9 =	vadd.s32 v39, v9  }
0x22e: {  	v48 =	vld [tilespmem:s24+$0x17BF0];
	s25 =	spop (v2sf);
	v9 =	vadd.s32 v41, v9  }
0x22f: {  	v49, _, _ =	vpop (xrf0);
	s24 =	sadd.s32 s22, s25;
	v9 =	vadd.s32 v43, v9  }
0x230: {  	v50 =	vxor.u32 $0x80000000, v42;
	v15 =	vadd.s32 s24, v49;
	v9 =	vadd.s32 v44, v9  }
0x231: {  	vm1 =	veq.s32 v42, $0x80000000;
	(xrf0) =	vmax.scan.msk.u32 $0xffff, v42;
	vm2 =	vge.s32 v15, v6;
	v9 =	vadd.s32 v46, v9  }
0x232: {  	v7 =	vnsel vm1, $0x0, v7;
	(xrf0) =	vadd.scan.msk.s32 $0xffff, v50;
	v51 =	vsel vm2, $0x1, v1;
	v9 =	vadd.s32 v47, v9  }
0x233: {  	(xrf0) =	vadd.scan.msk.s32 $0xffff, v7;
	v7 =	vor.u32 $0x80000000, v51;
	v9 =	vadd.s32 v48, v9  }
0x234: {  	(xrf0) =	vmax.scan.msk.u32 $0xffff, v7;
	v7 =	vperm.xlane v9, v4  }
0x235: {  	(xrf0) =	vadd.scan.msk.s32 $0xffff, v9  }
0x236: {  	(xrf0) =	vadd.scan.msk.s32 $0xffff, v7  }
0x237: {  	v52, _, _ =	vpop (xrf0)  }
0x238: {  	s29 =	spop (v2sf);
	v53, _, _ =	vpop (xrf0)  }
0x239: {  	v54, _, _ =	vpop (xrf0);
	s30 =	spop (v2sf)  }
0x23a: {  	s31 =	spop (v2sf);
	v55, _, _ =	vpop (xrf0)  }
0x23b: {  	v56, _, _ =	vpop (xrf0);
	s25 =	spop (v2sf)  }
0x23c: {  	s25 =	sadd.s32 s24, s25;
	v57, _, _ =	vpop (xrf0)  }
0x23d: {  	v14 =	vadd.s32 s25, v57  }
0x23e: {  	v58 =	vxor.u32 $0x80000000, v55;
	vm1 =	veq.s32 v55, $0x80000000;
	(xrf0) =	vmax.scan.msk.u32 $0xffff, v55;
	vm2 =	vge.s32 v14, v6  }
0x23f: {  	(xrf0) =	vadd.scan.msk.s32 $0xffff, v58;
	v6 =	vnsel vm1, $0x0, v8;
	v59 =	vsel vm2, $0x1, v1  }
0x240: {  	(xrf0) =	vadd.scan.msk.s32 $0xffff, v6;
	v6 =	vor.u32 $0x80000000, v59  }
0x241: {  	(xrf0) =	vmax.scan.msk.u32 $0xffff, v6;
	_ =	sdelay $0x2  }
0x242: {  	v6, _, _ =	vpop (xrf0)  }
0x243: {  	(v2sf) =	vpush v52, $0xF;
	v60, _, _ =	vpop (xrf0)  }
0x244: {  	(v2sf) =	vpush v54, $0xF;
	v61, _, _ =	vpop (xrf0)  }
0x245: {  	(v2sf) =	vpush v53, $0xF;
	v62, _, _ =	vpop (xrf0)  }
0x246: {  	(v2sf) =	vpush v56, $0xF;
	v63 =	vxor.u32 $0x80000000, v62;
	vm1 =	veq.s32 v62, $0x80000000;
	(xrf0) =	vmax.scan.msk.u32 $0xffff, v62  }
0x247: {  	(v2sf) =	vpush v6, $0xF;
	v6 =	vnsel vm1, $0x0, v7;
	(xrf0) =	vadd.scan.msk.s32 $0xffff, v63  }
0x248: {  	(xrf0) =	vadd.scan.msk.s32 $0xffff, v6;
	_ =	sdelay $0x2  }
0x249: {  	(v2sf) =	vpush v61, $0xF  }
0x24a: {  	(v2sf) =	vpush v60, $0xF;
	v6, _, _ =	vpop (xrf0)  }
0x24b: {  	v7, _, _ =	vpop (xrf0);
	(v2sf) =	vpush v6, $0xF  }
0x24c: {  	p2 =	por !p1, !p2;
	p0 =	por p0, p1;
	v6, _, _ =	vpop (xrf0)  }
0x24d: {  	s23 =	sadd.s32 s23, s26;
	p2 =	por !p2, !p2;
	p5 =	por !p0, !p0;
	(v2sf) =	vpush v6, $0xF  }
0x24e: {  	s18 =	smov.u32 @p2 s23;
	s23 =	sadd.s32 s19, s28;
	p4 =	sgt.u32 s29, $0x80000000;
	(v2sf) =	vpush v7, $0xF  }
0x24f: {  	s21 =	smov.u32 @p2 s23;
	s29 =	sadd.s32 $0xFFFFFFF0, s19;
	p2 =	por !p4, !p5  }
0x250: {  	p1 =	por p0, p4;
	s19 =	sadd.s32 $0xFFFFFFF0, s29;
	s20 =	sadd.s32 s20, s30  }
0x251: {  	p2 =	por !p2, !p2;
	p3 =	por !p1, !p1;
	s23 =	spop (v2sf)  }
0x252: {  	s18 =	smov.u32 @p2 s20;
	s28 =	sadd.s32 s29, s31;
	p6 =	sgt.u32 s23, $0x80000000  }
0x253: {  	s21 =	smov.u32 @p2 s28;
	s26 =	spop (v2sf);
	p3 =	por !p6, !p3  }
0x254: {  	p1 =	por p1, p6;
	s30 =	spop (v2sf);
	s22 =	sadd.s32 s22, s26  }
0x255: {  	p2 =	por !p3, !p3;
	p5 =	por !p1, !p1;
	s31 =	spop (v2sf)  }
0x256: {  	s20 =	sadd.s32 s19, s30;
	s18 =	smov.u32 @p2 s22;
	s23 =	spop (v2sf)  }
0x257: {  	s19 =	sadd.s32 $0xFFFFFFF0, s19;
	s21 =	smov.u32 @p2 s20;
	p4 =	sgt.u32 s23, $0x80000000  }
0x258: {  	s26 =	spop (v2sf);
	p3 =	por !p4, !p5;
	p0 =	por p1, p4  }
0x259: {  	s22 =	sadd.s32 s24, s26;
	p3 =	por !p3, !p3;
	s28 =	spop (v2sf)  }
0x25a: {  	p0 =	por !p0, !p0;
	s20 =	sadd.s32 s19, s28;
	s29 =	spop (v2sf)  }
0x25b: {  	s18 =	smov.u32 @p3 s22;
	s19 =	sadd.s32 $0xFFFFFFF0, s19;
	p6 =	sgt.u32 s29, $0x80000000  }
0x25c: {  	s21 =	smov.u32 @p3 s20;
	s30 =	spop (v2sf);
	p0 =	por !p6, !p0  }
0x25d: {  	s31 =	spop (v2sf);
	s20 =	sadd.s32 s25, s30;
	p0 =	por !p0, !p0  }
0x25e: {  	s19 =	sadd.s32 s19, s31;
	s18 =	smov.u32 @p0 s20  }
0x25f: {  	s20 =	simm.s32 $0x0;
	s21 =	smov.u32 @p0 s19;
	s19 =	simm.s32 $0x40  }
.LBB2_22:
0x260: {  	p0 =	seq.s32 s19, $0xFC0;
	[tilespmem:s20+$0x18000] =	vst v1;
	s22 =	smov.u32 s19;
	s19 =	sadd.s32 $0x40, s19  }
.Ltmp11:
0x261: {  	[tilespmem:s20+$0x18400] =	vst v1;
	(pc) =	sbr.rel @!p0 .LBB2_22-.Ltmp11, $2  }
0x262: {  	_ =	sdelay $0x2  }
0x263: {  	s20 =	sshra.s32 s22, $0x2  }
0x264: {  	[tilespmem:s20+$0x18000] =	vst v1  }
0x265: {  	[tilespmem:s20+$0x18400] =	vst v1;
	s25 =	simm.s32 $0x8010  }
0x266: {  	v9 =	vld [tilespmem:s25+$0xFFFFFFF0]  }
0x267: {  	s15 =	sshll.u32 s15, $0x15;
	s16 =	sshll.u32 s16, $0xA  }
0x268: {  	s15 =	sor.u32 s15, s16  }
0x269: {  	s15 =	sor.u32 s21, s15  }
0x26a: {  	v8 =	vmov s15  }
0x26b: {  	vm1 =	veq.s32 v9, v8  }
0x26c: {  	v10 =	vsel vm1, $0x1, v1  }
0x26d: {  	(xrf0) =	vadd.scan.msk.s32 $0xffff, v10;
	_ =	sdelay $0x5  }
0x26e: {  	s17 =	ssub.s32 s17, s18;
	s15 =	simm.s32 $0x0;
	v10, _, _ =	vpop (xrf0)  }
0x26f: {  	v7 =	vmov s17;
	v10 =	vadd.s32 s15, v10  }
0x270: {  	vm2 =	vle.s32 v10, v7  }
0x271: {  	vm1 =	vmand vm1, vm2  }
0x272: {  	s18 =	ssub.s32 $0x3E8, s17;
	v10 =	vsel vm1, $0x1, v1  }
0x273: {  	v6 =	vmov s18;
	(xrf0) =	vadd.scan.msk.s32 $0xffff, v10;
	_ =	sdelay $0x1  }
0x274: {  	vm2 =	vgt.u32 v9, v8  }
0x275: {  	[tilespmem:s15+$0x18000] =	vst.msk vm2, v9;
	v10 =	vor.u32 s15, v0  }
0x276: {  	[tilespmem:s15+$0x18400] =	vst.msk vm2, v10  }
0x277: {  	[tilespmem:v6+s15+$0x18000 ss:$0x1] =	vst.idx.msk vm1, v9  }
0x278: {  	[tilespmem:v6+s15+$0x18400 ss:$0x1] =	vst.idx.msk vm1, v10;
	v11, _, _ =	vpop (xrf0)  }
0x279: {  	v9 =	vld [tilespmem:s25+$0x0];
	(v2sf) =	vpush v11, $0xF;
	_ =	sdelay $0x2  }
0x27a: {  	v10 =	vsel vm2, $0x1, v1  }
0x27b: {  	(xrf0) =	vadd.scan.msk.s32 $0xffff, v10  }
0x27c: {  	vm1 =	vgt.u32 v9, v8  }
0x27d: {  	vm2 =	veq.s32 v9, v8;
	v10 =	vsel vm1, $0x1, v1  }
0x27e: {  	(xrf0) =	vadd.scan.msk.s32 $0xffff, v10;
	v10 =	vsel vm2, $0x1, v1;
	_ =	sdelay $0x2  }
0x27f: {  	(xrf0) =	vadd.scan.msk.s32 $0xffff, v10;
	v10, _, _ =	vpop (xrf0)  }
0x280: {  	(v2sf) =	vpush v10, $0xF;
	_ =	sdelay $0x3  }
0x281: {  	v10, _, _ =	vpop (xrf0);
	s26 =	spop (v2sf)  }
0x282: {  	v11, _, _ =	vpop (xrf0);
	s20 =	sadd.s32 $0x0, s26  }
0x283: {  	v11 =	vadd.s32 s20, v11  }
0x284: {  	vm3 =	vle.s32 v11, v7  }
0x285: {  	vm2 =	vmand vm2, vm3  }
0x286: {  	v11 =	vsel vm2, $0x1, v1  }
0x287: {  	(xrf0) =	vadd.scan.msk.s32 $0xffff, v11;
	_ =	sdelay $0x4  }
0x288: {  	s28 =	spop (v2sf)  }
0x289: {  	s30 =	simm.s32 $0x10;
	(v2sf) =	vpush v10, $0xF;
	s29 =	sadd.s32 $0x0, s28;
	v10, _, _ =	vpop (xrf0)  }
0x28a: {  	[tilespmem:s29+$0x18000] =	vst.msk vm1, v9;
	(v2sf) =	vpush v10, $0xF;
	v10 =	vor.u32 s30, v0  }
0x28b: {  	[tilespmem:s29+$0x18400] =	vst.msk vm1, v10  }
0x28c: {  	[tilespmem:v6+s20+$0x18000 ss:$0x1] =	vst.idx.msk vm2, v9  }
0x28d: {  	s17 =	simm.s32 $0x8030;
	[tilespmem:v6+s20+$0x18400 ss:$0x1] =	vst.idx.msk vm2, v10  }
0x28e: {  	v9 =	vld [tilespmem:s17+$0xFFFFFFF0];
	_ =	sdelay $0x4  }
0x28f: {  	vm1 =	veq.s32 v9, v8  }
0x290: {  	v10 =	vsel vm1, $0x1, v1  }
0x291: {  	(xrf0) =	vadd.scan.msk.s32 $0xffff, v10;
	_ =	sdelay $0x2  }
0x292: {  	s19 =	simm.s32 $0x40;
	s31 =	spop (v2sf)  }
0x293: {  	s16 =	simm.s32 $0x20;
	s18 =	sadd.s32 s29, s31;
	s21 =	spop (v2sf)  }
.LBB2_24:
0x294: {  	p0 =	sne.s32 s19, $0x7FE0  }
0x295: {  	v10, _, _ =	vpop (xrf0);
	s20 =	sadd.s32 s20, s21;
	s21 =	smov.u32 s19;
	s19 =	sadd.s32 $0x20, s19  }
0x296: {  	v10 =	vadd.s32 s20, v10  }
0x297: {  	vm2 =	vle.s32 v10, v7  }
0x298: {  	vm1 =	vmand vm1, vm2  }
0x299: {  	v10 =	vsel vm1, $0x1, v1  }
0x29a: {  	(xrf0) =	vadd.scan.msk.s32 $0xffff, v10  }
0x29b: {  	vm2 =	vgt.u32 v9, v8  }
0x29c: {  	v11 =	vsel vm2, $0x1, v1;
	v10 =	vor.u32 s16, v0;
	[tilespmem:s18+$0x18000] =	vst.msk vm2, v9  }
0x29d: {  	[tilespmem:s18+$0x18400] =	vst.msk vm2, v10;
	(xrf0) =	vadd.scan.msk.s32 $0xffff, v11  }
0x29e: {  	[tilespmem:v6+s20+$0x18000 ss:$0x1] =	vst.idx.msk vm1, v9  }
0x29f: {  	[tilespmem:v6+s20+$0x18400 ss:$0x1] =	vst.idx.msk vm1, v10  }
0x2a0: {  	v9 =	vld [tilespmem:s17+$0x0];
	v10, _, _ =	vpop (xrf0)  }
0x2a1: {  	(v2sf) =	vpush v10, $0xF;
	_ =	sdelay $0x1  }
0x2a2: {  	v10, _, _ =	vpop (xrf0)  }
0x2a3: {  	(v2sf) =	vpush v10, $0xF  }
0x2a4: {  	vm1 =	vgt.u32 v9, v8  }
0x2a5: {  	v10 =	vsel vm1, $0x1, v1  }
0x2a6: {  	(xrf0) =	vadd.scan.msk.s32 $0xffff, v10;
	_ =	sdelay $0x1  }
0x2a7: {  	vm2 =	veq.s32 v9, v8  }
0x2a8: {  	v10 =	vsel vm2, $0x1, v1  }
0x2a9: {  	(xrf0) =	vadd.scan.msk.s32 $0xffff, v10;
	_ =	sdelay $0x1  }
0x2aa: {  	v10, _, _ =	vpop (xrf0)  }
0x2ab: {  	(v2sf) =	vpush v10, $0xF;
	_ =	sdelay $0x1  }
0x2ac: {  	s22 =	spop (v2sf)  }
0x2ad: {  	s20 =	sadd.s32 s20, s22;
	v10, _, _ =	vpop (xrf0)  }
0x2ae: {  	v10 =	vadd.s32 s20, v10  }
0x2af: {  	vm3 =	vle.s32 v10, v7;
	s22 =	spop (v2sf)  }
0x2b0: {  	s18 =	sadd.s32 s18, s22;
	s22 =	sadd.s32 $0x10, s16;
	vm2 =	vmand vm2, vm3;
	s16 =	smov.u32 s21  }
0x2b1: {  	v10 =	vor.u32 s22, v0;
	[tilespmem:s18+$0x18000] =	vst.msk vm1, v9;
	v11 =	vsel vm2, $0x1, v1  }
0x2b2: {  	[tilespmem:s18+$0x18400] =	vst.msk vm1, v10;
	(xrf0) =	vadd.scan.msk.s32 $0xffff, v11;
	_ =	sdelay $0x3  }
0x2b3: {  	[tilespmem:v6+s20+$0x18000 ss:$0x1] =	vst.idx.msk vm2, v9  }
0x2b4: {  	[tilespmem:v6+s20+$0x18400 ss:$0x1] =	vst.idx.msk vm2, v10  }
0x2b5: {  	v9, _, _ =	vpop (xrf0)  }
0x2b6: {  	s21 =	spop (v2sf);
	(v2sf) =	vpush v9, $0xF  }
0x2b7: {  	s18 =	sadd.s32 s18, s21  }
0x2b8: {  	s17 =	sadd.s32 $0x20, s17  }
0x2b9: {  	v9 =	vld [tilespmem:s17+$0xFFFFFFF0];
	_ =	sdelay $0x4  }
0x2ba: {  	vm1 =	veq.s32 v9, v8  }
0x2bb: {  	v10 =	vsel vm1, $0x1, v1  }
0x2bc: {  	(xrf0) =	vadd.scan.msk.s32 $0xffff, v10  }
.Ltmp12:
0x2bd: {  	(pc) =	sbr.rel @p0 .LBB2_24-.Ltmp12, $2  }
0x2be: {  	_ =	sdelay $0x2  }
0x2bf: {  	s21 =	spop (v2sf)  }
0x2c0: {  	v10, _, _ =	vpop (xrf0);
	s19 =	sadd.s32 s20, s21  }
0x2c1: {  	v10 =	vadd.s32 s19, v10  }
0x2c2: {  	vm2 =	vle.s32 v10, v7  }
0x2c3: {  	vm1 =	vmand vm1, vm2  }
0x2c4: {  	v57 =	vsel vm1, $0x1, v1  }
0x2c5: {  	(xrf0) =	vadd.scan.msk.s32 $0xffff, v57;
	_ =	sdelay $0x3  }
0x2c6: {  	vm2 =	vgt.u32 v9, v8  }
0x2c7: {  	v58 =	vor.u32 s16, v0;
	[tilespmem:s18+$0x18000] =	vst.msk vm2, v9;
	v11 =	vsel vm2, $0x1, v1  }
0x2c8: {  	[tilespmem:s18+$0x18400] =	vst.msk vm2, v58;
	(xrf0) =	vadd.scan.msk.s32 $0xffff, v11;
	v59, _, _ =	vpop (xrf0)  }
0x2c9: {  	[tilespmem:v6+s19+$0x18000 ss:$0x1] =	vst.idx.msk vm1, v9;
	(v2sf) =	vpush v59, $0xF  }
0x2ca: {  	[tilespmem:v6+s19+$0x18400 ss:$0x1] =	vst.idx.msk vm1, v58  }
0x2cb: {  	v9 =	vld [tilespmem:s17+$0x0];
	_ =	sdelay $0x2  }
0x2cc: {  	v60, _, _ =	vpop (xrf0)  }
0x2cd: {  	(v2sf) =	vpush v60, $0xF  }
0x2ce: {  	vm1 =	vgt.u32 v9, v8  }
0x2cf: {  	vm2 =	veq.s32 v9, v8;
	v61 =	vsel vm1, $0x1, v1  }
0x2d0: {  	v8 =	vsel vm2, $0x1, v1;
	(xrf0) =	vadd.scan.msk.s32 $0xffff, v61  }
0x2d1: {  	(xrf0) =	vadd.scan.msk.s32 $0xffff, v8;
	_ =	sdelay $0x4  }
0x2d2: {  	v8, _, _ =	vpop (xrf0);
	s25 =	spop (v2sf)  }
0x2d3: {  	v62, _, _ =	vpop (xrf0);
	s17 =	sadd.s32 s19, s25  }
0x2d4: {  	v10 =	vadd.s32 s17, v62  }
0x2d5: {  	vm3 =	vle.s32 v10, v7  }
0x2d6: {  	vm2 =	vmand vm2, vm3;
	_ =	sdelay $0x1  }
0x2d7: {  	s26 =	spop (v2sf)  }
0x2d8: {  	s29 =	sadd.s32 $0x10, s16;
	s28 =	sadd.s32 s18, s26  }
0x2d9: {  	v7 =	vor.u32 s29, v0;
	[tilespmem:s28+$0x18000] =	vst.msk vm1, v9  }
0x2da: {  	[tilespmem:s28+$0x18400] =	vst.msk vm1, v7  }
0x2db: {  	[tilespmem:v6+s17+$0x18000 ss:$0x1] =	vst.idx.msk vm2, v9  }
0x2dc: {  	s16 =	simm.s32 $0x18400;
	[tilespmem:v6+s17+$0x18400 ss:$0x1] =	vst.idx.msk vm2, v7  }
0x2dd: {  	s17 =	simm.s32 $0x18000;
	v6 =	vld [tilespmem:s16+$0x0]  }
0x2de: {  	v7 =	vsel vm2, $0x1, v1;
	v9 =	vld [tilespmem:s17+$0x0]  }
0x2df: {  	(xrf0) =	vadd.scan.msk.s32 $0xffff, v7;
	_ =	sdelay $0x3  }
0x2e0: {  	(xrf1) =	vsort.ascd.msk.u32 $0xffff, v9, v6;
	_ =	sdelay $0x1  }
0x2e1: {  	(v2sf) =	vpush v8, $0xF;
	v6, _, _ =	vpop (xrf0)  }
0x2e2: {  	(v2sf) =	vpush v6, $0xF;
	_ =	sdelay $0xa  }
0x2e3: {  	v6, v7, _ =	vpop (xrf1)  }
0x2e4: {  	s15 =	sand.u32 $0x1, s15;
	v8 =	vperm.xlane v6, v4  }
0x2e5: {  	p0 =	seq.s32 s15, $0x1;
	v63 =	vperm.xlane v7, v4  }
0x2e6: {  	s30 =	spop (v2sf);
	v8 =	vpsel p0, v6, v8  }
0x2e7: {  	s15 =	simm.s32 $0x1;
	s31 =	spop (v2sf);
	v6 =	vpsel p0, v7, v63;
	[tilespmem:s17+$0x0] =	vst v8  }
.LBB2_26:
0x2e8: {  	p0 =	sne.s32 s15, $0x3F;
	[tilespmem:s16+$0x0] =	vst v6;
	s17 =	sadd.s32 $0x10, s17;
	s16 =	sadd.s32 $0x10, s16  }
0x2e9: {  	s18 =	smov.u32 s15;
	s15 =	sadd.s32 $0x1, s15;
	v6 =	vld [tilespmem:s16+$0x0]  }
0x2ea: {  	v7 =	vld [tilespmem:s17+$0x0];
	_ =	sdelay $0x4  }
0x2eb: {  	(xrf1) =	vsort.ascd.msk.u32 $0xffff, v7, v6;
	_ =	sdelay $0xd  }
.Ltmp13:
0x2ec: {  	v6, v7, _ =	vpop (xrf1);
	(pc) =	sbr.rel @p0 .LBB2_26-.Ltmp13, $4  }
0x2ed: {  	s18 =	sand.u32 $0x1, s18;
	v8 =	vperm.xlane v6, v4;
	v9 =	vperm.xlane v7, v4  }
0x2ee: {  	p1 =	seq.s32 s18, $0x1  }
0x2ef: {  	v8 =	vpsel p1, v6, v8;
	v6 =	vpsel p1, v7, v9  }
0x2f0: {  	[tilespmem:s17+$0x0] =	vst v8  }
0x2f1: {  	[tilespmem:s16+$0x0] =	vst v6;
	s17 =	simm.s32 $0x18410  }
0x2f2: {  	s15 =	simm.s32 $0x0;
	s16 =	simm.s32 $0x18010;
	v6 =	vld [tilespmem:s17+$0xFFFFFFF0]  }
0x2f3: {  	v7 =	vld [tilespmem:s16+$0xFFFFFFF0];
	s18 =	sand.u32 $0x1, s15  }
0x2f4: {  	v8 =	vld [tilespmem:s17+$0x0];
	p0 =	seq.s32 s18, $0x1  }
0x2f5: {  	vm1 =	vmmov vm0;
	v9 =	vld [tilespmem:s16+$0x0];
	p0 =	por !p0, !p0  }
0x2f6: {  	vm1 =	vmneg @p0 vm1  }
0x2f7: {  	vm1 =	vmneg vm1  }
0x2f8: {  	v10 =	vsel vm1, $0x1, v1  }
0x2f9: {  	v10 =	vbroadcast v10, $0x0  }
0x2fa: {  	vm1 =	vlt.s32 v6, v8;
	vm2 =	veq.s32 v7, v9  }
0x2fb: {  	vm3 =	vgt.u32 v7, v9;
	vm1 =	vmand vm2, vm1;
	v10 =	vand.u32 $0x1, v10  }
0x2fc: {  	vm1 =	vmor vm3, vm1;
	vm2 =	veq.s32 v10, $0x1  }
0x2fd: {  	vm1 =	vmxor vm2, vm1  }
0x2fe: {  	v62 =	vsel vm1, v7, v9  }
0x2ff: {  	v63 =	vsel vm1, v6, v8;
	[tilespmem:s16+$0xFFFFFFF0] =	vst v62  }
0x300: {  	v7 =	vsel vm1, v9, v7;
	[tilespmem:s17+$0xFFFFFFF0] =	vst v63  }
0x301: {  	s19 =	simm.s32 $0x18430;
	s18 =	simm.s32 $0x1;
	v6 =	vsel vm1, v8, v6;
	[tilespmem:s16+$0x0] =	vst v7  }
.LBB2_28:
0x302: {  	p0 =	sne.s32 s18, $0x1F;
	s16 =	sadd.s32 $0x20, s16  }
0x303: {  	v7 =	vld [tilespmem:s19+$0xFFFFFFF0];
	[tilespmem:s17+$0x0] =	vst v6;
	s20 =	smov.u32 s18;
	s18 =	sadd.s32 $0x1, s18;
	s17 =	smov.u32 s19  }
0x304: {  	v6 =	vld [tilespmem:s16+$0xFFFFFFF0];
	s20 =	sand.u32 $0x1, s20  }
0x305: {  	v8 =	vld [tilespmem:s19+$0x0];
	p1 =	seq.s32 s20, $0x1  }
0x306: {  	vm1 =	vmmov vm0;
	v9 =	vld [tilespmem:s16+$0x0];
	p1 =	por !p1, !p1  }
0x307: {  	vm1 =	vmneg @p1 vm1  }
0x308: {  	vm1 =	vmneg vm1  }
0x309: {  	v10 =	vsel vm1, $0x1, v1  }
0x30a: {  	vm1 =	vlt.s32 v7, v8;
	v10 =	vbroadcast v10, $0x0  }
0x30b: {  	vm2 =	veq.s32 v6, v9  }
0x30c: {  	vm3 =	vgt.u32 v6, v9;
	vm1 =	vmand vm2, vm1;
	v10 =	vand.u32 $0x1, v10  }
0x30d: {  	vm1 =	vmor vm3, vm1;
	vm2 =	veq.s32 v10, $0x1  }
.Ltmp14:
0x30e: {  	vm1 =	vmxor vm2, vm1;
	(pc) =	sbr.rel @p0 .LBB2_28-.Ltmp14, $4  }
0x30f: {  	v10 =	vsel vm1, v6, v9;
	v9 =	vsel vm1, v9, v6;
	v6 =	vsel vm1, v8, v7  }
0x310: {  	v7 =	vsel vm1, v7, v8;
	[tilespmem:s16+$0xFFFFFFF0] =	vst v10  }
0x311: {  	[tilespmem:s19+$0xFFFFFFF0] =	vst v7  }
0x312: {  	s19 =	sadd.s32 $0x20, s19;
	[tilespmem:s16+$0x0] =	vst v9  }
0x313: {  	[tilespmem:s17+$0x0] =	vst v6;
	s17 =	simm.s32 $0x18400  }
0x314: {  	s18 =	simm.s32 $0x18000;
	v6 =	vld [tilespmem:s17+$0x0]  }
0x315: {  	v7 =	vld [tilespmem:s18+$0x0];
	_ =	sdelay $0x4  }
0x316: {  	(xrf1) =	vsort.ascd.msk.u32 $0xffff, v7, v6;
	_ =	sdelay $0xd  }
0x317: {  	v6, v7, _ =	vpop (xrf1)  }
0x318: {  	s15 =	sand.u32 $0x2, s15;
	v8 =	vperm.xlane v6, v4  }
0x319: {  	p0 =	seq.s32 s15, $0x0;
	v9 =	vperm.xlane v7, v4  }
0x31a: {  	v8 =	vpsel p0, v8, v6  }
0x31b: {  	s15 =	simm.s32 $0x1;
	v6 =	vpsel p0, v9, v7;
	[tilespmem:s18+$0x0] =	vst v8  }
.LBB2_30:
0x31c: {  	p0 =	sne.s32 s15, $0x3F;
	[tilespmem:s17+$0x0] =	vst v6;
	s18 =	sadd.s32 $0x10, s18;
	s17 =	sadd.s32 $0x10, s17  }
0x31d: {  	s16 =	smov.u32 s15;
	s15 =	sadd.s32 $0x1, s15;
	v6 =	vld [tilespmem:s17+$0x0]  }
0x31e: {  	v7 =	vld [tilespmem:s18+$0x0];
	_ =	sdelay $0x4  }
0x31f: {  	(xrf1) =	vsort.ascd.msk.u32 $0xffff, v7, v6;
	_ =	sdelay $0xd  }
.Ltmp15:
0x320: {  	v6, v7, _ =	vpop (xrf1);
	(pc) =	sbr.rel @p0 .LBB2_30-.Ltmp15, $4  }
0x321: {  	s16 =	sand.u32 $0x2, s16;
	v8 =	vperm.xlane v6, v4;
	v9 =	vperm.xlane v7, v4  }
0x322: {  	p1 =	seq.s32 s16, $0x0  }
0x323: {  	v8 =	vpsel p1, v8, v6;
	v6 =	vpsel p1, v9, v7  }
0x324: {  	s16 =	simm.s32 $0x0;
	[tilespmem:s18+$0x0] =	vst v8  }
0x325: {  	s15 =	sand.u32 $0x3C, s16;
	s18 =	sand.u32 $0x1, s16  }
0x326: {  	s15 =	sor.u32 s18, s15  }
0x327: {  	[tilespmem:s17+$0x0] =	vst v6;
	s15 =	sshll.u32 s15, $0x4  }
0x328: {  	v7 =	vld [tilespmem:s15+$0x18000]  }
0x329: {  	v8 =	vld [tilespmem:s15+$0x18020]  }
0x32a: {  	s31 =	sand.u32 $0x2, s16;
	v9 =	vld [tilespmem:s15+$0x18420]  }
0x32b: {  	vm1 =	vmmov vm0;
	p0 =	seq.s32 s31, $0x0;
	v10 =	vld [tilespmem:s15+$0x18400]  }
0x32c: {  	vm1 =	vmneg @p0 vm1  }
0x32d: {  	vm1 =	vmneg vm1  }
0x32e: {  	v6 =	vsel vm1, $0x1, v1  }
0x32f: {  	v6 =	vbroadcast v6, $0x0  }
0x330: {  	vm2 =	veq.s32 v7, v8;
	vm3 =	vlt.s32 v10, v9  }
0x331: {  	s17 =	simm.s32 $0x1;
	v11 =	vand.u32 $0x1, v6;
	vm1 =	vgt.u32 v7, v8;
	vm2 =	vmand vm2, vm3  }
.LBB2_32:
0x332: {  	p0 =	sne.s32 s17, $0x1F  }
0x333: {  	vm1 =	vmor vm1, vm2;
	vm2 =	veq.s32 v11, $0x1;
	s16 =	sadd.s32 $0x2, s16;
	s18 =	smov.u32 s17;
	s17 =	sadd.s32 $0x1, s17  }
0x334: {  	s19 =	sand.u32 $0x3C, s16;
	s20 =	sand.u32 $0x1, s18;
	vm1 =	vmxor vm2, vm1  }
0x335: {  	s19 =	sor.u32 s20, s19;
	v11 =	vsel vm1, v7, v8;
	v12 =	vsel vm1, v10, v9;
	v9 =	vsel vm1, v9, v10  }
0x336: {  	v8 =	vsel vm1, v8, v7;
	s19 =	sshll.u32 s19, $0x4;
	[tilespmem:s15+$0x18000] =	vst v11  }
0x337: {  	v7 =	vld [tilespmem:s19+$0x18000];
	[tilespmem:s15+$0x18020] =	vst v8  }
0x338: {  	v8 =	vld [tilespmem:s19+$0x18020];
	[tilespmem:s15+$0x18420] =	vst v9  }
0x339: {  	s18 =	sand.u32 $0x2, s18;
	v9 =	vld [tilespmem:s19+$0x18420];
	[tilespmem:s15+$0x18400] =	vst v12;
	s15 =	smov.u32 s19  }
0x33a: {  	p1 =	seq.s32 s18, $0x0;
	vm1 =	vmmov vm0;
	v10 =	vld [tilespmem:s15+$0x18400]  }
0x33b: {  	vm1 =	vmneg @p1 vm1  }
.Ltmp16:
0x33c: {  	vm1 =	vmneg vm1;
	(pc) =	sbr.rel @p0 .LBB2_32-.Ltmp16, $4  }
0x33d: {  	v11 =	vsel vm1, $0x1, v1  }
0x33e: {  	v11 =	vbroadcast v11, $0x0  }
0x33f: {  	vm1 =	vgt.u32 v7, v8;
	vm2 =	veq.s32 v7, v8;
	vm3 =	vlt.s32 v10, v9  }
0x340: {  	v11 =	vand.u32 $0x1, v11;
	vm2 =	vmand vm2, vm3  }
0x341: {  	vm1 =	vmor vm1, vm2;
	vm2 =	veq.s32 v11, $0x1  }
0x342: {  	vm1 =	vmxor vm2, vm1  }
0x343: {  	v60 =	vsel vm1, v7, v8  }
0x344: {  	v7 =	vsel vm1, v8, v7;
	[tilespmem:s15+$0x18000] =	vst v60  }
0x345: {  	v8 =	vsel vm1, v9, v10;
	[tilespmem:s15+$0x18020] =	vst v7  }
0x346: {  	v7 =	vsel vm1, v10, v9;
	[tilespmem:s15+$0x18420] =	vst v8  }
0x347: {  	s16 =	simm.s32 $0x18410;
	[tilespmem:s15+$0x18400] =	vst v7  }
0x348: {  	s15 =	simm.s32 $0x18010;
	v7 =	vld [tilespmem:s16+$0xFFFFFFF0]  }
0x349: {  	v8 =	vld [tilespmem:s15+$0xFFFFFFF0]  }
0x34a: {  	v61 =	vld [tilespmem:s16+$0x0]  }
0x34b: {  	v62 =	vld [tilespmem:s15+$0x0];
	_ =	sdelay $0x4  }
0x34c: {  	vm1 =	vlt.s32 v7, v61;
	vm2 =	veq.s32 v8, v62  }
0x34d: {  	v6 =	vand.u32 $0x1, v6;
	vm3 =	vgt.u32 v8, v62;
	vm1 =	vmand vm2, vm1  }
0x34e: {  	vm2 =	veq.s32 v6, $0x1;
	vm1 =	vmor vm3, vm1  }
0x34f: {  	vm1 =	vmxor vm2, vm1  }
0x350: {  	v6 =	vsel vm1, v8, v62  }
0x351: {  	v63 =	vsel vm1, v7, v61;
	[tilespmem:s15+$0xFFFFFFF0] =	vst v6  }
0x352: {  	v8 =	vsel vm1, v62, v8;
	[tilespmem:s16+$0xFFFFFFF0] =	vst v63  }
0x353: {  	s17 =	simm.s32 $0x1;
	s18 =	simm.s32 $0x18430;
	v6 =	vsel vm1, v61, v7;
	[tilespmem:s15+$0x0] =	vst v8  }
.LBB2_34:
0x354: {  	p0 =	sne.s32 s17, $0x1F;
	s15 =	sadd.s32 $0x20, s15  }
0x355: {  	v7 =	vld [tilespmem:s18+$0xFFFFFFF0];
	[tilespmem:s16+$0x0] =	vst v6;
	s19 =	smov.u32 s17;
	s17 =	sadd.s32 $0x1, s17;
	s16 =	smov.u32 s18  }
0x356: {  	v6 =	vld [tilespmem:s15+$0xFFFFFFF0]  }
0x357: {  	s19 =	sand.u32 $0x2, s19;
	v8 =	vld [tilespmem:s18+$0x0]  }
0x358: {  	vm1 =	vmmov vm0;
	p1 =	seq.s32 s19, $0x0;
	v9 =	vld [tilespmem:s15+$0x0]  }
0x359: {  	vm1 =	vmneg @p1 vm1  }
0x35a: {  	vm1 =	vmneg vm1  }
0x35b: {  	v10 =	vsel vm1, $0x1, v1  }
0x35c: {  	v10 =	vbroadcast v10, $0x0;
	vm1 =	vlt.s32 v7, v8  }
0x35d: {  	vm2 =	vgt.u32 v6, v9;
	vm3 =	veq.s32 v6, v9  }
0x35e: {  	v10 =	vand.u32 $0x1, v10;
	vm1 =	vmand vm3, vm1  }
0x35f: {  	vm1 =	vmor vm2, vm1;
	vm2 =	veq.s32 v10, $0x1  }
.Ltmp17:
0x360: {  	vm1 =	vmxor vm2, vm1;
	(pc) =	sbr.rel @p0 .LBB2_34-.Ltmp17, $4  }
0x361: {  	v10 =	vsel vm1, v6, v9;
	v9 =	vsel vm1, v9, v6;
	v6 =	vsel vm1, v8, v7  }
0x362: {  	v7 =	vsel vm1, v7, v8;
	[tilespmem:s15+$0xFFFFFFF0] =	vst v10  }
0x363: {  	[tilespmem:s18+$0xFFFFFFF0] =	vst v7  }
0x364: {  	s18 =	sadd.s32 $0x20, s18;
	[tilespmem:s15+$0x0] =	vst v9  }
0x365: {  	[tilespmem:s16+$0x0] =	vst v6;
	s16 =	simm.s32 $0x18400  }
0x366: {  	s17 =	simm.s32 $0x18000;
	v6 =	vld [tilespmem:s16+$0x0]  }
0x367: {  	v7 =	vld [tilespmem:s17+$0x0];
	_ =	sdelay $0x4  }
0x368: {  	(xrf1) =	vsort.ascd.msk.u32 $0xffff, v7, v6;
	_ =	sdelay $0xd  }
0x369: {  	s15 =	simm.s32 $0x0;
	v6, v7, _ =	vpop (xrf1)  }
0x36a: {  	s18 =	sand.u32 $0x4, s15;
	v8 =	vperm.xlane v6, v4  }
0x36b: {  	p0 =	seq.s32 s18, $0x0;
	v9 =	vperm.xlane v7, v4  }
0x36c: {  	v8 =	vpsel p0, v8, v6  }
0x36d: {  	s18 =	simm.s32 $0x1;
	v6 =	vpsel p0, v9, v7;
	[tilespmem:s17+$0x0] =	vst v8  }
.LBB2_36:
0x36e: {  	p1 =	sne.s32 s18, $0x3F;
	[tilespmem:s16+$0x0] =	vst v6;
	s17 =	sadd.s32 $0x10, s17;
	s16 =	sadd.s32 $0x10, s16  }
0x36f: {  	s19 =	smov.u32 s18;
	s18 =	sadd.s32 $0x1, s18;
	v6 =	vld [tilespmem:s16+$0x0]  }
0x370: {  	v7 =	vld [tilespmem:s17+$0x0];
	_ =	sdelay $0x4  }
0x371: {  	(xrf1) =	vsort.ascd.msk.u32 $0xffff, v7, v6;
	_ =	sdelay $0xd  }
.Ltmp18:
0x372: {  	v6, v7, _ =	vpop (xrf1);
	(pc) =	sbr.rel @p1 .LBB2_36-.Ltmp18, $4  }
0x373: {  	s19 =	sand.u32 $0x4, s19;
	v8 =	vperm.xlane v6, v4;
	v9 =	vperm.xlane v7, v4  }
0x374: {  	p2 =	seq.s32 s19, $0x0  }
0x375: {  	v8 =	vpsel p2, v8, v6;
	v6 =	vpsel p2, v9, v7  }
0x376: {  	[tilespmem:s17+$0x0] =	vst v8  }
0x377: {  	s17 =	sand.u32 $0x38, s15;
	s18 =	sand.u32 $0x3, s15  }
0x378: {  	s17 =	sor.u32 s18, s17  }
0x379: {  	[tilespmem:s16+$0x0] =	vst v6;
	s17 =	sshll.u32 s17, $0x4  }
0x37a: {  	v6 =	vld [tilespmem:s17+$0x18000]  }
0x37b: {  	v7 =	vld [tilespmem:s17+$0x18440]  }
0x37c: {  	v8 =	vld [tilespmem:s17+$0x18040]  }
0x37d: {  	vm1 =	vmmov vm0;
	v9 =	vld [tilespmem:s17+$0x18400]  }
0x37e: {  	vm1 =	vmneg @p0 vm1  }
0x37f: {  	vm1 =	vmneg vm1  }
0x380: {  	v10 =	vsel vm1, $0x1, v1  }
0x381: {  	v10 =	vbroadcast v10, $0x0  }
0x382: {  	vm2 =	veq.s32 v6, v8;
	vm3 =	vlt.s32 v9, v7  }
0x383: {  	s18 =	simm.s32 $0x1;
	v10 =	vand.u32 $0x1, v10;
	vm1 =	vgt.u32 v6, v8;
	vm2 =	vmand vm2, vm3  }
.LBB2_38:
0x384: {  	p0 =	sne.s32 s18, $0x1F  }
0x385: {  	vm1 =	vmor vm1, vm2;
	vm2 =	veq.s32 v10, $0x1;
	s15 =	sadd.s32 $0x2, s15;
	s16 =	smov.u32 s18;
	s18 =	sadd.s32 $0x1, s18  }
0x386: {  	s19 =	sand.u32 $0x38, s15;
	s20 =	sand.u32 $0x3, s16;
	vm1 =	vmxor vm2, vm1  }
0x387: {  	s19 =	sor.u32 s20, s19;
	v10 =	vsel vm1, v6, v8;
	v11 =	vsel vm1, v9, v7;
	v7 =	vsel vm1, v7, v9  }
0x388: {  	v8 =	vsel vm1, v8, v6;
	s19 =	sshll.u32 s19, $0x4;
	[tilespmem:s17+$0x18000] =	vst v10  }
0x389: {  	v6 =	vld [tilespmem:s19+$0x18000];
	[tilespmem:s17+$0x18440] =	vst v7  }
0x38a: {  	v7 =	vld [tilespmem:s19+$0x18440];
	[tilespmem:s17+$0x18040] =	vst v8  }
0x38b: {  	s16 =	sand.u32 $0x4, s16;
	v8 =	vld [tilespmem:s19+$0x18040];
	[tilespmem:s17+$0x18400] =	vst v11;
	s17 =	smov.u32 s19  }
0x38c: {  	p1 =	seq.s32 s16, $0x0;
	vm1 =	vmmov vm0;
	v9 =	vld [tilespmem:s17+$0x18400]  }
0x38d: {  	vm1 =	vmneg @p1 vm1  }
.Ltmp19:
0x38e: {  	vm1 =	vmneg vm1;
	(pc) =	sbr.rel @p0 .LBB2_38-.Ltmp19, $4  }
0x38f: {  	v10 =	vsel vm1, $0x1, v1  }
0x390: {  	v10 =	vbroadcast v10, $0x0  }
0x391: {  	vm1 =	vgt.u32 v6, v8;
	vm2 =	veq.s32 v6, v8;
	vm3 =	vlt.s32 v9, v7  }
0x392: {  	s16 =	simm.s32 $0x0;
	v10 =	vand.u32 $0x1, v10;
	vm2 =	vmand vm2, vm3  }
0x393: {  	vm1 =	vmor vm1, vm2;
	vm2 =	veq.s32 v10, $0x1  }
0x394: {  	vm1 =	vmxor vm2, vm1  }
0x395: {  	v10 =	vsel vm1, v6, v8  }
0x396: {  	v11 =	vsel vm1, v7, v9;
	[tilespmem:s17+$0x18000] =	vst v10  }
0x397: {  	s15 =	sand.u32 $0x3C, s16;
	s18 =	sand.u32 $0x1, s16;
	v6 =	vsel vm1, v8, v6;
	[tilespmem:s17+$0x18440] =	vst v11  }
0x398: {  	s15 =	sor.u32 s18, s15;
	v7 =	vsel vm1, v9, v7;
	[tilespmem:s17+$0x18040] =	vst v6  }
0x399: {  	s15 =	sshll.u32 s15, $0x4;
	[tilespmem:s17+$0x18400] =	vst v7  }
0x39a: {  	v7 =	vld [tilespmem:s15+$0x18000]  }
0x39b: {  	v8 =	vld [tilespmem:s15+$0x18020]  }
0x39c: {  	s31 =	sand.u32 $0x4, s16;
	v9 =	vld [tilespmem:s15+$0x18420]  }
0x39d: {  	p0 =	seq.s32 s31, $0x0;
	vm1 =	vmmov vm0;
	v10 =	vld [tilespmem:s15+$0x18400]  }
0x39e: {  	vm1 =	vmneg @p0 vm1  }
0x39f: {  	vm1 =	vmneg vm1  }
0x3a0: {  	v6 =	vsel vm1, $0x1, v1  }
0x3a1: {  	v6 =	vbroadcast v6, $0x0  }
0x3a2: {  	vm2 =	veq.s32 v7, v8;
	vm3 =	vlt.s32 v10, v9  }
0x3a3: {  	s17 =	simm.s32 $0x1;
	v11 =	vand.u32 $0x1, v6;
	vm1 =	vgt.u32 v7, v8;
	vm2 =	vmand vm2, vm3  }
.LBB2_40:
0x3a4: {  	p0 =	sne.s32 s17, $0x1F  }
0x3a5: {  	vm1 =	vmor vm1, vm2;
	vm2 =	veq.s32 v11, $0x1;
	s16 =	sadd.s32 $0x2, s16;
	s18 =	smov.u32 s17;
	s17 =	sadd.s32 $0x1, s17  }
0x3a6: {  	s19 =	sand.u32 $0x3C, s16;
	s20 =	sand.u32 $0x1, s18;
	vm1 =	vmxor vm2, vm1  }
0x3a7: {  	s19 =	sor.u32 s20, s19;
	v11 =	vsel vm1, v7, v8;
	v12 =	vsel vm1, v10, v9;
	v9 =	vsel vm1, v9, v10  }
0x3a8: {  	v8 =	vsel vm1, v8, v7;
	s19 =	sshll.u32 s19, $0x4;
	[tilespmem:s15+$0x18000] =	vst v11  }
0x3a9: {  	v7 =	vld [tilespmem:s19+$0x18000];
	[tilespmem:s15+$0x18020] =	vst v8  }
0x3aa: {  	v8 =	vld [tilespmem:s19+$0x18020];
	[tilespmem:s15+$0x18420] =	vst v9  }
0x3ab: {  	s18 =	sand.u32 $0x4, s18;
	v9 =	vld [tilespmem:s19+$0x18420];
	[tilespmem:s15+$0x18400] =	vst v12;
	s15 =	smov.u32 s19  }
0x3ac: {  	p1 =	seq.s32 s18, $0x0;
	vm1 =	vmmov vm0;
	v10 =	vld [tilespmem:s15+$0x18400]  }
0x3ad: {  	vm1 =	vmneg @p1 vm1  }
.Ltmp20:
0x3ae: {  	vm1 =	vmneg vm1;
	(pc) =	sbr.rel @p0 .LBB2_40-.Ltmp20, $4  }
0x3af: {  	v11 =	vsel vm1, $0x1, v1  }
0x3b0: {  	v11 =	vbroadcast v11, $0x0  }
0x3b1: {  	vm1 =	vgt.u32 v7, v8;
	vm2 =	veq.s32 v7, v8;
	vm3 =	vlt.s32 v10, v9  }
0x3b2: {  	v11 =	vand.u32 $0x1, v11;
	vm2 =	vmand vm2, vm3  }
0x3b3: {  	vm1 =	vmor vm1, vm2;
	vm2 =	veq.s32 v11, $0x1  }
0x3b4: {  	vm1 =	vmxor vm2, vm1  }
0x3b5: {  	v60 =	vsel vm1, v7, v8  }
0x3b6: {  	v7 =	vsel vm1, v8, v7;
	[tilespmem:s15+$0x18000] =	vst v60  }
0x3b7: {  	v8 =	vsel vm1, v9, v10;
	[tilespmem:s15+$0x18020] =	vst v7  }
0x3b8: {  	v7 =	vsel vm1, v10, v9;
	[tilespmem:s15+$0x18420] =	vst v8  }
0x3b9: {  	s16 =	simm.s32 $0x18410;
	[tilespmem:s15+$0x18400] =	vst v7  }
0x3ba: {  	s15 =	simm.s32 $0x18010;
	v7 =	vld [tilespmem:s16+$0xFFFFFFF0]  }
0x3bb: {  	v8 =	vld [tilespmem:s15+$0xFFFFFFF0]  }
0x3bc: {  	v61 =	vld [tilespmem:s16+$0x0]  }
0x3bd: {  	v62 =	vld [tilespmem:s15+$0x0];
	_ =	sdelay $0x4  }
0x3be: {  	vm1 =	vlt.s32 v7, v61;
	vm2 =	veq.s32 v8, v62  }
0x3bf: {  	v6 =	vand.u32 $0x1, v6;
	vm3 =	vgt.u32 v8, v62;
	vm1 =	vmand vm2, vm1  }
0x3c0: {  	vm2 =	veq.s32 v6, $0x1;
	vm1 =	vmor vm3, vm1  }
0x3c1: {  	vm1 =	vmxor vm2, vm1  }
0x3c2: {  	v6 =	vsel vm1, v8, v62  }
0x3c3: {  	v63 =	vsel vm1, v7, v61;
	[tilespmem:s15+$0xFFFFFFF0] =	vst v6  }
0x3c4: {  	v8 =	vsel vm1, v62, v8;
	[tilespmem:s16+$0xFFFFFFF0] =	vst v63  }
0x3c5: {  	s17 =	simm.s32 $0x1;
	s18 =	simm.s32 $0x18430;
	v6 =	vsel vm1, v61, v7;
	[tilespmem:s15+$0x0] =	vst v8  }
.LBB2_42:
0x3c6: {  	p0 =	sne.s32 s17, $0x1F;
	s15 =	sadd.s32 $0x20, s15  }
0x3c7: {  	v7 =	vld [tilespmem:s18+$0xFFFFFFF0];
	[tilespmem:s16+$0x0] =	vst v6;
	s19 =	smov.u32 s17;
	s17 =	sadd.s32 $0x1, s17;
	s16 =	smov.u32 s18  }
0x3c8: {  	v6 =	vld [tilespmem:s15+$0xFFFFFFF0]  }
0x3c9: {  	s19 =	sand.u32 $0x4, s19;
	v8 =	vld [tilespmem:s18+$0x0]  }
0x3ca: {  	vm1 =	vmmov vm0;
	p1 =	seq.s32 s19, $0x0;
	v9 =	vld [tilespmem:s15+$0x0]  }
0x3cb: {  	vm1 =	vmneg @p1 vm1  }
0x3cc: {  	vm1 =	vmneg vm1  }
0x3cd: {  	v10 =	vsel vm1, $0x1, v1  }
0x3ce: {  	v10 =	vbroadcast v10, $0x0;
	vm1 =	vlt.s32 v7, v8  }
0x3cf: {  	vm2 =	vgt.u32 v6, v9;
	vm3 =	veq.s32 v6, v9  }
0x3d0: {  	v10 =	vand.u32 $0x1, v10;
	vm1 =	vmand vm3, vm1  }
0x3d1: {  	vm1 =	vmor vm2, vm1;
	vm2 =	veq.s32 v10, $0x1  }
.Ltmp21:
0x3d2: {  	vm1 =	vmxor vm2, vm1;
	(pc) =	sbr.rel @p0 .LBB2_42-.Ltmp21, $4  }
0x3d3: {  	v10 =	vsel vm1, v6, v9;
	v9 =	vsel vm1, v9, v6;
	v6 =	vsel vm1, v8, v7  }
0x3d4: {  	v7 =	vsel vm1, v7, v8;
	[tilespmem:s15+$0xFFFFFFF0] =	vst v10  }
0x3d5: {  	[tilespmem:s18+$0xFFFFFFF0] =	vst v7  }
0x3d6: {  	s18 =	sadd.s32 $0x20, s18;
	[tilespmem:s15+$0x0] =	vst v9  }
0x3d7: {  	[tilespmem:s16+$0x0] =	vst v6;
	s15 =	simm.s32 $0x18400  }
0x3d8: {  	s17 =	simm.s32 $0x18000;
	v6 =	vld [tilespmem:s15+$0x0]  }
0x3d9: {  	v7 =	vld [tilespmem:s17+$0x0];
	_ =	sdelay $0x4  }
0x3da: {  	(xrf1) =	vsort.ascd.msk.u32 $0xffff, v7, v6;
	_ =	sdelay $0xd  }
0x3db: {  	s16 =	simm.s32 $0x0;
	v6, v7, _ =	vpop (xrf1)  }
0x3dc: {  	s18 =	sand.u32 $0x8, s16;
	v8 =	vperm.xlane v6, v4  }
0x3dd: {  	p0 =	seq.s32 s18, $0x0;
	v9 =	vperm.xlane v7, v4  }
0x3de: {  	v8 =	vpsel p0, v8, v6  }
0x3df: {  	s18 =	simm.s32 $0x1;
	v6 =	vpsel p0, v9, v7;
	[tilespmem:s17+$0x0] =	vst v8  }
.LBB2_44:
0x3e0: {  	p1 =	sne.s32 s18, $0x3F;
	[tilespmem:s15+$0x0] =	vst v6;
	s17 =	sadd.s32 $0x10, s17;
	s15 =	sadd.s32 $0x10, s15  }
0x3e1: {  	s19 =	smov.u32 s18;
	s18 =	sadd.s32 $0x1, s18;
	v6 =	vld [tilespmem:s15+$0x0]  }
0x3e2: {  	v7 =	vld [tilespmem:s17+$0x0];
	_ =	sdelay $0x4  }
0x3e3: {  	(xrf1) =	vsort.ascd.msk.u32 $0xffff, v7, v6;
	_ =	sdelay $0xd  }
.Ltmp22:
0x3e4: {  	v6, v7, _ =	vpop (xrf1);
	(pc) =	sbr.rel @p1 .LBB2_44-.Ltmp22, $4  }
0x3e5: {  	s19 =	sand.u32 $0x8, s19;
	v8 =	vperm.xlane v6, v4;
	v9 =	vperm.xlane v7, v4  }
0x3e6: {  	p2 =	seq.s32 s19, $0x0  }
0x3e7: {  	v8 =	vpsel p2, v8, v6;
	v6 =	vpsel p2, v9, v7  }
0x3e8: {  	[tilespmem:s17+$0x0] =	vst v8  }
0x3e9: {  	s17 =	sand.u32 $0x30, s16;
	s18 =	sand.u32 $0x7, s16  }
0x3ea: {  	s17 =	sor.u32 s18, s17  }
0x3eb: {  	[tilespmem:s15+$0x0] =	vst v6;
	s17 =	sshll.u32 s17, $0x4  }
0x3ec: {  	v6 =	vld [tilespmem:s17+$0x18000]  }
0x3ed: {  	v7 =	vld [tilespmem:s17+$0x18480]  }
0x3ee: {  	v8 =	vld [tilespmem:s17+$0x18080]  }
0x3ef: {  	vm1 =	vmmov vm0;
	v9 =	vld [tilespmem:s17+$0x18400]  }
0x3f0: {  	vm1 =	vmneg @p0 vm1  }
0x3f1: {  	vm1 =	vmneg vm1  }
0x3f2: {  	v10 =	vsel vm1, $0x1, v1  }
0x3f3: {  	v10 =	vbroadcast v10, $0x0  }
0x3f4: {  	vm2 =	veq.s32 v6, v8;
	vm3 =	vlt.s32 v9, v7  }
0x3f5: {  	s18 =	simm.s32 $0x1;
	v10 =	vand.u32 $0x1, v10;
	vm1 =	vgt.u32 v6, v8;
	vm2 =	vmand vm2, vm3  }
.LBB2_46:
0x3f6: {  	p0 =	sne.s32 s18, $0x1F  }
0x3f7: {  	vm1 =	vmor vm1, vm2;
	vm2 =	veq.s32 v10, $0x1;
	s16 =	sadd.s32 $0x2, s16;
	s15 =	smov.u32 s18;
	s18 =	sadd.s32 $0x1, s18  }
0x3f8: {  	s19 =	sand.u32 $0x30, s16;
	s20 =	sand.u32 $0x7, s15;
	vm1 =	vmxor vm2, vm1  }
0x3f9: {  	s19 =	sor.u32 s20, s19;
	v10 =	vsel vm1, v6, v8;
	v11 =	vsel vm1, v9, v7;
	v7 =	vsel vm1, v7, v9  }
0x3fa: {  	v8 =	vsel vm1, v8, v6;
	s19 =	sshll.u32 s19, $0x4;
	[tilespmem:s17+$0x18000] =	vst v10  }
0x3fb: {  	v6 =	vld [tilespmem:s19+$0x18000];
	[tilespmem:s17+$0x18480] =	vst v7  }
0x3fc: {  	v7 =	vld [tilespmem:s19+$0x18480];
	[tilespmem:s17+$0x18080] =	vst v8  }
0x3fd: {  	s15 =	sand.u32 $0x8, s15;
	v8 =	vld [tilespmem:s19+$0x18080];
	[tilespmem:s17+$0x18400] =	vst v11;
	s17 =	smov.u32 s19  }
0x3fe: {  	p1 =	seq.s32 s15, $0x0;
	vm1 =	vmmov vm0;
	v9 =	vld [tilespmem:s17+$0x18400]  }
0x3ff: {  	vm1 =	vmneg @p1 vm1  }
.Ltmp23:
0x400: {  	vm1 =	vmneg vm1;
	(pc) =	sbr.rel @p0 .LBB2_46-.Ltmp23, $4  }
0x401: {  	v10 =	vsel vm1, $0x1, v1  }
0x402: {  	v10 =	vbroadcast v10, $0x0  }
0x403: {  	vm1 =	vgt.u32 v6, v8;
	vm2 =	veq.s32 v6, v8;
	vm3 =	vlt.s32 v9, v7  }
0x404: {  	s15 =	simm.s32 $0x0;
	v10 =	vand.u32 $0x1, v10;
	vm2 =	vmand vm2, vm3  }
0x405: {  	vm1 =	vmor vm1, vm2;
	vm2 =	veq.s32 v10, $0x1  }
0x406: {  	vm1 =	vmxor vm2, vm1  }
0x407: {  	v10 =	vsel vm1, v6, v8  }
0x408: {  	v11 =	vsel vm1, v7, v9;
	[tilespmem:s17+$0x18000] =	vst v10  }
0x409: {  	s16 =	sand.u32 $0x38, s15;
	s18 =	sand.u32 $0x3, s15;
	v6 =	vsel vm1, v8, v6;
	[tilespmem:s17+$0x18480] =	vst v11  }
0x40a: {  	s16 =	sor.u32 s18, s16;
	v7 =	vsel vm1, v9, v7;
	[tilespmem:s17+$0x18080] =	vst v6  }
0x40b: {  	s16 =	sshll.u32 s16, $0x4;
	[tilespmem:s17+$0x18400] =	vst v7  }
0x40c: {  	v7 =	vld [tilespmem:s16+$0x18000]  }
0x40d: {  	v8 =	vld [tilespmem:s16+$0x18040]  }
0x40e: {  	s31 =	sand.u32 $0x8, s15;
	v9 =	vld [tilespmem:s16+$0x18440]  }
0x40f: {  	p0 =	seq.s32 s31, $0x0;
	vm1 =	vmmov vm0;
	v10 =	vld [tilespmem:s16+$0x18400]  }
0x410: {  	vm1 =	vmneg @p0 vm1  }
0x411: {  	vm1 =	vmneg vm1  }
0x412: {  	v6 =	vsel vm1, $0x1, v1  }
0x413: {  	v6 =	vbroadcast v6, $0x0  }
0x414: {  	vm2 =	veq.s32 v7, v8;
	vm3 =	vlt.s32 v10, v9  }
0x415: {  	s18 =	simm.s32 $0x0;
	s17 =	simm.s32 $0x1;
	v11 =	vand.u32 $0x1, v6;
	vm1 =	vgt.u32 v7, v8;
	vm2 =	vmand vm2, vm3  }
.LBB2_48:
0x416: {  	p0 =	sne.s32 s17, $0x1F  }
0x417: {  	vm1 =	vmor vm1, vm2;
	vm2 =	veq.s32 v11, $0x1;
	s18 =	sadd.s32 $0x2, s18;
	s19 =	smov.u32 s17;
	s17 =	sadd.s32 $0x1, s17  }
0x418: {  	s20 =	sand.u32 $0x38, s18;
	s21 =	sand.u32 $0x3, s19;
	vm1 =	vmxor vm2, vm1  }
0x419: {  	s20 =	sor.u32 s21, s20;
	v11 =	vsel vm1, v7, v8;
	v12 =	vsel vm1, v10, v9;
	v9 =	vsel vm1, v9, v10  }
0x41a: {  	v8 =	vsel vm1, v8, v7;
	s20 =	sshll.u32 s20, $0x4;
	[tilespmem:s16+$0x18000] =	vst v11  }
0x41b: {  	v7 =	vld [tilespmem:s20+$0x18000];
	[tilespmem:s16+$0x18040] =	vst v8  }
0x41c: {  	v8 =	vld [tilespmem:s20+$0x18040];
	[tilespmem:s16+$0x18440] =	vst v9  }
0x41d: {  	s19 =	sand.u32 $0x8, s19;
	v9 =	vld [tilespmem:s20+$0x18440];
	[tilespmem:s16+$0x18400] =	vst v12;
	s16 =	smov.u32 s20  }
0x41e: {  	p1 =	seq.s32 s19, $0x0;
	vm1 =	vmmov vm0;
	v10 =	vld [tilespmem:s16+$0x18400]  }
0x41f: {  	vm1 =	vmneg @p1 vm1  }
.Ltmp24:
0x420: {  	vm1 =	vmneg vm1;
	(pc) =	sbr.rel @p0 .LBB2_48-.Ltmp24, $4  }
0x421: {  	v11 =	vsel vm1, $0x1, v1  }
0x422: {  	v11 =	vbroadcast v11, $0x0  }
0x423: {  	vm1 =	vgt.u32 v7, v8;
	vm2 =	veq.s32 v7, v8;
	vm3 =	vlt.s32 v10, v9  }
0x424: {  	v11 =	vand.u32 $0x1, v11;
	vm2 =	vmand vm2, vm3  }
0x425: {  	vm1 =	vmor vm1, vm2;
	vm2 =	veq.s32 v11, $0x1  }
0x426: {  	vm1 =	vmxor vm2, vm1  }
0x427: {  	v11 =	vsel vm1, v7, v8  }
0x428: {  	v7 =	vsel vm1, v8, v7;
	[tilespmem:s16+$0x18000] =	vst v11  }
0x429: {  	s17 =	sand.u32 $0x3C, s15;
	s18 =	sand.u32 $0x1, s15;
	v8 =	vsel vm1, v9, v10;
	[tilespmem:s16+$0x18040] =	vst v7  }
0x42a: {  	s17 =	sor.u32 s18, s17;
	v7 =	vsel vm1, v10, v9;
	[tilespmem:s16+$0x18440] =	vst v8  }
0x42b: {  	[tilespmem:s16+$0x18400] =	vst v7;
	s16 =	sshll.u32 s17, $0x4  }
0x42c: {  	v7 =	vld [tilespmem:s16+$0x18000]  }
0x42d: {  	v8 =	vld [tilespmem:s16+$0x18020]  }
0x42e: {  	v9 =	vld [tilespmem:s16+$0x18420]  }
0x42f: {  	v10 =	vld [tilespmem:s16+$0x18400];
	_ =	sdelay $0x4  }
0x430: {  	vm2 =	veq.s32 v7, v8;
	vm3 =	vlt.s32 v10, v9  }
0x431: {  	v6 =	vand.u32 $0x1, v6;
	s17 =	simm.s32 $0x1;
	vm1 =	vgt.u32 v7, v8;
	vm2 =	vmand vm2, vm3  }
.LBB2_50:
0x432: {  	p0 =	sne.s32 s17, $0x1F  }
0x433: {  	vm1 =	vmor vm1, vm2;
	vm2 =	veq.s32 v6, $0x1;
	s15 =	sadd.s32 $0x2, s15;
	s18 =	smov.u32 s17;
	s17 =	sadd.s32 $0x1, s17  }
0x434: {  	s19 =	sand.u32 $0x3C, s15;
	s20 =	sand.u32 $0x1, s18;
	vm1 =	vmxor vm2, vm1  }
0x435: {  	s19 =	sor.u32 s20, s19;
	v6 =	vsel vm1, v7, v8;
	v11 =	vsel vm1, v10, v9;
	v9 =	vsel vm1, v9, v10  }
0x436: {  	v8 =	vsel vm1, v8, v7;
	s19 =	sshll.u32 s19, $0x4;
	[tilespmem:s16+$0x18000] =	vst v6  }
0x437: {  	v7 =	vld [tilespmem:s19+$0x18000];
	[tilespmem:s16+$0x18020] =	vst v8  }
0x438: {  	v8 =	vld [tilespmem:s19+$0x18020];
	[tilespmem:s16+$0x18420] =	vst v9  }
0x439: {  	s18 =	sand.u32 $0x8, s18;
	v9 =	vld [tilespmem:s19+$0x18420];
	[tilespmem:s16+$0x18400] =	vst v11;
	s16 =	smov.u32 s19  }
0x43a: {  	p1 =	seq.s32 s18, $0x0;
	vm1 =	vmmov vm0;
	v10 =	vld [tilespmem:s16+$0x18400]  }
0x43b: {  	vm1 =	vmneg @p1 vm1  }
.Ltmp25:
0x43c: {  	vm1 =	vmneg vm1;
	(pc) =	sbr.rel @p0 .LBB2_50-.Ltmp25, $4  }
0x43d: {  	v6 =	vsel vm1, $0x1, v1  }
0x43e: {  	v6 =	vbroadcast v6, $0x0  }
0x43f: {  	vm1 =	vgt.u32 v7, v8;
	vm2 =	veq.s32 v7, v8;
	vm3 =	vlt.s32 v10, v9  }
0x440: {  	v6 =	vand.u32 $0x1, v6;
	vm2 =	vmand vm2, vm3  }
0x441: {  	vm1 =	vmor vm1, vm2;
	vm2 =	veq.s32 v6, $0x1  }
0x442: {  	vm1 =	vmxor vm2, vm1  }
0x443: {  	v6 =	vsel vm1, v7, v8  }
0x444: {  	v7 =	vsel vm1, v8, v7;
	[tilespmem:s16+$0x18000] =	vst v6  }
0x445: {  	v6 =	vsel vm1, v9, v10;
	[tilespmem:s16+$0x18020] =	vst v7  }
0x446: {  	v7 =	vsel vm1, v10, v9;
	[tilespmem:s16+$0x18420] =	vst v6  }
0x447: {  	s17 =	simm.s32 $0x18410;
	[tilespmem:s16+$0x18400] =	vst v7  }
0x448: {  	s16 =	simm.s32 $0x18010;
	v6 =	vld [tilespmem:s17+$0xFFFFFFF0]  }
0x449: {  	s15 =	simm.s32 $0x0;
	v7 =	vld [tilespmem:s16+$0xFFFFFFF0]  }
0x44a: {  	s18 =	sand.u32 $0x8, s15;
	v8 =	vld [tilespmem:s17+$0x0]  }
0x44b: {  	p0 =	seq.s32 s18, $0x0;
	vm1 =	vmmov vm0;
	v61 =	vld [tilespmem:s16+$0x0]  }
0x44c: {  	vm1 =	vmneg @p0 vm1  }
0x44d: {  	vm1 =	vmneg vm1  }
0x44e: {  	v62 =	vsel vm1, $0x1, v1  }
0x44f: {  	v10 =	vbroadcast v62, $0x0  }
0x450: {  	vm1 =	vlt.s32 v6, v8;
	vm2 =	veq.s32 v7, v61  }
0x451: {  	v10 =	vand.u32 $0x1, v10;
	vm3 =	vgt.u32 v7, v61;
	vm1 =	vmand vm2, vm1  }
0x452: {  	vm2 =	veq.s32 v10, $0x1;
	vm1 =	vmor vm3, vm1  }
0x453: {  	vm1 =	vmxor vm2, vm1  }
0x454: {  	v63 =	vsel vm1, v7, v61  }
0x455: {  	v11 =	vsel vm1, v6, v8;
	[tilespmem:s16+$0xFFFFFFF0] =	vst v63  }
0x456: {  	v7 =	vsel vm1, v61, v7;
	[tilespmem:s17+$0xFFFFFFF0] =	vst v11  }
0x457: {  	s19 =	simm.s32 $0x18430;
	s18 =	simm.s32 $0x1;
	v6 =	vsel vm1, v8, v6;
	[tilespmem:s16+$0x0] =	vst v7  }
.LBB2_52:
0x458: {  	p0 =	sne.s32 s18, $0x1F;
	s16 =	sadd.s32 $0x20, s16  }
0x459: {  	v7 =	vld [tilespmem:s19+$0xFFFFFFF0];
	[tilespmem:s17+$0x0] =	vst v6;
	s20 =	smov.u32 s18;
	s18 =	sadd.s32 $0x1, s18;
	s17 =	smov.u32 s19  }
0x45a: {  	v6 =	vld [tilespmem:s16+$0xFFFFFFF0]  }
0x45b: {  	s20 =	sand.u32 $0x8, s20;
	v8 =	vld [tilespmem:s19+$0x0]  }
0x45c: {  	vm1 =	vmmov vm0;
	p1 =	seq.s32 s20, $0x0;
	v9 =	vld [tilespmem:s16+$0x0]  }
0x45d: {  	vm1 =	vmneg @p1 vm1  }
0x45e: {  	vm1 =	vmneg vm1  }
0x45f: {  	v10 =	vsel vm1, $0x1, v1  }
0x460: {  	v10 =	vbroadcast v10, $0x0;
	vm1 =	vlt.s32 v7, v8  }
0x461: {  	vm2 =	vgt.u32 v6, v9;
	vm3 =	veq.s32 v6, v9  }
0x462: {  	v10 =	vand.u32 $0x1, v10;
	vm1 =	vmand vm3, vm1  }
0x463: {  	vm1 =	vmor vm2, vm1;
	vm2 =	veq.s32 v10, $0x1  }
.Ltmp26:
0x464: {  	vm1 =	vmxor vm2, vm1;
	(pc) =	sbr.rel @p0 .LBB2_52-.Ltmp26, $4  }
0x465: {  	v10 =	vsel vm1, v6, v9;
	v9 =	vsel vm1, v9, v6;
	v6 =	vsel vm1, v8, v7  }
0x466: {  	v7 =	vsel vm1, v7, v8;
	[tilespmem:s16+$0xFFFFFFF0] =	vst v10  }
0x467: {  	[tilespmem:s19+$0xFFFFFFF0] =	vst v7  }
0x468: {  	s19 =	sadd.s32 $0x20, s19;
	[tilespmem:s16+$0x0] =	vst v9  }
0x469: {  	[tilespmem:s17+$0x0] =	vst v6;
	s17 =	simm.s32 $0x18400  }
0x46a: {  	s18 =	simm.s32 $0x18000;
	v6 =	vld [tilespmem:s17+$0x0]  }
0x46b: {  	v7 =	vld [tilespmem:s18+$0x0];
	_ =	sdelay $0x4  }
0x46c: {  	(xrf1) =	vsort.ascd.msk.u32 $0xffff, v7, v6;
	_ =	sdelay $0xd  }
0x46d: {  	v6, v7, _ =	vpop (xrf1)  }
0x46e: {  	s15 =	sand.u32 $0x10, s15;
	v8 =	vperm.xlane v6, v4  }
0x46f: {  	p0 =	seq.s32 s15, $0x0;
	v9 =	vperm.xlane v7, v4  }
0x470: {  	v8 =	vpsel p0, v8, v6  }
0x471: {  	s15 =	simm.s32 $0x1;
	v6 =	vpsel p0, v9, v7;
	[tilespmem:s18+$0x0] =	vst v8  }
.LBB2_54:
0x472: {  	p0 =	sne.s32 s15, $0x3F;
	[tilespmem:s17+$0x0] =	vst v6;
	s18 =	sadd.s32 $0x10, s18;
	s17 =	sadd.s32 $0x10, s17  }
0x473: {  	s16 =	smov.u32 s15;
	s15 =	sadd.s32 $0x1, s15;
	v6 =	vld [tilespmem:s17+$0x0]  }
0x474: {  	v7 =	vld [tilespmem:s18+$0x0];
	_ =	sdelay $0x4  }
0x475: {  	(xrf1) =	vsort.ascd.msk.u32 $0xffff, v7, v6;
	_ =	sdelay $0xd  }
.Ltmp27:
0x476: {  	v6, v7, _ =	vpop (xrf1);
	(pc) =	sbr.rel @p0 .LBB2_54-.Ltmp27, $4  }
0x477: {  	s16 =	sand.u32 $0x10, s16;
	v8 =	vperm.xlane v6, v4;
	v9 =	vperm.xlane v7, v4  }
0x478: {  	p1 =	seq.s32 s16, $0x0  }
0x479: {  	v8 =	vpsel p1, v8, v6;
	v6 =	vpsel p1, v9, v7  }
0x47a: {  	s16 =	simm.s32 $0x0;
	[tilespmem:s18+$0x0] =	vst v8  }
0x47b: {  	s15 =	sand.u32 $0x20, s16;
	s18 =	sand.u32 $0xF, s16  }
0x47c: {  	s15 =	sor.u32 s18, s15  }
0x47d: {  	[tilespmem:s17+$0x0] =	vst v6;
	s15 =	sshll.u32 s15, $0x4  }
0x47e: {  	v7 =	vld [tilespmem:s15+$0x18000]  }
0x47f: {  	v8 =	vld [tilespmem:s15+$0x18100]  }
0x480: {  	v9 =	vld [tilespmem:s15+$0x18500]  }
0x481: {  	p0 =	por $0x1, $0x1;
	vm1 =	vmmov vm0;
	v10 =	vld [tilespmem:s15+$0x18400]  }
0x482: {  	vm1 =	vmneg @p0 vm1  }
0x483: {  	vm1 =	vmneg vm1  }
0x484: {  	v6 =	vsel vm1, $0x1, v1  }
0x485: {  	v6 =	vbroadcast v6, $0x0  }
0x486: {  	vm2 =	veq.s32 v7, v8;
	vm3 =	vlt.s32 v10, v9  }
0x487: {  	s17 =	simm.s32 $0x1;
	s18 =	simm.s32 $0x0;
	v11 =	vand.u32 $0x1, v6;
	vm1 =	vgt.u32 v7, v8;
	vm2 =	vmand vm2, vm3  }
.LBB2_56:
0x488: {  	p0 =	sne.s32 s17, $0x1F  }
0x489: {  	vm1 =	vmor vm1, vm2;
	vm2 =	veq.s32 v11, $0x1;
	s18 =	sadd.s32 $0x2, s18;
	s19 =	smov.u32 s17;
	s17 =	sadd.s32 $0x1, s17  }
0x48a: {  	s20 =	sand.u32 $0x20, s18;
	s21 =	sand.u32 $0xF, s19;
	vm1 =	vmxor vm2, vm1  }
0x48b: {  	s20 =	sor.u32 s21, s20;
	v11 =	vsel vm1, v7, v8;
	v12 =	vsel vm1, v10, v9;
	v9 =	vsel vm1, v9, v10  }
0x48c: {  	v8 =	vsel vm1, v8, v7;
	s20 =	sshll.u32 s20, $0x4;
	[tilespmem:s15+$0x18000] =	vst v11  }
0x48d: {  	v7 =	vld [tilespmem:s20+$0x18000];
	[tilespmem:s15+$0x18100] =	vst v8  }
0x48e: {  	v8 =	vld [tilespmem:s20+$0x18100];
	[tilespmem:s15+$0x18500] =	vst v9  }
0x48f: {  	v9 =	vld [tilespmem:s20+$0x18500];
	[tilespmem:s15+$0x18400] =	vst v12;
	s15 =	smov.u32 s20  }
0x490: {  	p1 =	slt.u32 s19, $0x10;
	vm1 =	vmmov vm0;
	v10 =	vld [tilespmem:s15+$0x18400]  }
0x491: {  	vm1 =	vmneg @p1 vm1  }
.Ltmp28:
0x492: {  	vm1 =	vmneg vm1;
	(pc) =	sbr.rel @p0 .LBB2_56-.Ltmp28, $4  }
0x493: {  	v11 =	vsel vm1, $0x1, v1  }
0x494: {  	v11 =	vbroadcast v11, $0x0  }
0x495: {  	vm1 =	vgt.u32 v7, v8;
	vm2 =	veq.s32 v7, v8;
	vm3 =	vlt.s32 v10, v9  }
0x496: {  	v11 =	vand.u32 $0x1, v11;
	vm2 =	vmand vm2, vm3  }
0x497: {  	vm1 =	vmor vm1, vm2;
	vm2 =	veq.s32 v11, $0x1  }
0x498: {  	vm1 =	vmxor vm2, vm1  }
0x499: {  	v11 =	vsel vm1, v7, v8  }
0x49a: {  	v7 =	vsel vm1, v8, v7;
	[tilespmem:s15+$0x18000] =	vst v11  }
0x49b: {  	s17 =	sand.u32 $0x30, s16;
	s18 =	sand.u32 $0x7, s16;
	v8 =	vsel vm1, v9, v10;
	[tilespmem:s15+$0x18100] =	vst v7  }
0x49c: {  	s17 =	sor.u32 s18, s17;
	v7 =	vsel vm1, v10, v9;
	[tilespmem:s15+$0x18500] =	vst v8  }
0x49d: {  	s17 =	sshll.u32 s17, $0x4;
	[tilespmem:s15+$0x18400] =	vst v7  }
0x49e: {  	v7 =	vld [tilespmem:s17+$0x18000]  }
0x49f: {  	v8 =	vld [tilespmem:s17+$0x18080]  }
0x4a0: {  	v9 =	vld [tilespmem:s17+$0x18480]  }
0x4a1: {  	v10 =	vld [tilespmem:s17+$0x18400];
	_ =	sdelay $0x4  }
0x4a2: {  	vm2 =	veq.s32 v7, v8;
	vm3 =	vlt.s32 v10, v9  }
0x4a3: {  	v6 =	vand.u32 $0x1, v6;
	s18 =	simm.s32 $0x1;
	vm1 =	vgt.u32 v7, v8;
	vm2 =	vmand vm2, vm3  }
.LBB2_58:
0x4a4: {  	p0 =	sne.s32 s18, $0x1F  }
0x4a5: {  	vm1 =	vmor vm1, vm2;
	vm2 =	veq.s32 v6, $0x1;
	s16 =	sadd.s32 $0x2, s16;
	s15 =	smov.u32 s18;
	s18 =	sadd.s32 $0x1, s18  }
0x4a6: {  	s19 =	sand.u32 $0x30, s16;
	s20 =	sand.u32 $0x7, s15;
	vm1 =	vmxor vm2, vm1  }
0x4a7: {  	s19 =	sor.u32 s20, s19;
	v6 =	vsel vm1, v7, v8;
	v11 =	vsel vm1, v10, v9;
	v9 =	vsel vm1, v9, v10  }
0x4a8: {  	v8 =	vsel vm1, v8, v7;
	s19 =	sshll.u32 s19, $0x4;
	[tilespmem:s17+$0x18000] =	vst v6  }
0x4a9: {  	v7 =	vld [tilespmem:s19+$0x18000];
	[tilespmem:s17+$0x18080] =	vst v8  }
0x4aa: {  	v8 =	vld [tilespmem:s19+$0x18080];
	[tilespmem:s17+$0x18480] =	vst v9  }
0x4ab: {  	v9 =	vld [tilespmem:s19+$0x18480];
	[tilespmem:s17+$0x18400] =	vst v11;
	s17 =	smov.u32 s19  }
0x4ac: {  	p1 =	slt.u32 s15, $0x10;
	vm1 =	vmmov vm0;
	v10 =	vld [tilespmem:s17+$0x18400]  }
0x4ad: {  	vm1 =	vmneg @p1 vm1  }
.Ltmp29:
0x4ae: {  	vm1 =	vmneg vm1;
	(pc) =	sbr.rel @p0 .LBB2_58-.Ltmp29, $4  }
0x4af: {  	v6 =	vsel vm1, $0x1, v1  }
0x4b0: {  	v6 =	vbroadcast v6, $0x0  }
0x4b1: {  	vm1 =	vgt.u32 v7, v8;
	vm2 =	veq.s32 v7, v8;
	vm3 =	vlt.s32 v10, v9  }
0x4b2: {  	s15 =	simm.s32 $0x0;
	v6 =	vand.u32 $0x1, v6;
	vm2 =	vmand vm2, vm3  }
0x4b3: {  	vm1 =	vmor vm1, vm2;
	vm2 =	veq.s32 v6, $0x1  }
0x4b4: {  	vm1 =	vmxor vm2, vm1  }
0x4b5: {  	v6 =	vsel vm1, v7, v8  }
0x4b6: {  	v7 =	vsel vm1, v8, v7;
	[tilespmem:s17+$0x18000] =	vst v6  }
0x4b7: {  	s16 =	sand.u32 $0x38, s15;
	s18 =	sand.u32 $0x3, s15;
	v6 =	vsel vm1, v9, v10;
	[tilespmem:s17+$0x18080] =	vst v7  }
0x4b8: {  	s16 =	sor.u32 s18, s16;
	v7 =	vsel vm1, v10, v9;
	[tilespmem:s17+$0x18480] =	vst v6  }
0x4b9: {  	s16 =	sshll.u32 s16, $0x4;
	[tilespmem:s17+$0x18400] =	vst v7  }
0x4ba: {  	v7 =	vld [tilespmem:s16+$0x18000]  }
0x4bb: {  	v8 =	vld [tilespmem:s16+$0x18040]  }
0x4bc: {  	v9 =	vld [tilespmem:s16+$0x18440]  }
0x4bd: {  	p0 =	por $0x1, $0x1;
	vm1 =	vmmov vm0;
	v10 =	vld [tilespmem:s16+$0x18400]  }
0x4be: {  	vm1 =	vmneg @p0 vm1  }
0x4bf: {  	vm1 =	vmneg vm1  }
0x4c0: {  	v6 =	vsel vm1, $0x1, v1  }
0x4c1: {  	v6 =	vbroadcast v6, $0x0  }
0x4c2: {  	vm2 =	veq.s32 v7, v8;
	vm3 =	vlt.s32 v10, v9  }
0x4c3: {  	s18 =	simm.s32 $0x0;
	s17 =	simm.s32 $0x1;
	v11 =	vand.u32 $0x1, v6;
	vm1 =	vgt.u32 v7, v8;
	vm2 =	vmand vm2, vm3  }
.LBB2_60:
0x4c4: {  	p0 =	sne.s32 s17, $0x1F  }
0x4c5: {  	vm1 =	vmor vm1, vm2;
	vm2 =	veq.s32 v11, $0x1;
	s18 =	sadd.s32 $0x2, s18;
	s19 =	smov.u32 s17;
	s17 =	sadd.s32 $0x1, s17  }
0x4c6: {  	s20 =	sand.u32 $0x38, s18;
	s21 =	sand.u32 $0x3, s19;
	vm1 =	vmxor vm2, vm1  }
0x4c7: {  	s20 =	sor.u32 s21, s20;
	v11 =	vsel vm1, v7, v8;
	v12 =	vsel vm1, v10, v9;
	v9 =	vsel vm1, v9, v10  }
0x4c8: {  	v8 =	vsel vm1, v8, v7;
	s20 =	sshll.u32 s20, $0x4;
	[tilespmem:s16+$0x18000] =	vst v11  }
0x4c9: {  	v7 =	vld [tilespmem:s20+$0x18000];
	[tilespmem:s16+$0x18040] =	vst v8  }
0x4ca: {  	v8 =	vld [tilespmem:s20+$0x18040];
	[tilespmem:s16+$0x18440] =	vst v9  }
0x4cb: {  	v9 =	vld [tilespmem:s20+$0x18440];
	[tilespmem:s16+$0x18400] =	vst v12;
	s16 =	smov.u32 s20  }
0x4cc: {  	p1 =	slt.u32 s19, $0x10;
	vm1 =	vmmov vm0;
	v10 =	vld [tilespmem:s16+$0x18400]  }
0x4cd: {  	vm1 =	vmneg @p1 vm1  }
.Ltmp30:
0x4ce: {  	vm1 =	vmneg vm1;
	(pc) =	sbr.rel @p0 .LBB2_60-.Ltmp30, $4  }
0x4cf: {  	v11 =	vsel vm1, $0x1, v1  }
0x4d0: {  	v11 =	vbroadcast v11, $0x0  }
0x4d1: {  	vm1 =	vgt.u32 v7, v8;
	vm2 =	veq.s32 v7, v8;
	vm3 =	vlt.s32 v10, v9  }
0x4d2: {  	v11 =	vand.u32 $0x1, v11;
	vm2 =	vmand vm2, vm3  }
0x4d3: {  	vm1 =	vmor vm1, vm2;
	vm2 =	veq.s32 v11, $0x1  }
0x4d4: {  	vm1 =	vmxor vm2, vm1  }
0x4d5: {  	v11 =	vsel vm1, v7, v8  }
0x4d6: {  	v7 =	vsel vm1, v8, v7;
	[tilespmem:s16+$0x18000] =	vst v11  }
0x4d7: {  	s17 =	sand.u32 $0x3C, s15;
	s18 =	sand.u32 $0x1, s15;
	v8 =	vsel vm1, v9, v10;
	[tilespmem:s16+$0x18040] =	vst v7  }
0x4d8: {  	s17 =	sor.u32 s18, s17;
	v7 =	vsel vm1, v10, v9;
	[tilespmem:s16+$0x18440] =	vst v8  }
0x4d9: {  	[tilespmem:s16+$0x18400] =	vst v7;
	s16 =	sshll.u32 s17, $0x4  }
0x4da: {  	v7 =	vld [tilespmem:s16+$0x18000]  }
0x4db: {  	v8 =	vld [tilespmem:s16+$0x18020]  }
0x4dc: {  	v9 =	vld [tilespmem:s16+$0x18420]  }
0x4dd: {  	v10 =	vld [tilespmem:s16+$0x18400];
	_ =	sdelay $0x4  }
0x4de: {  	vm2 =	veq.s32 v7, v8;
	vm3 =	vlt.s32 v10, v9  }
0x4df: {  	v6 =	vand.u32 $0x1, v6;
	s17 =	simm.s32 $0x1;
	vm1 =	vgt.u32 v7, v8;
	vm2 =	vmand vm2, vm3  }
.LBB2_62:
0x4e0: {  	p0 =	sne.s32 s17, $0x1F  }
0x4e1: {  	vm1 =	vmor vm1, vm2;
	vm2 =	veq.s32 v6, $0x1;
	s15 =	sadd.s32 $0x2, s15;
	s18 =	smov.u32 s17;
	s17 =	sadd.s32 $0x1, s17  }
0x4e2: {  	s19 =	sand.u32 $0x3C, s15;
	s20 =	sand.u32 $0x1, s18;
	vm1 =	vmxor vm2, vm1  }
0x4e3: {  	s19 =	sor.u32 s20, s19;
	v6 =	vsel vm1, v7, v8;
	v11 =	vsel vm1, v10, v9;
	v9 =	vsel vm1, v9, v10  }
0x4e4: {  	v8 =	vsel vm1, v8, v7;
	s19 =	sshll.u32 s19, $0x4;
	[tilespmem:s16+$0x18000] =	vst v6  }
0x4e5: {  	v7 =	vld [tilespmem:s19+$0x18000];
	[tilespmem:s16+$0x18020] =	vst v8  }
0x4e6: {  	v8 =	vld [tilespmem:s19+$0x18020];
	[tilespmem:s16+$0x18420] =	vst v9  }
0x4e7: {  	v9 =	vld [tilespmem:s19+$0x18420];
	[tilespmem:s16+$0x18400] =	vst v11;
	s16 =	smov.u32 s19  }
0x4e8: {  	p1 =	slt.u32 s18, $0x10;
	vm1 =	vmmov vm0;
	v10 =	vld [tilespmem:s16+$0x18400]  }
0x4e9: {  	vm1 =	vmneg @p1 vm1  }
.Ltmp31:
0x4ea: {  	vm1 =	vmneg vm1;
	(pc) =	sbr.rel @p0 .LBB2_62-.Ltmp31, $4  }
0x4eb: {  	v6 =	vsel vm1, $0x1, v1  }
0x4ec: {  	v6 =	vbroadcast v6, $0x0  }
0x4ed: {  	vm1 =	vgt.u32 v7, v8;
	vm2 =	veq.s32 v7, v8;
	vm3 =	vlt.s32 v10, v9  }
0x4ee: {  	v6 =	vand.u32 $0x1, v6;
	vm2 =	vmand vm2, vm3  }
0x4ef: {  	vm1 =	vmor vm1, vm2;
	vm2 =	veq.s32 v6, $0x1  }
0x4f0: {  	vm1 =	vmxor vm2, vm1  }
0x4f1: {  	v6 =	vsel vm1, v7, v8  }
0x4f2: {  	v7 =	vsel vm1, v8, v7;
	[tilespmem:s16+$0x18000] =	vst v6  }
0x4f3: {  	v6 =	vsel vm1, v9, v10;
	[tilespmem:s16+$0x18020] =	vst v7  }
0x4f4: {  	v7 =	vsel vm1, v10, v9;
	[tilespmem:s16+$0x18420] =	vst v6  }
0x4f5: {  	[tilespmem:s16+$0x18400] =	vst v7;
	s16 =	simm.s32 $0x18410  }
0x4f6: {  	v6 =	vld [tilespmem:s16+$0xFFFFFFF0]  }
0x4f7: {  	s15 =	simm.s32 $0x18010;
	v7 =	vld [tilespmem:s16+$0x0]  }
0x4f8: {  	v8 =	vld [tilespmem:s15+$0x0]  }
0x4f9: {  	p0 =	por $0x1, $0x1;
	vm1 =	vmmov vm0;
	v61 =	vld [tilespmem:s15+$0xFFFFFFF0]  }
0x4fa: {  	vm1 =	vmneg @p0 vm1  }
0x4fb: {  	vm1 =	vmneg vm1  }
0x4fc: {  	v62 =	vsel vm1, $0x1, v1  }
0x4fd: {  	v10 =	vbroadcast v62, $0x0  }
0x4fe: {  	vm1 =	veq.s32 v61, v8;
	vm2 =	vlt.s32 v6, v7  }
0x4ff: {  	v10 =	vand.u32 $0x1, v10;
	vm3 =	vgt.u32 v61, v8;
	vm1 =	vmand vm1, vm2  }
0x500: {  	vm2 =	veq.s32 v10, $0x1;
	vm1 =	vmor vm3, vm1  }
0x501: {  	vm1 =	vmxor vm2, vm1  }
0x502: {  	v63 =	vsel vm1, v61, v8  }
0x503: {  	v11 =	vsel vm1, v6, v7;
	[tilespmem:s15+$0xFFFFFFF0] =	vst v63  }
0x504: {  	v8 =	vsel vm1, v8, v61;
	[tilespmem:s16+$0xFFFFFFF0] =	vst v11  }
0x505: {  	s17 =	simm.s32 $0x1;
	s18 =	simm.s32 $0x18430;
	v6 =	vsel vm1, v7, v6;
	[tilespmem:s15+$0x0] =	vst v8  }
.LBB2_64:
0x506: {  	p0 =	sne.s32 s17, $0x1F;
	s15 =	sadd.s32 $0x20, s15  }
0x507: {  	v7 =	vld [tilespmem:s18+$0xFFFFFFF0];
	[tilespmem:s16+$0x0] =	vst v6;
	s19 =	smov.u32 s17;
	s17 =	sadd.s32 $0x1, s17;
	s16 =	smov.u32 s18  }
0x508: {  	v6 =	vld [tilespmem:s18+$0x0]  }
0x509: {  	v8 =	vld [tilespmem:s15+$0x0]  }
0x50a: {  	vm1 =	vmmov vm0;
	p1 =	slt.u32 s19, $0x10;
	v9 =	vld [tilespmem:s15+$0xFFFFFFF0]  }
0x50b: {  	vm1 =	vmneg @p1 vm1  }
0x50c: {  	vm1 =	vmneg vm1  }
0x50d: {  	v10 =	vsel vm1, $0x1, v1  }
0x50e: {  	v10 =	vbroadcast v10, $0x0  }
0x50f: {  	vm3 =	vlt.s32 v7, v6;
	vm1 =	vgt.u32 v9, v8;
	vm2 =	veq.s32 v9, v8  }
0x510: {  	v10 =	vand.u32 $0x1, v10;
	vm2 =	vmand vm2, vm3  }
0x511: {  	vm1 =	vmor vm1, vm2;
	vm2 =	veq.s32 v10, $0x1  }
.Ltmp32:
0x512: {  	vm1 =	vmxor vm2, vm1;
	(pc) =	sbr.rel @p0 .LBB2_64-.Ltmp32, $4  }
0x513: {  	v10 =	vsel vm1, v9, v8;
	v11 =	vsel vm1, v7, v6;
	v8 =	vsel vm1, v8, v9  }
0x514: {  	v6 =	vsel vm1, v6, v7;
	[tilespmem:s15+$0xFFFFFFF0] =	vst v10  }
0x515: {  	[tilespmem:s18+$0xFFFFFFF0] =	vst v11  }
0x516: {  	s18 =	sadd.s32 $0x20, s18;
	[tilespmem:s15+$0x0] =	vst v8  }
0x517: {  	[tilespmem:s16+$0x0] =	vst v6;
	s15 =	simm.s32 $0x18400  }
0x518: {  	s17 =	simm.s32 $0x18000;
	v6 =	vld [tilespmem:s15+$0x0]  }
0x519: {  	v7 =	vld [tilespmem:s17+$0x0];
	_ =	sdelay $0x4  }
0x51a: {  	(xrf1) =	vsort.ascd.msk.u32 $0xffff, v7, v6;
	_ =	sdelay $0xd  }
0x51b: {  	v6, v7, _ =	vpop (xrf1)  }
0x51c: {  	v8 =	vperm.xlane v6, v4  }
0x51d: {  	p0 =	por $0x1, $0x1;
	v9 =	vperm.xlane v7, v4  }
0x51e: {  	v8 =	vpsel p0, v8, v6  }
0x51f: {  	s18 =	simm.s32 $0x1;
	v6 =	vpsel p0, v9, v7;
	[tilespmem:s17+$0x0] =	vst v8  }
.LBB2_66:
0x520: {  	p0 =	sne.s32 s18, $0x3F;
	[tilespmem:s15+$0x0] =	vst v6;
	s17 =	sadd.s32 $0x10, s17;
	s15 =	sadd.s32 $0x10, s15  }
0x521: {  	s16 =	smov.u32 s18;
	s18 =	sadd.s32 $0x1, s18;
	v6 =	vld [tilespmem:s15+$0x0]  }
0x522: {  	v7 =	vld [tilespmem:s17+$0x0];
	_ =	sdelay $0x4  }
0x523: {  	(xrf1) =	vsort.ascd.msk.u32 $0xffff, v7, v6;
	_ =	sdelay $0xd  }
.Ltmp33:
0x524: {  	v6, v7, _ =	vpop (xrf1);
	(pc) =	sbr.rel @p0 .LBB2_66-.Ltmp33, $4  }
0x525: {  	v8 =	vperm.xlane v6, v4;
	v9 =	vperm.xlane v7, v4  }
0x526: {  	p1 =	slt.u32 s16, $0x20  }
0x527: {  	v8 =	vpsel p1, v8, v6;
	v6 =	vpsel p1, v9, v7  }
0x528: {  	s16 =	simm.s32 $0x0;
	[tilespmem:s17+$0x0] =	vst v8  }
0x529: {  	[tilespmem:s15+$0x0] =	vst v6;
	s15 =	simm.s32 $0x0  }
0x52a: {  	v7 =	vld [tilespmem:s15+$0x18000]  }
0x52b: {  	v8 =	vld [tilespmem:s15+$0x18200]  }
0x52c: {  	v6 =	vld [tilespmem:s15+$0x18400]  }
0x52d: {  	v9 =	vld [tilespmem:s15+$0x18600];
	_ =	sdelay $0x4  }
0x52e: {  	s17 =	simm.s32 $0x40;
	vm1 =	vgt.u32 v7, v8;
	vm2 =	veq.s32 v7, v8;
	vm3 =	vlt.s32 v6, v9  }
.LBB2_68:
0x52f: {  	p0 =	sne.s32 s17, $0x7C0;
	vm2 =	vmand vm2, vm3;
	s18 =	smov.u32 s17;
	s17 =	sadd.s32 $0x40, s17  }
0x530: {  	vm1 =	vmor vm1, vm2  }
0x531: {  	v10 =	vsel vm1, v7, v8;
	v11 =	vsel vm1, v6, v9;
	v8 =	vsel vm1, v8, v7  }
0x532: {  	s18 =	sshra.s32 s18, $0x2;
	v9 =	vsel vm1, v9, v6;
	[tilespmem:s15+$0x18000] =	vst v10  }
0x533: {  	v7 =	vld [tilespmem:s18+$0x18000];
	[tilespmem:s15+$0x18200] =	vst v8  }
0x534: {  	v8 =	vld [tilespmem:s18+$0x18200];
	[tilespmem:s15+$0x18400] =	vst v11  }
0x535: {  	v6 =	vld [tilespmem:s18+$0x18400];
	[tilespmem:s15+$0x18600] =	vst v9;
	s15 =	smov.u32 s18  }
0x536: {  	v9 =	vld [tilespmem:s15+$0x18600]  }
.Ltmp34:
0x537: {  	(pc) =	sbr.rel @p0 .LBB2_68-.Ltmp34, $4  }
0x538: {  	_ = 	snop  }
0x539: {  	vm1 =	vgt.u32 v7, v8  }
0x53a: {  	vm2 =	veq.s32 v7, v8  }
0x53b: {  	vm3 =	vlt.s32 v6, v9  }
0x53c: {  	vm2 =	vmand vm2, vm3  }
0x53d: {  	vm1 =	vmor vm1, vm2  }
0x53e: {  	v10 =	vsel vm1, v7, v8  }
0x53f: {  	v7 =	vsel vm1, v8, v7;
	[tilespmem:s15+$0x18000] =	vst v10  }
0x540: {  	s17 =	sand.u32 $0x20, s16;
	s18 =	sand.u32 $0xF, s16;
	v8 =	vsel vm1, v6, v9;
	[tilespmem:s15+$0x18200] =	vst v7  }
0x541: {  	s17 =	sor.u32 s18, s17;
	v6 =	vsel vm1, v9, v6;
	[tilespmem:s15+$0x18400] =	vst v8  }
0x542: {  	s17 =	sshll.u32 s17, $0x4;
	[tilespmem:s15+$0x18600] =	vst v6  }
0x543: {  	v6 =	vld [tilespmem:s17+$0x18000]  }
0x544: {  	v7 =	vld [tilespmem:s17+$0x18500]  }
0x545: {  	v8 =	vld [tilespmem:s17+$0x18100]  }
0x546: {  	v9 =	vld [tilespmem:s17+$0x18400];
	_ =	sdelay $0x4  }
0x547: {  	s18 =	simm.s32 $0x1;
	vm1 =	vgt.u32 v6, v8;
	vm2 =	veq.s32 v6, v8;
	vm3 =	vlt.s32 v9, v7  }
.LBB2_70:
0x548: {  	p0 =	sne.s32 s18, $0x1F  }
0x549: {  	vm2 =	vmand vm2, vm3;
	s16 =	sadd.s32 $0x2, s16;
	s15 =	smov.u32 s18;
	s18 =	sadd.s32 $0x1, s18  }
0x54a: {  	s19 =	sand.u32 $0x20, s16;
	s15 =	sand.u32 $0xF, s15;
	vm1 =	vmor vm1, vm2  }
0x54b: {  	s15 =	sor.u32 s15, s19;
	v10 =	vsel vm1, v6, v8;
	v11 =	vsel vm1, v9, v7;
	v7 =	vsel vm1, v7, v9  }
0x54c: {  	v8 =	vsel vm1, v8, v6;
	s15 =	sshll.u32 s15, $0x4;
	[tilespmem:s17+$0x18000] =	vst v10  }
0x54d: {  	v6 =	vld [tilespmem:s15+$0x18000];
	[tilespmem:s17+$0x18500] =	vst v7  }
0x54e: {  	v7 =	vld [tilespmem:s15+$0x18500];
	[tilespmem:s17+$0x18100] =	vst v8  }
0x54f: {  	v8 =	vld [tilespmem:s15+$0x18100];
	[tilespmem:s17+$0x18400] =	vst v11;
	s17 =	smov.u32 s15  }
0x550: {  	v9 =	vld [tilespmem:s17+$0x18400]  }
.Ltmp35:
0x551: {  	(pc) =	sbr.rel @p0 .LBB2_70-.Ltmp35, $3  }
0x552: {  	_ =	sdelay $0x1  }
0x553: {  	vm1 =	vgt.u32 v6, v8;
	vm2 =	veq.s32 v6, v8  }
0x554: {  	s15 =	simm.s32 $0x0;
	vm3 =	vlt.s32 v9, v7  }
0x555: {  	vm2 =	vmand vm2, vm3  }
0x556: {  	vm1 =	vmor vm1, vm2  }
0x557: {  	v10 =	vsel vm1, v6, v8  }
0x558: {  	v11 =	vsel vm1, v7, v9;
	[tilespmem:s17+$0x18000] =	vst v10  }
0x559: {  	s16 =	sand.u32 $0x30, s15;
	s18 =	sand.u32 $0x7, s15;
	v6 =	vsel vm1, v8, v6;
	[tilespmem:s17+$0x18500] =	vst v11  }
0x55a: {  	s16 =	sor.u32 s18, s16;
	v7 =	vsel vm1, v9, v7;
	[tilespmem:s17+$0x18100] =	vst v6  }
0x55b: {  	s16 =	sshll.u32 s16, $0x4;
	[tilespmem:s17+$0x18400] =	vst v7  }
0x55c: {  	v6 =	vld [tilespmem:s16+$0x18000]  }
0x55d: {  	v7 =	vld [tilespmem:s16+$0x18480]  }
0x55e: {  	v8 =	vld [tilespmem:s16+$0x18080]  }
0x55f: {  	v9 =	vld [tilespmem:s16+$0x18400];
	_ =	sdelay $0x4  }
0x560: {  	s18 =	simm.s32 $0x0;
	s17 =	simm.s32 $0x1;
	vm1 =	vgt.u32 v6, v8;
	vm2 =	veq.s32 v6, v8;
	vm3 =	vlt.s32 v9, v7  }
.LBB2_72:
0x561: {  	p0 =	sne.s32 s17, $0x1F  }
0x562: {  	vm2 =	vmand vm2, vm3;
	s18 =	sadd.s32 $0x2, s18;
	s19 =	smov.u32 s17;
	s17 =	sadd.s32 $0x1, s17  }
0x563: {  	s20 =	sand.u32 $0x30, s18;
	s19 =	sand.u32 $0x7, s19;
	vm1 =	vmor vm1, vm2  }
0x564: {  	s19 =	sor.u32 s19, s20;
	v10 =	vsel vm1, v6, v8;
	v11 =	vsel vm1, v9, v7;
	v7 =	vsel vm1, v7, v9  }
0x565: {  	v8 =	vsel vm1, v8, v6;
	s19 =	sshll.u32 s19, $0x4;
	[tilespmem:s16+$0x18000] =	vst v10  }
0x566: {  	v6 =	vld [tilespmem:s19+$0x18000];
	[tilespmem:s16+$0x18480] =	vst v7  }
0x567: {  	v7 =	vld [tilespmem:s19+$0x18480];
	[tilespmem:s16+$0x18080] =	vst v8  }
0x568: {  	v8 =	vld [tilespmem:s19+$0x18080];
	[tilespmem:s16+$0x18400] =	vst v11;
	s16 =	smov.u32 s19  }
0x569: {  	v9 =	vld [tilespmem:s16+$0x18400]  }
.Ltmp36:
0x56a: {  	(pc) =	sbr.rel @p0 .LBB2_72-.Ltmp36, $3  }
0x56b: {  	_ =	sdelay $0x1  }
0x56c: {  	vm1 =	vgt.u32 v6, v8;
	vm2 =	veq.s32 v6, v8  }
0x56d: {  	vm3 =	vlt.s32 v9, v7  }
0x56e: {  	vm2 =	vmand vm2, vm3  }
0x56f: {  	vm1 =	vmor vm1, vm2  }
0x570: {  	v10 =	vsel vm1, v6, v8  }
0x571: {  	v11 =	vsel vm1, v7, v9;
	[tilespmem:s16+$0x18000] =	vst v10  }
0x572: {  	s17 =	sand.u32 $0x38, s15;
	s18 =	sand.u32 $0x3, s15;
	v6 =	vsel vm1, v8, v6;
	[tilespmem:s16+$0x18480] =	vst v11  }
0x573: {  	s17 =	sor.u32 s18, s17;
	v7 =	vsel vm1, v9, v7;
	[tilespmem:s16+$0x18080] =	vst v6  }
0x574: {  	s17 =	sshll.u32 s17, $0x4;
	[tilespmem:s16+$0x18400] =	vst v7  }
0x575: {  	v6 =	vld [tilespmem:s17+$0x18000]  }
0x576: {  	v7 =	vld [tilespmem:s17+$0x18440]  }
0x577: {  	v8 =	vld [tilespmem:s17+$0x18040]  }
0x578: {  	v9 =	vld [tilespmem:s17+$0x18400];
	_ =	sdelay $0x4  }
0x579: {  	s18 =	simm.s32 $0x1;
	vm1 =	vgt.u32 v6, v8;
	vm2 =	veq.s32 v6, v8;
	vm3 =	vlt.s32 v9, v7  }
.LBB2_74:
0x57a: {  	p0 =	sne.s32 s18, $0x1F  }
0x57b: {  	vm2 =	vmand vm2, vm3;
	s15 =	sadd.s32 $0x2, s15;
	s16 =	smov.u32 s18;
	s18 =	sadd.s32 $0x1, s18  }
0x57c: {  	s19 =	sand.u32 $0x38, s15;
	s16 =	sand.u32 $0x3, s16;
	vm1 =	vmor vm1, vm2  }
0x57d: {  	s16 =	sor.u32 s16, s19;
	v10 =	vsel vm1, v6, v8;
	v11 =	vsel vm1, v9, v7;
	v7 =	vsel vm1, v7, v9  }
0x57e: {  	v8 =	vsel vm1, v8, v6;
	s16 =	sshll.u32 s16, $0x4;
	[tilespmem:s17+$0x18000] =	vst v10  }
0x57f: {  	v6 =	vld [tilespmem:s16+$0x18000];
	[tilespmem:s17+$0x18440] =	vst v7  }
0x580: {  	v7 =	vld [tilespmem:s16+$0x18440];
	[tilespmem:s17+$0x18040] =	vst v8  }
0x581: {  	v8 =	vld [tilespmem:s16+$0x18040];
	[tilespmem:s17+$0x18400] =	vst v11;
	s17 =	smov.u32 s16  }
0x582: {  	v9 =	vld [tilespmem:s17+$0x18400]  }
.Ltmp37:
0x583: {  	(pc) =	sbr.rel @p0 .LBB2_74-.Ltmp37, $3  }
0x584: {  	_ =	sdelay $0x1  }
0x585: {  	vm1 =	vgt.u32 v6, v8;
	vm2 =	veq.s32 v6, v8  }
0x586: {  	s16 =	simm.s32 $0x0;
	vm3 =	vlt.s32 v9, v7  }
0x587: {  	vm2 =	vmand vm2, vm3  }
0x588: {  	vm1 =	vmor vm1, vm2  }
0x589: {  	v10 =	vsel vm1, v6, v8  }
0x58a: {  	v11 =	vsel vm1, v7, v9;
	[tilespmem:s17+$0x18000] =	vst v10  }
0x58b: {  	s15 =	sand.u32 $0x3C, s16;
	s18 =	sand.u32 $0x1, s16;
	v6 =	vsel vm1, v8, v6;
	[tilespmem:s17+$0x18440] =	vst v11  }
0x58c: {  	s15 =	sor.u32 s18, s15;
	v7 =	vsel vm1, v9, v7;
	[tilespmem:s17+$0x18040] =	vst v6  }
0x58d: {  	s15 =	sshll.u32 s15, $0x4;
	[tilespmem:s17+$0x18400] =	vst v7  }
0x58e: {  	v6 =	vld [tilespmem:s15+$0x18000]  }
0x58f: {  	v7 =	vld [tilespmem:s15+$0x18420]  }
0x590: {  	v8 =	vld [tilespmem:s15+$0x18020]  }
0x591: {  	v9 =	vld [tilespmem:s15+$0x18400];
	_ =	sdelay $0x4  }
0x592: {  	s17 =	simm.s32 $0x1;
	vm1 =	vgt.u32 v6, v8;
	vm2 =	veq.s32 v6, v8;
	vm3 =	vlt.s32 v9, v7  }
.LBB2_76:
0x593: {  	p0 =	sne.s32 s17, $0x1F  }
0x594: {  	vm2 =	vmand vm2, vm3;
	s16 =	sadd.s32 $0x2, s16;
	s18 =	smov.u32 s17;
	s17 =	sadd.s32 $0x1, s17  }
0x595: {  	s19 =	sand.u32 $0x3C, s16;
	s18 =	sand.u32 $0x1, s18;
	vm1 =	vmor vm1, vm2  }
0x596: {  	s18 =	sor.u32 s18, s19;
	v10 =	vsel vm1, v6, v8;
	v11 =	vsel vm1, v9, v7;
	v7 =	vsel vm1, v7, v9  }
0x597: {  	v8 =	vsel vm1, v8, v6;
	s18 =	sshll.u32 s18, $0x4;
	[tilespmem:s15+$0x18000] =	vst v10  }
0x598: {  	v6 =	vld [tilespmem:s18+$0x18000];
	[tilespmem:s15+$0x18420] =	vst v7  }
0x599: {  	v7 =	vld [tilespmem:s18+$0x18420];
	[tilespmem:s15+$0x18020] =	vst v8  }
0x59a: {  	v8 =	vld [tilespmem:s18+$0x18020];
	[tilespmem:s15+$0x18400] =	vst v11;
	s15 =	smov.u32 s18  }
0x59b: {  	v9 =	vld [tilespmem:s15+$0x18400]  }
.Ltmp38:
0x59c: {  	(pc) =	sbr.rel @p0 .LBB2_76-.Ltmp38, $3  }
0x59d: {  	_ =	sdelay $0x1  }
0x59e: {  	vm1 =	vgt.u32 v6, v8;
	vm2 =	veq.s32 v6, v8  }
0x59f: {  	vm3 =	vlt.s32 v9, v7  }
0x5a0: {  	vm2 =	vmand vm2, vm3  }
0x5a1: {  	vm1 =	vmor vm1, vm2  }
0x5a2: {  	v10 =	vsel vm1, v6, v8  }
0x5a3: {  	v11 =	vsel vm1, v7, v9;
	[tilespmem:s15+$0x18000] =	vst v10  }
0x5a4: {  	v6 =	vsel vm1, v8, v6;
	[tilespmem:s15+$0x18420] =	vst v11  }
0x5a5: {  	v7 =	vsel vm1, v9, v7;
	[tilespmem:s15+$0x18020] =	vst v6  }
0x5a6: {  	[tilespmem:s15+$0x18400] =	vst v7;
	s15 =	simm.s32 $0x0  }
0x5a7: {  	v6 =	vld [tilespmem:s15+$0x18000]  }
0x5a8: {  	v8 =	vld [tilespmem:s15+$0x18010]  }
0x5a9: {  	v7 =	vld [tilespmem:s15+$0x18400]  }
0x5aa: {  	v9 =	vld [tilespmem:s15+$0x18410];
	_ =	sdelay $0x4  }
0x5ab: {  	s16 =	simm.s32 $0x80;
	vm1 =	vgt.u32 v6, v8;
	vm2 =	veq.s32 v6, v8;
	vm3 =	vlt.s32 v7, v9  }
.LBB2_78:
0x5ac: {  	p0 =	sne.s32 s16, $0xF80;
	vm2 =	vmand vm2, vm3;
	s17 =	smov.u32 s16;
	s16 =	sadd.s32 $0x80, s16  }
0x5ad: {  	vm1 =	vmor vm1, vm2  }
0x5ae: {  	v10 =	vsel vm1, v6, v8;
	v11 =	vsel vm1, v7, v9;
	v8 =	vsel vm1, v8, v6  }
0x5af: {  	s17 =	sshra.s32 s17, $0x2;
	v9 =	vsel vm1, v9, v7;
	[tilespmem:s15+$0x18000] =	vst v10  }
0x5b0: {  	v6 =	vld [tilespmem:s17+$0x18000];
	[tilespmem:s15+$0x18010] =	vst v8  }
0x5b1: {  	v8 =	vld [tilespmem:s17+$0x18010];
	[tilespmem:s15+$0x18400] =	vst v11  }
0x5b2: {  	v7 =	vld [tilespmem:s17+$0x18400];
	[tilespmem:s15+$0x18410] =	vst v9;
	s15 =	smov.u32 s17  }
0x5b3: {  	v9 =	vld [tilespmem:s15+$0x18410]  }
.Ltmp39:
0x5b4: {  	(pc) =	sbr.rel @p0 .LBB2_78-.Ltmp39, $4  }
0x5b5: {  	_ = 	snop  }
0x5b6: {  	vm1 =	vgt.u32 v6, v8  }
0x5b7: {  	vm2 =	veq.s32 v6, v8  }
0x5b8: {  	vm3 =	vlt.s32 v7, v9  }
0x5b9: {  	vm2 =	vmand vm2, vm3  }
0x5ba: {  	vm1 =	vmor vm1, vm2  }
0x5bb: {  	v10 =	vsel vm1, v6, v8  }
0x5bc: {  	v6 =	vsel vm1, v8, v6;
	[tilespmem:s15+$0x18000] =	vst v10  }
0x5bd: {  	v8 =	vsel vm1, v7, v9;
	[tilespmem:s15+$0x18010] =	vst v6  }
0x5be: {  	v6 =	vsel vm1, v9, v7;
	[tilespmem:s15+$0x18400] =	vst v8  }
0x5bf: {  	[tilespmem:s15+$0x18410] =	vst v6;
	s15 =	simm.s32 $0x0  }
0x5c0: {  	v6 =	vld [tilespmem:s15+$0x18000]  }
0x5c1: {  	v7 =	vld [tilespmem:s15+$0x18400];
	_ =	sdelay $0x4  }
0x5c2: {  	(xrf1) =	vsort.ascd.msk.u32 $0xffff, v6, v7;
	_ =	sdelay $0xd  }
0x5c3: {  	v6, v8, _ =	vpop (xrf1)  }
0x5c4: {  	s16 =	simm.s32 $0x40;
	v7 =	vperm.xlane v6, v4;
	v6 =	vperm.xlane v8, v4  }
.LBB2_80:
0x5c5: {  	p0 =	sne.s32 s16, $0xFC0;
	s17 =	smov.u32 s16;
	s16 =	sadd.s32 $0x40, s16  }
0x5c6: {  	s17 =	sshra.s32 s17, $0x2;
	[tilespmem:s15+$0x18000] =	vst v7  }
0x5c7: {  	v7 =	vld [tilespmem:s17+$0x18000];
	[tilespmem:s15+$0x18400] =	vst v6;
	s15 =	smov.u32 s17  }
0x5c8: {  	v6 =	vld [tilespmem:s15+$0x18400];
	_ =	sdelay $0x4  }
0x5c9: {  	(xrf1) =	vsort.ascd.msk.u32 $0xffff, v7, v6;
	_ =	sdelay $0xa  }
.Ltmp40:
0x5ca: {  	(pc) =	sbr.rel @p0 .LBB2_80-.Ltmp40, $3  }
0x5cb: {  	_ =	sdelay $0x1  }
0x5cc: {  	v6, v8, _ =	vpop (xrf1)  }
0x5cd: {  	v7 =	vperm.xlane v6, v4;
	v6 =	vperm.xlane v8, v4  }
0x5ce: {  	_ = 	snop  }
0x5cf: {  	[tilespmem:s15+$0x18000] =	vst v7  }
0x5d0: {  	s17 =	simm.s32 $0x0;
	[tilespmem:s15+$0x18400] =	vst v6  }
0x5d1: {  	v6 =	vld [tilespmem:s17+$0x18000];
	_ =	sdelay $0x3  }
0x5d2: {  	s18 =	simm.s32 $0x40  }
.LBB2_82:
0x5d3: {  	p0 =	sne.s32 s18, $0xFC0;
	[tilespmem:s17+$0x0] =	vst v6;
	s17 =	sshra.s32 s18, $0x2;
	s18 =	sadd.s32 $0x40, s18  }
.Ltmp41:
0x5d4: {  	v6 =	vld [tilespmem:s17+$0x18000];
	(pc) =	sbr.rel @p0 .LBB2_82-.Ltmp41, $3  }
0x5d5: {  	_ =	sdelay $0x1  }
0x5d6: {  	s20 =	simm.s32 $0x18800  }
0x5d7: {  	s19 =	simm.s32 $0x0;
	s16 =	simm.s32 $0x18000;
	s15 =	simm.s32 $0x18400  }
0x5d8: {  	v8 =	vor.u32 s19, v0  }
0x5d9: {  	v7 =	vmov s19;
	v9 =	vxor.u32 $0x1, v8  }
0x5da: {  	v7 =	vand.u32 $0x380, v7;
	v10 =	vand.u32 $0x7F, v9  }
0x5db: {  	v7 =	vor.u32 v7, v10;
	_ =	sdelay $0x2  }
0x5dc: {  	[tilespmem:s17+$0x0] =	vst v6  }
0x5dd: {  	v11 =	vld [tilespmem:s15+$0x0]  }
0x5de: {  	v10 =	vld.idx.msk [tilespmem:v7+s15+$0x0], $0xffff  }
0x5df: {  	s17 =	simm.s32 $0x10;
	v13 =	vld [tilespmem:s16+$0x0]  }
0x5e0: {  	v12 =	vld.idx.msk [tilespmem:v7+s19+$0x0], $0xffff;
	v7 =	vor.u32 s17, v0  }
0x5e1: {  	v14 =	vmov s17;
	v6 =	vxor.u32 $0x1, v7  }
0x5e2: {  	v14 =	vand.u32 $0x380, v14;
	v15 =	vand.u32 $0x7F, v6  }
0x5e3: {  	v14 =	vor.u32 v14, v15;
	vm1 =	vgt.s32 v11, v10  }
0x5e4: {  	vm2 =	vlt.u32 v8, v9;
	v8 =	vsel vm1, v10, v11;
	v9 =	vsel vm1, v11, v10  }
0x5e5: {  	vm1 =	veq.s32 v13, v12;
	v8 =	vsel vm2, v8, v9  }
0x5e6: {  	v8 =	vsel vm1, v8, v11  }
0x5e7: {  	[tilespmem:s20+$0x0] =	vst v8  }
0x5e8: {  	s22 =	simm.s32 $0x18410;
	v10 =	vld.idx.msk [tilespmem:v14+s15+$0x0], $0xffff  }
0x5e9: {  	v9 =	vld [tilespmem:s22+$0x0]  }
0x5ea: {  	s18 =	simm.s32 $0x20;
	s21 =	simm.s32 $0x18010;
	v11 =	vld.idx.msk [tilespmem:v14+s19+$0x0], $0xffff  }
0x5eb: {  	s24 =	simm.s32 $0x30;
	s25 =	simm.s32 $0x20;
	s23 =	simm.s32 $0x18800;
	v8 =	vor.u32 s18, v0;
	v12 =	vld [tilespmem:s21+$0x0]  }
.LBB2_84:
0x5ec: {  	p0 =	sne.s32 s24, $0x3F0;
	v13 =	vmov s25;
	v14 =	vxor.u32 $0x1, v8;
	s25 =	smov.u32 s24  }
0x5ed: {  	v13 =	vand.u32 $0x380, v13;
	v15 =	vand.u32 $0x7F, v14  }
0x5ee: {  	v13 =	vor.u32 v13, v15;
	vm1 =	vgt.s32 v9, v10  }
0x5ef: {  	vm2 =	vlt.u32 v7, v6;
	v6 =	vmovc v14;
	v15 =	vsel vm1, v10, v9;
	v10 =	vsel vm1, v9, v10  }
0x5f0: {  	v7 =	vmov v8;
	vm1 =	veq.s32 v12, v11;
	v10 =	vsel vm2, v15, v10  }
0x5f1: {  	s23 =	sadd.s32 $0x10, s23;
	v8 =	vsel vm1, v10, v9  }
.Ltmp42:
0x5f2: {  	[tilespmem:s23+$0x0] =	vst v8;
	(pc) =	sbr.rel @p0 .LBB2_84-.Ltmp42, $4  }
0x5f3: {  	s22 =	sadd.s32 $0x10, s22;
	v10 =	vld.idx.msk [tilespmem:v13+s15+$0x0], $0xffff  }
0x5f4: {  	v9 =	vld [tilespmem:s22+$0x0]  }
0x5f5: {  	s21 =	sadd.s32 $0x10, s21;
	v11 =	vld.idx.msk [tilespmem:v13+s19+$0x0], $0xffff  }
0x5f6: {  	s24 =	sadd.s32 $0x10, s24;
	v8 =	vor.u32 s25, v0;
	v12 =	vld [tilespmem:s21+$0x0]  }
0x5f7: {  	v13 =	vmov s25;
	v14 =	vxor.u32 $0x1, v8  }
0x5f8: {  	v13 =	vand.u32 $0x380, v13;
	v15 =	vand.u32 $0x7F, v14  }
0x5f9: {  	v13 =	vor.u32 v13, v15;
	vm1 =	vgt.s32 v9, v10  }
0x5fa: {  	vm2 =	vlt.u32 v7, v6;
	v6 =	vsel vm1, v10, v9;
	v7 =	vsel vm1, v9, v10  }
0x5fb: {  	vm1 =	veq.s32 v12, v11;
	v6 =	vsel vm2, v6, v7  }
0x5fc: {  	s23 =	sadd.s32 $0x10, s23;
	v6 =	vsel vm1, v6, v9  }
0x5fd: {  	[tilespmem:s23+$0x0] =	vst v6  }
0x5fe: {  	s22 =	sadd.s32 $0x10, s22;
	v6 =	vadd.s32 $0x1, v0;
	v7 =	vld.idx.msk [tilespmem:v13+s15+$0x0], $0xffff  }
0x5ff: {  	v9 =	vld [tilespmem:s22+$0x0];
	v10 =	vadd.s32 s19, v6  }
0x600: {  	s21 =	sadd.s32 $0x10, s21;
	v11 =	vld.idx.msk [tilespmem:v13+s19+$0x0], $0xffff;
	v10 =	vxor.u32 $0x1, v10  }
0x601: {  	v61 =	vld [tilespmem:s21+$0x0];
	vm1 =	vgt.s32 v10, $0x1  }
0x602: {  	v10 =	vnsel vm1, $0x1, v10  }
0x603: {  	v10 =	vmin.u32 v10, $0x400  }
0x604: {  	vm1 =	vgt.s32 v9, v7;
	v10 =	vadd.s32 $0xFFFFFFFF, v10  }
0x605: {  	vm2 =	vlt.u32 v8, v14;
	v8 =	vsel vm1, v7, v9;
	v7 =	vsel vm1, v9, v7  }
0x606: {  	vm1 =	veq.s32 v61, v11;
	v7 =	vsel vm2, v8, v7  }
0x607: {  	s31 =	sadd.s32 $0x10, s23;
	v7 =	vsel vm1, v7, v9  }
0x608: {  	s21 =	simm.s32 $0x18800;
	[tilespmem:s31+$0x0] =	vst v7  }
0x609: {  	v8 =	vld.idx.msk [tilespmem:v10+s21+$0x0], $0xffff  }
0x60a: {  	s22 =	simm.s32 $0x0;
	v7 =	vadd.s32 s17, v6;
	v9 =	vld [tilespmem:s20+$0x0]  }
0x60b: {  	v7 =	vxor.u32 $0x1, v7;
	v11 =	vld.idx.msk [tilespmem:v10+s22+$0x0], $0xffff  }
0x60c: {  	v62 =	vld [tilespmem:s16+$0x0];
	vm1 =	vgt.s32 v7, $0x1  }
0x60d: {  	v7 =	vnsel vm1, $0x1, v7  }
0x60e: {  	v7 =	vmin.u32 v7, $0x400  }
0x60f: {  	v63 =	vor.u32 s19, v0;
	v7 =	vadd.s32 $0xFFFFFFFF, v7;
	vm1 =	vgt.s32 v9, v8  }
0x610: {  	vm2 =	vlt.s32 v63, v10;
	v10 =	vsel vm1, v8, v9;
	v8 =	vsel vm1, v9, v8  }
0x611: {  	vm1 =	veq.s32 v62, v11;
	v8 =	vsel vm2, v10, v8  }
0x612: {  	v8 =	vsel vm1, v8, v9  }
0x613: {  	[tilespmem:s15+$0x0] =	vst v8  }
0x614: {  	s19 =	simm.s32 $0x30;
	s20 =	simm.s32 $0x18810;
	v8 =	vld.idx.msk [tilespmem:v7+s21+$0x0], $0xffff  }
.LBB2_86:
0x615: {  	p0 =	sne.s32 s19, $0x3F0;
	v9 =	vadd.s32 s18, v6;
	v10 =	vld [tilespmem:s20+$0x0]  }
0x616: {  	s16 =	sadd.s32 $0x10, s16;
	v9 =	vxor.u32 $0x1, v9;
	v11 =	vld.idx.msk [tilespmem:v7+s22+$0x0], $0xffff  }
0x617: {  	vm1 =	vgt.s32 v9, $0x1;
	v12 =	vld [tilespmem:s16+$0x0]  }
0x618: {  	v9 =	vnsel vm1, $0x1, v9  }
0x619: {  	v9 =	vmin.u32 v9, $0x400  }
0x61a: {  	v13 =	vor.u32 s17, v0;
	s17 =	smov.u32 s18;
	s18 =	smov.u32 s19;
	v9 =	vadd.s32 $0xFFFFFFFF, v9;
	vm1 =	vgt.s32 v10, v8  }
.Ltmp43:
0x61b: {  	vm2 =	vlt.s32 v13, v7;
	v13 =	vsel vm1, v8, v10;
	v8 =	vsel vm1, v10, v8;
	v7 =	vmovc v9;
	(pc) =	sbr.rel @p0 .LBB2_86-.Ltmp43, $4  }
0x61c: {  	vm1 =	veq.s32 v12, v11;
	v8 =	vsel vm2, v13, v8  }
0x61d: {  	s15 =	sadd.s32 $0x10, s15;
	v8 =	vsel vm1, v8, v10  }
0x61e: {  	[tilespmem:s15+$0x0] =	vst v8  }
0x61f: {  	s19 =	sadd.s32 $0x10, s19;
	s20 =	sadd.s32 $0x10, s20;
	v8 =	vld.idx.msk [tilespmem:v9+s21+$0x0], $0xffff  }
0x620: {  	_ =	sdelay $0x2  }
0x621: {  	v9 =	vadd.s32 s18, v6;
	s19 =	simm.s32 $0x0;
	v10 =	vld [tilespmem:s20+$0x0]  }
0x622: {  	s16 =	sadd.s32 $0x10, s16;
	v9 =	vxor.u32 $0x1, v9;
	v11 =	vld.idx.msk [tilespmem:v7+s19+$0x0], $0xffff  }
0x623: {  	v12 =	vld [tilespmem:s16+$0x0];
	vm1 =	vgt.s32 v9, $0x1  }
0x624: {  	v9 =	vnsel vm1, $0x1, v9  }
0x625: {  	v9 =	vmin.u32 v9, $0x400  }
0x626: {  	v13 =	vor.u32 s17, v0;
	v9 =	vadd.s32 $0xFFFFFFFF, v9;
	vm1 =	vgt.s32 v10, v8  }
0x627: {  	vm2 =	vlt.s32 v13, v7;
	v7 =	vsel vm1, v8, v10;
	v8 =	vsel vm1, v10, v8  }
0x628: {  	vm1 =	veq.s32 v12, v11;
	v7 =	vsel vm2, v7, v8  }
0x629: {  	s15 =	sadd.s32 $0x10, s15;
	v7 =	vsel vm1, v7, v10  }
0x62a: {  	s17 =	simm.s32 $0x18800;
	[tilespmem:s15+$0x0] =	vst v7  }
0x62b: {  	s31 =	sadd.s32 $0x10, s20;
	v7 =	vld.idx.msk [tilespmem:v9+s17+$0x0], $0xffff  }
0x62c: {  	v8 =	vld [tilespmem:s31+$0x0]  }
0x62d: {  	s16 =	sadd.s32 $0x10, s16;
	v61 =	vld.idx.msk [tilespmem:v9+s19+$0x0], $0xffff  }
0x62e: {  	v62 =	vld [tilespmem:s16+$0x0];
	_ =	sdelay $0x1  }
0x62f: {  	p1 =	por $0x1, $0x1  }
.Ltmp44:
0x630: {  	v12 =	vor.u32 s18, v0;
	vm1 =	vgt.s32 v8, v7;
	(pc) =	sbr.rel @!p1 .LBB2_88-.Ltmp44, $4  }
0x631: {  	vm2 =	vlt.s32 v12, v9;
	v63 =	vsel vm1, v7, v8;
	v7 =	vsel vm1, v8, v7  }
0x632: {  	vm1 =	veq.s32 v62, v61;
	v7 =	vsel vm2, v63, v7  }
0x633: {  	p2 =	por $0x0, $0x0;
	p0 =	por $0x0, $0x0;
	s15 =	sadd.s32 $0x10, s15;
	v7 =	vsel vm1, v7, v8  }
0x634: {  	v14 =	vor.u32 s19, v0;
	s18 =	simm.s32 $0x18000;
	s16 =	simm.s32 $0x18400;
	[tilespmem:s15+$0x0] =	vst v7;
	s15 =	simm.s32 $0x10  }
0x635: {  	v7 =	vmov s19;
	v15 =	vxor.u32 $0x1, v14  }
0x636: {  	v7 =	vand.u32 $0x380, v7;
	v8 =	vand.u32 $0x7F, v15  }
0x637: {  	v9 =	vor.u32 v7, v8  }
0x638: {  	p3 =	por $0x1, $0x1  }
.Ltmp45:
0x639: {  	_ = 	snop;
	(pc) =	sbr.rel @!p3 .LBB2_90-.Ltmp45, $4  }
0x63a: {  	v11 =	vld [tilespmem:s18+$0x0]  }
0x63b: {  	v7 =	vld [tilespmem:s16+$0x0]  }
0x63c: {  	v8 =	vld.idx.msk [tilespmem:v9+s16+$0x0], $0xffff  }
0x63d: {  	v12 =	vor.u32 s15, v0;
	s20 =	simm.s32 $0x20;
	p2 =	por $0x1, $0x1;
	v10 =	vld.idx.msk [tilespmem:v9+s19+$0x0], $0xffff  }
0x63e: {  	_ = 	snop  }
0x63f: {  	v9 =	vmov s15;
	v13 =	vxor.u32 $0x1, v12  }
0x640: {  	v9 =	vand.u32 $0x380, v9;
	v16 =	vand.u32 $0x7F, v13  }
0x641: {  	v9 =	vor.u32 v9, v16;
	vm1 =	vgt.s32 v7, v8  }
0x642: {  	vm2 =	vlt.u32 v14, v15;
	v14 =	vsel vm1, v8, v7;
	v8 =	vsel vm1, v7, v8  }
0x643: {  	vm1 =	veq.s32 v11, v10;
	v8 =	vsel vm2, v14, v8  }
0x644: {  	p4 =	por $0x1, $0x1;
	v7 =	vsel vm1, v8, v7  }
.Ltmp46:
0x645: {  	[tilespmem:s17+$0x0] =	vst v7;
	(pc) =	sbr.rel @!p4 .LBB2_92-.Ltmp46, $4  }
0x646: {  	s21 =	simm.s32 $0x18410;
	v8 =	vld.idx.msk [tilespmem:v9+s16+$0x0], $0xffff  }
0x647: {  	v7 =	vld [tilespmem:s21+$0x0]  }
0x648: {  	s22 =	simm.s32 $0x18010;
	v10 =	vld.idx.msk [tilespmem:v9+s19+$0x0], $0xffff  }
0x649: {  	s24 =	simm.s32 $0x30;
	p3 =	por $0x1, $0x1;
	s23 =	simm.s32 $0x18800;
	v9 =	vor.u32 s20, v0;
	v11 =	vld [tilespmem:s22+$0x0]  }
.LBB2_93:
0x64a: {  	p4 =	sne.s32 s24, $0x3F0;
	v14 =	vmov s20;
	v15 =	vxor.u32 $0x1, v9;
	s20 =	smov.u32 s24  }
0x64b: {  	v14 =	vand.u32 $0x380, v14;
	v16 =	vand.u32 $0x7F, v15  }
0x64c: {  	v14 =	vor.u32 v14, v16;
	vm1 =	vgt.s32 v7, v8  }
0x64d: {  	vm2 =	vlt.u32 v12, v13;
	v13 =	vmovc v15;
	v16 =	vsel vm1, v8, v7;
	v8 =	vsel vm1, v7, v8  }
0x64e: {  	v12 =	vmov v9;
	vm1 =	veq.s32 v11, v10;
	v8 =	vsel vm2, v16, v8  }
0x64f: {  	s23 =	sadd.s32 $0x10, s23;
	v7 =	vsel vm1, v8, v7  }
.Ltmp47:
0x650: {  	[tilespmem:s23+$0x0] =	vst v7;
	(pc) =	sbr.rel @p4 .LBB2_93-.Ltmp47, $4  }
0x651: {  	s21 =	sadd.s32 $0x10, s21;
	v8 =	vld.idx.msk [tilespmem:v14+s16+$0x0], $0xffff  }
0x652: {  	v7 =	vld [tilespmem:s21+$0x0]  }
0x653: {  	s22 =	sadd.s32 $0x10, s22;
	v10 =	vld.idx.msk [tilespmem:v14+s19+$0x0], $0xffff  }
0x654: {  	s24 =	sadd.s32 $0x10, s24;
	v9 =	vor.u32 s20, v0;
	v11 =	vld [tilespmem:s22+$0x0]  }
0x655: {  	v14 =	vmov v12;
	v15 =	vmov v13  }
.LBB2_95:
0x656: {  	v12 =	vmov s20;
	v13 =	vxor.u32 $0x1, v9;
	vm2 =	vlt.u32 @p2 v14, v15  }
0x657: {  	v12 =	vand.u32 $0x380, v12;
	v16 =	vand.u32 $0x7F, v13;
	vm1 =	vgt.s32 @p2 v7, v8  }
0x658: {  	v12 =	vor.u32 v12, v16;
	v14 =	vsel @p2 vm1, v8, v7;
	v8 =	vsel @p2 vm1, v7, v8  }
0x659: {  	s20 =	sadd.s32 @p3 $0x10, s23;
	s23 =	simm.s32 $0x18800;
	vm1 =	veq.s32 @p2 v11, v10;
	v8 =	vsel @p2 vm2, v14, v8  }
0x65a: {  	s23 =	smov.u32 @p3 s20;
	s20 =	sadd.s32 @p2 $0x10, s21;
	s21 =	simm.s32 $0x18400;
	v7 =	vsel @p2 vm1, v8, v7  }
0x65b: {  	s21 =	smov.u32 @p2 s20;
	[tilespmem:s23+$0x0] =	vst @p2 v7  }
0x65c: {  	v8 =	vld [tilespmem:s21+$0x0]  }
0x65d: {  	s20 =	sadd.s32 @p2 $0x10, s22;
	s21 =	simm.s32 $0x18000;
	v7 =	vld.idx.msk [tilespmem:v12+s16+$0x0], $0xffff  }
0x65e: {  	v10 =	vld.idx.msk [tilespmem:v12+s19+$0x0], $0xffff;
	s21 =	smov.u32 @p2 s20  }
0x65f: {  	v11 =	vld [tilespmem:s21+$0x0];
	_ =	sdelay $0x2  }
.Ltmp48:
0x660: {  	vm1 =	vgt.s32 v8, v7;
	(pc) =	sbr.rel @!p1 .LBB2_96-.Ltmp48, $4  }
0x661: {  	vm2 =	vlt.u32 v9, v13;
	v9 =	vsel vm1, v7, v8;
	v7 =	vsel vm1, v8, v7  }
0x662: {  	s20 =	sadd.s32 @p2 $0x10, s23;
	s21 =	simm.s32 $0x18800;
	vm1 =	veq.s32 v11, v10;
	v7 =	vsel vm2, v9, v7  }
0x663: {  	s21 =	smov.u32 @p2 s20;
	v7 =	vsel vm1, v7, v8  }
0x664: {  	v11 =	vadd.s32 s19, v6;
	[tilespmem:s21+$0x0] =	vst v7  }
0x665: {  	v7 =	vxor.u32 $0x1, v11  }
0x666: {  	vm1 =	vgt.s32 v7, $0x1  }
0x667: {  	v7 =	vnsel vm1, $0x1, v7  }
0x668: {  	v7 =	vmin.u32 v7, $0x400  }
0x669: {  	p2 =	por $0x1, $0x1;
	v10 =	vadd.s32 $0xFFFFFFFF, v7  }
.Ltmp49:
0x66a: {  	_ = 	snop;
	(pc) =	sbr.rel @!p2 .LBB2_98-.Ltmp49, $3  }
0x66b: {  	_ =	sdelay $0x1  }
0x66c: {  	s21 =	simm.s32 $0x18800;
	v7 =	vld [tilespmem:s17+$0x0]  }
0x66d: {  	v11 =	vadd.s32 s15, v6;
	s22 =	simm.s32 $0x20;
	s20 =	simm.s32 $0x0;
	p1 =	por $0x1, $0x1;
	v8 =	vld.idx.msk [tilespmem:v10+s21+$0x0], $0xffff  }
0x66e: {  	_ =	sdelay $0x3  }
0x66f: {  	v9 =	vxor.u32 $0x1, v11;
	v11 =	vld.idx.msk [tilespmem:v10+s20+$0x0], $0xffff  }
0x670: {  	v12 =	vld [tilespmem:s18+$0x0];
	vm1 =	vgt.s32 v9, $0x1  }
0x671: {  	v9 =	vnsel vm1, $0x1, v9  }
0x672: {  	v9 =	vmin.u32 v9, $0x400  }
0x673: {  	v13 =	vor.u32 s19, v0;
	v9 =	vadd.s32 $0xFFFFFFFF, v9;
	vm1 =	vgt.s32 v7, v8  }
0x674: {  	p2 =	por $0x1, $0x1;
	vm2 =	vlt.s32 v13, v10;
	v10 =	vsel vm1, v8, v7;
	v8 =	vsel vm1, v7, v8  }
.Ltmp50:
0x675: {  	vm1 =	veq.s32 v12, v11;
	v8 =	vsel vm2, v10, v8;
	(pc) =	sbr.rel @!p2 .LBB2_100-.Ltmp50, $4  }
0x676: {  	v7 =	vsel vm1, v8, v7  }
0x677: {  	[tilespmem:s16+$0x0] =	vst v7  }
0x678: {  	s19 =	simm.s32 $0x30;
	v8 =	vld.idx.msk [tilespmem:v9+s21+$0x0], $0xffff;
	s21 =	simm.s32 $0x18810  }
0x679: {  	p0 =	por $0x1, $0x1;
	s24 =	simm.s32 $0x18000;
	s23 =	simm.s32 $0x18400;
	v11 =	vadd.s32 s22, v6;
	v7 =	vld [tilespmem:s21+$0x0]  }
.LBB2_101:
0x67a: {  	p2 =	sne.s32 s19, $0x3F0;
	v10 =	vxor.u32 $0x1, v11;
	v11 =	vld.idx.msk [tilespmem:v9+s20+$0x0], $0xffff;
	s24 =	sadd.s32 $0x10, s24  }
0x67b: {  	vm1 =	vgt.s32 v10, $0x1;
	v12 =	vld [tilespmem:s24+$0x0]  }
0x67c: {  	v10 =	vnsel vm1, $0x1, v10  }
0x67d: {  	v10 =	vmin.u32 v10, $0x400  }
0x67e: {  	v13 =	vor.u32 s15, v0;
	s15 =	smov.u32 s22;
	s22 =	smov.u32 s19;
	v10 =	vadd.s32 $0xFFFFFFFF, v10;
	vm1 =	vgt.s32 v7, v8  }
0x67f: {  	vm2 =	vlt.s32 v13, v9;
	v13 =	vsel vm1, v8, v7;
	v8 =	vsel vm1, v7, v8;
	v9 =	vmovc v10  }
.Ltmp51:
0x680: {  	vm1 =	veq.s32 v12, v11;
	v8 =	vsel vm2, v13, v8;
	(pc) =	sbr.rel @p2 .LBB2_101-.Ltmp51, $4  }
0x681: {  	s23 =	sadd.s32 $0x10, s23;
	v7 =	vsel vm1, v8, v7  }
0x682: {  	s25 =	simm.s32 $0x18800;
	[tilespmem:s23+$0x0] =	vst v7  }
0x683: {  	s21 =	sadd.s32 $0x10, s21;
	v8 =	vld.idx.msk [tilespmem:v10+s25+$0x0], $0xffff  }
0x684: {  	s19 =	sadd.s32 $0x10, s19;
	v11 =	vadd.s32 s22, v6;
	v7 =	vld [tilespmem:s21+$0x0]  }
0x685: {  	v10 =	vmov v9;
	s19 =	smov.u32 s22  }
.LBB2_103:
0x686: {  	_ =	sdelay $0x2  }
0x687: {  	s22 =	sadd.s32 @p0 $0x10, s24;
	s24 =	simm.s32 $0x18000  }
0x688: {  	v9 =	vld.idx.msk @p1 [tilespmem:v10+s20+$0x0], $0xffff;
	v11 =	vxor.u32 $0x1, v11;
	s24 =	smov.u32 @p0 s22  }
0x689: {  	vm1 =	vgt.s32 v11, $0x1;
	v12 =	vld @p1 [tilespmem:s24+$0x0]  }
0x68a: {  	v11 =	vnsel vm1, $0x1, v11  }
0x68b: {  	v11 =	vmin.u32 v11, $0x400  }
0x68c: {  	v13 =	vor.u32 @p1 s15, v0;
	vm1 =	vgt.s32 @p1 v7, v8;
	v11 =	vadd.s32 $0xFFFFFFFF, v11  }
0x68d: {  	vm2 =	vlt.s32 @p1 v13, v10;
	v10 =	vsel @p1 vm1, v8, v7;
	v8 =	vsel @p1 vm1, v7, v8  }
0x68e: {  	s15 =	sadd.s32 @p0 $0x10, s23;
	s22 =	simm.s32 $0x18400;
	v8 =	vsel @p1 vm2, v10, v8;
	vm1 =	veq.s32 @p1 v12, v9  }
0x68f: {  	s22 =	smov.u32 @p0 s15;
	v7 =	vsel @p1 vm1, v8, v7  }
0x690: {  	s20 =	sadd.s32 @p1 $0x10, s21;
	s15 =	simm.s32 $0x18800;
	[tilespmem:s22+$0x0] =	vst @p1 v7  }
0x691: {  	s17 =	smov.u32 @p1 s20;
	v7 =	vld.idx.msk [tilespmem:v11+s15+$0x0], $0xffff  }
0x692: {  	s20 =	simm.s32 $0x0;
	v8 =	vld [tilespmem:s17+$0x0];
	s17 =	sadd.s32 @p1 $0x10, s24  }
0x693: {  	v61 =	vld.idx.msk [tilespmem:v11+s20+$0x0], $0xffff;
	s18 =	smov.u32 @p1 s17  }
0x694: {  	v62 =	vld [tilespmem:s18+$0x0]  }
0x695: {  	s17 =	sadd.s32 @p1 $0x10, s22  }
0x696: {  	s16 =	smov.u32 @p1 s17;
	p1 =	por $0x1, $0x1  }
.Ltmp52:
0x697: {  	v12 =	vor.u32 s19, v0;
	vm1 =	vgt.s32 v8, v7;
	(pc) =	sbr.rel @!p1 .LBB2_104-.Ltmp52, $4  }
0x698: {  	vm2 =	vlt.s32 v12, v11;
	v63 =	vsel vm1, v7, v8;
	v7 =	vsel vm1, v8, v7  }
0x699: {  	vm1 =	veq.s32 v62, v61;
	v7 =	vsel vm2, v63, v7  }
0x69a: {  	p2 =	por $0x0, $0x0;
	p0 =	por $0x0, $0x0;
	v7 =	vsel vm1, v7, v8  }
0x69b: {  	v14 =	vor.u32 s20, v0;
	s18 =	simm.s32 $0x18000;
	s17 =	simm.s32 $0x18400;
	[tilespmem:s16+$0x0] =	vst v7;
	s16 =	simm.s32 $0x10  }
0x69c: {  	v7 =	vmov s20;
	v15 =	vxor.u32 $0x1, v14  }
0x69d: {  	v7 =	vand.u32 $0x380, v7;
	v8 =	vand.u32 $0x7F, v15  }
0x69e: {  	v9 =	vor.u32 v7, v8  }
0x69f: {  	p3 =	por $0x1, $0x1  }
.Ltmp53:
0x6a0: {  	_ = 	snop;
	(pc) =	sbr.rel @!p3 .LBB2_106-.Ltmp53, $4  }
0x6a1: {  	v11 =	vld [tilespmem:s18+$0x0]  }
0x6a2: {  	v7 =	vld [tilespmem:s17+$0x0]  }
0x6a3: {  	v8 =	vld.idx.msk [tilespmem:v9+s17+$0x0], $0xffff  }
0x6a4: {  	v12 =	vor.u32 s16, v0;
	s19 =	simm.s32 $0x20;
	p2 =	por $0x1, $0x1;
	v10 =	vld.idx.msk [tilespmem:v9+s20+$0x0], $0xffff  }
0x6a5: {  	_ = 	snop  }
0x6a6: {  	v9 =	vmov s16;
	v13 =	vxor.u32 $0x1, v12  }
0x6a7: {  	v9 =	vand.u32 $0x380, v9;
	v16 =	vand.u32 $0x7F, v13  }
0x6a8: {  	v9 =	vor.u32 v9, v16;
	vm1 =	vgt.s32 v7, v8  }
0x6a9: {  	vm2 =	vlt.u32 v14, v15;
	v14 =	vsel vm1, v8, v7;
	v8 =	vsel vm1, v7, v8  }
0x6aa: {  	vm1 =	veq.s32 v11, v10;
	v8 =	vsel vm2, v14, v8  }
0x6ab: {  	p4 =	por $0x1, $0x1;
	v7 =	vsel vm1, v8, v7  }
.Ltmp54:
0x6ac: {  	[tilespmem:s15+$0x0] =	vst v7;
	(pc) =	sbr.rel @!p4 .LBB2_108-.Ltmp54, $4  }
0x6ad: {  	s21 =	simm.s32 $0x18410;
	v8 =	vld.idx.msk [tilespmem:v9+s17+$0x0], $0xffff  }
0x6ae: {  	v7 =	vld [tilespmem:s21+$0x0]  }
0x6af: {  	s22 =	simm.s32 $0x18010;
	v10 =	vld.idx.msk [tilespmem:v9+s20+$0x0], $0xffff  }
0x6b0: {  	s24 =	simm.s32 $0x30;
	p3 =	por $0x1, $0x1;
	s23 =	simm.s32 $0x18800;
	v9 =	vor.u32 s19, v0;
	v11 =	vld [tilespmem:s22+$0x0]  }
.LBB2_109:
0x6b1: {  	p4 =	sne.s32 s24, $0x3F0;
	v14 =	vmov s19;
	v15 =	vxor.u32 $0x1, v9;
	s19 =	smov.u32 s24  }
0x6b2: {  	v14 =	vand.u32 $0x380, v14;
	v16 =	vand.u32 $0x7F, v15  }
0x6b3: {  	v14 =	vor.u32 v14, v16;
	vm1 =	vgt.s32 v7, v8  }
0x6b4: {  	vm2 =	vlt.u32 v12, v13;
	v13 =	vmovc v15;
	v16 =	vsel vm1, v8, v7;
	v8 =	vsel vm1, v7, v8  }
0x6b5: {  	v12 =	vmov v9;
	vm1 =	veq.s32 v11, v10;
	v8 =	vsel vm2, v16, v8  }
0x6b6: {  	s23 =	sadd.s32 $0x10, s23;
	v7 =	vsel vm1, v8, v7  }
.Ltmp55:
0x6b7: {  	[tilespmem:s23+$0x0] =	vst v7;
	(pc) =	sbr.rel @p4 .LBB2_109-.Ltmp55, $4  }
0x6b8: {  	s21 =	sadd.s32 $0x10, s21;
	v8 =	vld.idx.msk [tilespmem:v14+s17+$0x0], $0xffff  }
0x6b9: {  	v7 =	vld [tilespmem:s21+$0x0]  }
0x6ba: {  	s22 =	sadd.s32 $0x10, s22;
	v10 =	vld.idx.msk [tilespmem:v14+s20+$0x0], $0xffff  }
0x6bb: {  	s24 =	sadd.s32 $0x10, s24;
	v9 =	vor.u32 s19, v0;
	v11 =	vld [tilespmem:s22+$0x0]  }
0x6bc: {  	v14 =	vmov v12;
	v15 =	vmov v13  }
.LBB2_111:
0x6bd: {  	v12 =	vmov s19;
	v13 =	vxor.u32 $0x1, v9;
	vm2 =	vlt.u32 @p2 v14, v15  }
0x6be: {  	v12 =	vand.u32 $0x380, v12;
	v16 =	vand.u32 $0x7F, v13;
	vm1 =	vgt.s32 @p2 v7, v8  }
0x6bf: {  	v12 =	vor.u32 v12, v16;
	v14 =	vsel @p2 vm1, v8, v7;
	v8 =	vsel @p2 vm1, v7, v8  }
0x6c0: {  	s19 =	sadd.s32 @p3 $0x10, s23;
	s23 =	simm.s32 $0x18800;
	vm1 =	veq.s32 @p2 v11, v10;
	v8 =	vsel @p2 vm2, v14, v8  }
0x6c1: {  	s23 =	smov.u32 @p3 s19;
	s19 =	sadd.s32 @p2 $0x10, s21;
	s21 =	simm.s32 $0x18400;
	v7 =	vsel @p2 vm1, v8, v7  }
0x6c2: {  	s21 =	smov.u32 @p2 s19;
	[tilespmem:s23+$0x0] =	vst @p2 v7  }
0x6c3: {  	v8 =	vld [tilespmem:s21+$0x0]  }
0x6c4: {  	s19 =	sadd.s32 @p2 $0x10, s22;
	s21 =	simm.s32 $0x18000;
	v7 =	vld.idx.msk [tilespmem:v12+s17+$0x0], $0xffff  }
0x6c5: {  	v10 =	vld.idx.msk [tilespmem:v12+s20+$0x0], $0xffff;
	s21 =	smov.u32 @p2 s19  }
0x6c6: {  	v11 =	vld [tilespmem:s21+$0x0];
	_ =	sdelay $0x2  }
.Ltmp56:
0x6c7: {  	vm1 =	vgt.s32 v8, v7;
	(pc) =	sbr.rel @!p1 .LBB2_112-.Ltmp56, $4  }
0x6c8: {  	vm2 =	vlt.u32 v9, v13;
	v9 =	vsel vm1, v7, v8;
	v7 =	vsel vm1, v8, v7  }
0x6c9: {  	s19 =	sadd.s32 @p2 $0x10, s23;
	s21 =	simm.s32 $0x18800;
	vm1 =	veq.s32 v11, v10;
	v7 =	vsel vm2, v9, v7  }
0x6ca: {  	s21 =	smov.u32 @p2 s19;
	v7 =	vsel vm1, v7, v8  }
0x6cb: {  	v11 =	vadd.s32 s20, v6;
	[tilespmem:s21+$0x0] =	vst v7  }
0x6cc: {  	v7 =	vxor.u32 $0x1, v11  }
0x6cd: {  	vm1 =	vgt.s32 v7, $0x1  }
0x6ce: {  	v7 =	vnsel vm1, $0x1, v7  }
0x6cf: {  	v7 =	vmin.u32 v7, $0x400  }
0x6d0: {  	p2 =	por $0x1, $0x1;
	v10 =	vadd.s32 $0xFFFFFFFF, v7  }
.Ltmp57:
0x6d1: {  	_ = 	snop;
	(pc) =	sbr.rel @!p2 .LBB2_114-.Ltmp57, $3  }
0x6d2: {  	_ =	sdelay $0x1  }
0x6d3: {  	s21 =	simm.s32 $0x18800;
	v7 =	vld [tilespmem:s15+$0x0]  }
0x6d4: {  	v11 =	vadd.s32 s16, v6;
	s22 =	simm.s32 $0x20;
	s19 =	simm.s32 $0x0;
	p1 =	por $0x1, $0x1;
	v8 =	vld.idx.msk [tilespmem:v10+s21+$0x0], $0xffff  }
0x6d5: {  	_ =	sdelay $0x3  }
0x6d6: {  	v9 =	vxor.u32 $0x1, v11;
	v11 =	vld.idx.msk [tilespmem:v10+s19+$0x0], $0xffff  }
0x6d7: {  	v12 =	vld [tilespmem:s18+$0x0];
	vm1 =	vgt.s32 v9, $0x1  }
0x6d8: {  	v9 =	vnsel vm1, $0x1, v9  }
0x6d9: {  	v9 =	vmin.u32 v9, $0x400  }
0x6da: {  	v13 =	vor.u32 s20, v0;
	v9 =	vadd.s32 $0xFFFFFFFF, v9;
	vm1 =	vgt.s32 v7, v8  }
0x6db: {  	p2 =	por $0x1, $0x1;
	vm2 =	vlt.s32 v13, v10;
	v10 =	vsel vm1, v8, v7;
	v8 =	vsel vm1, v7, v8  }
.Ltmp58:
0x6dc: {  	vm1 =	veq.s32 v12, v11;
	v8 =	vsel vm2, v10, v8;
	(pc) =	sbr.rel @!p2 .LBB2_116-.Ltmp58, $4  }
0x6dd: {  	v7 =	vsel vm1, v8, v7  }
0x6de: {  	[tilespmem:s17+$0x0] =	vst v7  }
0x6df: {  	s20 =	simm.s32 $0x30;
	v8 =	vld.idx.msk [tilespmem:v9+s21+$0x0], $0xffff;
	s21 =	simm.s32 $0x18810  }
0x6e0: {  	p0 =	por $0x1, $0x1;
	s24 =	simm.s32 $0x18000;
	s23 =	simm.s32 $0x18400;
	v11 =	vadd.s32 s22, v6;
	v7 =	vld [tilespmem:s21+$0x0]  }
.LBB2_117:
0x6e1: {  	p2 =	sne.s32 s20, $0x3F0;
	v10 =	vxor.u32 $0x1, v11;
	v11 =	vld.idx.msk [tilespmem:v9+s19+$0x0], $0xffff;
	s24 =	sadd.s32 $0x10, s24  }
0x6e2: {  	vm1 =	vgt.s32 v10, $0x1;
	v12 =	vld [tilespmem:s24+$0x0]  }
0x6e3: {  	v10 =	vnsel vm1, $0x1, v10  }
0x6e4: {  	v10 =	vmin.u32 v10, $0x400  }
0x6e5: {  	v13 =	vor.u32 s16, v0;
	s16 =	smov.u32 s22;
	s22 =	smov.u32 s20;
	v10 =	vadd.s32 $0xFFFFFFFF, v10;
	vm1 =	vgt.s32 v7, v8  }
0x6e6: {  	vm2 =	vlt.s32 v13, v9;
	v13 =	vsel vm1, v8, v7;
	v8 =	vsel vm1, v7, v8;
	v9 =	vmovc v10  }
.Ltmp59:
0x6e7: {  	vm1 =	veq.s32 v12, v11;
	v8 =	vsel vm2, v13, v8;
	(pc) =	sbr.rel @p2 .LBB2_117-.Ltmp59, $4  }
0x6e8: {  	s23 =	sadd.s32 $0x10, s23;
	v7 =	vsel vm1, v8, v7  }
0x6e9: {  	s25 =	simm.s32 $0x18800;
	[tilespmem:s23+$0x0] =	vst v7  }
0x6ea: {  	s21 =	sadd.s32 $0x10, s21;
	v8 =	vld.idx.msk [tilespmem:v10+s25+$0x0], $0xffff  }
0x6eb: {  	s20 =	sadd.s32 $0x10, s20;
	v11 =	vadd.s32 s22, v6;
	v7 =	vld [tilespmem:s21+$0x0]  }
0x6ec: {  	v10 =	vmov v9;
	s20 =	smov.u32 s22  }
.LBB2_119:
0x6ed: {  	_ =	sdelay $0x2  }
0x6ee: {  	s22 =	sadd.s32 @p0 $0x10, s24;
	s24 =	simm.s32 $0x18000  }
0x6ef: {  	v9 =	vld.idx.msk @p1 [tilespmem:v10+s19+$0x0], $0xffff;
	v11 =	vxor.u32 $0x1, v11;
	s24 =	smov.u32 @p0 s22  }
0x6f0: {  	vm1 =	vgt.s32 v11, $0x1;
	v12 =	vld @p1 [tilespmem:s24+$0x0]  }
0x6f1: {  	v11 =	vnsel vm1, $0x1, v11  }
0x6f2: {  	v11 =	vmin.u32 v11, $0x400  }
0x6f3: {  	v13 =	vor.u32 @p1 s16, v0;
	vm1 =	vgt.s32 @p1 v7, v8;
	v11 =	vadd.s32 $0xFFFFFFFF, v11  }
0x6f4: {  	vm2 =	vlt.s32 @p1 v13, v10;
	v10 =	vsel @p1 vm1, v8, v7;
	v8 =	vsel @p1 vm1, v7, v8  }
0x6f5: {  	s16 =	sadd.s32 @p0 $0x10, s23;
	s22 =	simm.s32 $0x18400;
	v8 =	vsel @p1 vm2, v10, v8;
	vm1 =	veq.s32 @p1 v12, v9  }
0x6f6: {  	s22 =	smov.u32 @p0 s16;
	v7 =	vsel @p1 vm1, v8, v7  }
0x6f7: {  	s19 =	sadd.s32 @p1 $0x10, s21;
	s16 =	simm.s32 $0x18800;
	[tilespmem:s22+$0x0] =	vst @p1 v7  }
0x6f8: {  	s15 =	smov.u32 @p1 s19;
	v7 =	vld.idx.msk [tilespmem:v11+s16+$0x0], $0xffff  }
0x6f9: {  	s19 =	simm.s32 $0x0;
	v8 =	vld [tilespmem:s15+$0x0];
	s15 =	sadd.s32 @p1 $0x10, s24  }
0x6fa: {  	v61 =	vld.idx.msk [tilespmem:v11+s19+$0x0], $0xffff;
	s18 =	smov.u32 @p1 s15  }
0x6fb: {  	v62 =	vld [tilespmem:s18+$0x0]  }
0x6fc: {  	s15 =	sadd.s32 @p1 $0x10, s22  }
0x6fd: {  	s17 =	smov.u32 @p1 s15;
	p1 =	por $0x1, $0x1  }
.Ltmp60:
0x6fe: {  	v12 =	vor.u32 s20, v0;
	vm1 =	vgt.s32 v8, v7;
	(pc) =	sbr.rel @!p1 .LBB2_120-.Ltmp60, $4  }
0x6ff: {  	vm2 =	vlt.s32 v12, v11;
	v63 =	vsel vm1, v7, v8;
	v7 =	vsel vm1, v8, v7  }
0x700: {  	vm1 =	veq.s32 v62, v61;
	v7 =	vsel vm2, v63, v7  }
0x701: {  	p2 =	por $0x0, $0x0;
	p0 =	por $0x0, $0x0;
	v7 =	vsel vm1, v7, v8  }
0x702: {  	v14 =	vor.u32 s19, v0;
	s18 =	simm.s32 $0x18000;
	s15 =	simm.s32 $0x18400;
	[tilespmem:s17+$0x0] =	vst v7;
	s17 =	simm.s32 $0x10  }
0x703: {  	v7 =	vmov s19;
	v15 =	vxor.u32 $0x1, v14  }
0x704: {  	v7 =	vand.u32 $0x380, v7;
	v8 =	vand.u32 $0x7F, v15  }
0x705: {  	v9 =	vor.u32 v7, v8  }
0x706: {  	p3 =	por $0x1, $0x1  }
.Ltmp61:
0x707: {  	_ = 	snop;
	(pc) =	sbr.rel @!p3 .LBB2_122-.Ltmp61, $4  }
0x708: {  	v11 =	vld [tilespmem:s18+$0x0]  }
0x709: {  	v7 =	vld [tilespmem:s15+$0x0]  }
0x70a: {  	v8 =	vld.idx.msk [tilespmem:v9+s15+$0x0], $0xffff  }
0x70b: {  	v12 =	vor.u32 s17, v0;
	s20 =	simm.s32 $0x20;
	p2 =	por $0x1, $0x1;
	v10 =	vld.idx.msk [tilespmem:v9+s19+$0x0], $0xffff  }
0x70c: {  	_ = 	snop  }
0x70d: {  	v9 =	vmov s17;
	v13 =	vxor.u32 $0x1, v12  }
0x70e: {  	v9 =	vand.u32 $0x380, v9;
	v16 =	vand.u32 $0x7F, v13  }
0x70f: {  	v9 =	vor.u32 v9, v16;
	vm1 =	vgt.s32 v7, v8  }
0x710: {  	vm2 =	vlt.u32 v14, v15;
	v14 =	vsel vm1, v8, v7;
	v8 =	vsel vm1, v7, v8  }
0x711: {  	vm1 =	veq.s32 v11, v10;
	v8 =	vsel vm2, v14, v8  }
0x712: {  	p4 =	por $0x1, $0x1;
	v7 =	vsel vm1, v8, v7  }
.Ltmp62:
0x713: {  	[tilespmem:s16+$0x0] =	vst v7;
	(pc) =	sbr.rel @!p4 .LBB2_124-.Ltmp62, $4  }
0x714: {  	s21 =	simm.s32 $0x18410;
	v8 =	vld.idx.msk [tilespmem:v9+s15+$0x0], $0xffff  }
0x715: {  	v7 =	vld [tilespmem:s21+$0x0]  }
0x716: {  	s22 =	simm.s32 $0x18010;
	v10 =	vld.idx.msk [tilespmem:v9+s19+$0x0], $0xffff  }
0x717: {  	s24 =	simm.s32 $0x30;
	p3 =	por $0x1, $0x1;
	s23 =	simm.s32 $0x18800;
	v9 =	vor.u32 s20, v0;
	v11 =	vld [tilespmem:s22+$0x0]  }
.LBB2_125:
0x718: {  	p4 =	sne.s32 s24, $0x3F0;
	v14 =	vmov s20;
	v15 =	vxor.u32 $0x1, v9;
	s20 =	smov.u32 s24  }
0x719: {  	v14 =	vand.u32 $0x380, v14;
	v16 =	vand.u32 $0x7F, v15  }
0x71a: {  	v14 =	vor.u32 v14, v16;
	vm1 =	vgt.s32 v7, v8  }
0x71b: {  	vm2 =	vlt.u32 v12, v13;
	v13 =	vmovc v15;
	v16 =	vsel vm1, v8, v7;
	v8 =	vsel vm1, v7, v8  }
0x71c: {  	v12 =	vmov v9;
	vm1 =	veq.s32 v11, v10;
	v8 =	vsel vm2, v16, v8  }
0x71d: {  	s23 =	sadd.s32 $0x10, s23;
	v7 =	vsel vm1, v8, v7  }
.Ltmp63:
0x71e: {  	[tilespmem:s23+$0x0] =	vst v7;
	(pc) =	sbr.rel @p4 .LBB2_125-.Ltmp63, $4  }
0x71f: {  	s21 =	sadd.s32 $0x10, s21;
	v8 =	vld.idx.msk [tilespmem:v14+s15+$0x0], $0xffff  }
0x720: {  	v7 =	vld [tilespmem:s21+$0x0]  }
0x721: {  	s22 =	sadd.s32 $0x10, s22;
	v10 =	vld.idx.msk [tilespmem:v14+s19+$0x0], $0xffff  }
0x722: {  	s24 =	sadd.s32 $0x10, s24;
	v9 =	vor.u32 s20, v0;
	v11 =	vld [tilespmem:s22+$0x0]  }
0x723: {  	v14 =	vmov v12;
	v15 =	vmov v13  }
.LBB2_127:
0x724: {  	v12 =	vmov s20;
	v13 =	vxor.u32 $0x1, v9;
	vm2 =	vlt.u32 @p2 v14, v15  }
0x725: {  	v12 =	vand.u32 $0x380, v12;
	v16 =	vand.u32 $0x7F, v13;
	vm1 =	vgt.s32 @p2 v7, v8  }
0x726: {  	v12 =	vor.u32 v12, v16;
	v14 =	vsel @p2 vm1, v8, v7;
	v8 =	vsel @p2 vm1, v7, v8  }
0x727: {  	s20 =	sadd.s32 @p3 $0x10, s23;
	s23 =	simm.s32 $0x18800;
	vm1 =	veq.s32 @p2 v11, v10;
	v8 =	vsel @p2 vm2, v14, v8  }
0x728: {  	s23 =	smov.u32 @p3 s20;
	s20 =	sadd.s32 @p2 $0x10, s21;
	s21 =	simm.s32 $0x18400;
	v7 =	vsel @p2 vm1, v8, v7  }
0x729: {  	s21 =	smov.u32 @p2 s20;
	[tilespmem:s23+$0x0] =	vst @p2 v7  }
0x72a: {  	v8 =	vld [tilespmem:s21+$0x0]  }
0x72b: {  	s20 =	sadd.s32 @p2 $0x10, s22;
	s21 =	simm.s32 $0x18000;
	v7 =	vld.idx.msk [tilespmem:v12+s15+$0x0], $0xffff  }
0x72c: {  	v10 =	vld.idx.msk [tilespmem:v12+s19+$0x0], $0xffff;
	s21 =	smov.u32 @p2 s20  }
0x72d: {  	v11 =	vld [tilespmem:s21+$0x0];
	_ =	sdelay $0x2  }
.Ltmp64:
0x72e: {  	vm1 =	vgt.s32 v8, v7;
	(pc) =	sbr.rel @!p1 .LBB2_128-.Ltmp64, $4  }
0x72f: {  	vm2 =	vlt.u32 v9, v13;
	v9 =	vsel vm1, v7, v8;
	v7 =	vsel vm1, v8, v7  }
0x730: {  	s20 =	sadd.s32 @p2 $0x10, s23;
	s21 =	simm.s32 $0x18800;
	vm1 =	veq.s32 v11, v10;
	v7 =	vsel vm2, v9, v7  }
0x731: {  	s21 =	smov.u32 @p2 s20;
	v7 =	vsel vm1, v7, v8  }
0x732: {  	v11 =	vadd.s32 s19, v6;
	[tilespmem:s21+$0x0] =	vst v7  }
0x733: {  	v7 =	vxor.u32 $0x1, v11  }
0x734: {  	vm1 =	vgt.s32 v7, $0x1  }
0x735: {  	v7 =	vnsel vm1, $0x1, v7  }
0x736: {  	v7 =	vmin.u32 v7, $0x400  }
0x737: {  	p2 =	por $0x1, $0x1;
	v10 =	vadd.s32 $0xFFFFFFFF, v7  }
.Ltmp65:
0x738: {  	_ = 	snop;
	(pc) =	sbr.rel @!p2 .LBB2_130-.Ltmp65, $3  }
0x739: {  	_ =	sdelay $0x1  }
0x73a: {  	v7 =	vld [tilespmem:s16+$0x0]  }
0x73b: {  	v11 =	vadd.s32 s17, v6;
	s22 =	simm.s32 $0x20;
	s20 =	simm.s32 $0x0;
	p1 =	por $0x1, $0x1;
	v8 =	vld.idx.msk [tilespmem:v10+s11+$0x0], $0xffff  }
0x73c: {  	_ =	sdelay $0x3  }
0x73d: {  	v9 =	vxor.u32 $0x1, v11;
	v11 =	vld.idx.msk [tilespmem:v10+s20+$0x0], $0xffff  }
0x73e: {  	v12 =	vld [tilespmem:s18+$0x0];
	vm1 =	vgt.s32 v9, $0x1  }
0x73f: {  	v9 =	vnsel vm1, $0x1, v9  }
0x740: {  	v9 =	vmin.u32 v9, $0x400  }
0x741: {  	v13 =	vor.u32 s19, v0;
	v9 =	vadd.s32 $0xFFFFFFFF, v9;
	vm1 =	vgt.s32 v7, v8  }
0x742: {  	p2 =	por $0x1, $0x1;
	vm2 =	vlt.s32 v13, v10;
	v10 =	vsel vm1, v8, v7;
	v8 =	vsel vm1, v7, v8  }
.Ltmp66:
0x743: {  	vm1 =	veq.s32 v12, v11;
	v8 =	vsel vm2, v10, v8;
	(pc) =	sbr.rel @!p2 .LBB2_132-.Ltmp66, $4  }
0x744: {  	v7 =	vsel vm1, v8, v7  }
0x745: {  	[tilespmem:s15+$0x0] =	vst v7  }
0x746: {  	s21 =	simm.s32 $0x18810;
	s19 =	simm.s32 $0x30;
	v8 =	vld.idx.msk [tilespmem:v9+s11+$0x0], $0xffff  }
0x747: {  	p0 =	por $0x1, $0x1;
	s24 =	simm.s32 $0x18000;
	s23 =	simm.s32 $0x18400;
	v11 =	vadd.s32 s22, v6;
	v7 =	vld [tilespmem:s21+$0x0]  }
.LBB2_133:
0x748: {  	p2 =	sne.s32 s19, $0x3F0;
	v10 =	vxor.u32 $0x1, v11;
	v11 =	vld.idx.msk [tilespmem:v9+s20+$0x0], $0xffff;
	s24 =	sadd.s32 $0x10, s24  }
0x749: {  	vm1 =	vgt.s32 v10, $0x1;
	v12 =	vld [tilespmem:s24+$0x0]  }
0x74a: {  	v10 =	vnsel vm1, $0x1, v10  }
0x74b: {  	v10 =	vmin.u32 v10, $0x400  }
0x74c: {  	v13 =	vor.u32 s17, v0;
	s17 =	smov.u32 s22;
	s22 =	smov.u32 s19;
	v10 =	vadd.s32 $0xFFFFFFFF, v10;
	vm1 =	vgt.s32 v7, v8  }
0x74d: {  	vm2 =	vlt.s32 v13, v9;
	v13 =	vsel vm1, v8, v7;
	v8 =	vsel vm1, v7, v8;
	v9 =	vmovc v10  }
.Ltmp67:
0x74e: {  	vm1 =	veq.s32 v12, v11;
	v8 =	vsel vm2, v13, v8;
	(pc) =	sbr.rel @p2 .LBB2_133-.Ltmp67, $4  }
0x74f: {  	s23 =	sadd.s32 $0x10, s23;
	v7 =	vsel vm1, v8, v7  }
0x750: {  	[tilespmem:s23+$0x0] =	vst v7  }
0x751: {  	s21 =	sadd.s32 $0x10, s21;
	v8 =	vld.idx.msk [tilespmem:v10+s11+$0x0], $0xffff  }
0x752: {  	s19 =	sadd.s32 $0x10, s19;
	v11 =	vadd.s32 s22, v6;
	v7 =	vld [tilespmem:s21+$0x0]  }
0x753: {  	v10 =	vmov v9;
	s19 =	smov.u32 s22  }
.LBB2_135:
0x754: {  	_ =	sdelay $0x2  }
0x755: {  	s22 =	sadd.s32 @p0 $0x10, s24;
	s24 =	simm.s32 $0x18000  }
0x756: {  	v6 =	vld.idx.msk @p1 [tilespmem:v10+s20+$0x0], $0xffff;
	v9 =	vxor.u32 $0x1, v11;
	s24 =	smov.u32 @p0 s22  }
0x757: {  	vm1 =	vgt.s32 v9, $0x1;
	v11 =	vld @p1 [tilespmem:s24+$0x0]  }
0x758: {  	v9 =	vnsel vm1, $0x1, v9  }
0x759: {  	v9 =	vmin.u32 v9, $0x400  }
0x75a: {  	v12 =	vor.u32 @p1 s17, v0;
	vm1 =	vgt.s32 @p1 v7, v8;
	v9 =	vadd.s32 $0xFFFFFFFF, v9  }
0x75b: {  	vm2 =	vlt.s32 @p1 v12, v10;
	v10 =	vsel @p1 vm1, v8, v7;
	v8 =	vsel @p1 vm1, v7, v8  }
0x75c: {  	s17 =	sadd.s32 @p0 $0x10, s23;
	s20 =	simm.s32 $0x18400;
	vm1 =	veq.s32 @p1 v11, v6;
	v6 =	vsel @p1 vm2, v10, v8  }
0x75d: {  	s20 =	smov.u32 @p0 s17;
	v6 =	vsel @p1 vm1, v6, v7  }
0x75e: {  	s17 =	sadd.s32 @p1 $0x10, s21;
	[tilespmem:s20+$0x0] =	vst @p1 v6  }
0x75f: {  	s16 =	smov.u32 @p1 s17;
	v6 =	vld.idx.msk [tilespmem:v9+s11+$0x0], $0xffff  }
0x760: {  	s31 =	simm.s32 $0x0;
	v7 =	vld [tilespmem:s16+$0x0];
	s16 =	sadd.s32 @p1 $0x10, s24  }
0x761: {  	v8 =	vld.idx.msk [tilespmem:v9+s31+$0x0], $0xffff;
	s18 =	smov.u32 @p1 s16  }
0x762: {  	v61 =	vld [tilespmem:s18+$0x0];
	_ =	sdelay $0x2  }
0x763: {  	v62 =	vor.u32 s19, v0;
	vm1 =	vgt.s32 v7, v6  }
0x764: {  	vm2 =	vlt.s32 v62, v9;
	v63 =	vsel vm1, v6, v7;
	v6 =	vsel vm1, v7, v6  }
0x765: {  	s16 =	sadd.s32 @p1 $0x10, s20;
	vm1 =	veq.s32 v61, v8;
	v6 =	vsel vm2, v63, v6  }
0x766: {  	p0 =	por $0x1, $0x1;
	s15 =	smov.u32 @p1 s16;
	v6 =	vsel vm1, v6, v7  }
.Ltmp68:
0x767: {  	[tilespmem:s15+$0x0] =	vst v6;
	s15 =	simm.s32 $0x0;
	(pc) =	sbr.rel @!p0 .LBB2_137-.Ltmp68, $3  }
0x768: {  	v6 =	vld [tilespmem:s15+$0x18000]  }
0x769: {  	v7 =	vld [tilespmem:s15+$0x18400];
	_ =	sdelay $0x1  }
0x76a: {  	s16 =	simm.s32 $0x40  }
.LBB2_136:
0x76b: {  	p0 =	sne.s32 s16, $0xFC0  }
.Ltmp69:
0x76c: {  	s17 =	sshra.s32 s16, $0x2;
	s16 =	sadd.s32 $0x40, s16;
	vm1 =	vgt.s32 v6, $0xFFFFFFFF;
	v8 =	vmov v6;
	(pc) =	sbr.rel @p0 .LBB2_136-.Ltmp69, $4  }
0x76d: {  	v6 =	vld [tilespmem:s17+$0x18000];
	v9 =	vsel vm1, $0xFFFFFFFF, v5;
	v10 =	vcvt.s32.f32 v7  }
0x76e: {  	v7 =	vld [tilespmem:s17+$0x18400];
	v8 =	vxor.u32 v8, v9  }
0x76f: {  	[tilespmem:s15+$0x18C00] =	vst v8  }
0x770: {  	[tilespmem:s15+$0x19000] =	vst v10;
	s15 =	smov.u32 s17  }
.LBB2_137:
0x771: {  	_ = 	snop  }
0x772: {  	vm1 =	vgt.s32 v6, $0xFFFFFFFF  }
0x773: {  	v8 =	vsel vm1, $0xFFFFFFFF, v5  }
0x774: {  	v7 =	vcvt.s32.f32 v7;
	v6 =	vxor.u32 v6, v8  }
0x775: {  	[tilespmem:s15+$0x18C00] =	vst v6  }
0x776: {  	[tilespmem:s15+$0x19000] =	vst v7  }
0x777: {  	[hbm4b:s4+s7] =	stream.strided.scatter [tilespmem:s12], [sflag:$0x1], $0x400, s8, s7, $0x38;
	[tilespmem:$0x19400] =	vst v63  }
0x778: {  	_ =	swait.ge [sflag:s9], $0x400  }
0x779: {  	s14 =	sadd.s32 $0x1, s14;
	[sflag:s9] =	ssyncset.done $0x0  }
0x77a: {  	p0 =	sne.s32 s14, s6;
	[sflag:s9] =	ssyncadd.s32 $0xFFFFFC00  }
0x77b: {  	[hbm4b:s5+s7] =	stream.strided.scatter [tilespmem:s13], [sflag:$0x1], $0x400, s8, s7, $0x38;
	[tilespmem:$0x19400] =	vst v63  }
.Ltmp70:
0x77c: {  	_ = 	snop;
	(pc) =	sbr.rel @p0 .LBB2_1-.Ltmp70, $4  }
.Ltmp71:
0x77d: {  	_ = 	snop;
	(pc) =	sbr.rel @!p0 .LBB2_138-.Ltmp71, $4  }
0x77e: {  	_ =	swait.ge [sflag:s9], $0x400  }
0x77f: {  	[sflag:s9] =	ssyncset.done $0x0  }
0x780: {  	[sflag:s9] =	ssyncadd.s32 $0xFFFFFC00  }
0x781: {  	_ = 	snop  }
.LBB2_88:
.Ltmp72:
0x782: {  	(pc) =	sbr.rel .LBB2_95-.Ltmp72, $3  }
0x783: {  	_ =	sdelay $0x1  }
0x784: {  	s20 =	simm.s32 $0x0;
	s23 =	simm.s32 $0x18800  }
0x785: {  	v9 =	vmov v14;
	s21 =	simm.s32 $0x18400;
	s22 =	simm.s32 $0x18000;
	p3 =	por $0x0, $0x0  }
.LBB2_96:
.Ltmp73:
0x786: {  	(pc) =	sbr.rel .LBB2_103-.Ltmp73, $3  }
0x787: {  	_ =	sdelay $0x1  }
0x788: {  	s24 =	simm.s32 $0x18000  }
0x789: {  	s23 =	simm.s32 $0x18400;
	s21 =	simm.s32 $0x18800;
	p1 =	por $0x0, $0x0  }
.LBB2_104:
.Ltmp74:
0x78a: {  	(pc) =	sbr.rel .LBB2_111-.Ltmp74, $3  }
0x78b: {  	_ =	sdelay $0x1  }
0x78c: {  	s19 =	simm.s32 $0x0;
	s23 =	simm.s32 $0x18800  }
0x78d: {  	v9 =	vmov v14;
	s21 =	simm.s32 $0x18400;
	s22 =	simm.s32 $0x18000;
	p3 =	por $0x0, $0x0  }
.LBB2_112:
.Ltmp75:
0x78e: {  	(pc) =	sbr.rel .LBB2_119-.Ltmp75, $3  }
0x78f: {  	_ =	sdelay $0x1  }
0x790: {  	s24 =	simm.s32 $0x18000  }
0x791: {  	s23 =	simm.s32 $0x18400;
	s21 =	simm.s32 $0x18800;
	p1 =	por $0x0, $0x0  }
.LBB2_120:
.Ltmp76:
0x792: {  	(pc) =	sbr.rel .LBB2_127-.Ltmp76, $3  }
0x793: {  	_ =	sdelay $0x1  }
0x794: {  	s20 =	simm.s32 $0x0;
	s23 =	simm.s32 $0x18800  }
0x795: {  	v9 =	vmov v14;
	s21 =	simm.s32 $0x18400;
	s22 =	simm.s32 $0x18000;
	p3 =	por $0x0, $0x0  }
.LBB2_128:
.Ltmp77:
0x796: {  	(pc) =	sbr.rel .LBB2_135-.Ltmp77, $3  }
0x797: {  	_ =	sdelay $0x1  }
0x798: {  	s24 =	simm.s32 $0x18000  }
0x799: {  	s23 =	simm.s32 $0x18400;
	s21 =	simm.s32 $0x18800;
	p1 =	por $0x0, $0x0  }
.LBB2_90:
.Ltmp78:
0x79a: {  	(pc) =	sbr.rel .LBB2_95-.Ltmp78, $3  }
0x79b: {  	_ =	sdelay $0x1  }
0x79c: {  	s20 =	simm.s32 $0x10;
	s23 =	simm.s32 $0x18800  }
0x79d: {  	v9 =	vmov v12;
	s21 =	simm.s32 $0x18400;
	s22 =	simm.s32 $0x18000;
	p3 =	por $0x0, $0x0  }
.LBB2_98:
.Ltmp79:
0x79e: {  	(pc) =	sbr.rel .LBB2_103-.Ltmp79, $3  }
0x79f: {  	_ =	sdelay $0x1  }
0x7a0: {  	s24 =	simm.s32 $0x18000;
	s15 =	simm.s32 $0x0  }
0x7a1: {  	s19 =	simm.s32 $0x10;
	s23 =	simm.s32 $0x18400;
	s21 =	simm.s32 $0x18800  }
.LBB2_106:
.Ltmp80:
0x7a2: {  	(pc) =	sbr.rel .LBB2_111-.Ltmp80, $3  }
0x7a3: {  	_ =	sdelay $0x1  }
0x7a4: {  	s19 =	simm.s32 $0x10;
	s23 =	simm.s32 $0x18800  }
0x7a5: {  	v9 =	vmov v12;
	s21 =	simm.s32 $0x18400;
	s22 =	simm.s32 $0x18000;
	p3 =	por $0x0, $0x0  }
.LBB2_114:
.Ltmp81:
0x7a6: {  	(pc) =	sbr.rel .LBB2_119-.Ltmp81, $3  }
0x7a7: {  	_ =	sdelay $0x1  }
0x7a8: {  	s24 =	simm.s32 $0x18000;
	s16 =	simm.s32 $0x0  }
0x7a9: {  	s20 =	simm.s32 $0x10;
	s23 =	simm.s32 $0x18400;
	s21 =	simm.s32 $0x18800  }
.LBB2_122:
.Ltmp82:
0x7aa: {  	(pc) =	sbr.rel .LBB2_127-.Ltmp82, $3  }
0x7ab: {  	_ =	sdelay $0x1  }
0x7ac: {  	s20 =	simm.s32 $0x10;
	s23 =	simm.s32 $0x18800  }
0x7ad: {  	v9 =	vmov v12;
	s21 =	simm.s32 $0x18400;
	s22 =	simm.s32 $0x18000;
	p3 =	por $0x0, $0x0  }
.LBB2_130:
.Ltmp83:
0x7ae: {  	(pc) =	sbr.rel .LBB2_135-.Ltmp83, $3  }
0x7af: {  	_ =	sdelay $0x1  }
0x7b0: {  	s24 =	simm.s32 $0x18000;
	s17 =	simm.s32 $0x0  }
0x7b1: {  	s19 =	simm.s32 $0x10;
	s23 =	simm.s32 $0x18400;
	s21 =	simm.s32 $0x18800  }
.LBB2_92:
.Ltmp84:
0x7b2: {  	(pc) =	sbr.rel .LBB2_95-.Ltmp84, $2  }
0x7b3: {  	_ =	sdelay $0x2  }
0x7b4: {  	v14 =	vmov v12;
	v15 =	vmov v13;
	s23 =	simm.s32 $0x18800  }
.LBB2_100:
.Ltmp85:
0x7b5: {  	(pc) =	sbr.rel .LBB2_103-.Ltmp85, $2  }
0x7b6: {  	_ =	sdelay $0x2  }
0x7b7: {  	v10 =	vmov v9;
	s24 =	simm.s32 $0x18000;
	s19 =	simm.s32 $0x20;
	s23 =	simm.s32 $0x18400  }
.LBB2_108:
.Ltmp86:
0x7b8: {  	(pc) =	sbr.rel .LBB2_111-.Ltmp86, $2  }
0x7b9: {  	_ =	sdelay $0x2  }
0x7ba: {  	v14 =	vmov v12;
	v15 =	vmov v13;
	s23 =	simm.s32 $0x18800  }
.LBB2_116:
.Ltmp87:
0x7bb: {  	(pc) =	sbr.rel .LBB2_119-.Ltmp87, $2  }
0x7bc: {  	_ =	sdelay $0x2  }
0x7bd: {  	v10 =	vmov v9;
	s24 =	simm.s32 $0x18000;
	s20 =	simm.s32 $0x20;
	s23 =	simm.s32 $0x18400  }
.LBB2_124:
.Ltmp88:
0x7be: {  	(pc) =	sbr.rel .LBB2_127-.Ltmp88, $2  }
0x7bf: {  	_ =	sdelay $0x2  }
0x7c0: {  	v14 =	vmov v12;
	v15 =	vmov v13;
	s23 =	simm.s32 $0x18800  }
.LBB2_132:
.Ltmp89:
0x7c1: {  	(pc) =	sbr.rel .LBB2_135-.Ltmp89, $2  }
0x7c2: {  	_ =	sdelay $0x2  }
0x7c3: {  	v10 =	vmov v9;
	s24 =	simm.s32 $0x18000;
	s19 =	simm.s32 $0x20;
	s23 =	simm.s32 $0x18400  }
.LBB2_138:
0x7c4: {  	_ =	sfence.sel $0x180000  }
0x7c5: {  	[bflag:$0x0] =	sbarrier.arrive $0xFFFF  }
0x7c6: {  	p0 =	sne.s32 s1, $0x0;
	_ =	strace $0x90000047  }
0x7c7: {  	s0 =	sadd.s32 @!p0 $0x100000, s0;
	[bflag:$0x2] =	sbarrier.arrive $0xFFFF  }
0x7c8: {  	[sflag:s0] =	ssyncadd.tile.s32 @!p0 $0x1;
	_ =	shalt  }
.Lfunc_end2:
_tile_overlayer_lowered:
.L_overlay_start_2:
0x7c9: {  	(tag) =	ssettag $0x2  }
0x7ca: {  	s0 =	rddreg [dreg:$0x0];
	s2 =	stileid.u32  }
0x7cb: {  	s1 =	rddreg [dreg:$0x1];
	p0 =	sne.s32 s2, $0x0  }
0x7cc: {  	s3 =	rddreg [dreg:$0x2];
	[bflag:$0x3] =	sbarrier.arrive $0xFFFF;
	s2 =	simm.s32 @!p0 $0x1C01  }
0x7cd: {  	[timem:s3], [sflag:s2] =	dma.local @!p0 [hbm:s0], s1  }
0x7ce: {  	s0 =	simm.s32 @!p0 $0x1  }
0x7cf: {  	_ =	swait.ge @!p0 [sflag:s0], s1  }
0x7d0: {  	s1 =	ssub.s32 @!p0 $0x0, s1;
	[sflag:s0] =	ssyncset.done @!p0 $0x0  }
0x7d1: {  	[sflag:s0] =	ssyncadd.s32 @!p0 s1  }
0x7d2: {  	[bflag:$0x3] =	sbarrier.arrive $0xFFFF  }
0x7d3: {  	_ =	shalt  }

</sc_bundles>
